<compile_context>
chip_gen: v7x
topology: tpu7x:2x2x1
jax: 0.10.2.dev20260603
libtpu: 0.0.44.dev20260713+nightly
codegen_flags: <defaults>
</compile_context>

<pallas_src>
import functools

import jax
import jax.numpy as jnp
from jax import lax
from jax.experimental import pallas as pl
from jax.experimental.pallas import tpu as pltpu
from jax.experimental.pallas import tpu_sc as plsc

_N, _E, _D = 10000, 320000, 128
_H1, _F1 = 8, 16
_H2, _F2 = 1, 128

_NC, _NS, _L = 2, 16, 16
_NW = _NC * _NS
_C = 40
_EPW = _E // _NW
_NCH = _EPW // _C
_GC = 50
_NG = _NCH // _GC
_NB = 4
_NP = 10112
_RPS = _NP // _NS

_DW = _D + _L

_BM = 400


def _make_sc_edge(nheads: int):
  mesh = plsc.VectorSubcoreMesh(core_axis_name="c", subcore_axis_name="s")

  @functools.partial(
      pl.kernel,
      out_type=jax.ShapeDtypeStruct((_NC, _NP, _DW), jnp.float32),
      mesh=mesh,
      scratch_types=[
          pltpu.VMEM((_GC, _C), jnp.int32),
          pltpu.VMEM((_GC, _C), jnp.int32),
          [pltpu.VMEM((_C, _L), jnp.float32)] * _NB,
          [pltpu.VMEM((_C, _L), jnp.float32)] * _NB,
          [pltpu.VMEM((_C, _DW), jnp.float32)] * _NB,
          pltpu.VMEM_SHARED((_NP, _DW), jnp.float32),
          [pltpu.SemaphoreType.DMA] * _NB,
          [pltpu.SemaphoreType.DMA] * _NB,
      ],
      compiler_params=pltpu.CompilerParams(use_tc_tiling_on_sc=False),
      name=f"gat_edge_h{nheads}",
  )
  def sc_edge(feat_h, elr_h, erl_h, src_h, dst_h, znum_h,
              num_o,
              sidx, didx, elrs, erld, frow, num_sp,
              gsem, ssem):
    cid = lax.axis_index("c")
    sid = lax.axis_index("s")
    wid = sid * _NC + cid
    r0 = sid * _RPS

    pltpu.sync_copy(znum_h.at[pl.ds(r0, _RPS)], num_sp.at[pl.ds(r0, _RPS)])
    plsc.subcore_barrier()

    def gathers(i, b):
      return (
          pltpu.make_async_copy(elr_h.at[sidx.at[i]], elrs[b], gsem[b]),
          pltpu.make_async_copy(erl_h.at[didx.at[i]], erld[b], gsem[b]),
          pltpu.make_async_copy(feat_h.at[sidx.at[i]], frow[b], gsem[b]),
      )

    def scatters(i, b):
      return (
          pltpu.make_async_copy(frow[b], num_sp.at[didx.at[i]], ssem[b]),
      )

    def issue(descs, add=False):
      for d in descs:
        d.start(add=add)

    def drain(descs):
      for d in descs:
        d.wait()

    def compute(b):
      def edge_body(cc):
        e = elrs[b][cc, :] + erld[b][cc, :]
        e = jnp.maximum(e, e * 0.2)
        ee = jnp.exp(e)
        frow[b][cc, pl.ds(_D, _L)] = ee
        if nheads == 1:
          w = jnp.full((_L,), ee[0], jnp.float32)
          for j in range(_D // _L):
            frow[b][cc, pl.ds(j * _L, _L)] = frow[b][cc, pl.ds(j * _L, _L)] * w
        else:
          for j in range(_D // _L):
            w = jnp.full((_L,), ee[j], jnp.float32)
            frow[b][cc, pl.ds(j * _L, _L)] = frow[b][cc, pl.ds(j * _L, _L)] * w
      plsc.parallel_loop(0, _C, 1, unroll=2)(edge_body)

    def group_body(g, carry):
      pltpu.sync_copy(src_h.at[wid, g], sidx)
      pltpu.sync_copy(dst_h.at[wid, g], didx)
      issue(gathers(0, 0))

      def quad_body(t, carry2):
        for q in range(_NB):
          k = _NB * t + q
          pb = (q - 2) % _NB
          nbuf = (q + 1) % _NB
          if q < 2:
            @pl.when(t > 0)
            def _(k=k, pb=pb):
              drain(scatters(k - 2, pb))
          else:
            drain(scatters(k - 2, pb))
          issue(gathers(k + 1, nbuf))
          drain(gathers(k, q))
          compute(q)
          issue(scatters(k, q), add=True)
        return carry2

      lax.fori_loop(0, _GC // _NB, quad_body, 0)
      k = _GC - 2
      drain(scatters(k - 2, 2))
      issue(gathers(k + 1, 1))
      drain(gathers(k, 0))
      compute(0)
      issue(scatters(k, 0), add=True)
      k = _GC - 1
      drain(scatters(k - 2, 3))
      drain(gathers(k, 1))
      compute(1)
      issue(scatters(k, 1), add=True)
      drain(scatters(_GC - 2, 0))
      drain(scatters(_GC - 1, 1))
      return carry

    lax.fori_loop(0, _NG, group_body, 0)
    plsc.subcore_barrier()

    pltpu.sync_copy(num_sp.at[pl.ds(r0, _RPS)], num_o.at[cid, pl.ds(r0, _RPS)])

  return sc_edge


_make_sc_edge = functools.cache(_make_sc_edge)


def _p1(x, W, Bl, Br):
  def body(x_r, w_r, bl_r, br_r, feat_r, elr_r, erl_r):
    f = jnp.dot(x_r[...], w_r[...], preferred_element_type=jnp.float32)
    feat_r[...] = f
    elr_r[...] = jnp.dot(f, bl_r[...], preferred_element_type=jnp.float32)
    erl_r[...] = jnp.dot(f, br_r[...], preferred_element_type=jnp.float32)

  return pl.pallas_call(
      body,
      grid=(_N // _BM,),
      in_specs=[
          pl.BlockSpec((_BM, _D), lambda i: (i, 0)),
          pl.BlockSpec((_D, _DW), lambda i: (0, 0)),
          pl.BlockSpec((_DW, _L), lambda i: (0, 0)),
          pl.BlockSpec((_DW, _L), lambda i: (0, 0)),
      ],
      out_specs=[
          pl.BlockSpec((_BM, _DW), lambda i: (i, 0)),
          pl.BlockSpec((_BM, _L), lambda i: (i, 0)),
          pl.BlockSpec((_BM, _L), lambda i: (i, 0)),
      ],
      out_shape=[
          jax.ShapeDtypeStruct((_N, _DW), jnp.float32),
          jax.ShapeDtypeStruct((_N, _L), jnp.float32),
          jax.ShapeDtypeStruct((_N, _L), jnp.float32),
      ],
  )(x, W, Bl, Br)


def _p2(m, Eexp, b, W, Bl, Br):
  def body(m0_r, m1_r, ee_r, b_r, w_r, bl_r, br_r,
           h1_r, f2_r, elr_r, erl_r):
    m0 = m0_r[0]
    m1 = m1_r[0]
    ns = m0[:, :_D] + m1[:, :_D]
    dsum = m0[:, _D:] + m1[:, _D:]
    dexp = jnp.dot(dsum, ee_r[...], preferred_element_type=jnp.float32) + 1e-9
    h = ns / dexp + b_r[...]
    h = jnp.where(h > 0, h, jnp.exp(h) - 1.0)
    h1_r[...] = h
    f2 = jnp.dot(h, w_r[...], preferred_element_type=jnp.float32)
    f2_r[...] = f2
    elr_r[...] = jnp.dot(f2, bl_r[...], preferred_element_type=jnp.float32)
    erl_r[...] = jnp.dot(f2, br_r[...], preferred_element_type=jnp.float32)

  return pl.pallas_call(
      body,
      grid=(_N // _BM,),
      in_specs=[
          pl.BlockSpec((1, _BM, _DW), lambda i: (0, i, 0)),
          pl.BlockSpec((1, _BM, _DW), lambda i: (1, i, 0)),
          pl.BlockSpec((_L, _D), lambda i: (0, 0)),
          pl.BlockSpec((1, _D), lambda i: (0, 0)),
          pl.BlockSpec((_D, _DW), lambda i: (0, 0)),
          pl.BlockSpec((_DW, _L), lambda i: (0, 0)),
          pl.BlockSpec((_DW, _L), lambda i: (0, 0)),
      ],
      out_specs=[
          pl.BlockSpec((_BM, _D), lambda i: (i, 0)),
          pl.BlockSpec((_BM, _DW), lambda i: (i, 0)),
          pl.BlockSpec((_BM, _L), lambda i: (i, 0)),
          pl.BlockSpec((_BM, _L), lambda i: (i, 0)),
      ],
      out_shape=[
          jax.ShapeDtypeStruct((_N, _D), jnp.float32),
          jax.ShapeDtypeStruct((_N, _DW), jnp.float32),
          jax.ShapeDtypeStruct((_N, _L), jnp.float32),
          jax.ShapeDtypeStruct((_N, _L), jnp.float32),
      ],
  )(m, m, Eexp, b, W, Bl, Br)


def _p3(m, Eexp, h1, b):
  def body(m0_r, m1_r, ee_r, h1_r, b_r, out_r):
    m0 = m0_r[0]
    m1 = m1_r[0]
    ns = m0[:, :_D] + m1[:, :_D]
    dsum = m0[:, _D:] + m1[:, _D:]
    dexp = jnp.dot(dsum, ee_r[...], preferred_element_type=jnp.float32) + 1e-9
    out_r[...] = ns / dexp + h1_r[...] + b_r[...]

  return pl.pallas_call(
      body,
      grid=(_N // _BM,),
      in_specs=[
          pl.BlockSpec((1, _BM, _DW), lambda i: (0, i, 0)),
          pl.BlockSpec((1, _BM, _DW), lambda i: (1, i, 0)),
          pl.BlockSpec((_L, _D), lambda i: (0, 0)),
          pl.BlockSpec((_BM, _D), lambda i: (i, 0)),
          pl.BlockSpec((1, _D), lambda i: (0, 0)),
      ],
      out_specs=pl.BlockSpec((_BM, _D), lambda i: (i, 0)),
      out_shape=jax.ShapeDtypeStruct((_N, _D), jnp.float32),
  )(m, m, Eexp, h1, b)


def _attn_proj(al, ar):
  H, F = al.shape
  eye = jnp.eye(H, dtype=al.dtype)
  Al = (al[:, :, None] * eye[:, None, :]).reshape(H * F, H)
  Ar = (ar[:, :, None] * eye[:, None, :]).reshape(H * F, H)
  pad = jnp.zeros((H * F, _L - 2 * H), dtype=al.dtype)
  Bl = jnp.concatenate([Al, Ar, pad], axis=1)
  Br = jnp.concatenate([Ar, Al, pad], axis=1)
  return Bl, Br


def _expand_mat(H, F):
  top = jnp.kron(jnp.eye(H, dtype=jnp.float32), jnp.ones((1, F), jnp.float32))
  return jnp.concatenate([top, jnp.zeros((_L - H, H * F), jnp.float32)], axis=0)


def kernel(x, edge_index, W1, al1, ar1, b1, W2, al2, ar2, b2):
  src = edge_index[0].reshape(_NW, _NG, _GC, _C)
  dst = edge_index[1].reshape(_NW, _NG, _GC, _C)
  Bl1, Br1 = _attn_proj(al1, ar1)
  Bl2, Br2 = _attn_proj(al2, ar2)
  zpad = jnp.zeros((_L, _L), jnp.float32)
  Bl1, Br1 = jnp.vstack([Bl1, zpad]), jnp.vstack([Br1, zpad])
  Bl2, Br2 = jnp.vstack([Bl2, zpad]), jnp.vstack([Br2, zpad])
  W1p = jnp.hstack([W1, jnp.zeros((_D, _L), W1.dtype)])
  W2p = jnp.hstack([W2, jnp.zeros((_D, _L), W2.dtype)])
  E1 = _expand_mat(_H1, _F1)
  E2 = _expand_mat(_H2, _F2)
  znum = jnp.zeros((_NP, _DW), jnp.float32)

  feat1, elr1, erl1 = _p1(x, W1p, Bl1, Br1)
  m1 = _make_sc_edge(_H1)(feat1, elr1, erl1, src, dst, znum)
  h1, feat2, elr2, erl2 = _p2(m1, E1, b1.reshape(1, _D), W2p, Bl2, Br2)
  m2 = _make_sc_edge(_H2)(feat2, elr2, erl2, src, dst, znum)
  return _p3(m2, E2, h1, b2.reshape(1, _D))

# --- scband reference (transcript-rebuilt; emitter-appended) ---
"""Pipeline reference for scband-gat-23742579212603 (READ-ONLY COPY).

The authoritative reference and input builder live on the scoring server;
editing this copy changes nothing except your own understanding.
"""

import jax, jax.numpy as jnp
import numpy as np

N = 10000
E = 320000
D = 128
H1, F1 = 8, 16
H2, F2 = 1, 128


def setup_inputs(seed: int = 0) -> dict:
    key = jax.random.key(seed)
    ks = jax.random.split(key, 12)
    x = jax.random.normal(ks[0], (N, D), dtype=jnp.float32)
    edge_index = jax.random.randint(ks[1], (2, E), 0, N, dtype=jnp.int32)
    s = 0.1
    W1 = jax.random.normal(ks[2], (D, H1 * F1), dtype=jnp.float32) * s
    al1 = jax.random.normal(ks[3], (H1, F1), dtype=jnp.float32) * s
    ar1 = jax.random.normal(ks[4], (H1, F1), dtype=jnp.float32) * s
    b1 = jnp.zeros((H1 * F1,), dtype=jnp.float32)
    W2 = jax.random.normal(ks[5], (H1 * F1, H2 * F2), dtype=jnp.float32) * s
    al2 = jax.random.normal(ks[6], (H2, F2), dtype=jnp.float32) * s
    ar2 = jax.random.normal(ks[7], (H2, F2), dtype=jnp.float32) * s
    b2 = jnp.zeros((H2 * F2,), dtype=jnp.float32)
    return {"x": x, "edge_index": edge_index, "W1": W1, "al1": al1, "ar1": ar1,
            "b1": b1, "W2": W2, "al2": al2, "ar2": ar2, "b2": b2}


def _gat_layer(h, src, dst, W, al, ar, b, H, Fo, residual, act):
    feat = (h @ W).reshape(-1, H, Fo)
    el = (feat * al[None]).sum(-1)
    er = (feat * ar[None]).sum(-1)
    e = jax.nn.leaky_relu(el[src] + er[dst], negative_slope=0.2)
    emax = jax.ops.segment_max(e, dst, num_segments=N)
    emax = jnp.where(jnp.isfinite(emax), emax, 0.0)
    ee = jnp.exp(e - emax[dst])
    den = jax.ops.segment_sum(ee, dst, num_segments=N)
    alpha = ee / (den[dst] + 1e-9)
    rst = jax.ops.segment_sum(feat[src] * alpha[..., None], dst, num_segments=N)
    if residual:
        rst = rst + h.reshape(N, H, Fo)
    rst = rst + b.reshape(1, H, Fo)
    if act:
        rst = jax.nn.elu(rst)
    return rst


def reference(x, edge_index, W1, al1, ar1, b1, W2, al2, ar2, b2):
    src = edge_index[0]
    dst = edge_index[1]
    h1 = _gat_layer(x, src, dst, W1, al1, ar1, b1, H1, F1, False, True)
    h1 = h1.reshape(N, H1 * F1)  # flatten heads; dropout is identity in eval
    h2 = _gat_layer(h1, src, dst, W2, al2, ar2, b2, H2, F2, True, False)
    return h2.mean(axis=1)

if __name__ == "__main__":
    import jax
    _d = setup_inputs()
    print(jax.jit(kernel)(*tuple(_d.values())))

</pallas_src>

<mosaic_0001>
#map = affine_map<(d0, d1) -> (0, 0)>
#map1 = affine_map<(d0, d1) -> (0, 0, 0, 0)>
#map2 = affine_map<(d0, d1) -> (0, 0, 0)>
module attributes {stable_mosaic.version = 14 : i64} {
  func.func @gat_edge_h1(%arg0: i32, %arg1: i32, %arg2: memref<10000x144xf32, #tpu.memory_space<hbm>>, %arg3: memref<10000x16xf32, #tpu.memory_space<hbm>>, %arg4: memref<10000x16xf32, #tpu.memory_space<hbm>>, %arg5: memref<32x5x50x40xi32, #tpu.memory_space<hbm>>, %arg6: memref<32x5x50x40xi32, #tpu.memory_space<hbm>>, %arg7: memref<10112x144xf32, #tpu.memory_space<hbm>>, %arg8: memref<2x10112x144xf32, #tpu.memory_space<hbm>>, %arg9: memref<50x40xi32, #tpu.memory_space<vmem>>, %arg10: memref<50x40xi32, #tpu.memory_space<vmem>>, %arg11: memref<40x16xf32, #tpu.memory_space<vmem>>, %arg12: memref<40x16xf32, #tpu.memory_space<vmem>>, %arg13: memref<40x16xf32, #tpu.memory_space<vmem>>, %arg14: memref<40x16xf32, #tpu.memory_space<vmem>>, %arg15: memref<40x16xf32, #tpu.memory_space<vmem>>, %arg16: memref<40x16xf32, #tpu.memory_space<vmem>>, %arg17: memref<40x16xf32, #tpu.memory_space<vmem>>, %arg18: memref<40x16xf32, #tpu.memory_space<vmem>>, %arg19: memref<40x144xf32, #tpu.memory_space<vmem>>, %arg20: memref<40x144xf32, #tpu.memory_space<vmem>>, %arg21: memref<40x144xf32, #tpu.memory_space<vmem>>, %arg22: memref<40x144xf32, #tpu.memory_space<vmem>>, %arg23: memref<10112x144xf32, #tpu.memory_space<vmem_shared>>, %arg24: memref<!tpu.dma_semaphore, #tpu.memory_space<semaphore_mem>>, %arg25: memref<!tpu.dma_semaphore, #tpu.memory_space<semaphore_mem>>, %arg26: memref<!tpu.dma_semaphore, #tpu.memory_space<semaphore_mem>>, %arg27: memref<!tpu.dma_semaphore, #tpu.memory_space<semaphore_mem>>, %arg28: memref<!tpu.dma_semaphore, #tpu.memory_space<semaphore_mem>>, %arg29: memref<!tpu.dma_semaphore, #tpu.memory_space<semaphore_mem>>, %arg30: memref<!tpu.dma_semaphore, #tpu.memory_space<semaphore_mem>>, %arg31: memref<!tpu.dma_semaphore, #tpu.memory_space<semaphore_mem>>) attributes {dimension_semantics = [#tpu.dimension_semantics<core_parallel>, #tpu.dimension_semantics<subcore_parallel>], iteration_bounds = array<i64: 2, 16>, scalar_prefetch = 0 : i64, scratch_operands = 23 : i64, tpu.core_type = #tpu.core_type<sc_vector_subcore>, window_params = [{transform_indices = #map}, {transform_indices = #map}, {transform_indices = #map}, {transform_indices = #map1}, {transform_indices = #map1}, {transform_indices = #map}, {transform_indices = #map2}]} {
    %mul3A = arith.constant 2 : i32
    %mul3A_0 = arith.muli %arg1, %mul3A : i32
    %add3A = arith.addi %mul3A_0, %arg0 : i32
    %mul3A_1 = arith.constant 632 : i32
    %mul3A_2 = arith.muli %arg1, %mul3A_1 : i32
    "tpu.region"() ({
      %run_scoped3A = tpu.sem_alloc : memref<!tpu.dma_semaphore, #tpu.memory_space<semaphore_mem>>
      %dma_start3A = arith.constant 0 : i32
      %dma_start3A_9 = tpu.memref_slice %arg23[%mul3A_2, %dma_start3A] : memref<10112x144xf32, #tpu.memory_space<vmem_shared>> -> memref<632x144xf32, #tpu.memory_space<vmem_shared>>
      %dma_start3A_10 = arith.constant 0 : i32
      %dma_start3A_11 = tpu.memref_slice %arg7[%mul3A_2, %dma_start3A_10] : memref<10112x144xf32, #tpu.memory_space<hbm>> -> memref<632x144xf32, #tpu.memory_space<hbm>>
      tpu.enqueue_dma source(%dma_start3A_11 : memref<632x144xf32, #tpu.memory_space<hbm>>) target(%dma_start3A_9 : memref<632x144xf32, #tpu.memory_space<vmem_shared>>) target_semaphore(%run_scoped3A : memref<!tpu.dma_semaphore, #tpu.memory_space<semaphore_mem>>)
      %dma_wait3A = arith.constant 0 : i32
      %dma_wait3A_12 = tpu.memref_slice %arg23[%mul3A_2, %dma_wait3A] : memref<10112x144xf32, #tpu.memory_space<vmem_shared>> -> memref<632x144xf32, #tpu.memory_space<vmem_shared>>
      %dma_wait3A_13 = arith.constant 0 : i32
      %dma_wait3A_14 = tpu.memref_slice %arg7[%mul3A_2, %dma_wait3A_13] : memref<10112x144xf32, #tpu.memory_space<hbm>> -> memref<632x144xf32, #tpu.memory_space<hbm>>
      tpu.wait_dma2 semaphore(%run_scoped3A : memref<!tpu.dma_semaphore, #tpu.memory_space<semaphore_mem>>) src(%dma_wait3A_14 : memref<632x144xf32, #tpu.memory_space<hbm>>) dst(%dma_wait3A_12 : memref<632x144xf32, #tpu.memory_space<vmem_shared>>)
      tpu.yield
    }) : () -> ()
    %barrier3A = arith.constant 0 : index
    tpu.barrier barrier_id(%barrier3A)
    %scan3A = arith.constant 0 : i32
    %scan3A_3 = arith.constant 0 : i32
    %scan3A_4 = arith.constant 5 : i32
    %scan3A_5 = arith.addi %scan3A_3, %scan3A_4 : i32
    %scan3A_6 = arith.constant 1 : i32
    scf.for %scan3A_9 = %scan3A_3 to %scan3A_5 step %scan3A_6  : i32 {
      "tpu.region"() ({
        %run_scoped3A = tpu.sem_alloc : memref<!tpu.dma_semaphore, #tpu.memory_space<semaphore_mem>>
        %dma_start3A_145 = arith.constant 0 : i32
        %dma_start3A_146 = arith.constant 0 : i32
        %dma_start3A_147 = tpu.memref_slice %arg5[%add3A, %scan3A_9, %dma_start3A_145, %dma_start3A_146] : memref<32x5x50x40xi32, #tpu.memory_space<hbm>> -> memref<1x1x50x40xi32, #tpu.memory_space<hbm>>
        %dma_start3A_148 = tpu.memref_squeeze %dma_start3A_147 : memref<1x1x50x40xi32, #tpu.memory_space<hbm>> -> memref<50x40xi32, #tpu.memory_space<hbm>>
        %dma_start3A_149 = arith.constant 0 : i32
        %dma_start3A_150 = arith.constant 0 : i32
        %dma_start3A_151 = tpu.memref_slice %arg5[%add3A, %scan3A_9, %dma_start3A_149, %dma_start3A_150] : memref<32x5x50x40xi32, #tpu.memory_space<hbm>> -> memref<1x1x50x40xi32, #tpu.memory_space<hbm>>
        %dma_start3A_152 = tpu.memref_squeeze %dma_start3A_151 : memref<1x1x50x40xi32, #tpu.memory_space<hbm>> -> memref<50x40xi32, #tpu.memory_space<hbm>>
        tpu.enqueue_dma source(%dma_start3A_152 : memref<50x40xi32, #tpu.memory_space<hbm>>) target(%arg9 : memref<50x40xi32, #tpu.memory_space<vmem>>) target_semaphore(%run_scoped3A : memref<!tpu.dma_semaphore, #tpu.memory_space<semaphore_mem>>)
        %dma_wait3A_153 = arith.constant 0 : i32
        %dma_wait3A_154 = arith.constant 0 : i32
        %dma_wait3A_155 = tpu.memref_slice %arg5[%add3A, %scan3A_9, %dma_wait3A_153, %dma_wait3A_154] : memref<32x5x50x40xi32, #tpu.memory_space<hbm>> -> memref<1x1x50x40xi32, #tpu.memory_space<hbm>>
        %dma_wait3A_156 = tpu.memref_squeeze %dma_wait3A_155 : memref<1x1x50x40xi32, #tpu.memory_space<hbm>> -> memref<50x40xi32, #tpu.memory_space<hbm>>
        %dma_wait3A_157 = arith.constant 0 : i32
        %dma_wait3A_158 = arith.constant 0 : i32
        %dma_wait3A_159 = tpu.memref_slice %arg5[%add3A, %scan3A_9, %dma_wait3A_157, %dma_wait3A_158] : memref<32x5x50x40xi32, #tpu.memory_space<hbm>> -> memref<1x1x50x40xi32, #tpu.memory_space<hbm>>
        %dma_wait3A_160 = tpu.memref_squeeze %dma_wait3A_159 : memref<1x1x50x40xi32, #tpu.memory_space<hbm>> -> memref<50x40xi32, #tpu.memory_space<hbm>>
        tpu.wait_dma2 semaphore(%run_scoped3A : memref<!tpu.dma_semaphore, #tpu.memory_space<semaphore_mem>>) src(%dma_wait3A_160 : memref<50x40xi32, #tpu.memory_space<hbm>>) dst(%arg9 : memref<50x40xi32, #tpu.memory_space<vmem>>)
        tpu.yield
      }) : () -> ()
      "tpu.region"() ({
        %run_scoped3A = tpu.sem_alloc : memref<!tpu.dma_semaphore, #tpu.memory_space<semaphore_mem>>
        %dma_start3A_145 = arith.constant 0 : i32
        %dma_start3A_146 = arith.constant 0 : i32
        %dma_start3A_147 = tpu.memref_slice %arg6[%add3A, %scan3A_9, %dma_start3A_145, %dma_start3A_146] : memref<32x5x50x40xi32, #tpu.memory_space<hbm>> -> memref<1x1x50x40xi32, #tpu.memory_space<hbm>>
        %dma_start3A_148 = tpu.memref_squeeze %dma_start3A_147 : memref<1x1x50x40xi32, #tpu.memory_space<hbm>> -> memref<50x40xi32, #tpu.memory_space<hbm>>
        %dma_start3A_149 = arith.constant 0 : i32
        %dma_start3A_150 = arith.constant 0 : i32
        %dma_start3A_151 = tpu.memref_slice %arg6[%add3A, %scan3A_9, %dma_start3A_149, %dma_start3A_150] : memref<32x5x50x40xi32, #tpu.memory_space<hbm>> -> memref<1x1x50x40xi32, #tpu.memory_space<hbm>>
        %dma_start3A_152 = tpu.memref_squeeze %dma_start3A_151 : memref<1x1x50x40xi32, #tpu.memory_space<hbm>> -> memref<50x40xi32, #tpu.memory_space<hbm>>
        tpu.enqueue_dma source(%dma_start3A_152 : memref<50x40xi32, #tpu.memory_space<hbm>>) target(%arg10 : memref<50x40xi32, #tpu.memory_space<vmem>>) target_semaphore(%run_scoped3A : memref<!tpu.dma_semaphore, #tpu.memory_space<semaphore_mem>>)
        %dma_wait3A_153 = arith.constant 0 : i32
        %dma_wait3A_154 = arith.constant 0 : i32
        %dma_wait3A_155 = tpu.memref_slice %arg6[%add3A, %scan3A_9, %dma_wait3A_153, %dma_wait3A_154] : memref<32x5x50x40xi32, #tpu.memory_space<hbm>> -> memref<1x1x50x40xi32, #tpu.memory_space<hbm>>
        %dma_wait3A_156 = tpu.memref_squeeze %dma_wait3A_155 : memref<1x1x50x40xi32, #tpu.memory_space<hbm>> -> memref<50x40xi32, #tpu.memory_space<hbm>>
        %dma_wait3A_157 = arith.constant 0 : i32
        %dma_wait3A_158 = arith.constant 0 : i32
        %dma_wait3A_159 = tpu.memref_slice %arg6[%add3A, %scan3A_9, %dma_wait3A_157, %dma_wait3A_158] : memref<32x5x50x40xi32, #tpu.memory_space<hbm>> -> memref<1x1x50x40xi32, #tpu.memory_space<hbm>>
        %dma_wait3A_160 = tpu.memref_squeeze %dma_wait3A_159 : memref<1x1x50x40xi32, #tpu.memory_space<hbm>> -> memref<50x40xi32, #tpu.memory_space<hbm>>
        tpu.wait_dma2 semaphore(%run_scoped3A : memref<!tpu.dma_semaphore, #tpu.memory_space<semaphore_mem>>) src(%dma_wait3A_160 : memref<50x40xi32, #tpu.memory_space<hbm>>) dst(%arg10 : memref<50x40xi32, #tpu.memory_space<vmem>>)
        tpu.yield
      }) : () -> ()
      %dma_start3A = arith.constant 0 : i32
      %dma_start3A_10 = arith.constant 0 : i32
      %dma_start3A_11 = tpu.memref_slice %arg9[%dma_start3A, %dma_start3A_10] : memref<50x40xi32, #tpu.memory_space<vmem>> -> memref<1x40xi32, #tpu.memory_space<vmem>>
      %dma_start3A_12 = tpu.memref_squeeze %dma_start3A_11 : memref<1x40xi32, #tpu.memory_space<vmem>> -> memref<40xi32, #tpu.memory_space<vmem>>
      %dma_start3A_13 = arith.constant 0 : i32
      %dma_start3A_14 = arith.constant 0 : i32
      %dma_start3A_15 = tpu.memref_slice %arg3[%dma_start3A_13, %dma_start3A_14] : memref<10000x16xf32, #tpu.memory_space<hbm>> -> memref<10000x16xf32, #tpu.memory_space<hbm>>
      tpu.enqueue_indirect_dma source(%dma_start3A_15 : memref<10000x16xf32, #tpu.memory_space<hbm>>) target(%arg11 : memref<40x16xf32, #tpu.memory_space<vmem>>) offsets(%dma_start3A_12 : memref<40xi32, #tpu.memory_space<vmem>>) semaphore(%arg24 : memref<!tpu.dma_semaphore, #tpu.memory_space<semaphore_mem>>)
      %dma_start3A_16 = arith.constant 0 : i32
      %dma_start3A_17 = arith.constant 0 : i32
      %dma_start3A_18 = tpu.memref_slice %arg10[%dma_start3A_16, %dma_start3A_17] : memref<50x40xi32, #tpu.memory_space<vmem>> -> memref<1x40xi32, #tpu.memory_space<vmem>>
      %dma_start3A_19 = tpu.memref_squeeze %dma_start3A_18 : memref<1x40xi32, #tpu.memory_space<vmem>> -> memref<40xi32, #tpu.memory_space<vmem>>
      %dma_start3A_20 = arith.constant 0 : i32
      %dma_start3A_21 = arith.constant 0 : i32
      %dma_start3A_22 = tpu.memref_slice %arg4[%dma_start3A_20, %dma_start3A_21] : memref<10000x16xf32, #tpu.memory_space<hbm>> -> memref<10000x16xf32, #tpu.memory_space<hbm>>
      tpu.enqueue_indirect_dma source(%dma_start3A_22 : memref<10000x16xf32, #tpu.memory_space<hbm>>) target(%arg15 : memref<40x16xf32, #tpu.memory_space<vmem>>) offsets(%dma_start3A_19 : memref<40xi32, #tpu.memory_space<vmem>>) semaphore(%arg24 : memref<!tpu.dma_semaphore, #tpu.memory_space<semaphore_mem>>)
      %dma_start3A_23 = arith.constant 0 : i32
      %dma_start3A_24 = arith.constant 0 : i32
      %dma_start3A_25 = tpu.memref_slice %arg9[%dma_start3A_23, %dma_start3A_24] : memref<50x40xi32, #tpu.memory_space<vmem>> -> memref<1x40xi32, #tpu.memory_space<vmem>>
      %dma_start3A_26 = tpu.memref_squeeze %dma_start3A_25 : memref<1x40xi32, #tpu.memory_space<vmem>> -> memref<40xi32, #tpu.memory_space<vmem>>
      %dma_start3A_27 = arith.constant 0 : i32
      %dma_start3A_28 = arith.constant 0 : i32
      %dma_start3A_29 = tpu.memref_slice %arg2[%dma_start3A_27, %dma_start3A_28] : memref<10000x144xf32, #tpu.memory_space<hbm>> -> memref<10000x144xf32, #tpu.memory_space<hbm>>
      tpu.enqueue_indirect_dma source(%dma_start3A_29 : memref<10000x144xf32, #tpu.memory_space<hbm>>) target(%arg19 : memref<40x144xf32, #tpu.memory_space<vmem>>) offsets(%dma_start3A_26 : memref<40xi32, #tpu.memory_space<vmem>>) semaphore(%arg24 : memref<!tpu.dma_semaphore, #tpu.memory_space<semaphore_mem>>)
      %scan3A_30 = arith.constant 0 : i32
      %scan3A_31 = arith.constant 0 : i32
      %scan3A_32 = arith.constant 12 : i32
      %scan3A_33 = arith.addi %scan3A_31, %scan3A_32 : i32
      %scan3A_34 = arith.constant 1 : i32
      scf.for %scan3A_145 = %scan3A_31 to %scan3A_33 step %scan3A_34  : i32 {
        %mul3A_146 = arith.constant 4 : i32
        %mul3A_147 = arith.muli %mul3A_146, %scan3A_145 : i32
        %add3A_148 = arith.constant 0 : i32
        %add3A_149 = arith.addi %mul3A_147, %add3A_148 : i32
        %gt3A = arith.constant 0 : i32
        %gt3A_150 = arith.cmpi sgt, %scan3A_145, %gt3A : i32
        %convert_element_type3A = arith.extui %gt3A_150 : i1 to i32
        %cond3A = arith.constant 0 : i32
        %cond3A_151 = arith.cmpi ne, %convert_element_type3A, %cond3A : i32
        scf.if %cond3A_151 {
          %sub3A_372 = arith.constant 2 : i32
          %sub3A_373 = arith.subi %add3A_149, %sub3A_372 : i32
          %dma_wait3A_374 = arith.constant 0 : i32
          %dma_wait3A_375 = tpu.memref_slice %arg10[%sub3A_373, %dma_wait3A_374] : memref<50x40xi32, #tpu.memory_space<vmem>> -> memref<1x40xi32, #tpu.memory_space<vmem>>
          %dma_wait3A_376 = tpu.memref_squeeze %dma_wait3A_375 : memref<1x40xi32, #tpu.memory_space<vmem>> -> memref<40xi32, #tpu.memory_space<vmem>>
          %dma_wait3A_377 = arith.constant 0 : i32
          %dma_wait3A_378 = arith.constant 0 : i32
          %dma_wait3A_379 = tpu.memref_slice %arg23[%dma_wait3A_377, %dma_wait3A_378] : memref<10112x144xf32, #tpu.memory_space<vmem_shared>> -> memref<10112x144xf32, #tpu.memory_space<vmem_shared>>
          tpu.wait_indirect_dma semaphore(%arg30 : memref<!tpu.dma_semaphore, #tpu.memory_space<semaphore_mem>>) src(%arg21 : memref<40x144xf32, #tpu.memory_space<vmem>>) dst(%dma_wait3A_379 : memref<10112x144xf32, #tpu.memory_space<vmem_shared>>)
        } else {
        }
        %add3A_152 = arith.constant 1 : i32
        %add3A_153 = arith.addi %add3A_149, %add3A_152 : i32
        %dma_start3A_154 = arith.constant 0 : i32
        %dma_start3A_155 = tpu.memref_slice %arg9[%add3A_153, %dma_start3A_154] : memref<50x40xi32, #tpu.memory_space<vmem>> -> memref<1x40xi32, #tpu.memory_space<vmem>>
        %dma_start3A_156 = tpu.memref_squeeze %dma_start3A_155 : memref<1x40xi32, #tpu.memory_space<vmem>> -> memref<40xi32, #tpu.memory_space<vmem>>
        %dma_start3A_157 = arith.constant 0 : i32
        %dma_start3A_158 = arith.constant 0 : i32
        %dma_start3A_159 = tpu.memref_slice %arg3[%dma_start3A_157, %dma_start3A_158] : memref<10000x16xf32, #tpu.memory_space<hbm>> -> memref<10000x16xf32, #tpu.memory_space<hbm>>
        tpu.enqueue_indirect_dma source(%dma_start3A_159 : memref<10000x16xf32, #tpu.memory_space<hbm>>) target(%arg12 : memref<40x16xf32, #tpu.memory_space<vmem>>) offsets(%dma_start3A_156 : memref<40xi32, #tpu.memory_space<vmem>>) semaphore(%arg25 : memref<!tpu.dma_semaphore, #tpu.memory_space<semaphore_mem>>)
        %dma_start3A_160 = arith.constant 0 : i32
        %dma_start3A_161 = tpu.memref_slice %arg10[%add3A_153, %dma_start3A_160] : memref<50x40xi32, #tpu.memory_space<vmem>> -> memref<1x40xi32, #tpu.memory_space<vmem>>
        %dma_start3A_162 = tpu.memref_squeeze %dma_start3A_161 : memref<1x40xi32, #tpu.memory_space<vmem>> -> memref<40xi32, #tpu.memory_space<vmem>>
        %dma_start3A_163 = arith.constant 0 : i32
        %dma_start3A_164 = arith.constant 0 : i32
        %dma_start3A_165 = tpu.memref_slice %arg4[%dma_start3A_163, %dma_start3A_164] : memref<10000x16xf32, #tpu.memory_space<hbm>> -> memref<10000x16xf32, #tpu.memory_space<hbm>>
        tpu.enqueue_indirect_dma source(%dma_start3A_165 : memref<10000x16xf32, #tpu.memory_space<hbm>>) target(%arg16 : memref<40x16xf32, #tpu.memory_space<vmem>>) offsets(%dma_start3A_162 : memref<40xi32, #tpu.memory_space<vmem>>) semaphore(%arg25 : memref<!tpu.dma_semaphore, #tpu.memory_space<semaphore_mem>>)
        %dma_start3A_166 = arith.constant 0 : i32
        %dma_start3A_167 = tpu.memref_slice %arg9[%add3A_153, %dma_start3A_166] : memref<50x40xi32, #tpu.memory_space<vmem>> -> memref<1x40xi32, #tpu.memory_space<vmem>>
        %dma_start3A_168 = tpu.memref_squeeze %dma_start3A_167 : memref<1x40xi32, #tpu.memory_space<vmem>> -> memref<40xi32, #tpu.memory_space<vmem>>
        %dma_start3A_169 = arith.constant 0 : i32
        %dma_start3A_170 = arith.constant 0 : i32
        %dma_start3A_171 = tpu.memref_slice %arg2[%dma_start3A_169, %dma_start3A_170] : memref<10000x144xf32, #tpu.memory_space<hbm>> -> memref<10000x144xf32, #tpu.memory_space<hbm>>
        tpu.enqueue_indirect_dma source(%dma_start3A_171 : memref<10000x144xf32, #tpu.memory_space<hbm>>) target(%arg20 : memref<40x144xf32, #tpu.memory_space<vmem>>) offsets(%dma_start3A_168 : memref<40xi32, #tpu.memory_space<vmem>>) semaphore(%arg25 : memref<!tpu.dma_semaphore, #tpu.memory_space<semaphore_mem>>)
        %dma_wait3A_172 = arith.constant 0 : i32
        %dma_wait3A_173 = tpu.memref_slice %arg9[%add3A_149, %dma_wait3A_172] : memref<50x40xi32, #tpu.memory_space<vmem>> -> memref<1x40xi32, #tpu.memory_space<vmem>>
        %dma_wait3A_174 = tpu.memref_squeeze %dma_wait3A_173 : memref<1x40xi32, #tpu.memory_space<vmem>> -> memref<40xi32, #tpu.memory_space<vmem>>
        %dma_wait3A_175 = arith.constant 0 : i32
        %dma_wait3A_176 = arith.constant 0 : i32
        %dma_wait3A_177 = tpu.memref_slice %arg3[%dma_wait3A_175, %dma_wait3A_176] : memref<10000x16xf32, #tpu.memory_space<hbm>> -> memref<10000x16xf32, #tpu.memory_space<hbm>>
        tpu.wait_indirect_dma semaphore(%arg24 : memref<!tpu.dma_semaphore, #tpu.memory_space<semaphore_mem>>) src(%dma_wait3A_177 : memref<10000x16xf32, #tpu.memory_space<hbm>>) dst(%arg11 : memref<40x16xf32, #tpu.memory_space<vmem>>)
        %dma_wait3A_178 = arith.constant 0 : i32
        %dma_wait3A_179 = tpu.memref_slice %arg10[%add3A_149, %dma_wait3A_178] : memref<50x40xi32, #tpu.memory_space<vmem>> -> memref<1x40xi32, #tpu.memory_space<vmem>>
        %dma_wait3A_180 = tpu.memref_squeeze %dma_wait3A_179 : memref<1x40xi32, #tpu.memory_space<vmem>> -> memref<40xi32, #tpu.memory_space<vmem>>
        %dma_wait3A_181 = arith.constant 0 : i32
        %dma_wait3A_182 = arith.constant 0 : i32
        %dma_wait3A_183 = tpu.memref_slice %arg4[%dma_wait3A_181, %dma_wait3A_182] : memref<10000x16xf32, #tpu.memory_space<hbm>> -> memref<10000x16xf32, #tpu.memory_space<hbm>>
        tpu.wait_indirect_dma semaphore(%arg24 : memref<!tpu.dma_semaphore, #tpu.memory_space<semaphore_mem>>) src(%dma_wait3A_183 : memref<10000x16xf32, #tpu.memory_space<hbm>>) dst(%arg15 : memref<40x16xf32, #tpu.memory_space<vmem>>)
        %dma_wait3A_184 = arith.constant 0 : i32
        %dma_wait3A_185 = tpu.memref_slice %arg9[%add3A_149, %dma_wait3A_184] : memref<50x40xi32, #tpu.memory_space<vmem>> -> memref<1x40xi32, #tpu.memory_space<vmem>>
        %dma_wait3A_186 = tpu.memref_squeeze %dma_wait3A_185 : memref<1x40xi32, #tpu.memory_space<vmem>> -> memref<40xi32, #tpu.memory_space<vmem>>
        %dma_wait3A_187 = arith.constant 0 : i32
        %dma_wait3A_188 = arith.constant 0 : i32
        %dma_wait3A_189 = tpu.memref_slice %arg2[%dma_wait3A_187, %dma_wait3A_188] : memref<10000x144xf32, #tpu.memory_space<hbm>> -> memref<10000x144xf32, #tpu.memory_space<hbm>>
        tpu.wait_indirect_dma semaphore(%arg24 : memref<!tpu.dma_semaphore, #tpu.memory_space<semaphore_mem>>) src(%dma_wait3A_189 : memref<10000x144xf32, #tpu.memory_space<hbm>>) dst(%arg19 : memref<40x144xf32, #tpu.memory_space<vmem>>)
        %parallel_loop3A_190 = arith.constant 0 : i32
        %parallel_loop3A_191 = arith.constant 40 : i32
        %parallel_loop3A_192 = arith.constant 1 : i32
        scf.for %parallel_loop3A_372 = %parallel_loop3A_190 to %parallel_loop3A_191 step %parallel_loop3A_192  : i32 {
          %parallel_loop3A_373 = arith.index_cast %parallel_loop3A_372 : i32 to index
          %parallel_loop3A_374 = arith.constant 0 : index
          %parallel_loop3A_375 = tpu.vector_load %arg11[%parallel_loop3A_373, %parallel_loop3A_374] {strides = array<i32>} : memref<40x16xf32, #tpu.memory_space<vmem>>, vector<1x16xf32>,
          %parallel_loop3A_376 = vector.shape_cast %parallel_loop3A_375 : vector<1x16xf32> to vector<16xf32>
          %parallel_loop3A_377 = arith.index_cast %parallel_loop3A_372 : i32 to index
          %parallel_loop3A_378 = arith.constant 0 : index
          %parallel_loop3A_379 = tpu.vector_load %arg15[%parallel_loop3A_377, %parallel_loop3A_378] {strides = array<i32>} : memref<40x16xf32, #tpu.memory_space<vmem>>, vector<1x16xf32>,
          %parallel_loop3A_380 = vector.shape_cast %parallel_loop3A_379 : vector<1x16xf32> to vector<16xf32>
          %parallel_loop3A_381 = arith.addf %parallel_loop3A_376, %parallel_loop3A_380 : vector<16xf32>
          %parallel_loop3A_382 = arith.constant 2.000000e-01 : f32
          %parallel_loop3A_383 = vector.broadcast %parallel_loop3A_382 : f32 to vector<16xf32>
          %parallel_loop3A_384 = arith.mulf %parallel_loop3A_381, %parallel_loop3A_383 : vector<16xf32>
          %parallel_loop3A_385 = arith.maximumf %parallel_loop3A_381, %parallel_loop3A_384 : vector<16xf32>
          %parallel_loop3A_386 = math.exp %parallel_loop3A_385 : vector<16xf32>
          %parallel_loop3A_387 = arith.index_cast %parallel_loop3A_372 : i32 to index
          %parallel_loop3A_388 = arith.constant 128 : index
          %parallel_loop3A_389 = tpu.vector_load %arg19[%parallel_loop3A_387, %parallel_loop3A_388] {strides = array<i32>} : memref<40x144xf32, #tpu.memory_space<vmem>>, vector<1x16xf32>,
          %parallel_loop3A_390 = vector.shape_cast %parallel_loop3A_389 : vector<1x16xf32> to vector<16xf32>
          %parallel_loop3A_391 = vector.shape_cast %parallel_loop3A_386 : vector<16xf32> to vector<1x16xf32>
          tpu.vector_store %arg19[%parallel_loop3A_387, %parallel_loop3A_388], %parallel_loop3A_391 {strides = array<i32>} : memref<40x144xf32, #tpu.memory_space<vmem>>, vector<1x16xf32>,
          %parallel_loop3A_392 = vector.extract_strided_slice %parallel_loop3A_386 {offsets = [0], sizes = [1], strides = [1]} : vector<16xf32> to vector<1xf32>
          %parallel_loop3A_393 = vector.extract %parallel_loop3A_392[0] : f32 from vector<1xf32>
          %parallel_loop3A_394 = vector.broadcast %parallel_loop3A_393 : f32 to vector<16xf32>
          %parallel_loop3A_395 = arith.index_cast %parallel_loop3A_372 : i32 to index
          %parallel_loop3A_396 = arith.constant 0 : index
          %parallel_loop3A_397 = tpu.vector_load %arg19[%parallel_loop3A_395, %parallel_loop3A_396] {strides = array<i32>} : memref<40x144xf32, #tpu.memory_space<vmem>>, vector<1x16xf32>,
          %parallel_loop3A_398 = vector.shape_cast %parallel_loop3A_397 : vector<1x16xf32> to vector<16xf32>
          %parallel_loop3A_399 = arith.mulf %parallel_loop3A_398, %parallel_loop3A_394 : vector<16xf32>
          %parallel_loop3A_400 = arith.index_cast %parallel_loop3A_372 : i32 to index
          %parallel_loop3A_401 = arith.constant 0 : index
          %parallel_loop3A_402 = tpu.vector_load %arg19[%parallel_loop3A_400, %parallel_loop3A_401] {strides = array<i32>} : memref<40x144xf32, #tpu.memory_space<vmem>>, vector<1x16xf32>,
          %parallel_loop3A_403 = vector.shape_cast %parallel_loop3A_402 : vector<1x16xf32> to vector<16xf32>
          %parallel_loop3A_404 = vector.shape_cast %parallel_loop3A_399 : vector<16xf32> to vector<1x16xf32>
          tpu.vector_store %arg19[%parallel_loop3A_400, %parallel_loop3A_401], %parallel_loop3A_404 {strides = array<i32>} : memref<40x144xf32, #tpu.memory_space<vmem>>, vector<1x16xf32>,
          %parallel_loop3A_405 = arith.index_cast %parallel_loop3A_372 : i32 to index
          %parallel_loop3A_406 = arith.constant 16 : index
          %parallel_loop3A_407 = tpu.vector_load %arg19[%parallel_loop3A_405, %parallel_loop3A_406] {strides = array<i32>} : memref<40x144xf32, #tpu.memory_space<vmem>>, vector<1x16xf32>,
          %parallel_loop3A_408 = vector.shape_cast %parallel_loop3A_407 : vector<1x16xf32> to vector<16xf32>
          %parallel_loop3A_409 = arith.mulf %parallel_loop3A_408, %parallel_loop3A_394 : vector<16xf32>
          %parallel_loop3A_410 = arith.index_cast %parallel_loop3A_372 : i32 to index
          %parallel_loop3A_411 = arith.constant 16 : index
          %parallel_loop3A_412 = tpu.vector_load %arg19[%parallel_loop3A_410, %parallel_loop3A_411] {strides = array<i32>} : memref<40x144xf32, #tpu.memory_space<vmem>>, vector<1x16xf32>,
          %parallel_loop3A_413 = vector.shape_cast %parallel_loop3A_412 : vector<1x16xf32> to vector<16xf32>
          %parallel_loop3A_414 = vector.shape_cast %parallel_loop3A_409 : vector<16xf32> to vector<1x16xf32>
          tpu.vector_store %arg19[%parallel_loop3A_410, %parallel_loop3A_411], %parallel_loop3A_414 {strides = array<i32>} : memref<40x144xf32, #tpu.memory_space<vmem>>, vector<1x16xf32>,
          %parallel_loop3A_415 = arith.index_cast %parallel_loop3A_372 : i32 to index
          %parallel_loop3A_416 = arith.constant 32 : index
          %parallel_loop3A_417 = tpu.vector_load %arg19[%parallel_loop3A_415, %parallel_loop3A_416] {strides = array<i32>} : memref<40x144xf32, #tpu.memory_space<vmem>>, vector<1x16xf32>,
          %parallel_loop3A_418 = vector.shape_cast %parallel_loop3A_417 : vector<1x16xf32> to vector<16xf32>
          %parallel_loop3A_419 = arith.mulf %parallel_loop3A_418, %parallel_loop3A_394 : vector<16xf32>
          %parallel_loop3A_420 = arith.index_cast %parallel_loop3A_372 : i32 to index
          %parallel_loop3A_421 = arith.constant 32 : index
          %parallel_loop3A_422 = tpu.vector_load %arg19[%parallel_loop3A_420, %parallel_loop3A_421] {strides = array<i32>} : memref<40x144xf32, #tpu.memory_space<vmem>>, vector<1x16xf32>,
          %parallel_loop3A_423 = vector.shape_cast %parallel_loop3A_422 : vector<1x16xf32> to vector<16xf32>
          %parallel_loop3A_424 = vector.shape_cast %parallel_loop3A_419 : vector<16xf32> to vector<1x16xf32>
          tpu.vector_store %arg19[%parallel_loop3A_420, %parallel_loop3A_421], %parallel_loop3A_424 {strides = array<i32>} : memref<40x144xf32, #tpu.memory_space<vmem>>, vector<1x16xf32>,
          %parallel_loop3A_425 = arith.index_cast %parallel_loop3A_372 : i32 to index
          %parallel_loop3A_426 = arith.constant 48 : index
          %parallel_loop3A_427 = tpu.vector_load %arg19[%parallel_loop3A_425, %parallel_loop3A_426] {strides = array<i32>} : memref<40x144xf32, #tpu.memory_space<vmem>>, vector<1x16xf32>,
          %parallel_loop3A_428 = vector.shape_cast %parallel_loop3A_427 : vector<1x16xf32> to vector<16xf32>
          %parallel_loop3A_429 = arith.mulf %parallel_loop3A_428, %parallel_loop3A_394 : vector<16xf32>
          %parallel_loop3A_430 = arith.index_cast %parallel_loop3A_372 : i32 to index
          %parallel_loop3A_431 = arith.constant 48 : index
          %parallel_loop3A_432 = tpu.vector_load %arg19[%parallel_loop3A_430, %parallel_loop3A_431] {strides = array<i32>} : memref<40x144xf32, #tpu.memory_space<vmem>>, vector<1x16xf32>,
          %parallel_loop3A_433 = vector.shape_cast %parallel_loop3A_432 : vector<1x16xf32> to vector<16xf32>
          %parallel_loop3A_434 = vector.shape_cast %parallel_loop3A_429 : vector<16xf32> to vector<1x16xf32>
          tpu.vector_store %arg19[%parallel_loop3A_430, %parallel_loop3A_431], %parallel_loop3A_434 {strides = array<i32>} : memref<40x144xf32, #tpu.memory_space<vmem>>, vector<1x16xf32>,
          %parallel_loop3A_435 = arith.index_cast %parallel_loop3A_372 : i32 to index
          %parallel_loop3A_436 = arith.constant 64 : index
          %parallel_loop3A_437 = tpu.vector_load %arg19[%parallel_loop3A_435, %parallel_loop3A_436] {strides = array<i32>} : memref<40x144xf32, #tpu.memory_space<vmem>>, vector<1x16xf32>,
          %parallel_loop3A_438 = vector.shape_cast %parallel_loop3A_437 : vector<1x16xf32> to vector<16xf32>
          %parallel_loop3A_439 = arith.mulf %parallel_loop3A_438, %parallel_loop3A_394 : vector<16xf32>
          %parallel_loop3A_440 = arith.index_cast %parallel_loop3A_372 : i32 to index
          %parallel_loop3A_441 = arith.constant 64 : index
          %parallel_loop3A_442 = tpu.vector_load %arg19[%parallel_loop3A_440, %parallel_loop3A_441] {strides = array<i32>} : memref<40x144xf32, #tpu.memory_space<vmem>>, vector<1x16xf32>,
          %parallel_loop3A_443 = vector.shape_cast %parallel_loop3A_442 : vector<1x16xf32> to vector<16xf32>
          %parallel_loop3A_444 = vector.shape_cast %parallel_loop3A_439 : vector<16xf32> to vector<1x16xf32>
          tpu.vector_store %arg19[%parallel_loop3A_440, %parallel_loop3A_441], %parallel_loop3A_444 {strides = array<i32>} : memref<40x144xf32, #tpu.memory_space<vmem>>, vector<1x16xf32>,
          %parallel_loop3A_445 = arith.index_cast %parallel_loop3A_372 : i32 to index
          %parallel_loop3A_446 = arith.constant 80 : index
          %parallel_loop3A_447 = tpu.vector_load %arg19[%parallel_loop3A_445, %parallel_loop3A_446] {strides = array<i32>} : memref<40x144xf32, #tpu.memory_space<vmem>>, vector<1x16xf32>,
          %parallel_loop3A_448 = vector.shape_cast %parallel_loop3A_447 : vector<1x16xf32> to vector<16xf32>
          %parallel_loop3A_449 = arith.mulf %parallel_loop3A_448, %parallel_loop3A_394 : vector<16xf32>
          %parallel_loop3A_450 = arith.index_cast %parallel_loop3A_372 : i32 to index
          %parallel_loop3A_451 = arith.constant 80 : index
          %parallel_loop3A_452 = tpu.vector_load %arg19[%parallel_loop3A_450, %parallel_loop3A_451] {strides = array<i32>} : memref<40x144xf32, #tpu.memory_space<vmem>>, vector<1x16xf32>,
          %parallel_loop3A_453 = vector.shape_cast %parallel_loop3A_452 : vector<1x16xf32> to vector<16xf32>
          %parallel_loop3A_454 = vector.shape_cast %parallel_loop3A_449 : vector<16xf32> to vector<1x16xf32>
          tpu.vector_store %arg19[%parallel_loop3A_450, %parallel_loop3A_451], %parallel_loop3A_454 {strides = array<i32>} : memref<40x144xf32, #tpu.memory_space<vmem>>, vector<1x16xf32>,
          %parallel_loop3A_455 = arith.index_cast %parallel_loop3A_372 : i32 to index
          %parallel_loop3A_456 = arith.constant 96 : index
          %parallel_loop3A_457 = tpu.vector_load %arg19[%parallel_loop3A_455, %parallel_loop3A_456] {strides = array<i32>} : memref<40x144xf32, #tpu.memory_space<vmem>>, vector<1x16xf32>,
          %parallel_loop3A_458 = vector.shape_cast %parallel_loop3A_457 : vector<1x16xf32> to vector<16xf32>
          %parallel_loop3A_459 = arith.mulf %parallel_loop3A_458, %parallel_loop3A_394 : vector<16xf32>
          %parallel_loop3A_460 = arith.index_cast %parallel_loop3A_372 : i32 to index
          %parallel_loop3A_461 = arith.constant 96 : index
          %parallel_loop3A_462 = tpu.vector_load %arg19[%parallel_loop3A_460, %parallel_loop3A_461] {strides = array<i32>} : memref<40x144xf32, #tpu.memory_space<vmem>>, vector<1x16xf32>,
          %parallel_loop3A_463 = vector.shape_cast %parallel_loop3A_462 : vector<1x16xf32> to vector<16xf32>
          %parallel_loop3A_464 = vector.shape_cast %parallel_loop3A_459 : vector<16xf32> to vector<1x16xf32>
          tpu.vector_store %arg19[%parallel_loop3A_460, %parallel_loop3A_461], %parallel_loop3A_464 {strides = array<i32>} : memref<40x144xf32, #tpu.memory_space<vmem>>, vector<1x16xf32>,
          %parallel_loop3A_465 = arith.index_cast %parallel_loop3A_372 : i32 to index
          %parallel_loop3A_466 = arith.constant 112 : index
          %parallel_loop3A_467 = tpu.vector_load %arg19[%parallel_loop3A_465, %parallel_loop3A_466] {strides = array<i32>} : memref<40x144xf32, #tpu.memory_space<vmem>>, vector<1x16xf32>,
          %parallel_loop3A_468 = vector.shape_cast %parallel_loop3A_467 : vector<1x16xf32> to vector<16xf32>
          %parallel_loop3A_469 = arith.mulf %parallel_loop3A_468, %parallel_loop3A_394 : vector<16xf32>
          %parallel_loop3A_470 = arith.index_cast %parallel_loop3A_372 : i32 to index
          %parallel_loop3A_471 = arith.constant 112 : index
          %parallel_loop3A_472 = tpu.vector_load %arg19[%parallel_loop3A_470, %parallel_loop3A_471] {strides = array<i32>} : memref<40x144xf32, #tpu.memory_space<vmem>>, vector<1x16xf32>,
          %parallel_loop3A_473 = vector.shape_cast %parallel_loop3A_472 : vector<1x16xf32> to vector<16xf32>
          %parallel_loop3A_474 = vector.shape_cast %parallel_loop3A_469 : vector<16xf32> to vector<1x16xf32>
          tpu.vector_store %arg19[%parallel_loop3A_470, %parallel_loop3A_471], %parallel_loop3A_474 {strides = array<i32>} : memref<40x144xf32, #tpu.memory_space<vmem>>, vector<1x16xf32>,
        } {sc.loop_unroll_factor = 2 : i64, sc.parallel_access}
        %dma_start3A_193 = arith.constant 0 : i32
        %dma_start3A_194 = tpu.memref_slice %arg10[%add3A_149, %dma_start3A_193] : memref<50x40xi32, #tpu.memory_space<vmem>> -> memref<1x40xi32, #tpu.memory_space<vmem>>
        %dma_start3A_195 = tpu.memref_squeeze %dma_start3A_194 : memref<1x40xi32, #tpu.memory_space<vmem>> -> memref<40xi32, #tpu.memory_space<vmem>>
        %dma_start3A_196 = arith.constant 0 : i32
        %dma_start3A_197 = arith.constant 0 : i32
        %dma_start3A_198 = tpu.memref_slice %arg23[%dma_start3A_196, %dma_start3A_197] : memref<10112x144xf32, #tpu.memory_space<vmem_shared>> -> memref<10112x144xf32, #tpu.memory_space<vmem_shared>>
        tpu.enqueue_indirect_dma source(%arg19 : memref<40x144xf32, #tpu.memory_space<vmem>>) target(%dma_start3A_198 : memref<10112x144xf32, #tpu.memory_space<vmem_shared>>) offsets(%dma_start3A_195 : memref<40xi32, #tpu.memory_space<vmem>>) semaphore(%arg28 : memref<!tpu.dma_semaphore, #tpu.memory_space<semaphore_mem>>) {add = true}
        %mul3A_199 = arith.constant 4 : i32
        %mul3A_200 = arith.muli %mul3A_199, %scan3A_145 : i32
        %add3A_201 = arith.constant 1 : i32
        %add3A_202 = arith.addi %mul3A_200, %add3A_201 : i32
        %gt3A_203 = arith.constant 0 : i32
        %gt3A_204 = arith.cmpi sgt, %scan3A_145, %gt3A_203 : i32
        %convert_element_type3A_205 = arith.extui %gt3A_204 : i1 to i32
        %cond3A_206 = arith.constant 0 : i32
        %cond3A_207 = arith.cmpi ne, %convert_element_type3A_205, %cond3A_206 : i32
        scf.if %cond3A_207 {
          %sub3A_372 = arith.constant 2 : i32
          %sub3A_373 = arith.subi %add3A_202, %sub3A_372 : i32
          %dma_wait3A_374 = arith.constant 0 : i32
          %dma_wait3A_375 = tpu.memref_slice %arg10[%sub3A_373, %dma_wait3A_374] : memref<50x40xi32, #tpu.memory_space<vmem>> -> memref<1x40xi32, #tpu.memory_space<vmem>>
          %dma_wait3A_376 = tpu.memref_squeeze %dma_wait3A_375 : memref<1x40xi32, #tpu.memory_space<vmem>> -> memref<40xi32, #tpu.memory_space<vmem>>
          %dma_wait3A_377 = arith.constant 0 : i32
          %dma_wait3A_378 = arith.constant 0 : i32
          %dma_wait3A_379 = tpu.memref_slice %arg23[%dma_wait3A_377, %dma_wait3A_378] : memref<10112x144xf32, #tpu.memory_space<vmem_shared>> -> memref<10112x144xf32, #tpu.memory_space<vmem_shared>>
          tpu.wait_indirect_dma semaphore(%arg31 : memref<!tpu.dma_semaphore, #tpu.memory_space<semaphore_mem>>) src(%arg22 : memref<40x144xf32, #tpu.memory_space<vmem>>) dst(%dma_wait3A_379 : memref<10112x144xf32, #tpu.memory_space<vmem_shared>>)
        } else {
        }
        %add3A_208 = arith.constant 1 : i32
        %add3A_209 = arith.addi %add3A_202, %add3A_208 : i32
        %dma_start3A_210 = arith.constant 0 : i32
        %dma_start3A_211 = tpu.memref_slice %arg9[%add3A_209, %dma_start3A_210] : memref<50x40xi32, #tpu.memory_space<vmem>> -> memref<1x40xi32, #tpu.memory_space<vmem>>
        %dma_start3A_212 = tpu.memref_squeeze %dma_start3A_211 : memref<1x40xi32, #tpu.memory_space<vmem>> -> memref<40xi32, #tpu.memory_space<vmem>>
        %dma_start3A_213 = arith.constant 0 : i32
        %dma_start3A_214 = arith.constant 0 : i32
        %dma_start3A_215 = tpu.memref_slice %arg3[%dma_start3A_213, %dma_start3A_214] : memref<10000x16xf32, #tpu.memory_space<hbm>> -> memref<10000x16xf32, #tpu.memory_space<hbm>>
        tpu.enqueue_indirect_dma source(%dma_start3A_215 : memref<10000x16xf32, #tpu.memory_space<hbm>>) target(%arg13 : memref<40x16xf32, #tpu.memory_space<vmem>>) offsets(%dma_start3A_212 : memref<40xi32, #tpu.memory_space<vmem>>) semaphore(%arg26 : memref<!tpu.dma_semaphore, #tpu.memory_space<semaphore_mem>>)
        %dma_start3A_216 = arith.constant 0 : i32
        %dma_start3A_217 = tpu.memref_slice %arg10[%add3A_209, %dma_start3A_216] : memref<50x40xi32, #tpu.memory_space<vmem>> -> memref<1x40xi32, #tpu.memory_space<vmem>>
        %dma_start3A_218 = tpu.memref_squeeze %dma_start3A_217 : memref<1x40xi32, #tpu.memory_space<vmem>> -> memref<40xi32, #tpu.memory_space<vmem>>
        %dma_start3A_219 = arith.constant 0 : i32
        %dma_start3A_220 = arith.constant 0 : i32
        %dma_start3A_221 = tpu.memref_slice %arg4[%dma_start3A_219, %dma_start3A_220] : memref<10000x16xf32, #tpu.memory_space<hbm>> -> memref<10000x16xf32, #tpu.memory_space<hbm>>
        tpu.enqueue_indirect_dma source(%dma_start3A_221 : memref<10000x16xf32, #tpu.memory_space<hbm>>) target(%arg17 : memref<40x16xf32, #tpu.memory_space<vmem>>) offsets(%dma_start3A_218 : memref<40xi32, #tpu.memory_space<vmem>>) semaphore(%arg26 : memref<!tpu.dma_semaphore, #tpu.memory_space<semaphore_mem>>)
        %dma_start3A_222 = arith.constant 0 : i32
        %dma_start3A_223 = tpu.memref_slice %arg9[%add3A_209, %dma_start3A_222] : memref<50x40xi32, #tpu.memory_space<vmem>> -> memref<1x40xi32, #tpu.memory_space<vmem>>
        %dma_start3A_224 = tpu.memref_squeeze %dma_start3A_223 : memref<1x40xi32, #tpu.memory_space<vmem>> -> memref<40xi32, #tpu.memory_space<vmem>>
        %dma_start3A_225 = arith.constant 0 : i32
        %dma_start3A_226 = arith.constant 0 : i32
        %dma_start3A_227 = tpu.memref_slice %arg2[%dma_start3A_225, %dma_start3A_226] : memref<10000x144xf32, #tpu.memory_space<hbm>> -> memref<10000x144xf32, #tpu.memory_space<hbm>>
        tpu.enqueue_indirect_dma source(%dma_start3A_227 : memref<10000x144xf32, #tpu.memory_space<hbm>>) target(%arg21 : memref<40x144xf32, #tpu.memory_space<vmem>>) offsets(%dma_start3A_224 : memref<40xi32, #tpu.memory_space<vmem>>) semaphore(%arg26 : memref<!tpu.dma_semaphore, #tpu.memory_space<semaphore_mem>>)
        %dma_wait3A_228 = arith.constant 0 : i32
        %dma_wait3A_229 = tpu.memref_slice %arg9[%add3A_202, %dma_wait3A_228] : memref<50x40xi32, #tpu.memory_space<vmem>> -> memref<1x40xi32, #tpu.memory_space<vmem>>
        %dma_wait3A_230 = tpu.memref_squeeze %dma_wait3A_229 : memref<1x40xi32, #tpu.memory_space<vmem>> -> memref<40xi32, #tpu.memory_space<vmem>>
        %dma_wait3A_231 = arith.constant 0 : i32
        %dma_wait3A_232 = arith.constant 0 : i32
        %dma_wait3A_233 = tpu.memref_slice %arg3[%dma_wait3A_231, %dma_wait3A_232] : memref<10000x16xf32, #tpu.memory_space<hbm>> -> memref<10000x16xf32, #tpu.memory_space<hbm>>
        tpu.wait_indirect_dma semaphore(%arg25 : memref<!tpu.dma_semaphore, #tpu.memory_space<semaphore_mem>>) src(%dma_wait3A_233 : memref<10000x16xf32, #tpu.memory_space<hbm>>) dst(%arg12 : memref<40x16xf32, #tpu.memory_space<vmem>>)
        %dma_wait3A_234 = arith.constant 0 : i32
        %dma_wait3A_235 = tpu.memref_slice %arg10[%add3A_202, %dma_wait3A_234] : memref<50x40xi32, #tpu.memory_space<vmem>> -> memref<1x40xi32, #tpu.memory_space<vmem>>
        %dma_wait3A_236 = tpu.memref_squeeze %dma_wait3A_235 : memref<1x40xi32, #tpu.memory_space<vmem>> -> memref<40xi32, #tpu.memory_space<vmem>>
        %dma_wait3A_237 = arith.constant 0 : i32
        %dma_wait3A_238 = arith.constant 0 : i32
        %dma_wait3A_239 = tpu.memref_slice %arg4[%dma_wait3A_237, %dma_wait3A_238] : memref<10000x16xf32, #tpu.memory_space<hbm>> -> memref<10000x16xf32, #tpu.memory_space<hbm>>
        tpu.wait_indirect_dma semaphore(%arg25 : memref<!tpu.dma_semaphore, #tpu.memory_space<semaphore_mem>>) src(%dma_wait3A_239 : memref<10000x16xf32, #tpu.memory_space<hbm>>) dst(%arg16 : memref<40x16xf32, #tpu.memory_space<vmem>>)
        %dma_wait3A_240 = arith.constant 0 : i32
        %dma_wait3A_241 = tpu.memref_slice %arg9[%add3A_202, %dma_wait3A_240] : memref<50x40xi32, #tpu.memory_space<vmem>> -> memref<1x40xi32, #tpu.memory_space<vmem>>
        %dma_wait3A_242 = tpu.memref_squeeze %dma_wait3A_241 : memref<1x40xi32, #tpu.memory_space<vmem>> -> memref<40xi32, #tpu.memory_space<vmem>>
        %dma_wait3A_243 = arith.constant 0 : i32
        %dma_wait3A_244 = arith.constant 0 : i32
        %dma_wait3A_245 = tpu.memref_slice %arg2[%dma_wait3A_243, %dma_wait3A_244] : memref<10000x144xf32, #tpu.memory_space<hbm>> -> memref<10000x144xf32, #tpu.memory_space<hbm>>
        tpu.wait_indirect_dma semaphore(%arg25 : memref<!tpu.dma_semaphore, #tpu.memory_space<semaphore_mem>>) src(%dma_wait3A_245 : memref<10000x144xf32, #tpu.memory_space<hbm>>) dst(%arg20 : memref<40x144xf32, #tpu.memory_space<vmem>>)
        %parallel_loop3A_246 = arith.constant 0 : i32
        %parallel_loop3A_247 = arith.constant 40 : i32
        %parallel_loop3A_248 = arith.constant 1 : i32
        scf.for %parallel_loop3A_372 = %parallel_loop3A_246 to %parallel_loop3A_247 step %parallel_loop3A_248  : i32 {
          %parallel_loop3A_373 = arith.index_cast %parallel_loop3A_372 : i32 to index
          %parallel_loop3A_374 = arith.constant 0 : index
          %parallel_loop3A_375 = tpu.vector_load %arg12[%parallel_loop3A_373, %parallel_loop3A_374] {strides = array<i32>} : memref<40x16xf32, #tpu.memory_space<vmem>>, vector<1x16xf32>,
          %parallel_loop3A_376 = vector.shape_cast %parallel_loop3A_375 : vector<1x16xf32> to vector<16xf32>
          %parallel_loop3A_377 = arith.index_cast %parallel_loop3A_372 : i32 to index
          %parallel_loop3A_378 = arith.constant 0 : index
          %parallel_loop3A_379 = tpu.vector_load %arg16[%parallel_loop3A_377, %parallel_loop3A_378] {strides = array<i32>} : memref<40x16xf32, #tpu.memory_space<vmem>>, vector<1x16xf32>,
          %parallel_loop3A_380 = vector.shape_cast %parallel_loop3A_379 : vector<1x16xf32> to vector<16xf32>
          %parallel_loop3A_381 = arith.addf %parallel_loop3A_376, %parallel_loop3A_380 : vector<16xf32>
          %parallel_loop3A_382 = arith.constant 2.000000e-01 : f32
          %parallel_loop3A_383 = vector.broadcast %parallel_loop3A_382 : f32 to vector<16xf32>
          %parallel_loop3A_384 = arith.mulf %parallel_loop3A_381, %parallel_loop3A_383 : vector<16xf32>
          %parallel_loop3A_385 = arith.maximumf %parallel_loop3A_381, %parallel_loop3A_384 : vector<16xf32>
          %parallel_loop3A_386 = math.exp %parallel_loop3A_385 : vector<16xf32>
          %parallel_loop3A_387 = arith.index_cast %parallel_loop3A_372 : i32 to index
          %parallel_loop3A_388 = arith.constant 128 : index
          %parallel_loop3A_389 = tpu.vector_load %arg20[%parallel_loop3A_387, %parallel_loop3A_388] {strides = array<i32>} : memref<40x144xf32, #tpu.memory_space<vmem>>, vector<1x16xf32>,
          %parallel_loop3A_390 = vector.shape_cast %parallel_loop3A_389 : vector<1x16xf32> to vector<16xf32>
          %parallel_loop3A_391 = vector.shape_cast %parallel_loop3A_386 : vector<16xf32> to vector<1x16xf32>
          tpu.vector_store %arg20[%parallel_loop3A_387, %parallel_loop3A_388], %parallel_loop3A_391 {strides = array<i32>} : memref<40x144xf32, #tpu.memory_space<vmem>>, vector<1x16xf32>,
          %parallel_loop3A_392 = vector.extract_strided_slice %parallel_loop3A_386 {offsets = [0], sizes = [1], strides = [1]} : vector<16xf32> to vector<1xf32>
          %parallel_loop3A_393 = vector.extract %parallel_loop3A_392[0] : f32 from vector<1xf32>
          %parallel_loop3A_394 = vector.broadcast %parallel_loop3A_393 : f32 to vector<16xf32>
          %parallel_loop3A_395 = arith.index_cast %parallel_loop3A_372 : i32 to index
          %parallel_loop3A_396 = arith.constant 0 : index
          %parallel_loop3A_397 = tpu.vector_load %arg20[%parallel_loop3A_395, %parallel_loop3A_396] {strides = array<i32>} : memref<40x144xf32, #tpu.memory_space<vmem>>, vector<1x16xf32>,
          %parallel_loop3A_398 = vector.shape_cast %parallel_loop3A_397 : vector<1x16xf32> to vector<16xf32>
          %parallel_loop3A_399 = arith.mulf %parallel_loop3A_398, %parallel_loop3A_394 : vector<16xf32>
          %parallel_loop3A_400 = arith.index_cast %parallel_loop3A_372 : i32 to index
          %parallel_loop3A_401 = arith.constant 0 : index
          %parallel_loop3A_402 = tpu.vector_load %arg20[%parallel_loop3A_400, %parallel_loop3A_401] {strides = array<i32>} : memref<40x144xf32, #tpu.memory_space<vmem>>, vector<1x16xf32>,
          %parallel_loop3A_403 = vector.shape_cast %parallel_loop3A_402 : vector<1x16xf32> to vector<16xf32>
          %parallel_loop3A_404 = vector.shape_cast %parallel_loop3A_399 : vector<16xf32> to vector<1x16xf32>
          tpu.vector_store %arg20[%parallel_loop3A_400, %parallel_loop3A_401], %parallel_loop3A_404 {strides = array<i32>} : memref<40x144xf32, #tpu.memory_space<vmem>>, vector<1x16xf32>,
          %parallel_loop3A_405 = arith.index_cast %parallel_loop3A_372 : i32 to index
          %parallel_loop3A_406 = arith.constant 16 : index
          %parallel_loop3A_407 = tpu.vector_load %arg20[%parallel_loop3A_405, %parallel_loop3A_406] {strides = array<i32>} : memref<40x144xf32, #tpu.memory_space<vmem>>, vector<1x16xf32>,
          %parallel_loop3A_408 = vector.shape_cast %parallel_loop3A_407 : vector<1x16xf32> to vector<16xf32>
          %parallel_loop3A_409 = arith.mulf %parallel_loop3A_408, %parallel_loop3A_394 : vector<16xf32>
          %parallel_loop3A_410 = arith.index_cast %parallel_loop3A_372 : i32 to index
          %parallel_loop3A_411 = arith.constant 16 : index
          %parallel_loop3A_412 = tpu.vector_load %arg20[%parallel_loop3A_410, %parallel_loop3A_411] {strides = array<i32>} : memref<40x144xf32, #tpu.memory_space<vmem>>, vector<1x16xf32>,
          %parallel_loop3A_413 = vector.shape_cast %parallel_loop3A_412 : vector<1x16xf32> to vector<16xf32>
          %parallel_loop3A_414 = vector.shape_cast %parallel_loop3A_409 : vector<16xf32> to vector<1x16xf32>
          tpu.vector_store %arg20[%parallel_loop3A_410, %parallel_loop3A_411], %parallel_loop3A_414 {strides = array<i32>} : memref<40x144xf32, #tpu.memory_space<vmem>>, vector<1x16xf32>,
          %parallel_loop3A_415 = arith.index_cast %parallel_loop3A_372 : i32 to index
          %parallel_loop3A_416 = arith.constant 32 : index
          %parallel_loop3A_417 = tpu.vector_load %arg20[%parallel_loop3A_415, %parallel_loop3A_416] {strides = array<i32>} : memref<40x144xf32, #tpu.memory_space<vmem>>, vector<1x16xf32>,
          %parallel_loop3A_418 = vector.shape_cast %parallel_loop3A_417 : vector<1x16xf32> to vector<16xf32>
          %parallel_loop3A_419 = arith.mulf %parallel_loop3A_418, %parallel_loop3A_394 : vector<16xf32>
          %parallel_loop3A_420 = arith.index_cast %parallel_loop3A_372 : i32 to index
          %parallel_loop3A_421 = arith.constant 32 : index
          %parallel_loop3A_422 = tpu.vector_load %arg20[%parallel_loop3A_420, %parallel_loop3A_421] {strides = array<i32>} : memref<40x144xf32, #tpu.memory_space<vmem>>, vector<1x16xf32>,
          %parallel_loop3A_423 = vector.shape_cast %parallel_loop3A_422 : vector<1x16xf32> to vector<16xf32>
          %parallel_loop3A_424 = vector.shape_cast %parallel_loop3A_419 : vector<16xf32> to vector<1x16xf32>
          tpu.vector_store %arg20[%parallel_loop3A_420, %parallel_loop3A_421], %parallel_loop3A_424 {strides = array<i32>} : memref<40x144xf32, #tpu.memory_space<vmem>>, vector<1x16xf32>,
          %parallel_loop3A_425 = arith.index_cast %parallel_loop3A_372 : i32 to index
          %parallel_loop3A_426 = arith.constant 48 : index
          %parallel_loop3A_427 = tpu.vector_load %arg20[%parallel_loop3A_425, %parallel_loop3A_426] {strides = array<i32>} : memref<40x144xf32, #tpu.memory_space<vmem>>, vector<1x16xf32>,
          %parallel_loop3A_428 = vector.shape_cast %parallel_loop3A_427 : vector<1x16xf32> to vector<16xf32>
          %parallel_loop3A_429 = arith.mulf %parallel_loop3A_428, %parallel_loop3A_394 : vector<16xf32>
          %parallel_loop3A_430 = arith.index_cast %parallel_loop3A_372 : i32 to index
          %parallel_loop3A_431 = arith.constant 48 : index
          %parallel_loop3A_432 = tpu.vector_load %arg20[%parallel_loop3A_430, %parallel_loop3A_431] {strides = array<i32>} : memref<40x144xf32, #tpu.memory_space<vmem>>, vector<1x16xf32>,
          %parallel_loop3A_433 = vector.shape_cast %parallel_loop3A_432 : vector<1x16xf32> to vector<16xf32>
          %parallel_loop3A_434 = vector.shape_cast %parallel_loop3A_429 : vector<16xf32> to vector<1x16xf32>
          tpu.vector_store %arg20[%parallel_loop3A_430, %parallel_loop3A_431], %parallel_loop3A_434 {strides = array<i32>} : memref<40x144xf32, #tpu.memory_space<vmem>>, vector<1x16xf32>,
          %parallel_loop3A_435 = arith.index_cast %parallel_loop3A_372 : i32 to index
          %parallel_loop3A_436 = arith.constant 64 : index
          %parallel_loop3A_437 = tpu.vector_load %arg20[%parallel_loop3A_435, %parallel_loop3A_436] {strides = array<i32>} : memref<40x144xf32, #tpu.memory_space<vmem>>, vector<1x16xf32>,
          %parallel_loop3A_438 = vector.shape_cast %parallel_loop3A_437 : vector<1x16xf32> to vector<16xf32>
          %parallel_loop3A_439 = arith.mulf %parallel_loop3A_438, %parallel_loop3A_394 : vector<16xf32>
          %parallel_loop3A_440 = arith.index_cast %parallel_loop3A_372 : i32 to index
          %parallel_loop3A_441 = arith.constant 64 : index
          %parallel_loop3A_442 = tpu.vector_load %arg20[%parallel_loop3A_440, %parallel_loop3A_441] {strides = array<i32>} : memref<40x144xf32, #tpu.memory_space<vmem>>, vector<1x16xf32>,
          %parallel_loop3A_443 = vector.shape_cast %parallel_loop3A_442 : vector<1x16xf32> to vector<16xf32>
          %parallel_loop3A_444 = vector.shape_cast %parallel_loop3A_439 : vector<16xf32> to vector<1x16xf32>
          tpu.vector_store %arg20[%parallel_loop3A_440, %parallel_loop3A_441], %parallel_loop3A_444 {strides = array<i32>} : memref<40x144xf32, #tpu.memory_space<vmem>>, vector<1x16xf32>,
          %parallel_loop3A_445 = arith.index_cast %parallel_loop3A_372 : i32 to index
          %parallel_loop3A_446 = arith.constant 80 : index
          %parallel_loop3A_447 = tpu.vector_load %arg20[%parallel_loop3A_445, %parallel_loop3A_446] {strides = array<i32>} : memref<40x144xf32, #tpu.memory_space<vmem>>, vector<1x16xf32>,
          %parallel_loop3A_448 = vector.shape_cast %parallel_loop3A_447 : vector<1x16xf32> to vector<16xf32>
          %parallel_loop3A_449 = arith.mulf %parallel_loop3A_448, %parallel_loop3A_394 : vector<16xf32>
          %parallel_loop3A_450 = arith.index_cast %parallel_loop3A_372 : i32 to index
          %parallel_loop3A_451 = arith.constant 80 : index
          %parallel_loop3A_452 = tpu.vector_load %arg20[%parallel_loop3A_450, %parallel_loop3A_451] {strides = array<i32>} : memref<40x144xf32, #tpu.memory_space<vmem>>, vector<1x16xf32>,
          %parallel_loop3A_453 = vector.shape_cast %parallel_loop3A_452 : vector<1x16xf32> to vector<16xf32>
          %parallel_loop3A_454 = vector.shape_cast %parallel_loop3A_449 : vector<16xf32> to vector<1x16xf32>
          tpu.vector_store %arg20[%parallel_loop3A_450, %parallel_loop3A_451], %parallel_loop3A_454 {strides = array<i32>} : memref<40x144xf32, #tpu.memory_space<vmem>>, vector<1x16xf32>,
          %parallel_loop3A_455 = arith.index_cast %parallel_loop3A_372 : i32 to index
          %parallel_loop3A_456 = arith.constant 96 : index
          %parallel_loop3A_457 = tpu.vector_load %arg20[%parallel_loop3A_455, %parallel_loop3A_456] {strides = array<i32>} : memref<40x144xf32, #tpu.memory_space<vmem>>, vector<1x16xf32>,
          %parallel_loop3A_458 = vector.shape_cast %parallel_loop3A_457 : vector<1x16xf32> to vector<16xf32>
          %parallel_loop3A_459 = arith.mulf %parallel_loop3A_458, %parallel_loop3A_394 : vector<16xf32>
          %parallel_loop3A_460 = arith.index_cast %parallel_loop3A_372 : i32 to index
          %parallel_loop3A_461 = arith.constant 96 : index
          %parallel_loop3A_462 = tpu.vector_load %arg20[%parallel_loop3A_460, %parallel_loop3A_461] {strides = array<i32>} : memref<40x144xf32, #tpu.memory_space<vmem>>, vector<1x16xf32>,
          %parallel_loop3A_463 = vector.shape_cast %parallel_loop3A_462 : vector<1x16xf32> to vector<16xf32>
          %parallel_loop3A_464 = vector.shape_cast %parallel_loop3A_459 : vector<16xf32> to vector<1x16xf32>
          tpu.vector_store %arg20[%parallel_loop3A_460, %parallel_loop3A_461], %parallel_loop3A_464 {strides = array<i32>} : memref<40x144xf32, #tpu.memory_space<vmem>>, vector<1x16xf32>,
          %parallel_loop3A_465 = arith.index_cast %parallel_loop3A_372 : i32 to index
          %parallel_loop3A_466 = arith.constant 112 : index
          %parallel_loop3A_467 = tpu.vector_load %arg20[%parallel_loop3A_465, %parallel_loop3A_466] {strides = array<i32>} : memref<40x144xf32, #tpu.memory_space<vmem>>, vector<1x16xf32>,
          %parallel_loop3A_468 = vector.shape_cast %parallel_loop3A_467 : vector<1x16xf32> to vector<16xf32>
          %parallel_loop3A_469 = arith.mulf %parallel_loop3A_468, %parallel_loop3A_394 : vector<16xf32>
          %parallel_loop3A_470 = arith.index_cast %parallel_loop3A_372 : i32 to index
          %parallel_loop3A_471 = arith.constant 112 : index
          %parallel_loop3A_472 = tpu.vector_load %arg20[%parallel_loop3A_470, %parallel_loop3A_471] {strides = array<i32>} : memref<40x144xf32, #tpu.memory_space<vmem>>, vector<1x16xf32>,
          %parallel_loop3A_473 = vector.shape_cast %parallel_loop3A_472 : vector<1x16xf32> to vector<16xf32>
          %parallel_loop3A_474 = vector.shape_cast %parallel_loop3A_469 : vector<16xf32> to vector<1x16xf32>
          tpu.vector_store %arg20[%parallel_loop3A_470, %parallel_loop3A_471], %parallel_loop3A_474 {strides = array<i32>} : memref<40x144xf32, #tpu.memory_space<vmem>>, vector<1x16xf32>,
        } {sc.loop_unroll_factor = 2 : i64, sc.parallel_access}
        %dma_start3A_249 = arith.constant 0 : i32
        %dma_start3A_250 = tpu.memref_slice %arg10[%add3A_202, %dma_start3A_249] : memref<50x40xi32, #tpu.memory_space<vmem>> -> memref<1x40xi32, #tpu.memory_space<vmem>>
        %dma_start3A_251 = tpu.memref_squeeze %dma_start3A_250 : memref<1x40xi32, #tpu.memory_space<vmem>> -> memref<40xi32, #tpu.memory_space<vmem>>
        %dma_start3A_252 = arith.constant 0 : i32
        %dma_start3A_253 = arith.constant 0 : i32
        %dma_start3A_254 = tpu.memref_slice %arg23[%dma_start3A_252, %dma_start3A_253] : memref<10112x144xf32, #tpu.memory_space<vmem_shared>> -> memref<10112x144xf32, #tpu.memory_space<vmem_shared>>
        tpu.enqueue_indirect_dma source(%arg20 : memref<40x144xf32, #tpu.memory_space<vmem>>) target(%dma_start3A_254 : memref<10112x144xf32, #tpu.memory_space<vmem_shared>>) offsets(%dma_start3A_251 : memref<40xi32, #tpu.memory_space<vmem>>) semaphore(%arg29 : memref<!tpu.dma_semaphore, #tpu.memory_space<semaphore_mem>>) {add = true}
        %mul3A_255 = arith.constant 4 : i32
        %mul3A_256 = arith.muli %mul3A_255, %scan3A_145 : i32
        %add3A_257 = arith.constant 2 : i32
        %add3A_258 = arith.addi %mul3A_256, %add3A_257 : i32
        %sub3A = arith.constant 2 : i32
        %sub3A_259 = arith.subi %add3A_258, %sub3A : i32
        %dma_wait3A_260 = arith.constant 0 : i32
        %dma_wait3A_261 = tpu.memref_slice %arg10[%sub3A_259, %dma_wait3A_260] : memref<50x40xi32, #tpu.memory_space<vmem>> -> memref<1x40xi32, #tpu.memory_space<vmem>>
        %dma_wait3A_262 = tpu.memref_squeeze %dma_wait3A_261 : memref<1x40xi32, #tpu.memory_space<vmem>> -> memref<40xi32, #tpu.memory_space<vmem>>
        %dma_wait3A_263 = arith.constant 0 : i32
        %dma_wait3A_264 = arith.constant 0 : i32
        %dma_wait3A_265 = tpu.memref_slice %arg23[%dma_wait3A_263, %dma_wait3A_264] : memref<10112x144xf32, #tpu.memory_space<vmem_shared>> -> memref<10112x144xf32, #tpu.memory_space<vmem_shared>>
        tpu.wait_indirect_dma semaphore(%arg28 : memref<!tpu.dma_semaphore, #tpu.memory_space<semaphore_mem>>) src(%arg19 : memref<40x144xf32, #tpu.memory_space<vmem>>) dst(%dma_wait3A_265 : memref<10112x144xf32, #tpu.memory_space<vmem_shared>>)
        %add3A_266 = arith.constant 1 : i32
        %add3A_267 = arith.addi %add3A_258, %add3A_266 : i32
        %dma_start3A_268 = arith.constant 0 : i32
        %dma_start3A_269 = tpu.memref_slice %arg9[%add3A_267, %dma_start3A_268] : memref<50x40xi32, #tpu.memory_space<vmem>> -> memref<1x40xi32, #tpu.memory_space<vmem>>
        %dma_start3A_270 = tpu.memref_squeeze %dma_start3A_269 : memref<1x40xi32, #tpu.memory_space<vmem>> -> memref<40xi32, #tpu.memory_space<vmem>>
        %dma_start3A_271 = arith.constant 0 : i32
        %dma_start3A_272 = arith.constant 0 : i32
        %dma_start3A_273 = tpu.memref_slice %arg3[%dma_start3A_271, %dma_start3A_272] : memref<10000x16xf32, #tpu.memory_space<hbm>> -> memref<10000x16xf32, #tpu.memory_space<hbm>>
        tpu.enqueue_indirect_dma source(%dma_start3A_273 : memref<10000x16xf32, #tpu.memory_space<hbm>>) target(%arg14 : memref<40x16xf32, #tpu.memory_space<vmem>>) offsets(%dma_start3A_270 : memref<40xi32, #tpu.memory_space<vmem>>) semaphore(%arg27 : memref<!tpu.dma_semaphore, #tpu.memory_space<semaphore_mem>>)
        %dma_start3A_274 = arith.constant 0 : i32
        %dma_start3A_275 = tpu.memref_slice %arg10[%add3A_267, %dma_start3A_274] : memref<50x40xi32, #tpu.memory_space<vmem>> -> memref<1x40xi32, #tpu.memory_space<vmem>>
        %dma_start3A_276 = tpu.memref_squeeze %dma_start3A_275 : memref<1x40xi32, #tpu.memory_space<vmem>> -> memref<40xi32, #tpu.memory_space<vmem>>
        %dma_start3A_277 = arith.constant 0 : i32
        %dma_start3A_278 = arith.constant 0 : i32
        %dma_start3A_279 = tpu.memref_slice %arg4[%dma_start3A_277, %dma_start3A_278] : memref<10000x16xf32, #tpu.memory_space<hbm>> -> memref<10000x16xf32, #tpu.memory_space<hbm>>
        tpu.enqueue_indirect_dma source(%dma_start3A_279 : memref<10000x16xf32, #tpu.memory_space<hbm>>) target(%arg18 : memref<40x16xf32, #tpu.memory_space<vmem>>) offsets(%dma_start3A_276 : memref<40xi32, #tpu.memory_space<vmem>>) semaphore(%arg27 : memref<!tpu.dma_semaphore, #tpu.memory_space<semaphore_mem>>)
        %dma_start3A_280 = arith.constant 0 : i32
        %dma_start3A_281 = tpu.memref_slice %arg9[%add3A_267, %dma_start3A_280] : memref<50x40xi32, #tpu.memory_space<vmem>> -> memref<1x40xi32, #tpu.memory_space<vmem>>
        %dma_start3A_282 = tpu.memref_squeeze %dma_start3A_281 : memref<1x40xi32, #tpu.memory_space<vmem>> -> memref<40xi32, #tpu.memory_space<vmem>>
        %dma_start3A_283 = arith.constant 0 : i32
        %dma_start3A_284 = arith.constant 0 : i32
        %dma_start3A_285 = tpu.memref_slice %arg2[%dma_start3A_283, %dma_start3A_284] : memref<10000x144xf32, #tpu.memory_space<hbm>> -> memref<10000x144xf32, #tpu.memory_space<hbm>>
        tpu.enqueue_indirect_dma source(%dma_start3A_285 : memref<10000x144xf32, #tpu.memory_space<hbm>>) target(%arg22 : memref<40x144xf32, #tpu.memory_space<vmem>>) offsets(%dma_start3A_282 : memref<40xi32, #tpu.memory_space<vmem>>) semaphore(%arg27 : memref<!tpu.dma_semaphore, #tpu.memory_space<semaphore_mem>>)
        %dma_wait3A_286 = arith.constant 0 : i32
        %dma_wait3A_287 = tpu.memref_slice %arg9[%add3A_258, %dma_wait3A_286] : memref<50x40xi32, #tpu.memory_space<vmem>> -> memref<1x40xi32, #tpu.memory_space<vmem>>
        %dma_wait3A_288 = tpu.memref_squeeze %dma_wait3A_287 : memref<1x40xi32, #tpu.memory_space<vmem>> -> memref<40xi32, #tpu.memory_space<vmem>>
        %dma_wait3A_289 = arith.constant 0 : i32
        %dma_wait3A_290 = arith.constant 0 : i32
        %dma_wait3A_291 = tpu.memref_slice %arg3[%dma_wait3A_289, %dma_wait3A_290] : memref<10000x16xf32, #tpu.memory_space<hbm>> -> memref<10000x16xf32, #tpu.memory_space<hbm>>
        tpu.wait_indirect_dma semaphore(%arg26 : memref<!tpu.dma_semaphore, #tpu.memory_space<semaphore_mem>>) src(%dma_wait3A_291 : memref<10000x16xf32, #tpu.memory_space<hbm>>) dst(%arg13 : memref<40x16xf32, #tpu.memory_space<vmem>>)
        %dma_wait3A_292 = arith.constant 0 : i32
        %dma_wait3A_293 = tpu.memref_slice %arg10[%add3A_258, %dma_wait3A_292] : memref<50x40xi32, #tpu.memory_space<vmem>> -> memref<1x40xi32, #tpu.memory_space<vmem>>
        %dma_wait3A_294 = tpu.memref_squeeze %dma_wait3A_293 : memref<1x40xi32, #tpu.memory_space<vmem>> -> memref<40xi32, #tpu.memory_space<vmem>>
        %dma_wait3A_295 = arith.constant 0 : i32
        %dma_wait3A_296 = arith.constant 0 : i32
        %dma_wait3A_297 = tpu.memref_slice %arg4[%dma_wait3A_295, %dma_wait3A_296] : memref<10000x16xf32, #tpu.memory_space<hbm>> -> memref<10000x16xf32, #tpu.memory_space<hbm>>
        tpu.wait_indirect_dma semaphore(%arg26 : memref<!tpu.dma_semaphore, #tpu.memory_space<semaphore_mem>>) src(%dma_wait3A_297 : memref<10000x16xf32, #tpu.memory_space<hbm>>) dst(%arg17 : memref<40x16xf32, #tpu.memory_space<vmem>>)
        %dma_wait3A_298 = arith.constant 0 : i32
        %dma_wait3A_299 = tpu.memref_slice %arg9[%add3A_258, %dma_wait3A_298] : memref<50x40xi32, #tpu.memory_space<vmem>> -> memref<1x40xi32, #tpu.memory_space<vmem>>
        %dma_wait3A_300 = tpu.memref_squeeze %dma_wait3A_299 : memref<1x40xi32, #tpu.memory_space<vmem>> -> memref<40xi32, #tpu.memory_space<vmem>>
        %dma_wait3A_301 = arith.constant 0 : i32
        %dma_wait3A_302 = arith.constant 0 : i32
        %dma_wait3A_303 = tpu.memref_slice %arg2[%dma_wait3A_301, %dma_wait3A_302] : memref<10000x144xf32, #tpu.memory_space<hbm>> -> memref<10000x144xf32, #tpu.memory_space<hbm>>
        tpu.wait_indirect_dma semaphore(%arg26 : memref<!tpu.dma_semaphore, #tpu.memory_space<semaphore_mem>>) src(%dma_wait3A_303 : memref<10000x144xf32, #tpu.memory_space<hbm>>) dst(%arg21 : memref<40x144xf32, #tpu.memory_space<vmem>>)
        %parallel_loop3A_304 = arith.constant 0 : i32
        %parallel_loop3A_305 = arith.constant 40 : i32
        %parallel_loop3A_306 = arith.constant 1 : i32
        scf.for %parallel_loop3A_372 = %parallel_loop3A_304 to %parallel_loop3A_305 step %parallel_loop3A_306  : i32 {
          %parallel_loop3A_373 = arith.index_cast %parallel_loop3A_372 : i32 to index
          %parallel_loop3A_374 = arith.constant 0 : index
          %parallel_loop3A_375 = tpu.vector_load %arg13[%parallel_loop3A_373, %parallel_loop3A_374] {strides = array<i32>} : memref<40x16xf32, #tpu.memory_space<vmem>>, vector<1x16xf32>,
          %parallel_loop3A_376 = vector.shape_cast %parallel_loop3A_375 : vector<1x16xf32> to vector<16xf32>
          %parallel_loop3A_377 = arith.index_cast %parallel_loop3A_372 : i32 to index
          %parallel_loop3A_378 = arith.constant 0 : index
          %parallel_loop3A_379 = tpu.vector_load %arg17[%parallel_loop3A_377, %parallel_loop3A_378] {strides = array<i32>} : memref<40x16xf32, #tpu.memory_space<vmem>>, vector<1x16xf32>,
          %parallel_loop3A_380 = vector.shape_cast %parallel_loop3A_379 : vector<1x16xf32> to vector<16xf32>
          %parallel_loop3A_381 = arith.addf %parallel_loop3A_376, %parallel_loop3A_380 : vector<16xf32>
          %parallel_loop3A_382 = arith.constant 2.000000e-01 : f32
          %parallel_loop3A_383 = vector.broadcast %parallel_loop3A_382 : f32 to vector<16xf32>
          %parallel_loop3A_384 = arith.mulf %parallel_loop3A_381, %parallel_loop3A_383 : vector<16xf32>
          %parallel_loop3A_385 = arith.maximumf %parallel_loop3A_381, %parallel_loop3A_384 : vector<16xf32>
          %parallel_loop3A_386 = math.exp %parallel_loop3A_385 : vector<16xf32>
          %parallel_loop3A_387 = arith.index_cast %parallel_loop3A_372 : i32 to index
          %parallel_loop3A_388 = arith.constant 128 : index
          %parallel_loop3A_389 = tpu.vector_load %arg21[%parallel_loop3A_387, %parallel_loop3A_388] {strides = array<i32>} : memref<40x144xf32, #tpu.memory_space<vmem>>, vector<1x16xf32>,
          %parallel_loop3A_390 = vector.shape_cast %parallel_loop3A_389 : vector<1x16xf32> to vector<16xf32>
          %parallel_loop3A_391 = vector.shape_cast %parallel_loop3A_386 : vector<16xf32> to vector<1x16xf32>
          tpu.vector_store %arg21[%parallel_loop3A_387, %parallel_loop3A_388], %parallel_loop3A_391 {strides = array<i32>} : memref<40x144xf32, #tpu.memory_space<vmem>>, vector<1x16xf32>,
          %parallel_loop3A_392 = vector.extract_strided_slice %parallel_loop3A_386 {offsets = [0], sizes = [1], strides = [1]} : vector<16xf32> to vector<1xf32>
          %parallel_loop3A_393 = vector.extract %parallel_loop3A_392[0] : f32 from vector<1xf32>
          %parallel_loop3A_394 = vector.broadcast %parallel_loop3A_393 : f32 to vector<16xf32>
          %parallel_loop3A_395 = arith.index_cast %parallel_loop3A_372 : i32 to index
          %parallel_loop3A_396 = arith.constant 0 : index
          %parallel_loop3A_397 = tpu.vector_load %arg21[%parallel_loop3A_395, %parallel_loop3A_396] {strides = array<i32>} : memref<40x144xf32, #tpu.memory_space<vmem>>, vector<1x16xf32>,
          %parallel_loop3A_398 = vector.shape_cast %parallel_loop3A_397 : vector<1x16xf32> to vector<16xf32>
          %parallel_loop3A_399 = arith.mulf %parallel_loop3A_398, %parallel_loop3A_394 : vector<16xf32>
          %parallel_loop3A_400 = arith.index_cast %parallel_loop3A_372 : i32 to index
          %parallel_loop3A_401 = arith.constant 0 : index
          %parallel_loop3A_402 = tpu.vector_load %arg21[%parallel_loop3A_400, %parallel_loop3A_401] {strides = array<i32>} : memref<40x144xf32, #tpu.memory_space<vmem>>, vector<1x16xf32>,
          %parallel_loop3A_403 = vector.shape_cast %parallel_loop3A_402 : vector<1x16xf32> to vector<16xf32>
          %parallel_loop3A_404 = vector.shape_cast %parallel_loop3A_399 : vector<16xf32> to vector<1x16xf32>
          tpu.vector_store %arg21[%parallel_loop3A_400, %parallel_loop3A_401], %parallel_loop3A_404 {strides = array<i32>} : memref<40x144xf32, #tpu.memory_space<vmem>>, vector<1x16xf32>,
          %parallel_loop3A_405 = arith.index_cast %parallel_loop3A_372 : i32 to index
          %parallel_loop3A_406 = arith.constant 16 : index
          %parallel_loop3A_407 = tpu.vector_load %arg21[%parallel_loop3A_405, %parallel_loop3A_406] {strides = array<i32>} : memref<40x144xf32, #tpu.memory_space<vmem>>, vector<1x16xf32>,
          %parallel_loop3A_408 = vector.shape_cast %parallel_loop3A_407 : vector<1x16xf32> to vector<16xf32>
          %parallel_loop3A_409 = arith.mulf %parallel_loop3A_408, %parallel_loop3A_394 : vector<16xf32>
          %parallel_loop3A_410 = arith.index_cast %parallel_loop3A_372 : i32 to index
          %parallel_loop3A_411 = arith.constant 16 : index
          %parallel_loop3A_412 = tpu.vector_load %arg21[%parallel_loop3A_410, %parallel_loop3A_411] {strides = array<i32>} : memref<40x144xf32, #tpu.memory_space<vmem>>, vector<1x16xf32>,
          %parallel_loop3A_413 = vector.shape_cast %parallel_loop3A_412 : vector<1x16xf32> to vector<16xf32>
          %parallel_loop3A_414 = vector.shape_cast %parallel_loop3A_409 : vector<16xf32> to vector<1x16xf32>
          tpu.vector_store %arg21[%parallel_loop3A_410, %parallel_loop3A_411], %parallel_loop3A_414 {strides = array<i32>} : memref<40x144xf32, #tpu.memory_space<vmem>>, vector<1x16xf32>,
          %parallel_loop3A_415 = arith.index_cast %parallel_loop3A_372 : i32 to index
          %parallel_loop3A_416 = arith.constant 32 : index
          %parallel_loop3A_417 = tpu.vector_load %arg21[%parallel_loop3A_415, %parallel_loop3A_416] {strides = array<i32>} : memref<40x144xf32, #tpu.memory_space<vmem>>, vector<1x16xf32>,
          %parallel_loop3A_418 = vector.shape_cast %parallel_loop3A_417 : vector<1x16xf32> to vector<16xf32>
          %parallel_loop3A_419 = arith.mulf %parallel_loop3A_418, %parallel_loop3A_394 : vector<16xf32>
          %parallel_loop3A_420 = arith.index_cast %parallel_loop3A_372 : i32 to index
          %parallel_loop3A_421 = arith.constant 32 : index
          %parallel_loop3A_422 = tpu.vector_load %arg21[%parallel_loop3A_420, %parallel_loop3A_421] {strides = array<i32>} : memref<40x144xf32, #tpu.memory_space<vmem>>, vector<1x16xf32>,
          %parallel_loop3A_423 = vector.shape_cast %parallel_loop3A_422 : vector<1x16xf32> to vector<16xf32>
          %parallel_loop3A_424 = vector.shape_cast %parallel_loop3A_419 : vector<16xf32> to vector<1x16xf32>
          tpu.vector_store %arg21[%parallel_loop3A_420, %parallel_loop3A_421], %parallel_loop3A_424 {strides = array<i32>} : memref<40x144xf32, #tpu.memory_space<vmem>>, vector<1x16xf32>,
          %parallel_loop3A_425 = arith.index_cast %parallel_loop3A_372 : i32 to index
          %parallel_loop3A_426 = arith.constant 48 : index
          %parallel_loop3A_427 = tpu.vector_load %arg21[%parallel_loop3A_425, %parallel_loop3A_426] {strides = array<i32>} : memref<40x144xf32, #tpu.memory_space<vmem>>, vector<1x16xf32>,
          %parallel_loop3A_428 = vector.shape_cast %parallel_loop3A_427 : vector<1x16xf32> to vector<16xf32>
          %parallel_loop3A_429 = arith.mulf %parallel_loop3A_428, %parallel_loop3A_394 : vector<16xf32>
          %parallel_loop3A_430 = arith.index_cast %parallel_loop3A_372 : i32 to index
          %parallel_loop3A_431 = arith.constant 48 : index
          %parallel_loop3A_432 = tpu.vector_load %arg21[%parallel_loop3A_430, %parallel_loop3A_431] {strides = array<i32>} : memref<40x144xf32, #tpu.memory_space<vmem>>, vector<1x16xf32>,
          %parallel_loop3A_433 = vector.shape_cast %parallel_loop3A_432 : vector<1x16xf32> to vector<16xf32>
          %parallel_loop3A_434 = vector.shape_cast %parallel_loop3A_429 : vector<16xf32> to vector<1x16xf32>
          tpu.vector_store %arg21[%parallel_loop3A_430, %parallel_loop3A_431], %parallel_loop3A_434 {strides = array<i32>} : memref<40x144xf32, #tpu.memory_space<vmem>>, vector<1x16xf32>,
          %parallel_loop3A_435 = arith.index_cast %parallel_loop3A_372 : i32 to index
          %parallel_loop3A_436 = arith.constant 64 : index
          %parallel_loop3A_437 = tpu.vector_load %arg21[%parallel_loop3A_435, %parallel_loop3A_436] {strides = array<i32>} : memref<40x144xf32, #tpu.memory_space<vmem>>, vector<1x16xf32>,
          %parallel_loop3A_438 = vector.shape_cast %parallel_loop3A_437 : vector<1x16xf32> to vector<16xf32>
          %parallel_loop3A_439 = arith.mulf %parallel_loop3A_438, %parallel_loop3A_394 : vector<16xf32>
          %parallel_loop3A_440 = arith.index_cast %parallel_loop3A_372 : i32 to index
          %parallel_loop3A_441 = arith.constant 64 : index
          %parallel_loop3A_442 = tpu.vector_load %arg21[%parallel_loop3A_440, %parallel_loop3A_441] {strides = array<i32>} : memref<40x144xf32, #tpu.memory_space<vmem>>, vector<1x16xf32>,
          %parallel_loop3A_443 = vector.shape_cast %parallel_loop3A_442 : vector<1x16xf32> to vector<16xf32>
          %parallel_loop3A_444 = vector.shape_cast %parallel_loop3A_439 : vector<16xf32> to vector<1x16xf32>
          tpu.vector_store %arg21[%parallel_loop3A_440, %parallel_loop3A_441], %parallel_loop3A_444 {strides = array<i32>} : memref<40x144xf32, #tpu.memory_space<vmem>>, vector<1x16xf32>,
          %parallel_loop3A_445 = arith.index_cast %parallel_loop3A_372 : i32 to index
          %parallel_loop3A_446 = arith.constant 80 : index
          %parallel_loop3A_447 = tpu.vector_load %arg21[%parallel_loop3A_445, %parallel_loop3A_446] {strides = array<i32>} : memref<40x144xf32, #tpu.memory_space<vmem>>, vector<1x16xf32>,
          %parallel_loop3A_448 = vector.shape_cast %parallel_loop3A_447 : vector<1x16xf32> to vector<16xf32>
          %parallel_loop3A_449 = arith.mulf %parallel_loop3A_448, %parallel_loop3A_394 : vector<16xf32>
          %parallel_loop3A_450 = arith.index_cast %parallel_loop3A_372 : i32 to index
          %parallel_loop3A_451 = arith.constant 80 : index
          %parallel_loop3A_452 = tpu.vector_load %arg21[%parallel_loop3A_450, %parallel_loop3A_451] {strides = array<i32>} : memref<40x144xf32, #tpu.memory_space<vmem>>, vector<1x16xf32>,
          %parallel_loop3A_453 = vector.shape_cast %parallel_loop3A_452 : vector<1x16xf32> to vector<16xf32>
          %parallel_loop3A_454 = vector.shape_cast %parallel_loop3A_449 : vector<16xf32> to vector<1x16xf32>
          tpu.vector_store %arg21[%parallel_loop3A_450, %parallel_loop3A_451], %parallel_loop3A_454 {strides = array<i32>} : memref<40x144xf32, #tpu.memory_space<vmem>>, vector<1x16xf32>,
          %parallel_loop3A_455 = arith.index_cast %parallel_loop3A_372 : i32 to index
          %parallel_loop3A_456 = arith.constant 96 : index
          %parallel_loop3A_457 = tpu.vector_load %arg21[%parallel_loop3A_455, %parallel_loop3A_456] {strides = array<i32>} : memref<40x144xf32, #tpu.memory_space<vmem>>, vector<1x16xf32>,
          %parallel_loop3A_458 = vector.shape_cast %parallel_loop3A_457 : vector<1x16xf32> to vector<16xf32>
          %parallel_loop3A_459 = arith.mulf %parallel_loop3A_458, %parallel_loop3A_394 : vector<16xf32>
          %parallel_loop3A_460 = arith.index_cast %parallel_loop3A_372 : i32 to index
          %parallel_loop3A_461 = arith.constant 96 : index
          %parallel_loop3A_462 = tpu.vector_load %arg21[%parallel_loop3A_460, %parallel_loop3A_461] {strides = array<i32>} : memref<40x144xf32, #tpu.memory_space<vmem>>, vector<1x16xf32>,
          %parallel_loop3A_463 = vector.shape_cast %parallel_loop3A_462 : vector<1x16xf32> to vector<16xf32>
          %parallel_loop3A_464 = vector.shape_cast %parallel_loop3A_459 : vector<16xf32> to vector<1x16xf32>
          tpu.vector_store %arg21[%parallel_loop3A_460, %parallel_loop3A_461], %parallel_loop3A_464 {strides = array<i32>} : memref<40x144xf32, #tpu.memory_space<vmem>>, vector<1x16xf32>,
          %parallel_loop3A_465 = arith.index_cast %parallel_loop3A_372 : i32 to index
          %parallel_loop3A_466 = arith.constant 112 : index
          %parallel_loop3A_467 = tpu.vector_load %arg21[%parallel_loop3A_465, %parallel_loop3A_466] {strides = array<i32>} : memref<40x144xf32, #tpu.memory_space<vmem>>, vector<1x16xf32>,
          %parallel_loop3A_468 = vector.shape_cast %parallel_loop3A_467 : vector<1x16xf32> to vector<16xf32>
          %parallel_loop3A_469 = arith.mulf %parallel_loop3A_468, %parallel_loop3A_394 : vector<16xf32>
          %parallel_loop3A_470 = arith.index_cast %parallel_loop3A_372 : i32 to index
          %parallel_loop3A_471 = arith.constant 112 : index
          %parallel_loop3A_472 = tpu.vector_load %arg21[%parallel_loop3A_470, %parallel_loop3A_471] {strides = array<i32>} : memref<40x144xf32, #tpu.memory_space<vmem>>, vector<1x16xf32>,
          %parallel_loop3A_473 = vector.shape_cast %parallel_loop3A_472 : vector<1x16xf32> to vector<16xf32>
          %parallel_loop3A_474 = vector.shape_cast %parallel_loop3A_469 : vector<16xf32> to vector<1x16xf32>
          tpu.vector_store %arg21[%parallel_loop3A_470, %parallel_loop3A_471], %parallel_loop3A_474 {strides = array<i32>} : memref<40x144xf32, #tpu.memory_space<vmem>>, vector<1x16xf32>,
        } {sc.loop_unroll_factor = 2 : i64, sc.parallel_access}
        %dma_start3A_307 = arith.constant 0 : i32
        %dma_start3A_308 = tpu.memref_slice %arg10[%add3A_258, %dma_start3A_307] : memref<50x40xi32, #tpu.memory_space<vmem>> -> memref<1x40xi32, #tpu.memory_space<vmem>>
        %dma_start3A_309 = tpu.memref_squeeze %dma_start3A_308 : memref<1x40xi32, #tpu.memory_space<vmem>> -> memref<40xi32, #tpu.memory_space<vmem>>
        %dma_start3A_310 = arith.constant 0 : i32
        %dma_start3A_311 = arith.constant 0 : i32
        %dma_start3A_312 = tpu.memref_slice %arg23[%dma_start3A_310, %dma_start3A_311] : memref<10112x144xf32, #tpu.memory_space<vmem_shared>> -> memref<10112x144xf32, #tpu.memory_space<vmem_shared>>
        tpu.enqueue_indirect_dma source(%arg21 : memref<40x144xf32, #tpu.memory_space<vmem>>) target(%dma_start3A_312 : memref<10112x144xf32, #tpu.memory_space<vmem_shared>>) offsets(%dma_start3A_309 : memref<40xi32, #tpu.memory_space<vmem>>) semaphore(%arg30 : memref<!tpu.dma_semaphore, #tpu.memory_space<semaphore_mem>>) {add = true}
        %mul3A_313 = arith.constant 4 : i32
        %mul3A_314 = arith.muli %mul3A_313, %scan3A_145 : i32
        %add3A_315 = arith.constant 3 : i32
        %add3A_316 = arith.addi %mul3A_314, %add3A_315 : i32
        %sub3A_317 = arith.constant 2 : i32
        %sub3A_318 = arith.subi %add3A_316, %sub3A_317 : i32
        %dma_wait3A_319 = arith.constant 0 : i32
        %dma_wait3A_320 = tpu.memref_slice %arg10[%sub3A_318, %dma_wait3A_319] : memref<50x40xi32, #tpu.memory_space<vmem>> -> memref<1x40xi32, #tpu.memory_space<vmem>>
        %dma_wait3A_321 = tpu.memref_squeeze %dma_wait3A_320 : memref<1x40xi32, #tpu.memory_space<vmem>> -> memref<40xi32, #tpu.memory_space<vmem>>
        %dma_wait3A_322 = arith.constant 0 : i32
        %dma_wait3A_323 = arith.constant 0 : i32
        %dma_wait3A_324 = tpu.memref_slice %arg23[%dma_wait3A_322, %dma_wait3A_323] : memref<10112x144xf32, #tpu.memory_space<vmem_shared>> -> memref<10112x144xf32, #tpu.memory_space<vmem_shared>>
        tpu.wait_indirect_dma semaphore(%arg29 : memref<!tpu.dma_semaphore, #tpu.memory_space<semaphore_mem>>) src(%arg20 : memref<40x144xf32, #tpu.memory_space<vmem>>) dst(%dma_wait3A_324 : memref<10112x144xf32, #tpu.memory_space<vmem_shared>>)
        %add3A_325 = arith.constant 1 : i32
        %add3A_326 = arith.addi %add3A_316, %add3A_325 : i32
        %dma_start3A_327 = arith.constant 0 : i32
        %dma_start3A_328 = tpu.memref_slice %arg9[%add3A_326, %dma_start3A_327] : memref<50x40xi32, #tpu.memory_space<vmem>> -> memref<1x40xi32, #tpu.memory_space<vmem>>
        %dma_start3A_329 = tpu.memref_squeeze %dma_start3A_328 : memref<1x40xi32, #tpu.memory_space<vmem>> -> memref<40xi32, #tpu.memory_space<vmem>>
        %dma_start3A_330 = arith.constant 0 : i32
        %dma_start3A_331 = arith.constant 0 : i32
        %dma_start3A_332 = tpu.memref_slice %arg3[%dma_start3A_330, %dma_start3A_331] : memref<10000x16xf32, #tpu.memory_space<hbm>> -> memref<10000x16xf32, #tpu.memory_space<hbm>>
        tpu.enqueue_indirect_dma source(%dma_start3A_332 : memref<10000x16xf32, #tpu.memory_space<hbm>>) target(%arg11 : memref<40x16xf32, #tpu.memory_space<vmem>>) offsets(%dma_start3A_329 : memref<40xi32, #tpu.memory_space<vmem>>) semaphore(%arg24 : memref<!tpu.dma_semaphore, #tpu.memory_space<semaphore_mem>>)
        %dma_start3A_333 = arith.constant 0 : i32
        %dma_start3A_334 = tpu.memref_slice %arg10[%add3A_326, %dma_start3A_333] : memref<50x40xi32, #tpu.memory_space<vmem>> -> memref<1x40xi32, #tpu.memory_space<vmem>>
        %dma_start3A_335 = tpu.memref_squeeze %dma_start3A_334 : memref<1x40xi32, #tpu.memory_space<vmem>> -> memref<40xi32, #tpu.memory_space<vmem>>
        %dma_start3A_336 = arith.constant 0 : i32
        %dma_start3A_337 = arith.constant 0 : i32
        %dma_start3A_338 = tpu.memref_slice %arg4[%dma_start3A_336, %dma_start3A_337] : memref<10000x16xf32, #tpu.memory_space<hbm>> -> memref<10000x16xf32, #tpu.memory_space<hbm>>
        tpu.enqueue_indirect_dma source(%dma_start3A_338 : memref<10000x16xf32, #tpu.memory_space<hbm>>) target(%arg15 : memref<40x16xf32, #tpu.memory_space<vmem>>) offsets(%dma_start3A_335 : memref<40xi32, #tpu.memory_space<vmem>>) semaphore(%arg24 : memref<!tpu.dma_semaphore, #tpu.memory_space<semaphore_mem>>)
        %dma_start3A_339 = arith.constant 0 : i32
        %dma_start3A_340 = tpu.memref_slice %arg9[%add3A_326, %dma_start3A_339] : memref<50x40xi32, #tpu.memory_space<vmem>> -> memref<1x40xi32, #tpu.memory_space<vmem>>
        %dma_start3A_341 = tpu.memref_squeeze %dma_start3A_340 : memref<1x40xi32, #tpu.memory_space<vmem>> -> memref<40xi32, #tpu.memory_space<vmem>>
        %dma_start3A_342 = arith.constant 0 : i32
        %dma_start3A_343 = arith.constant 0 : i32
        %dma_start3A_344 = tpu.memref_slice %arg2[%dma_start3A_342, %dma_start3A_343] : memref<10000x144xf32, #tpu.memory_space<hbm>> -> memref<10000x144xf32, #tpu.memory_space<hbm>>
        tpu.enqueue_indirect_dma source(%dma_start3A_344 : memref<10000x144xf32, #tpu.memory_space<hbm>>) target(%arg19 : memref<40x144xf32, #tpu.memory_space<vmem>>) offsets(%dma_start3A_341 : memref<40xi32, #tpu.memory_space<vmem>>) semaphore(%arg24 : memref<!tpu.dma_semaphore, #tpu.memory_space<semaphore_mem>>)
        %dma_wait3A_345 = arith.constant 0 : i32
        %dma_wait3A_346 = tpu.memref_slice %arg9[%add3A_316, %dma_wait3A_345] : memref<50x40xi32, #tpu.memory_space<vmem>> -> memref<1x40xi32, #tpu.memory_space<vmem>>
        %dma_wait3A_347 = tpu.memref_squeeze %dma_wait3A_346 : memref<1x40xi32, #tpu.memory_space<vmem>> -> memref<40xi32, #tpu.memory_space<vmem>>
        %dma_wait3A_348 = arith.constant 0 : i32
        %dma_wait3A_349 = arith.constant 0 : i32
        %dma_wait3A_350 = tpu.memref_slice %arg3[%dma_wait3A_348, %dma_wait3A_349] : memref<10000x16xf32, #tpu.memory_space<hbm>> -> memref<10000x16xf32, #tpu.memory_space<hbm>>
        tpu.wait_indirect_dma semaphore(%arg27 : memref<!tpu.dma_semaphore, #tpu.memory_space<semaphore_mem>>) src(%dma_wait3A_350 : memref<10000x16xf32, #tpu.memory_space<hbm>>) dst(%arg14 : memref<40x16xf32, #tpu.memory_space<vmem>>)
        %dma_wait3A_351 = arith.constant 0 : i32
        %dma_wait3A_352 = tpu.memref_slice %arg10[%add3A_316, %dma_wait3A_351] : memref<50x40xi32, #tpu.memory_space<vmem>> -> memref<1x40xi32, #tpu.memory_space<vmem>>
        %dma_wait3A_353 = tpu.memref_squeeze %dma_wait3A_352 : memref<1x40xi32, #tpu.memory_space<vmem>> -> memref<40xi32, #tpu.memory_space<vmem>>
        %dma_wait3A_354 = arith.constant 0 : i32
        %dma_wait3A_355 = arith.constant 0 : i32
        %dma_wait3A_356 = tpu.memref_slice %arg4[%dma_wait3A_354, %dma_wait3A_355] : memref<10000x16xf32, #tpu.memory_space<hbm>> -> memref<10000x16xf32, #tpu.memory_space<hbm>>
        tpu.wait_indirect_dma semaphore(%arg27 : memref<!tpu.dma_semaphore, #tpu.memory_space<semaphore_mem>>) src(%dma_wait3A_356 : memref<10000x16xf32, #tpu.memory_space<hbm>>) dst(%arg18 : memref<40x16xf32, #tpu.memory_space<vmem>>)
        %dma_wait3A_357 = arith.constant 0 : i32
        %dma_wait3A_358 = tpu.memref_slice %arg9[%add3A_316, %dma_wait3A_357] : memref<50x40xi32, #tpu.memory_space<vmem>> -> memref<1x40xi32, #tpu.memory_space<vmem>>
        %dma_wait3A_359 = tpu.memref_squeeze %dma_wait3A_358 : memref<1x40xi32, #tpu.memory_space<vmem>> -> memref<40xi32, #tpu.memory_space<vmem>>
        %dma_wait3A_360 = arith.constant 0 : i32
        %dma_wait3A_361 = arith.constant 0 : i32
        %dma_wait3A_362 = tpu.memref_slice %arg2[%dma_wait3A_360, %dma_wait3A_361] : memref<10000x144xf32, #tpu.memory_space<hbm>> -> memref<10000x144xf32, #tpu.memory_space<hbm>>
        tpu.wait_indirect_dma semaphore(%arg27 : memref<!tpu.dma_semaphore, #tpu.memory_space<semaphore_mem>>) src(%dma_wait3A_362 : memref<10000x144xf32, #tpu.memory_space<hbm>>) dst(%arg22 : memref<40x144xf32, #tpu.memory_space<vmem>>)
        %parallel_loop3A_363 = arith.constant 0 : i32
        %parallel_loop3A_364 = arith.constant 40 : i32
        %parallel_loop3A_365 = arith.constant 1 : i32
        scf.for %parallel_loop3A_372 = %parallel_loop3A_363 to %parallel_loop3A_364 step %parallel_loop3A_365  : i32 {
          %parallel_loop3A_373 = arith.index_cast %parallel_loop3A_372 : i32 to index
          %parallel_loop3A_374 = arith.constant 0 : index
          %parallel_loop3A_375 = tpu.vector_load %arg14[%parallel_loop3A_373, %parallel_loop3A_374] {strides = array<i32>} : memref<40x16xf32, #tpu.memory_space<vmem>>, vector<1x16xf32>,
          %parallel_loop3A_376 = vector.shape_cast %parallel_loop3A_375 : vector<1x16xf32> to vector<16xf32>
          %parallel_loop3A_377 = arith.index_cast %parallel_loop3A_372 : i32 to index
          %parallel_loop3A_378 = arith.constant 0 : index
          %parallel_loop3A_379 = tpu.vector_load %arg18[%parallel_loop3A_377, %parallel_loop3A_378] {strides = array<i32>} : memref<40x16xf32, #tpu.memory_space<vmem>>, vector<1x16xf32>,
          %parallel_loop3A_380 = vector.shape_cast %parallel_loop3A_379 : vector<1x16xf32> to vector<16xf32>
          %parallel_loop3A_381 = arith.addf %parallel_loop3A_376, %parallel_loop3A_380 : vector<16xf32>
          %parallel_loop3A_382 = arith.constant 2.000000e-01 : f32
          %parallel_loop3A_383 = vector.broadcast %parallel_loop3A_382 : f32 to vector<16xf32>
          %parallel_loop3A_384 = arith.mulf %parallel_loop3A_381, %parallel_loop3A_383 : vector<16xf32>
          %parallel_loop3A_385 = arith.maximumf %parallel_loop3A_381, %parallel_loop3A_384 : vector<16xf32>
          %parallel_loop3A_386 = math.exp %parallel_loop3A_385 : vector<16xf32>
          %parallel_loop3A_387 = arith.index_cast %parallel_loop3A_372 : i32 to index
          %parallel_loop3A_388 = arith.constant 128 : index
          %parallel_loop3A_389 = tpu.vector_load %arg22[%parallel_loop3A_387, %parallel_loop3A_388] {strides = array<i32>} : memref<40x144xf32, #tpu.memory_space<vmem>>, vector<1x16xf32>,
          %parallel_loop3A_390 = vector.shape_cast %parallel_loop3A_389 : vector<1x16xf32> to vector<16xf32>
          %parallel_loop3A_391 = vector.shape_cast %parallel_loop3A_386 : vector<16xf32> to vector<1x16xf32>
          tpu.vector_store %arg22[%parallel_loop3A_387, %parallel_loop3A_388], %parallel_loop3A_391 {strides = array<i32>} : memref<40x144xf32, #tpu.memory_space<vmem>>, vector<1x16xf32>,
          %parallel_loop3A_392 = vector.extract_strided_slice %parallel_loop3A_386 {offsets = [0], sizes = [1], strides = [1]} : vector<16xf32> to vector<1xf32>
          %parallel_loop3A_393 = vector.extract %parallel_loop3A_392[0] : f32 from vector<1xf32>
          %parallel_loop3A_394 = vector.broadcast %parallel_loop3A_393 : f32 to vector<16xf32>
          %parallel_loop3A_395 = arith.index_cast %parallel_loop3A_372 : i32 to index
          %parallel_loop3A_396 = arith.constant 0 : index
          %parallel_loop3A_397 = tpu.vector_load %arg22[%parallel_loop3A_395, %parallel_loop3A_396] {strides = array<i32>} : memref<40x144xf32, #tpu.memory_space<vmem>>, vector<1x16xf32>,
          %parallel_loop3A_398 = vector.shape_cast %parallel_loop3A_397 : vector<1x16xf32> to vector<16xf32>
          %parallel_loop3A_399 = arith.mulf %parallel_loop3A_398, %parallel_loop3A_394 : vector<16xf32>
          %parallel_loop3A_400 = arith.index_cast %parallel_loop3A_372 : i32 to index
          %parallel_loop3A_401 = arith.constant 0 : index
          %parallel_loop3A_402 = tpu.vector_load %arg22[%parallel_loop3A_400, %parallel_loop3A_401] {strides = array<i32>} : memref<40x144xf32, #tpu.memory_space<vmem>>, vector<1x16xf32>,
          %parallel_loop3A_403 = vector.shape_cast %parallel_loop3A_402 : vector<1x16xf32> to vector<16xf32>
          %parallel_loop3A_404 = vector.shape_cast %parallel_loop3A_399 : vector<16xf32> to vector<1x16xf32>
          tpu.vector_store %arg22[%parallel_loop3A_400, %parallel_loop3A_401], %parallel_loop3A_404 {strides = array<i32>} : memref<40x144xf32, #tpu.memory_space<vmem>>, vector<1x16xf32>,
          %parallel_loop3A_405 = arith.index_cast %parallel_loop3A_372 : i32 to index
          %parallel_loop3A_406 = arith.constant 16 : index
          %parallel_loop3A_407 = tpu.vector_load %arg22[%parallel_loop3A_405, %parallel_loop3A_406] {strides = array<i32>} : memref<40x144xf32, #tpu.memory_space<vmem>>, vector<1x16xf32>,
          %parallel_loop3A_408 = vector.shape_cast %parallel_loop3A_407 : vector<1x16xf32> to vector<16xf32>
          %parallel_loop3A_409 = arith.mulf %parallel_loop3A_408, %parallel_loop3A_394 : vector<16xf32>
          %parallel_loop3A_410 = arith.index_cast %parallel_loop3A_372 : i32 to index
          %parallel_loop3A_411 = arith.constant 16 : index
          %parallel_loop3A_412 = tpu.vector_load %arg22[%parallel_loop3A_410, %parallel_loop3A_411] {strides = array<i32>} : memref<40x144xf32, #tpu.memory_space<vmem>>, vector<1x16xf32>,
          %parallel_loop3A_413 = vector.shape_cast %parallel_loop3A_412 : vector<1x16xf32> to vector<16xf32>
          %parallel_loop3A_414 = vector.shape_cast %parallel_loop3A_409 : vector<16xf32> to vector<1x16xf32>
          tpu.vector_store %arg22[%parallel_loop3A_410, %parallel_loop3A_411], %parallel_loop3A_414 {strides = array<i32>} : memref<40x144xf32, #tpu.memory_space<vmem>>, vector<1x16xf32>,
          %parallel_loop3A_415 = arith.index_cast %parallel_loop3A_372 : i32 to index
          %parallel_loop3A_416 = arith.constant 32 : index
          %parallel_loop3A_417 = tpu.vector_load %arg22[%parallel_loop3A_415, %parallel_loop3A_416] {strides = array<i32>} : memref<40x144xf32, #tpu.memory_space<vmem>>, vector<1x16xf32>,
          %parallel_loop3A_418 = vector.shape_cast %parallel_loop3A_417 : vector<1x16xf32> to vector<16xf32>
          %parallel_loop3A_419 = arith.mulf %parallel_loop3A_418, %parallel_loop3A_394 : vector<16xf32>
          %parallel_loop3A_420 = arith.index_cast %parallel_loop3A_372 : i32 to index
          %parallel_loop3A_421 = arith.constant 32 : index
          %parallel_loop3A_422 = tpu.vector_load %arg22[%parallel_loop3A_420, %parallel_loop3A_421] {strides = array<i32>} : memref<40x144xf32, #tpu.memory_space<vmem>>, vector<1x16xf32>,
          %parallel_loop3A_423 = vector.shape_cast %parallel_loop3A_422 : vector<1x16xf32> to vector<16xf32>
          %parallel_loop3A_424 = vector.shape_cast %parallel_loop3A_419 : vector<16xf32> to vector<1x16xf32>
          tpu.vector_store %arg22[%parallel_loop3A_420, %parallel_loop3A_421], %parallel_loop3A_424 {strides = array<i32>} : memref<40x144xf32, #tpu.memory_space<vmem>>, vector<1x16xf32>,
          %parallel_loop3A_425 = arith.index_cast %parallel_loop3A_372 : i32 to index
          %parallel_loop3A_426 = arith.constant 48 : index
          %parallel_loop3A_427 = tpu.vector_load %arg22[%parallel_loop3A_425, %parallel_loop3A_426] {strides = array<i32>} : memref<40x144xf32, #tpu.memory_space<vmem>>, vector<1x16xf32>,
          %parallel_loop3A_428 = vector.shape_cast %parallel_loop3A_427 : vector<1x16xf32> to vector<16xf32>
          %parallel_loop3A_429 = arith.mulf %parallel_loop3A_428, %parallel_loop3A_394 : vector<16xf32>
          %parallel_loop3A_430 = arith.index_cast %parallel_loop3A_372 : i32 to index
          %parallel_loop3A_431 = arith.constant 48 : index
          %parallel_loop3A_432 = tpu.vector_load %arg22[%parallel_loop3A_430, %parallel_loop3A_431] {strides = array<i32>} : memref<40x144xf32, #tpu.memory_space<vmem>>, vector<1x16xf32>,
          %parallel_loop3A_433 = vector.shape_cast %parallel_loop3A_432 : vector<1x16xf32> to vector<16xf32>
          %parallel_loop3A_434 = vector.shape_cast %parallel_loop3A_429 : vector<16xf32> to vector<1x16xf32>
          tpu.vector_store %arg22[%parallel_loop3A_430, %parallel_loop3A_431], %parallel_loop3A_434 {strides = array<i32>} : memref<40x144xf32, #tpu.memory_space<vmem>>, vector<1x16xf32>,
          %parallel_loop3A_435 = arith.index_cast %parallel_loop3A_372 : i32 to index
          %parallel_loop3A_436 = arith.constant 64 : index
          %parallel_loop3A_437 = tpu.vector_load %arg22[%parallel_loop3A_435, %parallel_loop3A_436] {strides = array<i32>} : memref<40x144xf32, #tpu.memory_space<vmem>>, vector<1x16xf32>,
          %parallel_loop3A_438 = vector.shape_cast %parallel_loop3A_437 : vector<1x16xf32> to vector<16xf32>
          %parallel_loop3A_439 = arith.mulf %parallel_loop3A_438, %parallel_loop3A_394 : vector<16xf32>
          %parallel_loop3A_440 = arith.index_cast %parallel_loop3A_372 : i32 to index
          %parallel_loop3A_441 = arith.constant 64 : index
          %parallel_loop3A_442 = tpu.vector_load %arg22[%parallel_loop3A_440, %parallel_loop3A_441] {strides = array<i32>} : memref<40x144xf32, #tpu.memory_space<vmem>>, vector<1x16xf32>,
          %parallel_loop3A_443 = vector.shape_cast %parallel_loop3A_442 : vector<1x16xf32> to vector<16xf32>
          %parallel_loop3A_444 = vector.shape_cast %parallel_loop3A_439 : vector<16xf32> to vector<1x16xf32>
          tpu.vector_store %arg22[%parallel_loop3A_440, %parallel_loop3A_441], %parallel_loop3A_444 {strides = array<i32>} : memref<40x144xf32, #tpu.memory_space<vmem>>, vector<1x16xf32>,
          %parallel_loop3A_445 = arith.index_cast %parallel_loop3A_372 : i32 to index
          %parallel_loop3A_446 = arith.constant 80 : index
          %parallel_loop3A_447 = tpu.vector_load %arg22[%parallel_loop3A_445, %parallel_loop3A_446] {strides = array<i32>} : memref<40x144xf32, #tpu.memory_space<vmem>>, vector<1x16xf32>,
          %parallel_loop3A_448 = vector.shape_cast %parallel_loop3A_447 : vector<1x16xf32> to vector<16xf32>
          %parallel_loop3A_449 = arith.mulf %parallel_loop3A_448, %parallel_loop3A_394 : vector<16xf32>
          %parallel_loop3A_450 = arith.index_cast %parallel_loop3A_372 : i32 to index
          %parallel_loop3A_451 = arith.constant 80 : index
          %parallel_loop3A_452 = tpu.vector_load %arg22[%parallel_loop3A_450, %parallel_loop3A_451] {strides = array<i32>} : memref<40x144xf32, #tpu.memory_space<vmem>>, vector<1x16xf32>,
          %parallel_loop3A_453 = vector.shape_cast %parallel_loop3A_452 : vector<1x16xf32> to vector<16xf32>
          %parallel_loop3A_454 = vector.shape_cast %parallel_loop3A_449 : vector<16xf32> to vector<1x16xf32>
          tpu.vector_store %arg22[%parallel_loop3A_450, %parallel_loop3A_451], %parallel_loop3A_454 {strides = array<i32>} : memref<40x144xf32, #tpu.memory_space<vmem>>, vector<1x16xf32>,
          %parallel_loop3A_455 = arith.index_cast %parallel_loop3A_372 : i32 to index
          %parallel_loop3A_456 = arith.constant 96 : index
          %parallel_loop3A_457 = tpu.vector_load %arg22[%parallel_loop3A_455, %parallel_loop3A_456] {strides = array<i32>} : memref<40x144xf32, #tpu.memory_space<vmem>>, vector<1x16xf32>,
          %parallel_loop3A_458 = vector.shape_cast %parallel_loop3A_457 : vector<1x16xf32> to vector<16xf32>
          %parallel_loop3A_459 = arith.mulf %parallel_loop3A_458, %parallel_loop3A_394 : vector<16xf32>
          %parallel_loop3A_460 = arith.index_cast %parallel_loop3A_372 : i32 to index
          %parallel_loop3A_461 = arith.constant 96 : index
          %parallel_loop3A_462 = tpu.vector_load %arg22[%parallel_loop3A_460, %parallel_loop3A_461] {strides = array<i32>} : memref<40x144xf32, #tpu.memory_space<vmem>>, vector<1x16xf32>,
          %parallel_loop3A_463 = vector.shape_cast %parallel_loop3A_462 : vector<1x16xf32> to vector<16xf32>
          %parallel_loop3A_464 = vector.shape_cast %parallel_loop3A_459 : vector<16xf32> to vector<1x16xf32>
          tpu.vector_store %arg22[%parallel_loop3A_460, %parallel_loop3A_461], %parallel_loop3A_464 {strides = array<i32>} : memref<40x144xf32, #tpu.memory_space<vmem>>, vector<1x16xf32>,
          %parallel_loop3A_465 = arith.index_cast %parallel_loop3A_372 : i32 to index
          %parallel_loop3A_466 = arith.constant 112 : index
          %parallel_loop3A_467 = tpu.vector_load %arg22[%parallel_loop3A_465, %parallel_loop3A_466] {strides = array<i32>} : memref<40x144xf32, #tpu.memory_space<vmem>>, vector<1x16xf32>,
          %parallel_loop3A_468 = vector.shape_cast %parallel_loop3A_467 : vector<1x16xf32> to vector<16xf32>
          %parallel_loop3A_469 = arith.mulf %parallel_loop3A_468, %parallel_loop3A_394 : vector<16xf32>
          %parallel_loop3A_470 = arith.index_cast %parallel_loop3A_372 : i32 to index
          %parallel_loop3A_471 = arith.constant 112 : index
          %parallel_loop3A_472 = tpu.vector_load %arg22[%parallel_loop3A_470, %parallel_loop3A_471] {strides = array<i32>} : memref<40x144xf32, #tpu.memory_space<vmem>>, vector<1x16xf32>,
          %parallel_loop3A_473 = vector.shape_cast %parallel_loop3A_472 : vector<1x16xf32> to vector<16xf32>
          %parallel_loop3A_474 = vector.shape_cast %parallel_loop3A_469 : vector<16xf32> to vector<1x16xf32>
          tpu.vector_store %arg22[%parallel_loop3A_470, %parallel_loop3A_471], %parallel_loop3A_474 {strides = array<i32>} : memref<40x144xf32, #tpu.memory_space<vmem>>, vector<1x16xf32>,
        } {sc.loop_unroll_factor = 2 : i64, sc.parallel_access}
        %dma_start3A_366 = arith.constant 0 : i32
        %dma_start3A_367 = tpu.memref_slice %arg10[%add3A_316, %dma_start3A_366] : memref<50x40xi32, #tpu.memory_space<vmem>> -> memref<1x40xi32, #tpu.memory_space<vmem>>
        %dma_start3A_368 = tpu.memref_squeeze %dma_start3A_367 : memref<1x40xi32, #tpu.memory_space<vmem>> -> memref<40xi32, #tpu.memory_space<vmem>>
        %dma_start3A_369 = arith.constant 0 : i32
        %dma_start3A_370 = arith.constant 0 : i32
        %dma_start3A_371 = tpu.memref_slice %arg23[%dma_start3A_369, %dma_start3A_370] : memref<10112x144xf32, #tpu.memory_space<vmem_shared>> -> memref<10112x144xf32, #tpu.memory_space<vmem_shared>>
        tpu.enqueue_indirect_dma source(%arg22 : memref<40x144xf32, #tpu.memory_space<vmem>>) target(%dma_start3A_371 : memref<10112x144xf32, #tpu.memory_space<vmem_shared>>) offsets(%dma_start3A_368 : memref<40xi32, #tpu.memory_space<vmem>>) semaphore(%arg31 : memref<!tpu.dma_semaphore, #tpu.memory_space<semaphore_mem>>) {add = true}
      }
      %scan3A_35 = arith.constant 12 : i32
      %dma_wait3A = arith.constant 46 : i32
      %dma_wait3A_36 = arith.constant 0 : i32
      %dma_wait3A_37 = tpu.memref_slice %arg10[%dma_wait3A, %dma_wait3A_36] : memref<50x40xi32, #tpu.memory_space<vmem>> -> memref<1x40xi32, #tpu.memory_space<vmem>>
      %dma_wait3A_38 = tpu.memref_squeeze %dma_wait3A_37 : memref<1x40xi32, #tpu.memory_space<vmem>> -> memref<40xi32, #tpu.memory_space<vmem>>
      %dma_wait3A_39 = arith.constant 0 : i32
      %dma_wait3A_40 = arith.constant 0 : i32
      %dma_wait3A_41 = tpu.memref_slice %arg23[%dma_wait3A_39, %dma_wait3A_40] : memref<10112x144xf32, #tpu.memory_space<vmem_shared>> -> memref<10112x144xf32, #tpu.memory_space<vmem_shared>>
      tpu.wait_indirect_dma semaphore(%arg30 : memref<!tpu.dma_semaphore, #tpu.memory_space<semaphore_mem>>) src(%arg21 : memref<40x144xf32, #tpu.memory_space<vmem>>) dst(%dma_wait3A_41 : memref<10112x144xf32, #tpu.memory_space<vmem_shared>>)
      %dma_start3A_42 = arith.constant 49 : i32
      %dma_start3A_43 = arith.constant 0 : i32
      %dma_start3A_44 = tpu.memref_slice %arg9[%dma_start3A_42, %dma_start3A_43] : memref<50x40xi32, #tpu.memory_space<vmem>> -> memref<1x40xi32, #tpu.memory_space<vmem>>
      %dma_start3A_45 = tpu.memref_squeeze %dma_start3A_44 : memref<1x40xi32, #tpu.memory_space<vmem>> -> memref<40xi32, #tpu.memory_space<vmem>>
      %dma_start3A_46 = arith.constant 0 : i32
      %dma_start3A_47 = arith.constant 0 : i32
      %dma_start3A_48 = tpu.memref_slice %arg3[%dma_start3A_46, %dma_start3A_47] : memref<10000x16xf32, #tpu.memory_space<hbm>> -> memref<10000x16xf32, #tpu.memory_space<hbm>>
      tpu.enqueue_indirect_dma source(%dma_start3A_48 : memref<10000x16xf32, #tpu.memory_space<hbm>>) target(%arg12 : memref<40x16xf32, #tpu.memory_space<vmem>>) offsets(%dma_start3A_45 : memref<40xi32, #tpu.memory_space<vmem>>) semaphore(%arg25 : memref<!tpu.dma_semaphore, #tpu.memory_space<semaphore_mem>>)
      %dma_start3A_49 = arith.constant 49 : i32
      %dma_start3A_50 = arith.constant 0 : i32
      %dma_start3A_51 = tpu.memref_slice %arg10[%dma_start3A_49, %dma_start3A_50] : memref<50x40xi32, #tpu.memory_space<vmem>> -> memref<1x40xi32, #tpu.memory_space<vmem>>
      %dma_start3A_52 = tpu.memref_squeeze %dma_start3A_51 : memref<1x40xi32, #tpu.memory_space<vmem>> -> memref<40xi32, #tpu.memory_space<vmem>>
      %dma_start3A_53 = arith.constant 0 : i32
      %dma_start3A_54 = arith.constant 0 : i32
      %dma_start3A_55 = tpu.memref_slice %arg4[%dma_start3A_53, %dma_start3A_54] : memref<10000x16xf32, #tpu.memory_space<hbm>> -> memref<10000x16xf32, #tpu.memory_space<hbm>>
      tpu.enqueue_indirect_dma source(%dma_start3A_55 : memref<10000x16xf32, #tpu.memory_space<hbm>>) target(%arg16 : memref<40x16xf32, #tpu.memory_space<vmem>>) offsets(%dma_start3A_52 : memref<40xi32, #tpu.memory_space<vmem>>) semaphore(%arg25 : memref<!tpu.dma_semaphore, #tpu.memory_space<semaphore_mem>>)
      %dma_start3A_56 = arith.constant 49 : i32
      %dma_start3A_57 = arith.constant 0 : i32
      %dma_start3A_58 = tpu.memref_slice %arg9[%dma_start3A_56, %dma_start3A_57] : memref<50x40xi32, #tpu.memory_space<vmem>> -> memref<1x40xi32, #tpu.memory_space<vmem>>
      %dma_start3A_59 = tpu.memref_squeeze %dma_start3A_58 : memref<1x40xi32, #tpu.memory_space<vmem>> -> memref<40xi32, #tpu.memory_space<vmem>>
      %dma_start3A_60 = arith.constant 0 : i32
      %dma_start3A_61 = arith.constant 0 : i32
      %dma_start3A_62 = tpu.memref_slice %arg2[%dma_start3A_60, %dma_start3A_61] : memref<10000x144xf32, #tpu.memory_space<hbm>> -> memref<10000x144xf32, #tpu.memory_space<hbm>>
      tpu.enqueue_indirect_dma source(%dma_start3A_62 : memref<10000x144xf32, #tpu.memory_space<hbm>>) target(%arg20 : memref<40x144xf32, #tpu.memory_space<vmem>>) offsets(%dma_start3A_59 : memref<40xi32, #tpu.memory_space<vmem>>) semaphore(%arg25 : memref<!tpu.dma_semaphore, #tpu.memory_space<semaphore_mem>>)
      %dma_wait3A_63 = arith.constant 48 : i32
      %dma_wait3A_64 = arith.constant 0 : i32
      %dma_wait3A_65 = tpu.memref_slice %arg9[%dma_wait3A_63, %dma_wait3A_64] : memref<50x40xi32, #tpu.memory_space<vmem>> -> memref<1x40xi32, #tpu.memory_space<vmem>>
      %dma_wait3A_66 = tpu.memref_squeeze %dma_wait3A_65 : memref<1x40xi32, #tpu.memory_space<vmem>> -> memref<40xi32, #tpu.memory_space<vmem>>
      %dma_wait3A_67 = arith.constant 0 : i32
      %dma_wait3A_68 = arith.constant 0 : i32
      %dma_wait3A_69 = tpu.memref_slice %arg3[%dma_wait3A_67, %dma_wait3A_68] : memref<10000x16xf32, #tpu.memory_space<hbm>> -> memref<10000x16xf32, #tpu.memory_space<hbm>>
      tpu.wait_indirect_dma semaphore(%arg24 : memref<!tpu.dma_semaphore, #tpu.memory_space<semaphore_mem>>) src(%dma_wait3A_69 : memref<10000x16xf32, #tpu.memory_space<hbm>>) dst(%arg11 : memref<40x16xf32, #tpu.memory_space<vmem>>)
      %dma_wait3A_70 = arith.constant 48 : i32
      %dma_wait3A_71 = arith.constant 0 : i32
      %dma_wait3A_72 = tpu.memref_slice %arg10[%dma_wait3A_70, %dma_wait3A_71] : memref<50x40xi32, #tpu.memory_space<vmem>> -> memref<1x40xi32, #tpu.memory_space<vmem>>
      %dma_wait3A_73 = tpu.memref_squeeze %dma_wait3A_72 : memref<1x40xi32, #tpu.memory_space<vmem>> -> memref<40xi32, #tpu.memory_space<vmem>>
      %dma_wait3A_74 = arith.constant 0 : i32
      %dma_wait3A_75 = arith.constant 0 : i32
      %dma_wait3A_76 = tpu.memref_slice %arg4[%dma_wait3A_74, %dma_wait3A_75] : memref<10000x16xf32, #tpu.memory_space<hbm>> -> memref<10000x16xf32, #tpu.memory_space<hbm>>
      tpu.wait_indirect_dma semaphore(%arg24 : memref<!tpu.dma_semaphore, #tpu.memory_space<semaphore_mem>>) src(%dma_wait3A_76 : memref<10000x16xf32, #tpu.memory_space<hbm>>) dst(%arg15 : memref<40x16xf32, #tpu.memory_space<vmem>>)
      %dma_wait3A_77 = arith.constant 48 : i32
      %dma_wait3A_78 = arith.constant 0 : i32
      %dma_wait3A_79 = tpu.memref_slice %arg9[%dma_wait3A_77, %dma_wait3A_78] : memref<50x40xi32, #tpu.memory_space<vmem>> -> memref<1x40xi32, #tpu.memory_space<vmem>>
      %dma_wait3A_80 = tpu.memref_squeeze %dma_wait3A_79 : memref<1x40xi32, #tpu.memory_space<vmem>> -> memref<40xi32, #tpu.memory_space<vmem>>
      %dma_wait3A_81 = arith.constant 0 : i32
      %dma_wait3A_82 = arith.constant 0 : i32
      %dma_wait3A_83 = tpu.memref_slice %arg2[%dma_wait3A_81, %dma_wait3A_82] : memref<10000x144xf32, #tpu.memory_space<hbm>> -> memref<10000x144xf32, #tpu.memory_space<hbm>>
      tpu.wait_indirect_dma semaphore(%arg24 : memref<!tpu.dma_semaphore, #tpu.memory_space<semaphore_mem>>) src(%dma_wait3A_83 : memref<10000x144xf32, #tpu.memory_space<hbm>>) dst(%arg19 : memref<40x144xf32, #tpu.memory_space<vmem>>)
      %parallel_loop3A = arith.constant 0 : i32
      %parallel_loop3A_84 = arith.constant 40 : i32
      %parallel_loop3A_85 = arith.constant 1 : i32
      scf.for %parallel_loop3A_145 = %parallel_loop3A to %parallel_loop3A_84 step %parallel_loop3A_85  : i32 {
        %parallel_loop3A_146 = arith.index_cast %parallel_loop3A_145 : i32 to index
        %parallel_loop3A_147 = arith.constant 0 : index
        %parallel_loop3A_148 = tpu.vector_load %arg11[%parallel_loop3A_146, %parallel_loop3A_147] {strides = array<i32>} : memref<40x16xf32, #tpu.memory_space<vmem>>, vector<1x16xf32>,
        %parallel_loop3A_149 = vector.shape_cast %parallel_loop3A_148 : vector<1x16xf32> to vector<16xf32>
        %parallel_loop3A_150 = arith.index_cast %parallel_loop3A_145 : i32 to index
        %parallel_loop3A_151 = arith.constant 0 : index
        %parallel_loop3A_152 = tpu.vector_load %arg15[%parallel_loop3A_150, %parallel_loop3A_151] {strides = array<i32>} : memref<40x16xf32, #tpu.memory_space<vmem>>, vector<1x16xf32>,
        %parallel_loop3A_153 = vector.shape_cast %parallel_loop3A_152 : vector<1x16xf32> to vector<16xf32>
        %parallel_loop3A_154 = arith.addf %parallel_loop3A_149, %parallel_loop3A_153 : vector<16xf32>
        %parallel_loop3A_155 = arith.constant 2.000000e-01 : f32
        %parallel_loop3A_156 = vector.broadcast %parallel_loop3A_155 : f32 to vector<16xf32>
        %parallel_loop3A_157 = arith.mulf %parallel_loop3A_154, %parallel_loop3A_156 : vector<16xf32>
        %parallel_loop3A_158 = arith.maximumf %parallel_loop3A_154, %parallel_loop3A_157 : vector<16xf32>
        %parallel_loop3A_159 = math.exp %parallel_loop3A_158 : vector<16xf32>
        %parallel_loop3A_160 = arith.index_cast %parallel_loop3A_145 : i32 to index
        %parallel_loop3A_161 = arith.constant 128 : index
        %parallel_loop3A_162 = tpu.vector_load %arg19[%parallel_loop3A_160, %parallel_loop3A_161] {strides = array<i32>} : memref<40x144xf32, #tpu.memory_space<vmem>>, vector<1x16xf32>,
        %parallel_loop3A_163 = vector.shape_cast %parallel_loop3A_162 : vector<1x16xf32> to vector<16xf32>
        %parallel_loop3A_164 = vector.shape_cast %parallel_loop3A_159 : vector<16xf32> to vector<1x16xf32>
        tpu.vector_store %arg19[%parallel_loop3A_160, %parallel_loop3A_161], %parallel_loop3A_164 {strides = array<i32>} : memref<40x144xf32, #tpu.memory_space<vmem>>, vector<1x16xf32>,
        %parallel_loop3A_165 = vector.extract_strided_slice %parallel_loop3A_159 {offsets = [0], sizes = [1], strides = [1]} : vector<16xf32> to vector<1xf32>
        %parallel_loop3A_166 = vector.extract %parallel_loop3A_165[0] : f32 from vector<1xf32>
        %parallel_loop3A_167 = vector.broadcast %parallel_loop3A_166 : f32 to vector<16xf32>
        %parallel_loop3A_168 = arith.index_cast %parallel_loop3A_145 : i32 to index
        %parallel_loop3A_169 = arith.constant 0 : index
        %parallel_loop3A_170 = tpu.vector_load %arg19[%parallel_loop3A_168, %parallel_loop3A_169] {strides = array<i32>} : memref<40x144xf32, #tpu.memory_space<vmem>>, vector<1x16xf32>,
        %parallel_loop3A_171 = vector.shape_cast %parallel_loop3A_170 : vector<1x16xf32> to vector<16xf32>
        %parallel_loop3A_172 = arith.mulf %parallel_loop3A_171, %parallel_loop3A_167 : vector<16xf32>
        %parallel_loop3A_173 = arith.index_cast %parallel_loop3A_145 : i32 to index
        %parallel_loop3A_174 = arith.constant 0 : index
        %parallel_loop3A_175 = tpu.vector_load %arg19[%parallel_loop3A_173, %parallel_loop3A_174] {strides = array<i32>} : memref<40x144xf32, #tpu.memory_space<vmem>>, vector<1x16xf32>,
        %parallel_loop3A_176 = vector.shape_cast %parallel_loop3A_175 : vector<1x16xf32> to vector<16xf32>
        %parallel_loop3A_177 = vector.shape_cast %parallel_loop3A_172 : vector<16xf32> to vector<1x16xf32>
        tpu.vector_store %arg19[%parallel_loop3A_173, %parallel_loop3A_174], %parallel_loop3A_177 {strides = array<i32>} : memref<40x144xf32, #tpu.memory_space<vmem>>, vector<1x16xf32>,
        %parallel_loop3A_178 = arith.index_cast %parallel_loop3A_145 : i32 to index
        %parallel_loop3A_179 = arith.constant 16 : index
        %parallel_loop3A_180 = tpu.vector_load %arg19[%parallel_loop3A_178, %parallel_loop3A_179] {strides = array<i32>} : memref<40x144xf32, #tpu.memory_space<vmem>>, vector<1x16xf32>,
        %parallel_loop3A_181 = vector.shape_cast %parallel_loop3A_180 : vector<1x16xf32> to vector<16xf32>
        %parallel_loop3A_182 = arith.mulf %parallel_loop3A_181, %parallel_loop3A_167 : vector<16xf32>
        %parallel_loop3A_183 = arith.index_cast %parallel_loop3A_145 : i32 to index
        %parallel_loop3A_184 = arith.constant 16 : index
        %parallel_loop3A_185 = tpu.vector_load %arg19[%parallel_loop3A_183, %parallel_loop3A_184] {strides = array<i32>} : memref<40x144xf32, #tpu.memory_space<vmem>>, vector<1x16xf32>,
        %parallel_loop3A_186 = vector.shape_cast %parallel_loop3A_185 : vector<1x16xf32> to vector<16xf32>
        %parallel_loop3A_187 = vector.shape_cast %parallel_loop3A_182 : vector<16xf32> to vector<1x16xf32>
        tpu.vector_store %arg19[%parallel_loop3A_183, %parallel_loop3A_184], %parallel_loop3A_187 {strides = array<i32>} : memref<40x144xf32, #tpu.memory_space<vmem>>, vector<1x16xf32>,
        %parallel_loop3A_188 = arith.index_cast %parallel_loop3A_145 : i32 to index
        %parallel_loop3A_189 = arith.constant 32 : index
        %parallel_loop3A_190 = tpu.vector_load %arg19[%parallel_loop3A_188, %parallel_loop3A_189] {strides = array<i32>} : memref<40x144xf32, #tpu.memory_space<vmem>>, vector<1x16xf32>,
        %parallel_loop3A_191 = vector.shape_cast %parallel_loop3A_190 : vector<1x16xf32> to vector<16xf32>
        %parallel_loop3A_192 = arith.mulf %parallel_loop3A_191, %parallel_loop3A_167 : vector<16xf32>
        %parallel_loop3A_193 = arith.index_cast %parallel_loop3A_145 : i32 to index
        %parallel_loop3A_194 = arith.constant 32 : index
        %parallel_loop3A_195 = tpu.vector_load %arg19[%parallel_loop3A_193, %parallel_loop3A_194] {strides = array<i32>} : memref<40x144xf32, #tpu.memory_space<vmem>>, vector<1x16xf32>,
        %parallel_loop3A_196 = vector.shape_cast %parallel_loop3A_195 : vector<1x16xf32> to vector<16xf32>
        %parallel_loop3A_197 = vector.shape_cast %parallel_loop3A_192 : vector<16xf32> to vector<1x16xf32>
        tpu.vector_store %arg19[%parallel_loop3A_193, %parallel_loop3A_194], %parallel_loop3A_197 {strides = array<i32>} : memref<40x144xf32, #tpu.memory_space<vmem>>, vector<1x16xf32>,
        %parallel_loop3A_198 = arith.index_cast %parallel_loop3A_145 : i32 to index
        %parallel_loop3A_199 = arith.constant 48 : index
        %parallel_loop3A_200 = tpu.vector_load %arg19[%parallel_loop3A_198, %parallel_loop3A_199] {strides = array<i32>} : memref<40x144xf32, #tpu.memory_space<vmem>>, vector<1x16xf32>,
        %parallel_loop3A_201 = vector.shape_cast %parallel_loop3A_200 : vector<1x16xf32> to vector<16xf32>
        %parallel_loop3A_202 = arith.mulf %parallel_loop3A_201, %parallel_loop3A_167 : vector<16xf32>
        %parallel_loop3A_203 = arith.index_cast %parallel_loop3A_145 : i32 to index
        %parallel_loop3A_204 = arith.constant 48 : index
        %parallel_loop3A_205 = tpu.vector_load %arg19[%parallel_loop3A_203, %parallel_loop3A_204] {strides = array<i32>} : memref<40x144xf32, #tpu.memory_space<vmem>>, vector<1x16xf32>,
        %parallel_loop3A_206 = vector.shape_cast %parallel_loop3A_205 : vector<1x16xf32> to vector<16xf32>
        %parallel_loop3A_207 = vector.shape_cast %parallel_loop3A_202 : vector<16xf32> to vector<1x16xf32>
        tpu.vector_store %arg19[%parallel_loop3A_203, %parallel_loop3A_204], %parallel_loop3A_207 {strides = array<i32>} : memref<40x144xf32, #tpu.memory_space<vmem>>, vector<1x16xf32>,
        %parallel_loop3A_208 = arith.index_cast %parallel_loop3A_145 : i32 to index
        %parallel_loop3A_209 = arith.constant 64 : index
        %parallel_loop3A_210 = tpu.vector_load %arg19[%parallel_loop3A_208, %parallel_loop3A_209] {strides = array<i32>} : memref<40x144xf32, #tpu.memory_space<vmem>>, vector<1x16xf32>,
        %parallel_loop3A_211 = vector.shape_cast %parallel_loop3A_210 : vector<1x16xf32> to vector<16xf32>
        %parallel_loop3A_212 = arith.mulf %parallel_loop3A_211, %parallel_loop3A_167 : vector<16xf32>
        %parallel_loop3A_213 = arith.index_cast %parallel_loop3A_145 : i32 to index
        %parallel_loop3A_214 = arith.constant 64 : index
        %parallel_loop3A_215 = tpu.vector_load %arg19[%parallel_loop3A_213, %parallel_loop3A_214] {strides = array<i32>} : memref<40x144xf32, #tpu.memory_space<vmem>>, vector<1x16xf32>,
        %parallel_loop3A_216 = vector.shape_cast %parallel_loop3A_215 : vector<1x16xf32> to vector<16xf32>
        %parallel_loop3A_217 = vector.shape_cast %parallel_loop3A_212 : vector<16xf32> to vector<1x16xf32>
        tpu.vector_store %arg19[%parallel_loop3A_213, %parallel_loop3A_214], %parallel_loop3A_217 {strides = array<i32>} : memref<40x144xf32, #tpu.memory_space<vmem>>, vector<1x16xf32>,
        %parallel_loop3A_218 = arith.index_cast %parallel_loop3A_145 : i32 to index
        %parallel_loop3A_219 = arith.constant 80 : index
        %parallel_loop3A_220 = tpu.vector_load %arg19[%parallel_loop3A_218, %parallel_loop3A_219] {strides = array<i32>} : memref<40x144xf32, #tpu.memory_space<vmem>>, vector<1x16xf32>,
        %parallel_loop3A_221 = vector.shape_cast %parallel_loop3A_220 : vector<1x16xf32> to vector<16xf32>
        %parallel_loop3A_222 = arith.mulf %parallel_loop3A_221, %parallel_loop3A_167 : vector<16xf32>
        %parallel_loop3A_223 = arith.index_cast %parallel_loop3A_145 : i32 to index
        %parallel_loop3A_224 = arith.constant 80 : index
        %parallel_loop3A_225 = tpu.vector_load %arg19[%parallel_loop3A_223, %parallel_loop3A_224] {strides = array<i32>} : memref<40x144xf32, #tpu.memory_space<vmem>>, vector<1x16xf32>,
        %parallel_loop3A_226 = vector.shape_cast %parallel_loop3A_225 : vector<1x16xf32> to vector<16xf32>
        %parallel_loop3A_227 = vector.shape_cast %parallel_loop3A_222 : vector<16xf32> to vector<1x16xf32>
        tpu.vector_store %arg19[%parallel_loop3A_223, %parallel_loop3A_224], %parallel_loop3A_227 {strides = array<i32>} : memref<40x144xf32, #tpu.memory_space<vmem>>, vector<1x16xf32>,
        %parallel_loop3A_228 = arith.index_cast %parallel_loop3A_145 : i32 to index
        %parallel_loop3A_229 = arith.constant 96 : index
        %parallel_loop3A_230 = tpu.vector_load %arg19[%parallel_loop3A_228, %parallel_loop3A_229] {strides = array<i32>} : memref<40x144xf32, #tpu.memory_space<vmem>>, vector<1x16xf32>,
        %parallel_loop3A_231 = vector.shape_cast %parallel_loop3A_230 : vector<1x16xf32> to vector<16xf32>
        %parallel_loop3A_232 = arith.mulf %parallel_loop3A_231, %parallel_loop3A_167 : vector<16xf32>
        %parallel_loop3A_233 = arith.index_cast %parallel_loop3A_145 : i32 to index
        %parallel_loop3A_234 = arith.constant 96 : index
        %parallel_loop3A_235 = tpu.vector_load %arg19[%parallel_loop3A_233, %parallel_loop3A_234] {strides = array<i32>} : memref<40x144xf32, #tpu.memory_space<vmem>>, vector<1x16xf32>,
        %parallel_loop3A_236 = vector.shape_cast %parallel_loop3A_235 : vector<1x16xf32> to vector<16xf32>
        %parallel_loop3A_237 = vector.shape_cast %parallel_loop3A_232 : vector<16xf32> to vector<1x16xf32>
        tpu.vector_store %arg19[%parallel_loop3A_233, %parallel_loop3A_234], %parallel_loop3A_237 {strides = array<i32>} : memref<40x144xf32, #tpu.memory_space<vmem>>, vector<1x16xf32>,
        %parallel_loop3A_238 = arith.index_cast %parallel_loop3A_145 : i32 to index
        %parallel_loop3A_239 = arith.constant 112 : index
        %parallel_loop3A_240 = tpu.vector_load %arg19[%parallel_loop3A_238, %parallel_loop3A_239] {strides = array<i32>} : memref<40x144xf32, #tpu.memory_space<vmem>>, vector<1x16xf32>,
        %parallel_loop3A_241 = vector.shape_cast %parallel_loop3A_240 : vector<1x16xf32> to vector<16xf32>
        %parallel_loop3A_242 = arith.mulf %parallel_loop3A_241, %parallel_loop3A_167 : vector<16xf32>
        %parallel_loop3A_243 = arith.index_cast %parallel_loop3A_145 : i32 to index
        %parallel_loop3A_244 = arith.constant 112 : index
        %parallel_loop3A_245 = tpu.vector_load %arg19[%parallel_loop3A_243, %parallel_loop3A_244] {strides = array<i32>} : memref<40x144xf32, #tpu.memory_space<vmem>>, vector<1x16xf32>,
        %parallel_loop3A_246 = vector.shape_cast %parallel_loop3A_245 : vector<1x16xf32> to vector<16xf32>
        %parallel_loop3A_247 = vector.shape_cast %parallel_loop3A_242 : vector<16xf32> to vector<1x16xf32>
        tpu.vector_store %arg19[%parallel_loop3A_243, %parallel_loop3A_244], %parallel_loop3A_247 {strides = array<i32>} : memref<40x144xf32, #tpu.memory_space<vmem>>, vector<1x16xf32>,
      } {sc.loop_unroll_factor = 2 : i64, sc.parallel_access}
      %dma_start3A_86 = arith.constant 48 : i32
      %dma_start3A_87 = arith.constant 0 : i32
      %dma_start3A_88 = tpu.memref_slice %arg10[%dma_start3A_86, %dma_start3A_87] : memref<50x40xi32, #tpu.memory_space<vmem>> -> memref<1x40xi32, #tpu.memory_space<vmem>>
      %dma_start3A_89 = tpu.memref_squeeze %dma_start3A_88 : memref<1x40xi32, #tpu.memory_space<vmem>> -> memref<40xi32, #tpu.memory_space<vmem>>
      %dma_start3A_90 = arith.constant 0 : i32
      %dma_start3A_91 = arith.constant 0 : i32
      %dma_start3A_92 = tpu.memref_slice %arg23[%dma_start3A_90, %dma_start3A_91] : memref<10112x144xf32, #tpu.memory_space<vmem_shared>> -> memref<10112x144xf32, #tpu.memory_space<vmem_shared>>
      tpu.enqueue_indirect_dma source(%arg19 : memref<40x144xf32, #tpu.memory_space<vmem>>) target(%dma_start3A_92 : memref<10112x144xf32, #tpu.memory_space<vmem_shared>>) offsets(%dma_start3A_89 : memref<40xi32, #tpu.memory_space<vmem>>) semaphore(%arg28 : memref<!tpu.dma_semaphore, #tpu.memory_space<semaphore_mem>>) {add = true}
      %dma_wait3A_93 = arith.constant 47 : i32
      %dma_wait3A_94 = arith.constant 0 : i32
      %dma_wait3A_95 = tpu.memref_slice %arg10[%dma_wait3A_93, %dma_wait3A_94] : memref<50x40xi32, #tpu.memory_space<vmem>> -> memref<1x40xi32, #tpu.memory_space<vmem>>
      %dma_wait3A_96 = tpu.memref_squeeze %dma_wait3A_95 : memref<1x40xi32, #tpu.memory_space<vmem>> -> memref<40xi32, #tpu.memory_space<vmem>>
      %dma_wait3A_97 = arith.constant 0 : i32
      %dma_wait3A_98 = arith.constant 0 : i32
      %dma_wait3A_99 = tpu.memref_slice %arg23[%dma_wait3A_97, %dma_wait3A_98] : memref<10112x144xf32, #tpu.memory_space<vmem_shared>> -> memref<10112x144xf32, #tpu.memory_space<vmem_shared>>
      tpu.wait_indirect_dma semaphore(%arg31 : memref<!tpu.dma_semaphore, #tpu.memory_space<semaphore_mem>>) src(%arg22 : memref<40x144xf32, #tpu.memory_space<vmem>>) dst(%dma_wait3A_99 : memref<10112x144xf32, #tpu.memory_space<vmem_shared>>)
      %dma_wait3A_100 = arith.constant 49 : i32
      %dma_wait3A_101 = arith.constant 0 : i32
      %dma_wait3A_102 = tpu.memref_slice %arg9[%dma_wait3A_100, %dma_wait3A_101] : memref<50x40xi32, #tpu.memory_space<vmem>> -> memref<1x40xi32, #tpu.memory_space<vmem>>
      %dma_wait3A_103 = tpu.memref_squeeze %dma_wait3A_102 : memref<1x40xi32, #tpu.memory_space<vmem>> -> memref<40xi32, #tpu.memory_space<vmem>>
      %dma_wait3A_104 = arith.constant 0 : i32
      %dma_wait3A_105 = arith.constant 0 : i32
      %dma_wait3A_106 = tpu.memref_slice %arg3[%dma_wait3A_104, %dma_wait3A_105] : memref<10000x16xf32, #tpu.memory_space<hbm>> -> memref<10000x16xf32, #tpu.memory_space<hbm>>
      tpu.wait_indirect_dma semaphore(%arg25 : memref<!tpu.dma_semaphore, #tpu.memory_space<semaphore_mem>>) src(%dma_wait3A_106 : memref<10000x16xf32, #tpu.memory_space<hbm>>) dst(%arg12 : memref<40x16xf32, #tpu.memory_space<vmem>>)
      %dma_wait3A_107 = arith.constant 49 : i32
      %dma_wait3A_108 = arith.constant 0 : i32
      %dma_wait3A_109 = tpu.memref_slice %arg10[%dma_wait3A_107, %dma_wait3A_108] : memref<50x40xi32, #tpu.memory_space<vmem>> -> memref<1x40xi32, #tpu.memory_space<vmem>>
      %dma_wait3A_110 = tpu.memref_squeeze %dma_wait3A_109 : memref<1x40xi32, #tpu.memory_space<vmem>> -> memref<40xi32, #tpu.memory_space<vmem>>
      %dma_wait3A_111 = arith.constant 0 : i32
      %dma_wait3A_112 = arith.constant 0 : i32
      %dma_wait3A_113 = tpu.memref_slice %arg4[%dma_wait3A_111, %dma_wait3A_112] : memref<10000x16xf32, #tpu.memory_space<hbm>> -> memref<10000x16xf32, #tpu.memory_space<hbm>>
      tpu.wait_indirect_dma semaphore(%arg25 : memref<!tpu.dma_semaphore, #tpu.memory_space<semaphore_mem>>) src(%dma_wait3A_113 : memref<10000x16xf32, #tpu.memory_space<hbm>>) dst(%arg16 : memref<40x16xf32, #tpu.memory_space<vmem>>)
      %dma_wait3A_114 = arith.constant 49 : i32
      %dma_wait3A_115 = arith.constant 0 : i32
      %dma_wait3A_116 = tpu.memref_slice %arg9[%dma_wait3A_114, %dma_wait3A_115] : memref<50x40xi32, #tpu.memory_space<vmem>> -> memref<1x40xi32, #tpu.memory_space<vmem>>
      %dma_wait3A_117 = tpu.memref_squeeze %dma_wait3A_116 : memref<1x40xi32, #tpu.memory_space<vmem>> -> memref<40xi32, #tpu.memory_space<vmem>>
      %dma_wait3A_118 = arith.constant 0 : i32
      %dma_wait3A_119 = arith.constant 0 : i32
      %dma_wait3A_120 = tpu.memref_slice %arg2[%dma_wait3A_118, %dma_wait3A_119] : memref<10000x144xf32, #tpu.memory_space<hbm>> -> memref<10000x144xf32, #tpu.memory_space<hbm>>
      tpu.wait_indirect_dma semaphore(%arg25 : memref<!tpu.dma_semaphore, #tpu.memory_space<semaphore_mem>>) src(%dma_wait3A_120 : memref<10000x144xf32, #tpu.memory_space<hbm>>) dst(%arg20 : memref<40x144xf32, #tpu.memory_space<vmem>>)
      %parallel_loop3A_121 = arith.constant 0 : i32
      %parallel_loop3A_122 = arith.constant 40 : i32
      %parallel_loop3A_123 = arith.constant 1 : i32
      scf.for %parallel_loop3A_145 = %parallel_loop3A_121 to %parallel_loop3A_122 step %parallel_loop3A_123  : i32 {
        %parallel_loop3A_146 = arith.index_cast %parallel_loop3A_145 : i32 to index
        %parallel_loop3A_147 = arith.constant 0 : index
        %parallel_loop3A_148 = tpu.vector_load %arg12[%parallel_loop3A_146, %parallel_loop3A_147] {strides = array<i32>} : memref<40x16xf32, #tpu.memory_space<vmem>>, vector<1x16xf32>,
        %parallel_loop3A_149 = vector.shape_cast %parallel_loop3A_148 : vector<1x16xf32> to vector<16xf32>
        %parallel_loop3A_150 = arith.index_cast %parallel_loop3A_145 : i32 to index
        %parallel_loop3A_151 = arith.constant 0 : index
        %parallel_loop3A_152 = tpu.vector_load %arg16[%parallel_loop3A_150, %parallel_loop3A_151] {strides = array<i32>} : memref<40x16xf32, #tpu.memory_space<vmem>>, vector<1x16xf32>,
        %parallel_loop3A_153 = vector.shape_cast %parallel_loop3A_152 : vector<1x16xf32> to vector<16xf32>
        %parallel_loop3A_154 = arith.addf %parallel_loop3A_149, %parallel_loop3A_153 : vector<16xf32>
        %parallel_loop3A_155 = arith.constant 2.000000e-01 : f32
        %parallel_loop3A_156 = vector.broadcast %parallel_loop3A_155 : f32 to vector<16xf32>
        %parallel_loop3A_157 = arith.mulf %parallel_loop3A_154, %parallel_loop3A_156 : vector<16xf32>
        %parallel_loop3A_158 = arith.maximumf %parallel_loop3A_154, %parallel_loop3A_157 : vector<16xf32>
        %parallel_loop3A_159 = math.exp %parallel_loop3A_158 : vector<16xf32>
        %parallel_loop3A_160 = arith.index_cast %parallel_loop3A_145 : i32 to index
        %parallel_loop3A_161 = arith.constant 128 : index
        %parallel_loop3A_162 = tpu.vector_load %arg20[%parallel_loop3A_160, %parallel_loop3A_161] {strides = array<i32>} : memref<40x144xf32, #tpu.memory_space<vmem>>, vector<1x16xf32>,
        %parallel_loop3A_163 = vector.shape_cast %parallel_loop3A_162 : vector<1x16xf32> to vector<16xf32>
        %parallel_loop3A_164 = vector.shape_cast %parallel_loop3A_159 : vector<16xf32> to vector<1x16xf32>
        tpu.vector_store %arg20[%parallel_loop3A_160, %parallel_loop3A_161], %parallel_loop3A_164 {strides = array<i32>} : memref<40x144xf32, #tpu.memory_space<vmem>>, vector<1x16xf32>,
        %parallel_loop3A_165 = vector.extract_strided_slice %parallel_loop3A_159 {offsets = [0], sizes = [1], strides = [1]} : vector<16xf32> to vector<1xf32>
        %parallel_loop3A_166 = vector.extract %parallel_loop3A_165[0] : f32 from vector<1xf32>
        %parallel_loop3A_167 = vector.broadcast %parallel_loop3A_166 : f32 to vector<16xf32>
        %parallel_loop3A_168 = arith.index_cast %parallel_loop3A_145 : i32 to index
        %parallel_loop3A_169 = arith.constant 0 : index
        %parallel_loop3A_170 = tpu.vector_load %arg20[%parallel_loop3A_168, %parallel_loop3A_169] {strides = array<i32>} : memref<40x144xf32, #tpu.memory_space<vmem>>, vector<1x16xf32>,
        %parallel_loop3A_171 = vector.shape_cast %parallel_loop3A_170 : vector<1x16xf32> to vector<16xf32>
        %parallel_loop3A_172 = arith.mulf %parallel_loop3A_171, %parallel_loop3A_167 : vector<16xf32>
        %parallel_loop3A_173 = arith.index_cast %parallel_loop3A_145 : i32 to index
        %parallel_loop3A_174 = arith.constant 0 : index
        %parallel_loop3A_175 = tpu.vector_load %arg20[%parallel_loop3A_173, %parallel_loop3A_174] {strides = array<i32>} : memref<40x144xf32, #tpu.memory_space<vmem>>, vector<1x16xf32>,
        %parallel_loop3A_176 = vector.shape_cast %parallel_loop3A_175 : vector<1x16xf32> to vector<16xf32>
        %parallel_loop3A_177 = vector.shape_cast %parallel_loop3A_172 : vector<16xf32> to vector<1x16xf32>
        tpu.vector_store %arg20[%parallel_loop3A_173, %parallel_loop3A_174], %parallel_loop3A_177 {strides = array<i32>} : memref<40x144xf32, #tpu.memory_space<vmem>>, vector<1x16xf32>,
        %parallel_loop3A_178 = arith.index_cast %parallel_loop3A_145 : i32 to index
        %parallel_loop3A_179 = arith.constant 16 : index
        %parallel_loop3A_180 = tpu.vector_load %arg20[%parallel_loop3A_178, %parallel_loop3A_179] {strides = array<i32>} : memref<40x144xf32, #tpu.memory_space<vmem>>, vector<1x16xf32>,
        %parallel_loop3A_181 = vector.shape_cast %parallel_loop3A_180 : vector<1x16xf32> to vector<16xf32>
        %parallel_loop3A_182 = arith.mulf %parallel_loop3A_181, %parallel_loop3A_167 : vector<16xf32>
        %parallel_loop3A_183 = arith.index_cast %parallel_loop3A_145 : i32 to index
        %parallel_loop3A_184 = arith.constant 16 : index
        %parallel_loop3A_185 = tpu.vector_load %arg20[%parallel_loop3A_183, %parallel_loop3A_184] {strides = array<i32>} : memref<40x144xf32, #tpu.memory_space<vmem>>, vector<1x16xf32>,
        %parallel_loop3A_186 = vector.shape_cast %parallel_loop3A_185 : vector<1x16xf32> to vector<16xf32>
        %parallel_loop3A_187 = vector.shape_cast %parallel_loop3A_182 : vector<16xf32> to vector<1x16xf32>
        tpu.vector_store %arg20[%parallel_loop3A_183, %parallel_loop3A_184], %parallel_loop3A_187 {strides = array<i32>} : memref<40x144xf32, #tpu.memory_space<vmem>>, vector<1x16xf32>,
        %parallel_loop3A_188 = arith.index_cast %parallel_loop3A_145 : i32 to index
        %parallel_loop3A_189 = arith.constant 32 : index
        %parallel_loop3A_190 = tpu.vector_load %arg20[%parallel_loop3A_188, %parallel_loop3A_189] {strides = array<i32>} : memref<40x144xf32, #tpu.memory_space<vmem>>, vector<1x16xf32>,
        %parallel_loop3A_191 = vector.shape_cast %parallel_loop3A_190 : vector<1x16xf32> to vector<16xf32>
        %parallel_loop3A_192 = arith.mulf %parallel_loop3A_191, %parallel_loop3A_167 : vector<16xf32>
        %parallel_loop3A_193 = arith.index_cast %parallel_loop3A_145 : i32 to index
        %parallel_loop3A_194 = arith.constant 32 : index
        %parallel_loop3A_195 = tpu.vector_load %arg20[%parallel_loop3A_193, %parallel_loop3A_194] {strides = array<i32>} : memref<40x144xf32, #tpu.memory_space<vmem>>, vector<1x16xf32>,
        %parallel_loop3A_196 = vector.shape_cast %parallel_loop3A_195 : vector<1x16xf32> to vector<16xf32>
        %parallel_loop3A_197 = vector.shape_cast %parallel_loop3A_192 : vector<16xf32> to vector<1x16xf32>
        tpu.vector_store %arg20[%parallel_loop3A_193, %parallel_loop3A_194], %parallel_loop3A_197 {strides = array<i32>} : memref<40x144xf32, #tpu.memory_space<vmem>>, vector<1x16xf32>,
        %parallel_loop3A_198 = arith.index_cast %parallel_loop3A_145 : i32 to index
        %parallel_loop3A_199 = arith.constant 48 : index
        %parallel_loop3A_200 = tpu.vector_load %arg20[%parallel_loop3A_198, %parallel_loop3A_199] {strides = array<i32>} : memref<40x144xf32, #tpu.memory_space<vmem>>, vector<1x16xf32>,
        %parallel_loop3A_201 = vector.shape_cast %parallel_loop3A_200 : vector<1x16xf32> to vector<16xf32>
        %parallel_loop3A_202 = arith.mulf %parallel_loop3A_201, %parallel_loop3A_167 : vector<16xf32>
        %parallel_loop3A_203 = arith.index_cast %parallel_loop3A_145 : i32 to index
        %parallel_loop3A_204 = arith.constant 48 : index
        %parallel_loop3A_205 = tpu.vector_load %arg20[%parallel_loop3A_203, %parallel_loop3A_204] {strides = array<i32>} : memref<40x144xf32, #tpu.memory_space<vmem>>, vector<1x16xf32>,
        %parallel_loop3A_206 = vector.shape_cast %parallel_loop3A_205 : vector<1x16xf32> to vector<16xf32>
        %parallel_loop3A_207 = vector.shape_cast %parallel_loop3A_202 : vector<16xf32> to vector<1x16xf32>
        tpu.vector_store %arg20[%parallel_loop3A_203, %parallel_loop3A_204], %parallel_loop3A_207 {strides = array<i32>} : memref<40x144xf32, #tpu.memory_space<vmem>>, vector<1x16xf32>,
        %parallel_loop3A_208 = arith.index_cast %parallel_loop3A_145 : i32 to index
        %parallel_loop3A_209 = arith.constant 64 : index
        %parallel_loop3A_210 = tpu.vector_load %arg20[%parallel_loop3A_208, %parallel_loop3A_209] {strides = array<i32>} : memref<40x144xf32, #tpu.memory_space<vmem>>, vector<1x16xf32>,
        %parallel_loop3A_211 = vector.shape_cast %parallel_loop3A_210 : vector<1x16xf32> to vector<16xf32>
        %parallel_loop3A_212 = arith.mulf %parallel_loop3A_211, %parallel_loop3A_167 : vector<16xf32>
        %parallel_loop3A_213 = arith.index_cast %parallel_loop3A_145 : i32 to index
        %parallel_loop3A_214 = arith.constant 64 : index
        %parallel_loop3A_215 = tpu.vector_load %arg20[%parallel_loop3A_213, %parallel_loop3A_214] {strides = array<i32>} : memref<40x144xf32, #tpu.memory_space<vmem>>, vector<1x16xf32>,
        %parallel_loop3A_216 = vector.shape_cast %parallel_loop3A_215 : vector<1x16xf32> to vector<16xf32>
        %parallel_loop3A_217 = vector.shape_cast %parallel_loop3A_212 : vector<16xf32> to vector<1x16xf32>
        tpu.vector_store %arg20[%parallel_loop3A_213, %parallel_loop3A_214], %parallel_loop3A_217 {strides = array<i32>} : memref<40x144xf32, #tpu.memory_space<vmem>>, vector<1x16xf32>,
        %parallel_loop3A_218 = arith.index_cast %parallel_loop3A_145 : i32 to index
        %parallel_loop3A_219 = arith.constant 80 : index
        %parallel_loop3A_220 = tpu.vector_load %arg20[%parallel_loop3A_218, %parallel_loop3A_219] {strides = array<i32>} : memref<40x144xf32, #tpu.memory_space<vmem>>, vector<1x16xf32>,
        %parallel_loop3A_221 = vector.shape_cast %parallel_loop3A_220 : vector<1x16xf32> to vector<16xf32>
        %parallel_loop3A_222 = arith.mulf %parallel_loop3A_221, %parallel_loop3A_167 : vector<16xf32>
        %parallel_loop3A_223 = arith.index_cast %parallel_loop3A_145 : i32 to index
        %parallel_loop3A_224 = arith.constant 80 : index
        %parallel_loop3A_225 = tpu.vector_load %arg20[%parallel_loop3A_223, %parallel_loop3A_224] {strides = array<i32>} : memref<40x144xf32, #tpu.memory_space<vmem>>, vector<1x16xf32>,
        %parallel_loop3A_226 = vector.shape_cast %parallel_loop3A_225 : vector<1x16xf32> to vector<16xf32>
        %parallel_loop3A_227 = vector.shape_cast %parallel_loop3A_222 : vector<16xf32> to vector<1x16xf32>
        tpu.vector_store %arg20[%parallel_loop3A_223, %parallel_loop3A_224], %parallel_loop3A_227 {strides = array<i32>} : memref<40x144xf32, #tpu.memory_space<vmem>>, vector<1x16xf32>,
        %parallel_loop3A_228 = arith.index_cast %parallel_loop3A_145 : i32 to index
        %parallel_loop3A_229 = arith.constant 96 : index
        %parallel_loop3A_230 = tpu.vector_load %arg20[%parallel_loop3A_228, %parallel_loop3A_229] {strides = array<i32>} : memref<40x144xf32, #tpu.memory_space<vmem>>, vector<1x16xf32>,
        %parallel_loop3A_231 = vector.shape_cast %parallel_loop3A_230 : vector<1x16xf32> to vector<16xf32>
        %parallel_loop3A_232 = arith.mulf %parallel_loop3A_231, %parallel_loop3A_167 : vector<16xf32>
        %parallel_loop3A_233 = arith.index_cast %parallel_loop3A_145 : i32 to index
        %parallel_loop3A_234 = arith.constant 96 : index
        %parallel_loop3A_235 = tpu.vector_load %arg20[%parallel_loop3A_233, %parallel_loop3A_234] {strides = array<i32>} : memref<40x144xf32, #tpu.memory_space<vmem>>, vector<1x16xf32>,
        %parallel_loop3A_236 = vector.shape_cast %parallel_loop3A_235 : vector<1x16xf32> to vector<16xf32>
        %parallel_loop3A_237 = vector.shape_cast %parallel_loop3A_232 : vector<16xf32> to vector<1x16xf32>
        tpu.vector_store %arg20[%parallel_loop3A_233, %parallel_loop3A_234], %parallel_loop3A_237 {strides = array<i32>} : memref<40x144xf32, #tpu.memory_space<vmem>>, vector<1x16xf32>,
        %parallel_loop3A_238 = arith.index_cast %parallel_loop3A_145 : i32 to index
        %parallel_loop3A_239 = arith.constant 112 : index
        %parallel_loop3A_240 = tpu.vector_load %arg20[%parallel_loop3A_238, %parallel_loop3A_239] {strides = array<i32>} : memref<40x144xf32, #tpu.memory_space<vmem>>, vector<1x16xf32>,
        %parallel_loop3A_241 = vector.shape_cast %parallel_loop3A_240 : vector<1x16xf32> to vector<16xf32>
        %parallel_loop3A_242 = arith.mulf %parallel_loop3A_241, %parallel_loop3A_167 : vector<16xf32>
        %parallel_loop3A_243 = arith.index_cast %parallel_loop3A_145 : i32 to index
        %parallel_loop3A_244 = arith.constant 112 : index
        %parallel_loop3A_245 = tpu.vector_load %arg20[%parallel_loop3A_243, %parallel_loop3A_244] {strides = array<i32>} : memref<40x144xf32, #tpu.memory_space<vmem>>, vector<1x16xf32>,
        %parallel_loop3A_246 = vector.shape_cast %parallel_loop3A_245 : vector<1x16xf32> to vector<16xf32>
        %parallel_loop3A_247 = vector.shape_cast %parallel_loop3A_242 : vector<16xf32> to vector<1x16xf32>
        tpu.vector_store %arg20[%parallel_loop3A_243, %parallel_loop3A_244], %parallel_loop3A_247 {strides = array<i32>} : memref<40x144xf32, #tpu.memory_space<vmem>>, vector<1x16xf32>,
      } {sc.loop_unroll_factor = 2 : i64, sc.parallel_access}
      %dma_start3A_124 = arith.constant 49 : i32
      %dma_start3A_125 = arith.constant 0 : i32
      %dma_start3A_126 = tpu.memref_slice %arg10[%dma_start3A_124, %dma_start3A_125] : memref<50x40xi32, #tpu.memory_space<vmem>> -> memref<1x40xi32, #tpu.memory_space<vmem>>
      %dma_start3A_127 = tpu.memref_squeeze %dma_start3A_126 : memref<1x40xi32, #tpu.memory_space<vmem>> -> memref<40xi32, #tpu.memory_space<vmem>>
      %dma_start3A_128 = arith.constant 0 : i32
      %dma_start3A_129 = arith.constant 0 : i32
      %dma_start3A_130 = tpu.memref_slice %arg23[%dma_start3A_128, %dma_start3A_129] : memref<10112x144xf32, #tpu.memory_space<vmem_shared>> -> memref<10112x144xf32, #tpu.memory_space<vmem_shared>>
      tpu.enqueue_indirect_dma source(%arg20 : memref<40x144xf32, #tpu.memory_space<vmem>>) target(%dma_start3A_130 : memref<10112x144xf32, #tpu.memory_space<vmem_shared>>) offsets(%dma_start3A_127 : memref<40xi32, #tpu.memory_space<vmem>>) semaphore(%arg29 : memref<!tpu.dma_semaphore, #tpu.memory_space<semaphore_mem>>) {add = true}
      %dma_wait3A_131 = arith.constant 48 : i32
      %dma_wait3A_132 = arith.constant 0 : i32
      %dma_wait3A_133 = tpu.memref_slice %arg10[%dma_wait3A_131, %dma_wait3A_132] : memref<50x40xi32, #tpu.memory_space<vmem>> -> memref<1x40xi32, #tpu.memory_space<vmem>>
      %dma_wait3A_134 = tpu.memref_squeeze %dma_wait3A_133 : memref<1x40xi32, #tpu.memory_space<vmem>> -> memref<40xi32, #tpu.memory_space<vmem>>
      %dma_wait3A_135 = arith.constant 0 : i32
      %dma_wait3A_136 = arith.constant 0 : i32
      %dma_wait3A_137 = tpu.memref_slice %arg23[%dma_wait3A_135, %dma_wait3A_136] : memref<10112x144xf32, #tpu.memory_space<vmem_shared>> -> memref<10112x144xf32, #tpu.memory_space<vmem_shared>>
      tpu.wait_indirect_dma semaphore(%arg28 : memref<!tpu.dma_semaphore, #tpu.memory_space<semaphore_mem>>) src(%arg19 : memref<40x144xf32, #tpu.memory_space<vmem>>) dst(%dma_wait3A_137 : memref<10112x144xf32, #tpu.memory_space<vmem_shared>>)
      %dma_wait3A_138 = arith.constant 49 : i32
      %dma_wait3A_139 = arith.constant 0 : i32
      %dma_wait3A_140 = tpu.memref_slice %arg10[%dma_wait3A_138, %dma_wait3A_139] : memref<50x40xi32, #tpu.memory_space<vmem>> -> memref<1x40xi32, #tpu.memory_space<vmem>>
      %dma_wait3A_141 = tpu.memref_squeeze %dma_wait3A_140 : memref<1x40xi32, #tpu.memory_space<vmem>> -> memref<40xi32, #tpu.memory_space<vmem>>
      %dma_wait3A_142 = arith.constant 0 : i32
      %dma_wait3A_143 = arith.constant 0 : i32
      %dma_wait3A_144 = tpu.memref_slice %arg23[%dma_wait3A_142, %dma_wait3A_143] : memref<10112x144xf32, #tpu.memory_space<vmem_shared>> -> memref<10112x144xf32, #tpu.memory_space<vmem_shared>>
      tpu.wait_indirect_dma semaphore(%arg29 : memref<!tpu.dma_semaphore, #tpu.memory_space<semaphore_mem>>) src(%arg20 : memref<40x144xf32, #tpu.memory_space<vmem>>) dst(%dma_wait3A_144 : memref<10112x144xf32, #tpu.memory_space<vmem_shared>>)
    }
    %scan3A_7 = arith.constant 5 : i32
    %barrier3A_8 = arith.constant 0 : index
    tpu.barrier barrier_id(%barrier3A_8)
    "tpu.region"() ({
      %run_scoped3A = tpu.sem_alloc : memref<!tpu.dma_semaphore, #tpu.memory_space<semaphore_mem>>
      %dma_start3A = arith.constant 0 : i32
      %dma_start3A_9 = tpu.memref_slice %arg8[%arg0, %mul3A_2, %dma_start3A] : memref<2x10112x144xf32, #tpu.memory_space<hbm>> -> memref<1x632x144xf32, #tpu.memory_space<hbm>>
      %dma_start3A_10 = tpu.memref_squeeze %dma_start3A_9 : memref<1x632x144xf32, #tpu.memory_space<hbm>> -> memref<632x144xf32, #tpu.memory_space<hbm>>
      %dma_start3A_11 = arith.constant 0 : i32
      %dma_start3A_12 = tpu.memref_slice %arg23[%mul3A_2, %dma_start3A_11] : memref<10112x144xf32, #tpu.memory_space<vmem_shared>> -> memref<632x144xf32, #tpu.memory_space<vmem_shared>>
      tpu.enqueue_dma source(%dma_start3A_12 : memref<632x144xf32, #tpu.memory_space<vmem_shared>>) target(%dma_start3A_10 : memref<632x144xf32, #tpu.memory_space<hbm>>) target_semaphore(%run_scoped3A : memref<!tpu.dma_semaphore, #tpu.memory_space<semaphore_mem>>)
      %dma_wait3A = arith.constant 0 : i32
      %dma_wait3A_13 = tpu.memref_slice %arg8[%arg0, %mul3A_2, %dma_wait3A] : memref<2x10112x144xf32, #tpu.memory_space<hbm>> -> memref<1x632x144xf32, #tpu.memory_space<hbm>>
      %dma_wait3A_14 = tpu.memref_squeeze %dma_wait3A_13 : memref<1x632x144xf32, #tpu.memory_space<hbm>> -> memref<632x144xf32, #tpu.memory_space<hbm>>
      %dma_wait3A_15 = arith.constant 0 : i32
      %dma_wait3A_16 = tpu.memref_slice %arg23[%mul3A_2, %dma_wait3A_15] : memref<10112x144xf32, #tpu.memory_space<vmem_shared>> -> memref<632x144xf32, #tpu.memory_space<vmem_shared>>
      tpu.wait_dma2 semaphore(%run_scoped3A : memref<!tpu.dma_semaphore, #tpu.memory_space<semaphore_mem>>) src(%dma_wait3A_16 : memref<632x144xf32, #tpu.memory_space<vmem_shared>>) dst(%dma_wait3A_14 : memref<632x144xf32, #tpu.memory_space<hbm>>)
      tpu.yield
    }) : () -> ()
    return
  }
}

#map = affine_map<(d0, d1) -> (0, 0)>
#map1 = affine_map<(d0, d1) -> (0, 0, 0, 0)>
#map2 = affine_map<(d0, d1) -> (0, 0, 0)>
module attributes {stable_mosaic.version = 14 : i64} {
  func.func @gat_edge_h8(%arg0: i32, %arg1: i32, %arg2: memref<10000x144xf32, #tpu.memory_space<hbm>>, %arg3: memref<10000x16xf32, #tpu.memory_space<hbm>>, %arg4: memref<10000x16xf32, #tpu.memory_space<hbm>>, %arg5: memref<32x5x50x40xi32, #tpu.memory_space<hbm>>, %arg6: memref<32x5x50x40xi32, #tpu.memory_space<hbm>>, %arg7: memref<10112x144xf32, #tpu.memory_space<hbm>>, %arg8: memref<2x10112x144xf32, #tpu.memory_space<hbm>>, %arg9: memref<50x40xi32, #tpu.memory_space<vmem>>, %arg10: memref<50x40xi32, #tpu.memory_space<vmem>>, %arg11: memref<40x16xf32, #tpu.memory_space<vmem>>, %arg12: memref<40x16xf32, #tpu.memory_space<vmem>>, %arg13: memref<40x16xf32, #tpu.memory_space<vmem>>, %arg14: memref<40x16xf32, #tpu.memory_space<vmem>>, %arg15: memref<40x16xf32, #tpu.memory_space<vmem>>, %arg16: memref<40x16xf32, #tpu.memory_space<vmem>>, %arg17: memref<40x16xf32, #tpu.memory_space<vmem>>, %arg18: memref<40x16xf32, #tpu.memory_space<vmem>>, %arg19: memref<40x144xf32, #tpu.memory_space<vmem>>, %arg20: memref<40x144xf32, #tpu.memory_space<vmem>>, %arg21: memref<40x144xf32, #tpu.memory_space<vmem>>, %arg22: memref<40x144xf32, #tpu.memory_space<vmem>>, %arg23: memref<10112x144xf32, #tpu.memory_space<vmem_shared>>, %arg24: memref<!tpu.dma_semaphore, #tpu.memory_space<semaphore_mem>>, %arg25: memref<!tpu.dma_semaphore, #tpu.memory_space<semaphore_mem>>, %arg26: memref<!tpu.dma_semaphore, #tpu.memory_space<semaphore_mem>>, %arg27: memref<!tpu.dma_semaphore, #tpu.memory_space<semaphore_mem>>, %arg28: memref<!tpu.dma_semaphore, #tpu.memory_space<semaphore_mem>>, %arg29: memref<!tpu.dma_semaphore, #tpu.memory_space<semaphore_mem>>, %arg30: memref<!tpu.dma_semaphore, #tpu.memory_space<semaphore_mem>>, %arg31: memref<!tpu.dma_semaphore, #tpu.memory_space<semaphore_mem>>) attributes {dimension_semantics = [#tpu.dimension_semantics<core_parallel>, #tpu.dimension_semantics<subcore_parallel>], iteration_bounds = array<i64: 2, 16>, scalar_prefetch = 0 : i64, scratch_operands = 23 : i64, tpu.core_type = #tpu.core_type<sc_vector_subcore>, window_params = [{transform_indices = #map}, {transform_indices = #map}, {transform_indices = #map}, {transform_indices = #map1}, {transform_indices = #map1}, {transform_indices = #map}, {transform_indices = #map2}]} {
    %mul3A = arith.constant 2 : i32
    %mul3A_0 = arith.muli %arg1, %mul3A : i32
    %add3A = arith.addi %mul3A_0, %arg0 : i32
    %mul3A_1 = arith.constant 632 : i32
    %mul3A_2 = arith.muli %arg1, %mul3A_1 : i32
    "tpu.region"() ({
      %run_scoped3A = tpu.sem_alloc : memref<!tpu.dma_semaphore, #tpu.memory_space<semaphore_mem>>
      %dma_start3A = arith.constant 0 : i32
      %dma_start3A_9 = tpu.memref_slice %arg23[%mul3A_2, %dma_start3A] : memref<10112x144xf32, #tpu.memory_space<vmem_shared>> -> memref<632x144xf32, #tpu.memory_space<vmem_shared>>
      %dma_start3A_10 = arith.constant 0 : i32
      %dma_start3A_11 = tpu.memref_slice %arg7[%mul3A_2, %dma_start3A_10] : memref<10112x144xf32, #tpu.memory_space<hbm>> -> memref<632x144xf32, #tpu.memory_space<hbm>>
      tpu.enqueue_dma source(%dma_start3A_11 : memref<632x144xf32, #tpu.memory_space<hbm>>) target(%dma_start3A_9 : memref<632x144xf32, #tpu.memory_space<vmem_shared>>) target_semaphore(%run_scoped3A : memref<!tpu.dma_semaphore, #tpu.memory_space<semaphore_mem>>)
      %dma_wait3A = arith.constant 0 : i32
      %dma_wait3A_12 = tpu.memref_slice %arg23[%mul3A_2, %dma_wait3A] : memref<10112x144xf32, #tpu.memory_space<vmem_shared>> -> memref<632x144xf32, #tpu.memory_space<vmem_shared>>
      %dma_wait3A_13 = arith.constant 0 : i32
      %dma_wait3A_14 = tpu.memref_slice %arg7[%mul3A_2, %dma_wait3A_13] : memref<10112x144xf32, #tpu.memory_space<hbm>> -> memref<632x144xf32, #tpu.memory_space<hbm>>
      tpu.wait_dma2 semaphore(%run_scoped3A : memref<!tpu.dma_semaphore, #tpu.memory_space<semaphore_mem>>) src(%dma_wait3A_14 : memref<632x144xf32, #tpu.memory_space<hbm>>) dst(%dma_wait3A_12 : memref<632x144xf32, #tpu.memory_space<vmem_shared>>)
      tpu.yield
    }) : () -> ()
    %barrier3A = arith.constant 0 : index
    tpu.barrier barrier_id(%barrier3A)
    %scan3A = arith.constant 0 : i32
    %scan3A_3 = arith.constant 0 : i32
    %scan3A_4 = arith.constant 5 : i32
    %scan3A_5 = arith.addi %scan3A_3, %scan3A_4 : i32
    %scan3A_6 = arith.constant 1 : i32
    scf.for %scan3A_9 = %scan3A_3 to %scan3A_5 step %scan3A_6  : i32 {
      "tpu.region"() ({
        %run_scoped3A = tpu.sem_alloc : memref<!tpu.dma_semaphore, #tpu.memory_space<semaphore_mem>>
        %dma_start3A_145 = arith.constant 0 : i32
        %dma_start3A_146 = arith.constant 0 : i32
        %dma_start3A_147 = tpu.memref_slice %arg5[%add3A, %scan3A_9, %dma_start3A_145, %dma_start3A_146] : memref<32x5x50x40xi32, #tpu.memory_space<hbm>> -> memref<1x1x50x40xi32, #tpu.memory_space<hbm>>
        %dma_start3A_148 = tpu.memref_squeeze %dma_start3A_147 : memref<1x1x50x40xi32, #tpu.memory_space<hbm>> -> memref<50x40xi32, #tpu.memory_space<hbm>>
        %dma_start3A_149 = arith.constant 0 : i32
        %dma_start3A_150 = arith.constant 0 : i32
        %dma_start3A_151 = tpu.memref_slice %arg5[%add3A, %scan3A_9, %dma_start3A_149, %dma_start3A_150] : memref<32x5x50x40xi32, #tpu.memory_space<hbm>> -> memref<1x1x50x40xi32, #tpu.memory_space<hbm>>
        %dma_start3A_152 = tpu.memref_squeeze %dma_start3A_151 : memref<1x1x50x40xi32, #tpu.memory_space<hbm>> -> memref<50x40xi32, #tpu.memory_space<hbm>>
        tpu.enqueue_dma source(%dma_start3A_152 : memref<50x40xi32, #tpu.memory_space<hbm>>) target(%arg9 : memref<50x40xi32, #tpu.memory_space<vmem>>) target_semaphore(%run_scoped3A : memref<!tpu.dma_semaphore, #tpu.memory_space<semaphore_mem>>)
        %dma_wait3A_153 = arith.constant 0 : i32
        %dma_wait3A_154 = arith.constant 0 : i32
        %dma_wait3A_155 = tpu.memref_slice %arg5[%add3A, %scan3A_9, %dma_wait3A_153, %dma_wait3A_154] : memref<32x5x50x40xi32, #tpu.memory_space<hbm>> -> memref<1x1x50x40xi32, #tpu.memory_space<hbm>>
        %dma_wait3A_156 = tpu.memref_squeeze %dma_wait3A_155 : memref<1x1x50x40xi32, #tpu.memory_space<hbm>> -> memref<50x40xi32, #tpu.memory_space<hbm>>
        %dma_wait3A_157 = arith.constant 0 : i32
        %dma_wait3A_158 = arith.constant 0 : i32
        %dma_wait3A_159 = tpu.memref_slice %arg5[%add3A, %scan3A_9, %dma_wait3A_157, %dma_wait3A_158] : memref<32x5x50x40xi32, #tpu.memory_space<hbm>> -> memref<1x1x50x40xi32, #tpu.memory_space<hbm>>
        %dma_wait3A_160 = tpu.memref_squeeze %dma_wait3A_159 : memref<1x1x50x40xi32, #tpu.memory_space<hbm>> -> memref<50x40xi32, #tpu.memory_space<hbm>>
        tpu.wait_dma2 semaphore(%run_scoped3A : memref<!tpu.dma_semaphore, #tpu.memory_space<semaphore_mem>>) src(%dma_wait3A_160 : memref<50x40xi32, #tpu.memory_space<hbm>>) dst(%arg9 : memref<50x40xi32, #tpu.memory_space<vmem>>)
        tpu.yield
      }) : () -> ()
      "tpu.region"() ({
        %run_scoped3A = tpu.sem_alloc : memref<!tpu.dma_semaphore, #tpu.memory_space<semaphore_mem>>
        %dma_start3A_145 = arith.constant 0 : i32
        %dma_start3A_146 = arith.constant 0 : i32
        %dma_start3A_147 = tpu.memref_slice %arg6[%add3A, %scan3A_9, %dma_start3A_145, %dma_start3A_146] : memref<32x5x50x40xi32, #tpu.memory_space<hbm>> -> memref<1x1x50x40xi32, #tpu.memory_space<hbm>>
        %dma_start3A_148 = tpu.memref_squeeze %dma_start3A_147 : memref<1x1x50x40xi32, #tpu.memory_space<hbm>> -> memref<50x40xi32, #tpu.memory_space<hbm>>
        %dma_start3A_149 = arith.constant 0 : i32
        %dma_start3A_150 = arith.constant 0 : i32
        %dma_start3A_151 = tpu.memref_slice %arg6[%add3A, %scan3A_9, %dma_start3A_149, %dma_start3A_150] : memref<32x5x50x40xi32, #tpu.memory_space<hbm>> -> memref<1x1x50x40xi32, #tpu.memory_space<hbm>>
        %dma_start3A_152 = tpu.memref_squeeze %dma_start3A_151 : memref<1x1x50x40xi32, #tpu.memory_space<hbm>> -> memref<50x40xi32, #tpu.memory_space<hbm>>
        tpu.enqueue_dma source(%dma_start3A_152 : memref<50x40xi32, #tpu.memory_space<hbm>>) target(%arg10 : memref<50x40xi32, #tpu.memory_space<vmem>>) target_semaphore(%run_scoped3A : memref<!tpu.dma_semaphore, #tpu.memory_space<semaphore_mem>>)
        %dma_wait3A_153 = arith.constant 0 : i32
        %dma_wait3A_154 = arith.constant 0 : i32
        %dma_wait3A_155 = tpu.memref_slice %arg6[%add3A, %scan3A_9, %dma_wait3A_153, %dma_wait3A_154] : memref<32x5x50x40xi32, #tpu.memory_space<hbm>> -> memref<1x1x50x40xi32, #tpu.memory_space<hbm>>
        %dma_wait3A_156 = tpu.memref_squeeze %dma_wait3A_155 : memref<1x1x50x40xi32, #tpu.memory_space<hbm>> -> memref<50x40xi32, #tpu.memory_space<hbm>>
        %dma_wait3A_157 = arith.constant 0 : i32
        %dma_wait3A_158 = arith.constant 0 : i32
        %dma_wait3A_159 = tpu.memref_slice %arg6[%add3A, %scan3A_9, %dma_wait3A_157, %dma_wait3A_158] : memref<32x5x50x40xi32, #tpu.memory_space<hbm>> -> memref<1x1x50x40xi32, #tpu.memory_space<hbm>>
        %dma_wait3A_160 = tpu.memref_squeeze %dma_wait3A_159 : memref<1x1x50x40xi32, #tpu.memory_space<hbm>> -> memref<50x40xi32, #tpu.memory_space<hbm>>
        tpu.wait_dma2 semaphore(%run_scoped3A : memref<!tpu.dma_semaphore, #tpu.memory_space<semaphore_mem>>) src(%dma_wait3A_160 : memref<50x40xi32, #tpu.memory_space<hbm>>) dst(%arg10 : memref<50x40xi32, #tpu.memory_space<vmem>>)
        tpu.yield
      }) : () -> ()
      %dma_start3A = arith.constant 0 : i32
      %dma_start3A_10 = arith.constant 0 : i32
      %dma_start3A_11 = tpu.memref_slice %arg9[%dma_start3A, %dma_start3A_10] : memref<50x40xi32, #tpu.memory_space<vmem>> -> memref<1x40xi32, #tpu.memory_space<vmem>>
      %dma_start3A_12 = tpu.memref_squeeze %dma_start3A_11 : memref<1x40xi32, #tpu.memory_space<vmem>> -> memref<40xi32, #tpu.memory_space<vmem>>
      %dma_start3A_13 = arith.constant 0 : i32
      %dma_start3A_14 = arith.constant 0 : i32
      %dma_start3A_15 = tpu.memref_slice %arg3[%dma_start3A_13, %dma_start3A_14] : memref<10000x16xf32, #tpu.memory_space<hbm>> -> memref<10000x16xf32, #tpu.memory_space<hbm>>
      tpu.enqueue_indirect_dma source(%dma_start3A_15 : memref<10000x16xf32, #tpu.memory_space<hbm>>) target(%arg11 : memref<40x16xf32, #tpu.memory_space<vmem>>) offsets(%dma_start3A_12 : memref<40xi32, #tpu.memory_space<vmem>>) semaphore(%arg24 : memref<!tpu.dma_semaphore, #tpu.memory_space<semaphore_mem>>)
      %dma_start3A_16 = arith.constant 0 : i32
      %dma_start3A_17 = arith.constant 0 : i32
      %dma_start3A_18 = tpu.memref_slice %arg10[%dma_start3A_16, %dma_start3A_17] : memref<50x40xi32, #tpu.memory_space<vmem>> -> memref<1x40xi32, #tpu.memory_space<vmem>>
      %dma_start3A_19 = tpu.memref_squeeze %dma_start3A_18 : memref<1x40xi32, #tpu.memory_space<vmem>> -> memref<40xi32, #tpu.memory_space<vmem>>
      %dma_start3A_20 = arith.constant 0 : i32
      %dma_start3A_21 = arith.constant 0 : i32
      %dma_start3A_22 = tpu.memref_slice %arg4[%dma_start3A_20, %dma_start3A_21] : memref<10000x16xf32, #tpu.memory_space<hbm>> -> memref<10000x16xf32, #tpu.memory_space<hbm>>
      tpu.enqueue_indirect_dma source(%dma_start3A_22 : memref<10000x16xf32, #tpu.memory_space<hbm>>) target(%arg15 : memref<40x16xf32, #tpu.memory_space<vmem>>) offsets(%dma_start3A_19 : memref<40xi32, #tpu.memory_space<vmem>>) semaphore(%arg24 : memref<!tpu.dma_semaphore, #tpu.memory_space<semaphore_mem>>)
      %dma_start3A_23 = arith.constant 0 : i32
      %dma_start3A_24 = arith.constant 0 : i32
      %dma_start3A_25 = tpu.memref_slice %arg9[%dma_start3A_23, %dma_start3A_24] : memref<50x40xi32, #tpu.memory_space<vmem>> -> memref<1x40xi32, #tpu.memory_space<vmem>>
      %dma_start3A_26 = tpu.memref_squeeze %dma_start3A_25 : memref<1x40xi32, #tpu.memory_space<vmem>> -> memref<40xi32, #tpu.memory_space<vmem>>
      %dma_start3A_27 = arith.constant 0 : i32
      %dma_start3A_28 = arith.constant 0 : i32
      %dma_start3A_29 = tpu.memref_slice %arg2[%dma_start3A_27, %dma_start3A_28] : memref<10000x144xf32, #tpu.memory_space<hbm>> -> memref<10000x144xf32, #tpu.memory_space<hbm>>
      tpu.enqueue_indirect_dma source(%dma_start3A_29 : memref<10000x144xf32, #tpu.memory_space<hbm>>) target(%arg19 : memref<40x144xf32, #tpu.memory_space<vmem>>) offsets(%dma_start3A_26 : memref<40xi32, #tpu.memory_space<vmem>>) semaphore(%arg24 : memref<!tpu.dma_semaphore, #tpu.memory_space<semaphore_mem>>)
      %scan3A_30 = arith.constant 0 : i32
      %scan3A_31 = arith.constant 0 : i32
      %scan3A_32 = arith.constant 12 : i32
      %scan3A_33 = arith.addi %scan3A_31, %scan3A_32 : i32
      %scan3A_34 = arith.constant 1 : i32
      scf.for %scan3A_145 = %scan3A_31 to %scan3A_33 step %scan3A_34  : i32 {
        %mul3A_146 = arith.constant 4 : i32
        %mul3A_147 = arith.muli %mul3A_146, %scan3A_145 : i32
        %add3A_148 = arith.constant 0 : i32
        %add3A_149 = arith.addi %mul3A_147, %add3A_148 : i32
        %gt3A = arith.constant 0 : i32
        %gt3A_150 = arith.cmpi sgt, %scan3A_145, %gt3A : i32
        %convert_element_type3A = arith.extui %gt3A_150 : i1 to i32
        %cond3A = arith.constant 0 : i32
        %cond3A_151 = arith.cmpi ne, %convert_element_type3A, %cond3A : i32
        scf.if %cond3A_151 {
          %sub3A_372 = arith.constant 2 : i32
          %sub3A_373 = arith.subi %add3A_149, %sub3A_372 : i32
          %dma_wait3A_374 = arith.constant 0 : i32
          %dma_wait3A_375 = tpu.memref_slice %arg10[%sub3A_373, %dma_wait3A_374] : memref<50x40xi32, #tpu.memory_space<vmem>> -> memref<1x40xi32, #tpu.memory_space<vmem>>
          %dma_wait3A_376 = tpu.memref_squeeze %dma_wait3A_375 : memref<1x40xi32, #tpu.memory_space<vmem>> -> memref<40xi32, #tpu.memory_space<vmem>>
          %dma_wait3A_377 = arith.constant 0 : i32
          %dma_wait3A_378 = arith.constant 0 : i32
          %dma_wait3A_379 = tpu.memref_slice %arg23[%dma_wait3A_377, %dma_wait3A_378] : memref<10112x144xf32, #tpu.memory_space<vmem_shared>> -> memref<10112x144xf32, #tpu.memory_space<vmem_shared>>
          tpu.wait_indirect_dma semaphore(%arg30 : memref<!tpu.dma_semaphore, #tpu.memory_space<semaphore_mem>>) src(%arg21 : memref<40x144xf32, #tpu.memory_space<vmem>>) dst(%dma_wait3A_379 : memref<10112x144xf32, #tpu.memory_space<vmem_shared>>)
        } else {
        }
        %add3A_152 = arith.constant 1 : i32
        %add3A_153 = arith.addi %add3A_149, %add3A_152 : i32
        %dma_start3A_154 = arith.constant 0 : i32
        %dma_start3A_155 = tpu.memref_slice %arg9[%add3A_153, %dma_start3A_154] : memref<50x40xi32, #tpu.memory_space<vmem>> -> memref<1x40xi32, #tpu.memory_space<vmem>>
        %dma_start3A_156 = tpu.memref_squeeze %dma_start3A_155 : memref<1x40xi32, #tpu.memory_space<vmem>> -> memref<40xi32, #tpu.memory_space<vmem>>
        %dma_start3A_157 = arith.constant 0 : i32
        %dma_start3A_158 = arith.constant 0 : i32
        %dma_start3A_159 = tpu.memref_slice %arg3[%dma_start3A_157, %dma_start3A_158] : memref<10000x16xf32, #tpu.memory_space<hbm>> -> memref<10000x16xf32, #tpu.memory_space<hbm>>
        tpu.enqueue_indirect_dma source(%dma_start3A_159 : memref<10000x16xf32, #tpu.memory_space<hbm>>) target(%arg12 : memref<40x16xf32, #tpu.memory_space<vmem>>) offsets(%dma_start3A_156 : memref<40xi32, #tpu.memory_space<vmem>>) semaphore(%arg25 : memref<!tpu.dma_semaphore, #tpu.memory_space<semaphore_mem>>)
        %dma_start3A_160 = arith.constant 0 : i32
        %dma_start3A_161 = tpu.memref_slice %arg10[%add3A_153, %dma_start3A_160] : memref<50x40xi32, #tpu.memory_space<vmem>> -> memref<1x40xi32, #tpu.memory_space<vmem>>
        %dma_start3A_162 = tpu.memref_squeeze %dma_start3A_161 : memref<1x40xi32, #tpu.memory_space<vmem>> -> memref<40xi32, #tpu.memory_space<vmem>>
        %dma_start3A_163 = arith.constant 0 : i32
        %dma_start3A_164 = arith.constant 0 : i32
        %dma_start3A_165 = tpu.memref_slice %arg4[%dma_start3A_163, %dma_start3A_164] : memref<10000x16xf32, #tpu.memory_space<hbm>> -> memref<10000x16xf32, #tpu.memory_space<hbm>>
        tpu.enqueue_indirect_dma source(%dma_start3A_165 : memref<10000x16xf32, #tpu.memory_space<hbm>>) target(%arg16 : memref<40x16xf32, #tpu.memory_space<vmem>>) offsets(%dma_start3A_162 : memref<40xi32, #tpu.memory_space<vmem>>) semaphore(%arg25 : memref<!tpu.dma_semaphore, #tpu.memory_space<semaphore_mem>>)
        %dma_start3A_166 = arith.constant 0 : i32
        %dma_start3A_167 = tpu.memref_slice %arg9[%add3A_153, %dma_start3A_166] : memref<50x40xi32, #tpu.memory_space<vmem>> -> memref<1x40xi32, #tpu.memory_space<vmem>>
        %dma_start3A_168 = tpu.memref_squeeze %dma_start3A_167 : memref<1x40xi32, #tpu.memory_space<vmem>> -> memref<40xi32, #tpu.memory_space<vmem>>
        %dma_start3A_169 = arith.constant 0 : i32
        %dma_start3A_170 = arith.constant 0 : i32
        %dma_start3A_171 = tpu.memref_slice %arg2[%dma_start3A_169, %dma_start3A_170] : memref<10000x144xf32, #tpu.memory_space<hbm>> -> memref<10000x144xf32, #tpu.memory_space<hbm>>
        tpu.enqueue_indirect_dma source(%dma_start3A_171 : memref<10000x144xf32, #tpu.memory_space<hbm>>) target(%arg20 : memref<40x144xf32, #tpu.memory_space<vmem>>) offsets(%dma_start3A_168 : memref<40xi32, #tpu.memory_space<vmem>>) semaphore(%arg25 : memref<!tpu.dma_semaphore, #tpu.memory_space<semaphore_mem>>)
        %dma_wait3A_172 = arith.constant 0 : i32
        %dma_wait3A_173 = tpu.memref_slice %arg9[%add3A_149, %dma_wait3A_172] : memref<50x40xi32, #tpu.memory_space<vmem>> -> memref<1x40xi32, #tpu.memory_space<vmem>>
        %dma_wait3A_174 = tpu.memref_squeeze %dma_wait3A_173 : memref<1x40xi32, #tpu.memory_space<vmem>> -> memref<40xi32, #tpu.memory_space<vmem>>
        %dma_wait3A_175 = arith.constant 0 : i32
        %dma_wait3A_176 = arith.constant 0 : i32
        %dma_wait3A_177 = tpu.memref_slice %arg3[%dma_wait3A_175, %dma_wait3A_176] : memref<10000x16xf32, #tpu.memory_space<hbm>> -> memref<10000x16xf32, #tpu.memory_space<hbm>>
        tpu.wait_indirect_dma semaphore(%arg24 : memref<!tpu.dma_semaphore, #tpu.memory_space<semaphore_mem>>) src(%dma_wait3A_177 : memref<10000x16xf32, #tpu.memory_space<hbm>>) dst(%arg11 : memref<40x16xf32, #tpu.memory_space<vmem>>)
        %dma_wait3A_178 = arith.constant 0 : i32
        %dma_wait3A_179 = tpu.memref_slice %arg10[%add3A_149, %dma_wait3A_178] : memref<50x40xi32, #tpu.memory_space<vmem>> -> memref<1x40xi32, #tpu.memory_space<vmem>>
        %dma_wait3A_180 = tpu.memref_squeeze %dma_wait3A_179 : memref<1x40xi32, #tpu.memory_space<vmem>> -> memref<40xi32, #tpu.memory_space<vmem>>
        %dma_wait3A_181 = arith.constant 0 : i32
        %dma_wait3A_182 = arith.constant 0 : i32
        %dma_wait3A_183 = tpu.memref_slice %arg4[%dma_wait3A_181, %dma_wait3A_182] : memref<10000x16xf32, #tpu.memory_space<hbm>> -> memref<10000x16xf32, #tpu.memory_space<hbm>>
        tpu.wait_indirect_dma semaphore(%arg24 : memref<!tpu.dma_semaphore, #tpu.memory_space<semaphore_mem>>) src(%dma_wait3A_183 : memref<10000x16xf32, #tpu.memory_space<hbm>>) dst(%arg15 : memref<40x16xf32, #tpu.memory_space<vmem>>)
        %dma_wait3A_184 = arith.constant 0 : i32
        %dma_wait3A_185 = tpu.memref_slice %arg9[%add3A_149, %dma_wait3A_184] : memref<50x40xi32, #tpu.memory_space<vmem>> -> memref<1x40xi32, #tpu.memory_space<vmem>>
        %dma_wait3A_186 = tpu.memref_squeeze %dma_wait3A_185 : memref<1x40xi32, #tpu.memory_space<vmem>> -> memref<40xi32, #tpu.memory_space<vmem>>
        %dma_wait3A_187 = arith.constant 0 : i32
        %dma_wait3A_188 = arith.constant 0 : i32
        %dma_wait3A_189 = tpu.memref_slice %arg2[%dma_wait3A_187, %dma_wait3A_188] : memref<10000x144xf32, #tpu.memory_space<hbm>> -> memref<10000x144xf32, #tpu.memory_space<hbm>>
        tpu.wait_indirect_dma semaphore(%arg24 : memref<!tpu.dma_semaphore, #tpu.memory_space<semaphore_mem>>) src(%dma_wait3A_189 : memref<10000x144xf32, #tpu.memory_space<hbm>>) dst(%arg19 : memref<40x144xf32, #tpu.memory_space<vmem>>)
        %parallel_loop3A_190 = arith.constant 0 : i32
        %parallel_loop3A_191 = arith.constant 40 : i32
        %parallel_loop3A_192 = arith.constant 1 : i32
        scf.for %parallel_loop3A_372 = %parallel_loop3A_190 to %parallel_loop3A_191 step %parallel_loop3A_192  : i32 {
          %parallel_loop3A_373 = arith.index_cast %parallel_loop3A_372 : i32 to index
          %parallel_loop3A_374 = arith.constant 0 : index
          %parallel_loop3A_375 = tpu.vector_load %arg11[%parallel_loop3A_373, %parallel_loop3A_374] {strides = array<i32>} : memref<40x16xf32, #tpu.memory_space<vmem>>, vector<1x16xf32>,
          %parallel_loop3A_376 = vector.shape_cast %parallel_loop3A_375 : vector<1x16xf32> to vector<16xf32>
          %parallel_loop3A_377 = arith.index_cast %parallel_loop3A_372 : i32 to index
          %parallel_loop3A_378 = arith.constant 0 : index
          %parallel_loop3A_379 = tpu.vector_load %arg15[%parallel_loop3A_377, %parallel_loop3A_378] {strides = array<i32>} : memref<40x16xf32, #tpu.memory_space<vmem>>, vector<1x16xf32>,
          %parallel_loop3A_380 = vector.shape_cast %parallel_loop3A_379 : vector<1x16xf32> to vector<16xf32>
          %parallel_loop3A_381 = arith.addf %parallel_loop3A_376, %parallel_loop3A_380 : vector<16xf32>
          %parallel_loop3A_382 = arith.constant 2.000000e-01 : f32
          %parallel_loop3A_383 = vector.broadcast %parallel_loop3A_382 : f32 to vector<16xf32>
          %parallel_loop3A_384 = arith.mulf %parallel_loop3A_381, %parallel_loop3A_383 : vector<16xf32>
          %parallel_loop3A_385 = arith.maximumf %parallel_loop3A_381, %parallel_loop3A_384 : vector<16xf32>
          %parallel_loop3A_386 = math.exp %parallel_loop3A_385 : vector<16xf32>
          %parallel_loop3A_387 = arith.index_cast %parallel_loop3A_372 : i32 to index
          %parallel_loop3A_388 = arith.constant 128 : index
          %parallel_loop3A_389 = tpu.vector_load %arg19[%parallel_loop3A_387, %parallel_loop3A_388] {strides = array<i32>} : memref<40x144xf32, #tpu.memory_space<vmem>>, vector<1x16xf32>,
          %parallel_loop3A_390 = vector.shape_cast %parallel_loop3A_389 : vector<1x16xf32> to vector<16xf32>
          %parallel_loop3A_391 = vector.shape_cast %parallel_loop3A_386 : vector<16xf32> to vector<1x16xf32>
          tpu.vector_store %arg19[%parallel_loop3A_387, %parallel_loop3A_388], %parallel_loop3A_391 {strides = array<i32>} : memref<40x144xf32, #tpu.memory_space<vmem>>, vector<1x16xf32>,
          %parallel_loop3A_392 = vector.extract_strided_slice %parallel_loop3A_386 {offsets = [0], sizes = [1], strides = [1]} : vector<16xf32> to vector<1xf32>
          %parallel_loop3A_393 = vector.extract %parallel_loop3A_392[0] : f32 from vector<1xf32>
          %parallel_loop3A_394 = vector.broadcast %parallel_loop3A_393 : f32 to vector<16xf32>
          %parallel_loop3A_395 = arith.index_cast %parallel_loop3A_372 : i32 to index
          %parallel_loop3A_396 = arith.constant 0 : index
          %parallel_loop3A_397 = tpu.vector_load %arg19[%parallel_loop3A_395, %parallel_loop3A_396] {strides = array<i32>} : memref<40x144xf32, #tpu.memory_space<vmem>>, vector<1x16xf32>,
          %parallel_loop3A_398 = vector.shape_cast %parallel_loop3A_397 : vector<1x16xf32> to vector<16xf32>
          %parallel_loop3A_399 = arith.mulf %parallel_loop3A_398, %parallel_loop3A_394 : vector<16xf32>
          %parallel_loop3A_400 = arith.index_cast %parallel_loop3A_372 : i32 to index
          %parallel_loop3A_401 = arith.constant 0 : index
          %parallel_loop3A_402 = tpu.vector_load %arg19[%parallel_loop3A_400, %parallel_loop3A_401] {strides = array<i32>} : memref<40x144xf32, #tpu.memory_space<vmem>>, vector<1x16xf32>,
          %parallel_loop3A_403 = vector.shape_cast %parallel_loop3A_402 : vector<1x16xf32> to vector<16xf32>
          %parallel_loop3A_404 = vector.shape_cast %parallel_loop3A_399 : vector<16xf32> to vector<1x16xf32>
          tpu.vector_store %arg19[%parallel_loop3A_400, %parallel_loop3A_401], %parallel_loop3A_404 {strides = array<i32>} : memref<40x144xf32, #tpu.memory_space<vmem>>, vector<1x16xf32>,
          %parallel_loop3A_405 = vector.extract_strided_slice %parallel_loop3A_386 {offsets = [1], sizes = [1], strides = [1]} : vector<16xf32> to vector<1xf32>
          %parallel_loop3A_406 = vector.extract %parallel_loop3A_405[0] : f32 from vector<1xf32>
          %parallel_loop3A_407 = vector.broadcast %parallel_loop3A_406 : f32 to vector<16xf32>
          %parallel_loop3A_408 = arith.index_cast %parallel_loop3A_372 : i32 to index
          %parallel_loop3A_409 = arith.constant 16 : index
          %parallel_loop3A_410 = tpu.vector_load %arg19[%parallel_loop3A_408, %parallel_loop3A_409] {strides = array<i32>} : memref<40x144xf32, #tpu.memory_space<vmem>>, vector<1x16xf32>,
          %parallel_loop3A_411 = vector.shape_cast %parallel_loop3A_410 : vector<1x16xf32> to vector<16xf32>
          %parallel_loop3A_412 = arith.mulf %parallel_loop3A_411, %parallel_loop3A_407 : vector<16xf32>
          %parallel_loop3A_413 = arith.index_cast %parallel_loop3A_372 : i32 to index
          %parallel_loop3A_414 = arith.constant 16 : index
          %parallel_loop3A_415 = tpu.vector_load %arg19[%parallel_loop3A_413, %parallel_loop3A_414] {strides = array<i32>} : memref<40x144xf32, #tpu.memory_space<vmem>>, vector<1x16xf32>,
          %parallel_loop3A_416 = vector.shape_cast %parallel_loop3A_415 : vector<1x16xf32> to vector<16xf32>
          %parallel_loop3A_417 = vector.shape_cast %parallel_loop3A_412 : vector<16xf32> to vector<1x16xf32>
          tpu.vector_store %arg19[%parallel_loop3A_413, %parallel_loop3A_414], %parallel_loop3A_417 {strides = array<i32>} : memref<40x144xf32, #tpu.memory_space<vmem>>, vector<1x16xf32>,
          %parallel_loop3A_418 = vector.extract_strided_slice %parallel_loop3A_386 {offsets = [2], sizes = [1], strides = [1]} : vector<16xf32> to vector<1xf32>
          %parallel_loop3A_419 = vector.extract %parallel_loop3A_418[0] : f32 from vector<1xf32>
          %parallel_loop3A_420 = vector.broadcast %parallel_loop3A_419 : f32 to vector<16xf32>
          %parallel_loop3A_421 = arith.index_cast %parallel_loop3A_372 : i32 to index
          %parallel_loop3A_422 = arith.constant 32 : index
          %parallel_loop3A_423 = tpu.vector_load %arg19[%parallel_loop3A_421, %parallel_loop3A_422] {strides = array<i32>} : memref<40x144xf32, #tpu.memory_space<vmem>>, vector<1x16xf32>,
          %parallel_loop3A_424 = vector.shape_cast %parallel_loop3A_423 : vector<1x16xf32> to vector<16xf32>
          %parallel_loop3A_425 = arith.mulf %parallel_loop3A_424, %parallel_loop3A_420 : vector<16xf32>
          %parallel_loop3A_426 = arith.index_cast %parallel_loop3A_372 : i32 to index
          %parallel_loop3A_427 = arith.constant 32 : index
          %parallel_loop3A_428 = tpu.vector_load %arg19[%parallel_loop3A_426, %parallel_loop3A_427] {strides = array<i32>} : memref<40x144xf32, #tpu.memory_space<vmem>>, vector<1x16xf32>,
          %parallel_loop3A_429 = vector.shape_cast %parallel_loop3A_428 : vector<1x16xf32> to vector<16xf32>
          %parallel_loop3A_430 = vector.shape_cast %parallel_loop3A_425 : vector<16xf32> to vector<1x16xf32>
          tpu.vector_store %arg19[%parallel_loop3A_426, %parallel_loop3A_427], %parallel_loop3A_430 {strides = array<i32>} : memref<40x144xf32, #tpu.memory_space<vmem>>, vector<1x16xf32>,
          %parallel_loop3A_431 = vector.extract_strided_slice %parallel_loop3A_386 {offsets = [3], sizes = [1], strides = [1]} : vector<16xf32> to vector<1xf32>
          %parallel_loop3A_432 = vector.extract %parallel_loop3A_431[0] : f32 from vector<1xf32>
          %parallel_loop3A_433 = vector.broadcast %parallel_loop3A_432 : f32 to vector<16xf32>
          %parallel_loop3A_434 = arith.index_cast %parallel_loop3A_372 : i32 to index
          %parallel_loop3A_435 = arith.constant 48 : index
          %parallel_loop3A_436 = tpu.vector_load %arg19[%parallel_loop3A_434, %parallel_loop3A_435] {strides = array<i32>} : memref<40x144xf32, #tpu.memory_space<vmem>>, vector<1x16xf32>,
          %parallel_loop3A_437 = vector.shape_cast %parallel_loop3A_436 : vector<1x16xf32> to vector<16xf32>
          %parallel_loop3A_438 = arith.mulf %parallel_loop3A_437, %parallel_loop3A_433 : vector<16xf32>
          %parallel_loop3A_439 = arith.index_cast %parallel_loop3A_372 : i32 to index
          %parallel_loop3A_440 = arith.constant 48 : index
          %parallel_loop3A_441 = tpu.vector_load %arg19[%parallel_loop3A_439, %parallel_loop3A_440] {strides = array<i32>} : memref<40x144xf32, #tpu.memory_space<vmem>>, vector<1x16xf32>,
          %parallel_loop3A_442 = vector.shape_cast %parallel_loop3A_441 : vector<1x16xf32> to vector<16xf32>
          %parallel_loop3A_443 = vector.shape_cast %parallel_loop3A_438 : vector<16xf32> to vector<1x16xf32>
          tpu.vector_store %arg19[%parallel_loop3A_439, %parallel_loop3A_440], %parallel_loop3A_443 {strides = array<i32>} : memref<40x144xf32, #tpu.memory_space<vmem>>, vector<1x16xf32>,
          %parallel_loop3A_444 = vector.extract_strided_slice %parallel_loop3A_386 {offsets = [4], sizes = [1], strides = [1]} : vector<16xf32> to vector<1xf32>
          %parallel_loop3A_445 = vector.extract %parallel_loop3A_444[0] : f32 from vector<1xf32>
          %parallel_loop3A_446 = vector.broadcast %parallel_loop3A_445 : f32 to vector<16xf32>
          %parallel_loop3A_447 = arith.index_cast %parallel_loop3A_372 : i32 to index
          %parallel_loop3A_448 = arith.constant 64 : index
          %parallel_loop3A_449 = tpu.vector_load %arg19[%parallel_loop3A_447, %parallel_loop3A_448] {strides = array<i32>} : memref<40x144xf32, #tpu.memory_space<vmem>>, vector<1x16xf32>,
          %parallel_loop3A_450 = vector.shape_cast %parallel_loop3A_449 : vector<1x16xf32> to vector<16xf32>
          %parallel_loop3A_451 = arith.mulf %parallel_loop3A_450, %parallel_loop3A_446 : vector<16xf32>
          %parallel_loop3A_452 = arith.index_cast %parallel_loop3A_372 : i32 to index
          %parallel_loop3A_453 = arith.constant 64 : index
          %parallel_loop3A_454 = tpu.vector_load %arg19[%parallel_loop3A_452, %parallel_loop3A_453] {strides = array<i32>} : memref<40x144xf32, #tpu.memory_space<vmem>>, vector<1x16xf32>,
          %parallel_loop3A_455 = vector.shape_cast %parallel_loop3A_454 : vector<1x16xf32> to vector<16xf32>
          %parallel_loop3A_456 = vector.shape_cast %parallel_loop3A_451 : vector<16xf32> to vector<1x16xf32>
          tpu.vector_store %arg19[%parallel_loop3A_452, %parallel_loop3A_453], %parallel_loop3A_456 {strides = array<i32>} : memref<40x144xf32, #tpu.memory_space<vmem>>, vector<1x16xf32>,
          %parallel_loop3A_457 = vector.extract_strided_slice %parallel_loop3A_386 {offsets = [5], sizes = [1], strides = [1]} : vector<16xf32> to vector<1xf32>
          %parallel_loop3A_458 = vector.extract %parallel_loop3A_457[0] : f32 from vector<1xf32>
          %parallel_loop3A_459 = vector.broadcast %parallel_loop3A_458 : f32 to vector<16xf32>
          %parallel_loop3A_460 = arith.index_cast %parallel_loop3A_372 : i32 to index
          %parallel_loop3A_461 = arith.constant 80 : index
          %parallel_loop3A_462 = tpu.vector_load %arg19[%parallel_loop3A_460, %parallel_loop3A_461] {strides = array<i32>} : memref<40x144xf32, #tpu.memory_space<vmem>>, vector<1x16xf32>,
          %parallel_loop3A_463 = vector.shape_cast %parallel_loop3A_462 : vector<1x16xf32> to vector<16xf32>
          %parallel_loop3A_464 = arith.mulf %parallel_loop3A_463, %parallel_loop3A_459 : vector<16xf32>
          %parallel_loop3A_465 = arith.index_cast %parallel_loop3A_372 : i32 to index
          %parallel_loop3A_466 = arith.constant 80 : index
          %parallel_loop3A_467 = tpu.vector_load %arg19[%parallel_loop3A_465, %parallel_loop3A_466] {strides = array<i32>} : memref<40x144xf32, #tpu.memory_space<vmem>>, vector<1x16xf32>,
          %parallel_loop3A_468 = vector.shape_cast %parallel_loop3A_467 : vector<1x16xf32> to vector<16xf32>
          %parallel_loop3A_469 = vector.shape_cast %parallel_loop3A_464 : vector<16xf32> to vector<1x16xf32>
          tpu.vector_store %arg19[%parallel_loop3A_465, %parallel_loop3A_466], %parallel_loop3A_469 {strides = array<i32>} : memref<40x144xf32, #tpu.memory_space<vmem>>, vector<1x16xf32>,
          %parallel_loop3A_470 = vector.extract_strided_slice %parallel_loop3A_386 {offsets = [6], sizes = [1], strides = [1]} : vector<16xf32> to vector<1xf32>
          %parallel_loop3A_471 = vector.extract %parallel_loop3A_470[0] : f32 from vector<1xf32>
          %parallel_loop3A_472 = vector.broadcast %parallel_loop3A_471 : f32 to vector<16xf32>
          %parallel_loop3A_473 = arith.index_cast %parallel_loop3A_372 : i32 to index
          %parallel_loop3A_474 = arith.constant 96 : index
          %parallel_loop3A_475 = tpu.vector_load %arg19[%parallel_loop3A_473, %parallel_loop3A_474] {strides = array<i32>} : memref<40x144xf32, #tpu.memory_space<vmem>>, vector<1x16xf32>,
          %parallel_loop3A_476 = vector.shape_cast %parallel_loop3A_475 : vector<1x16xf32> to vector<16xf32>
          %parallel_loop3A_477 = arith.mulf %parallel_loop3A_476, %parallel_loop3A_472 : vector<16xf32>
          %parallel_loop3A_478 = arith.index_cast %parallel_loop3A_372 : i32 to index
          %parallel_loop3A_479 = arith.constant 96 : index
          %parallel_loop3A_480 = tpu.vector_load %arg19[%parallel_loop3A_478, %parallel_loop3A_479] {strides = array<i32>} : memref<40x144xf32, #tpu.memory_space<vmem>>, vector<1x16xf32>,
          %parallel_loop3A_481 = vector.shape_cast %parallel_loop3A_480 : vector<1x16xf32> to vector<16xf32>
          %parallel_loop3A_482 = vector.shape_cast %parallel_loop3A_477 : vector<16xf32> to vector<1x16xf32>
          tpu.vector_store %arg19[%parallel_loop3A_478, %parallel_loop3A_479], %parallel_loop3A_482 {strides = array<i32>} : memref<40x144xf32, #tpu.memory_space<vmem>>, vector<1x16xf32>,
          %parallel_loop3A_483 = vector.extract_strided_slice %parallel_loop3A_386 {offsets = [7], sizes = [1], strides = [1]} : vector<16xf32> to vector<1xf32>
          %parallel_loop3A_484 = vector.extract %parallel_loop3A_483[0] : f32 from vector<1xf32>
          %parallel_loop3A_485 = vector.broadcast %parallel_loop3A_484 : f32 to vector<16xf32>
          %parallel_loop3A_486 = arith.index_cast %parallel_loop3A_372 : i32 to index
          %parallel_loop3A_487 = arith.constant 112 : index
          %parallel_loop3A_488 = tpu.vector_load %arg19[%parallel_loop3A_486, %parallel_loop3A_487] {strides = array<i32>} : memref<40x144xf32, #tpu.memory_space<vmem>>, vector<1x16xf32>,
          %parallel_loop3A_489 = vector.shape_cast %parallel_loop3A_488 : vector<1x16xf32> to vector<16xf32>
          %parallel_loop3A_490 = arith.mulf %parallel_loop3A_489, %parallel_loop3A_485 : vector<16xf32>
          %parallel_loop3A_491 = arith.index_cast %parallel_loop3A_372 : i32 to index
          %parallel_loop3A_492 = arith.constant 112 : index
          %parallel_loop3A_493 = tpu.vector_load %arg19[%parallel_loop3A_491, %parallel_loop3A_492] {strides = array<i32>} : memref<40x144xf32, #tpu.memory_space<vmem>>, vector<1x16xf32>,
          %parallel_loop3A_494 = vector.shape_cast %parallel_loop3A_493 : vector<1x16xf32> to vector<16xf32>
          %parallel_loop3A_495 = vector.shape_cast %parallel_loop3A_490 : vector<16xf32> to vector<1x16xf32>
          tpu.vector_store %arg19[%parallel_loop3A_491, %parallel_loop3A_492], %parallel_loop3A_495 {strides = array<i32>} : memref<40x144xf32, #tpu.memory_space<vmem>>, vector<1x16xf32>,
        } {sc.loop_unroll_factor = 2 : i64, sc.parallel_access}
        %dma_start3A_193 = arith.constant 0 : i32
        %dma_start3A_194 = tpu.memref_slice %arg10[%add3A_149, %dma_start3A_193] : memref<50x40xi32, #tpu.memory_space<vmem>> -> memref<1x40xi32, #tpu.memory_space<vmem>>
        %dma_start3A_195 = tpu.memref_squeeze %dma_start3A_194 : memref<1x40xi32, #tpu.memory_space<vmem>> -> memref<40xi32, #tpu.memory_space<vmem>>
        %dma_start3A_196 = arith.constant 0 : i32
        %dma_start3A_197 = arith.constant 0 : i32
        %dma_start3A_198 = tpu.memref_slice %arg23[%dma_start3A_196, %dma_start3A_197] : memref<10112x144xf32, #tpu.memory_space<vmem_shared>> -> memref<10112x144xf32, #tpu.memory_space<vmem_shared>>
        tpu.enqueue_indirect_dma source(%arg19 : memref<40x144xf32, #tpu.memory_space<vmem>>) target(%dma_start3A_198 : memref<10112x144xf32, #tpu.memory_space<vmem_shared>>) offsets(%dma_start3A_195 : memref<40xi32, #tpu.memory_space<vmem>>) semaphore(%arg28 : memref<!tpu.dma_semaphore, #tpu.memory_space<semaphore_mem>>) {add = true}
        %mul3A_199 = arith.constant 4 : i32
        %mul3A_200 = arith.muli %mul3A_199, %scan3A_145 : i32
        %add3A_201 = arith.constant 1 : i32
        %add3A_202 = arith.addi %mul3A_200, %add3A_201 : i32
        %gt3A_203 = arith.constant 0 : i32
        %gt3A_204 = arith.cmpi sgt, %scan3A_145, %gt3A_203 : i32
        %convert_element_type3A_205 = arith.extui %gt3A_204 : i1 to i32
        %cond3A_206 = arith.constant 0 : i32
        %cond3A_207 = arith.cmpi ne, %convert_element_type3A_205, %cond3A_206 : i32
        scf.if %cond3A_207 {
          %sub3A_372 = arith.constant 2 : i32
          %sub3A_373 = arith.subi %add3A_202, %sub3A_372 : i32
          %dma_wait3A_374 = arith.constant 0 : i32
          %dma_wait3A_375 = tpu.memref_slice %arg10[%sub3A_373, %dma_wait3A_374] : memref<50x40xi32, #tpu.memory_space<vmem>> -> memref<1x40xi32, #tpu.memory_space<vmem>>
          %dma_wait3A_376 = tpu.memref_squeeze %dma_wait3A_375 : memref<1x40xi32, #tpu.memory_space<vmem>> -> memref<40xi32, #tpu.memory_space<vmem>>
          %dma_wait3A_377 = arith.constant 0 : i32
          %dma_wait3A_378 = arith.constant 0 : i32
          %dma_wait3A_379 = tpu.memref_slice %arg23[%dma_wait3A_377, %dma_wait3A_378] : memref<10112x144xf32, #tpu.memory_space<vmem_shared>> -> memref<10112x144xf32, #tpu.memory_space<vmem_shared>>
          tpu.wait_indirect_dma semaphore(%arg31 : memref<!tpu.dma_semaphore, #tpu.memory_space<semaphore_mem>>) src(%arg22 : memref<40x144xf32, #tpu.memory_space<vmem>>) dst(%dma_wait3A_379 : memref<10112x144xf32, #tpu.memory_space<vmem_shared>>)
        } else {
        }
        %add3A_208 = arith.constant 1 : i32
        %add3A_209 = arith.addi %add3A_202, %add3A_208 : i32
        %dma_start3A_210 = arith.constant 0 : i32
        %dma_start3A_211 = tpu.memref_slice %arg9[%add3A_209, %dma_start3A_210] : memref<50x40xi32, #tpu.memory_space<vmem>> -> memref<1x40xi32, #tpu.memory_space<vmem>>
        %dma_start3A_212 = tpu.memref_squeeze %dma_start3A_211 : memref<1x40xi32, #tpu.memory_space<vmem>> -> memref<40xi32, #tpu.memory_space<vmem>>
        %dma_start3A_213 = arith.constant 0 : i32
        %dma_start3A_214 = arith.constant 0 : i32
        %dma_start3A_215 = tpu.memref_slice %arg3[%dma_start3A_213, %dma_start3A_214] : memref<10000x16xf32, #tpu.memory_space<hbm>> -> memref<10000x16xf32, #tpu.memory_space<hbm>>
        tpu.enqueue_indirect_dma source(%dma_start3A_215 : memref<10000x16xf32, #tpu.memory_space<hbm>>) target(%arg13 : memref<40x16xf32, #tpu.memory_space<vmem>>) offsets(%dma_start3A_212 : memref<40xi32, #tpu.memory_space<vmem>>) semaphore(%arg26 : memref<!tpu.dma_semaphore, #tpu.memory_space<semaphore_mem>>)
        %dma_start3A_216 = arith.constant 0 : i32
        %dma_start3A_217 = tpu.memref_slice %arg10[%add3A_209, %dma_start3A_216] : memref<50x40xi32, #tpu.memory_space<vmem>> -> memref<1x40xi32, #tpu.memory_space<vmem>>
        %dma_start3A_218 = tpu.memref_squeeze %dma_start3A_217 : memref<1x40xi32, #tpu.memory_space<vmem>> -> memref<40xi32, #tpu.memory_space<vmem>>
        %dma_start3A_219 = arith.constant 0 : i32
        %dma_start3A_220 = arith.constant 0 : i32
        %dma_start3A_221 = tpu.memref_slice %arg4[%dma_start3A_219, %dma_start3A_220] : memref<10000x16xf32, #tpu.memory_space<hbm>> -> memref<10000x16xf32, #tpu.memory_space<hbm>>
        tpu.enqueue_indirect_dma source(%dma_start3A_221 : memref<10000x16xf32, #tpu.memory_space<hbm>>) target(%arg17 : memref<40x16xf32, #tpu.memory_space<vmem>>) offsets(%dma_start3A_218 : memref<40xi32, #tpu.memory_space<vmem>>) semaphore(%arg26 : memref<!tpu.dma_semaphore, #tpu.memory_space<semaphore_mem>>)
        %dma_start3A_222 = arith.constant 0 : i32
        %dma_start3A_223 = tpu.memref_slice %arg9[%add3A_209, %dma_start3A_222] : memref<50x40xi32, #tpu.memory_space<vmem>> -> memref<1x40xi32, #tpu.memory_space<vmem>>
        %dma_start3A_224 = tpu.memref_squeeze %dma_start3A_223 : memref<1x40xi32, #tpu.memory_space<vmem>> -> memref<40xi32, #tpu.memory_space<vmem>>
        %dma_start3A_225 = arith.constant 0 : i32
        %dma_start3A_226 = arith.constant 0 : i32
        %dma_start3A_227 = tpu.memref_slice %arg2[%dma_start3A_225, %dma_start3A_226] : memref<10000x144xf32, #tpu.memory_space<hbm>> -> memref<10000x144xf32, #tpu.memory_space<hbm>>
        tpu.enqueue_indirect_dma source(%dma_start3A_227 : memref<10000x144xf32, #tpu.memory_space<hbm>>) target(%arg21 : memref<40x144xf32, #tpu.memory_space<vmem>>) offsets(%dma_start3A_224 : memref<40xi32, #tpu.memory_space<vmem>>) semaphore(%arg26 : memref<!tpu.dma_semaphore, #tpu.memory_space<semaphore_mem>>)
        %dma_wait3A_228 = arith.constant 0 : i32
        %dma_wait3A_229 = tpu.memref_slice %arg9[%add3A_202, %dma_wait3A_228] : memref<50x40xi32, #tpu.memory_space<vmem>> -> memref<1x40xi32, #tpu.memory_space<vmem>>
        %dma_wait3A_230 = tpu.memref_squeeze %dma_wait3A_229 : memref<1x40xi32, #tpu.memory_space<vmem>> -> memref<40xi32, #tpu.memory_space<vmem>>
        %dma_wait3A_231 = arith.constant 0 : i32
        %dma_wait3A_232 = arith.constant 0 : i32
        %dma_wait3A_233 = tpu.memref_slice %arg3[%dma_wait3A_231, %dma_wait3A_232] : memref<10000x16xf32, #tpu.memory_space<hbm>> -> memref<10000x16xf32, #tpu.memory_space<hbm>>
        tpu.wait_indirect_dma semaphore(%arg25 : memref<!tpu.dma_semaphore, #tpu.memory_space<semaphore_mem>>) src(%dma_wait3A_233 : memref<10000x16xf32, #tpu.memory_space<hbm>>) dst(%arg12 : memref<40x16xf32, #tpu.memory_space<vmem>>)
        %dma_wait3A_234 = arith.constant 0 : i32
        %dma_wait3A_235 = tpu.memref_slice %arg10[%add3A_202, %dma_wait3A_234] : memref<50x40xi32, #tpu.memory_space<vmem>> -> memref<1x40xi32, #tpu.memory_space<vmem>>
        %dma_wait3A_236 = tpu.memref_squeeze %dma_wait3A_235 : memref<1x40xi32, #tpu.memory_space<vmem>> -> memref<40xi32, #tpu.memory_space<vmem>>
        %dma_wait3A_237 = arith.constant 0 : i32
        %dma_wait3A_238 = arith.constant 0 : i32
        %dma_wait3A_239 = tpu.memref_slice %arg4[%dma_wait3A_237, %dma_wait3A_238] : memref<10000x16xf32, #tpu.memory_space<hbm>> -> memref<10000x16xf32, #tpu.memory_space<hbm>>
        tpu.wait_indirect_dma semaphore(%arg25 : memref<!tpu.dma_semaphore, #tpu.memory_space<semaphore_mem>>) src(%dma_wait3A_239 : memref<10000x16xf32, #tpu.memory_space<hbm>>) dst(%arg16 : memref<40x16xf32, #tpu.memory_space<vmem>>)
        %dma_wait3A_240 = arith.constant 0 : i32
        %dma_wait3A_241 = tpu.memref_slice %arg9[%add3A_202, %dma_wait3A_240] : memref<50x40xi32, #tpu.memory_space<vmem>> -> memref<1x40xi32, #tpu.memory_space<vmem>>
        %dma_wait3A_242 = tpu.memref_squeeze %dma_wait3A_241 : memref<1x40xi32, #tpu.memory_space<vmem>> -> memref<40xi32, #tpu.memory_space<vmem>>
        %dma_wait3A_243 = arith.constant 0 : i32
        %dma_wait3A_244 = arith.constant 0 : i32
        %dma_wait3A_245 = tpu.memref_slice %arg2[%dma_wait3A_243, %dma_wait3A_244] : memref<10000x144xf32, #tpu.memory_space<hbm>> -> memref<10000x144xf32, #tpu.memory_space<hbm>>
        tpu.wait_indirect_dma semaphore(%arg25 : memref<!tpu.dma_semaphore, #tpu.memory_space<semaphore_mem>>) src(%dma_wait3A_245 : memref<10000x144xf32, #tpu.memory_space<hbm>>) dst(%arg20 : memref<40x144xf32, #tpu.memory_space<vmem>>)
        %parallel_loop3A_246 = arith.constant 0 : i32
        %parallel_loop3A_247 = arith.constant 40 : i32
        %parallel_loop3A_248 = arith.constant 1 : i32
        scf.for %parallel_loop3A_372 = %parallel_loop3A_246 to %parallel_loop3A_247 step %parallel_loop3A_248  : i32 {
          %parallel_loop3A_373 = arith.index_cast %parallel_loop3A_372 : i32 to index
          %parallel_loop3A_374 = arith.constant 0 : index
          %parallel_loop3A_375 = tpu.vector_load %arg12[%parallel_loop3A_373, %parallel_loop3A_374] {strides = array<i32>} : memref<40x16xf32, #tpu.memory_space<vmem>>, vector<1x16xf32>,
          %parallel_loop3A_376 = vector.shape_cast %parallel_loop3A_375 : vector<1x16xf32> to vector<16xf32>
          %parallel_loop3A_377 = arith.index_cast %parallel_loop3A_372 : i32 to index
          %parallel_loop3A_378 = arith.constant 0 : index
          %parallel_loop3A_379 = tpu.vector_load %arg16[%parallel_loop3A_377, %parallel_loop3A_378] {strides = array<i32>} : memref<40x16xf32, #tpu.memory_space<vmem>>, vector<1x16xf32>,
          %parallel_loop3A_380 = vector.shape_cast %parallel_loop3A_379 : vector<1x16xf32> to vector<16xf32>
          %parallel_loop3A_381 = arith.addf %parallel_loop3A_376, %parallel_loop3A_380 : vector<16xf32>
          %parallel_loop3A_382 = arith.constant 2.000000e-01 : f32
          %parallel_loop3A_383 = vector.broadcast %parallel_loop3A_382 : f32 to vector<16xf32>
          %parallel_loop3A_384 = arith.mulf %parallel_loop3A_381, %parallel_loop3A_383 : vector<16xf32>
          %parallel_loop3A_385 = arith.maximumf %parallel_loop3A_381, %parallel_loop3A_384 : vector<16xf32>
          %parallel_loop3A_386 = math.exp %parallel_loop3A_385 : vector<16xf32>
          %parallel_loop3A_387 = arith.index_cast %parallel_loop3A_372 : i32 to index
          %parallel_loop3A_388 = arith.constant 128 : index
          %parallel_loop3A_389 = tpu.vector_load %arg20[%parallel_loop3A_387, %parallel_loop3A_388] {strides = array<i32>} : memref<40x144xf32, #tpu.memory_space<vmem>>, vector<1x16xf32>,
          %parallel_loop3A_390 = vector.shape_cast %parallel_loop3A_389 : vector<1x16xf32> to vector<16xf32>
          %parallel_loop3A_391 = vector.shape_cast %parallel_loop3A_386 : vector<16xf32> to vector<1x16xf32>
          tpu.vector_store %arg20[%parallel_loop3A_387, %parallel_loop3A_388], %parallel_loop3A_391 {strides = array<i32>} : memref<40x144xf32, #tpu.memory_space<vmem>>, vector<1x16xf32>,
          %parallel_loop3A_392 = vector.extract_strided_slice %parallel_loop3A_386 {offsets = [0], sizes = [1], strides = [1]} : vector<16xf32> to vector<1xf32>
          %parallel_loop3A_393 = vector.extract %parallel_loop3A_392[0] : f32 from vector<1xf32>
          %parallel_loop3A_394 = vector.broadcast %parallel_loop3A_393 : f32 to vector<16xf32>
          %parallel_loop3A_395 = arith.index_cast %parallel_loop3A_372 : i32 to index
          %parallel_loop3A_396 = arith.constant 0 : index
          %parallel_loop3A_397 = tpu.vector_load %arg20[%parallel_loop3A_395, %parallel_loop3A_396] {strides = array<i32>} : memref<40x144xf32, #tpu.memory_space<vmem>>, vector<1x16xf32>,
          %parallel_loop3A_398 = vector.shape_cast %parallel_loop3A_397 : vector<1x16xf32> to vector<16xf32>
          %parallel_loop3A_399 = arith.mulf %parallel_loop3A_398, %parallel_loop3A_394 : vector<16xf32>
          %parallel_loop3A_400 = arith.index_cast %parallel_loop3A_372 : i32 to index
          %parallel_loop3A_401 = arith.constant 0 : index
          %parallel_loop3A_402 = tpu.vector_load %arg20[%parallel_loop3A_400, %parallel_loop3A_401] {strides = array<i32>} : memref<40x144xf32, #tpu.memory_space<vmem>>, vector<1x16xf32>,
          %parallel_loop3A_403 = vector.shape_cast %parallel_loop3A_402 : vector<1x16xf32> to vector<16xf32>
          %parallel_loop3A_404 = vector.shape_cast %parallel_loop3A_399 : vector<16xf32> to vector<1x16xf32>
          tpu.vector_store %arg20[%parallel_loop3A_400, %parallel_loop3A_401], %parallel_loop3A_404 {strides = array<i32>} : memref<40x144xf32, #tpu.memory_space<vmem>>, vector<1x16xf32>,
          %parallel_loop3A_405 = vector.extract_strided_slice %parallel_loop3A_386 {offsets = [1], sizes = [1], strides = [1]} : vector<16xf32> to vector<1xf32>
          %parallel_loop3A_406 = vector.extract %parallel_loop3A_405[0] : f32 from vector<1xf32>
          %parallel_loop3A_407 = vector.broadcast %parallel_loop3A_406 : f32 to vector<16xf32>
          %parallel_loop3A_408 = arith.index_cast %parallel_loop3A_372 : i32 to index
          %parallel_loop3A_409 = arith.constant 16 : index
          %parallel_loop3A_410 = tpu.vector_load %arg20[%parallel_loop3A_408, %parallel_loop3A_409] {strides = array<i32>} : memref<40x144xf32, #tpu.memory_space<vmem>>, vector<1x16xf32>,
          %parallel_loop3A_411 = vector.shape_cast %parallel_loop3A_410 : vector<1x16xf32> to vector<16xf32>
          %parallel_loop3A_412 = arith.mulf %parallel_loop3A_411, %parallel_loop3A_407 : vector<16xf32>
          %parallel_loop3A_413 = arith.index_cast %parallel_loop3A_372 : i32 to index
          %parallel_loop3A_414 = arith.constant 16 : index
          %parallel_loop3A_415 = tpu.vector_load %arg20[%parallel_loop3A_413, %parallel_loop3A_414] {strides = array<i32>} : memref<40x144xf32, #tpu.memory_space<vmem>>, vector<1x16xf32>,
          %parallel_loop3A_416 = vector.shape_cast %parallel_loop3A_415 : vector<1x16xf32> to vector<16xf32>
          %parallel_loop3A_417 = vector.shape_cast %parallel_loop3A_412 : vector<16xf32> to vector<1x16xf32>
          tpu.vector_store %arg20[%parallel_loop3A_413, %parallel_loop3A_414], %parallel_loop3A_417 {strides = array<i32>} : memref<40x144xf32, #tpu.memory_space<vmem>>, vector<1x16xf32>,
          %parallel_loop3A_418 = vector.extract_strided_slice %parallel_loop3A_386 {offsets = [2], sizes = [1], strides = [1]} : vector<16xf32> to vector<1xf32>
          %parallel_loop3A_419 = vector.extract %parallel_loop3A_418[0] : f32 from vector<1xf32>
          %parallel_loop3A_420 = vector.broadcast %parallel_loop3A_419 : f32 to vector<16xf32>
          %parallel_loop3A_421 = arith.index_cast %parallel_loop3A_372 : i32 to index
          %parallel_loop3A_422 = arith.constant 32 : index
          %parallel_loop3A_423 = tpu.vector_load %arg20[%parallel_loop3A_421, %parallel_loop3A_422] {strides = array<i32>} : memref<40x144xf32, #tpu.memory_space<vmem>>, vector<1x16xf32>,
          %parallel_loop3A_424 = vector.shape_cast %parallel_loop3A_423 : vector<1x16xf32> to vector<16xf32>
          %parallel_loop3A_425 = arith.mulf %parallel_loop3A_424, %parallel_loop3A_420 : vector<16xf32>
          %parallel_loop3A_426 = arith.index_cast %parallel_loop3A_372 : i32 to index
          %parallel_loop3A_427 = arith.constant 32 : index
          %parallel_loop3A_428 = tpu.vector_load %arg20[%parallel_loop3A_426, %parallel_loop3A_427] {strides = array<i32>} : memref<40x144xf32, #tpu.memory_space<vmem>>, vector<1x16xf32>,
          %parallel_loop3A_429 = vector.shape_cast %parallel_loop3A_428 : vector<1x16xf32> to vector<16xf32>
          %parallel_loop3A_430 = vector.shape_cast %parallel_loop3A_425 : vector<16xf32> to vector<1x16xf32>
          tpu.vector_store %arg20[%parallel_loop3A_426, %parallel_loop3A_427], %parallel_loop3A_430 {strides = array<i32>} : memref<40x144xf32, #tpu.memory_space<vmem>>, vector<1x16xf32>,
          %parallel_loop3A_431 = vector.extract_strided_slice %parallel_loop3A_386 {offsets = [3], sizes = [1], strides = [1]} : vector<16xf32> to vector<1xf32>
          %parallel_loop3A_432 = vector.extract %parallel_loop3A_431[0] : f32 from vector<1xf32>
          %parallel_loop3A_433 = vector.broadcast %parallel_loop3A_432 : f32 to vector<16xf32>
          %parallel_loop3A_434 = arith.index_cast %parallel_loop3A_372 : i32 to index
          %parallel_loop3A_435 = arith.constant 48 : index
          %parallel_loop3A_436 = tpu.vector_load %arg20[%parallel_loop3A_434, %parallel_loop3A_435] {strides = array<i32>} : memref<40x144xf32, #tpu.memory_space<vmem>>, vector<1x16xf32>,
          %parallel_loop3A_437 = vector.shape_cast %parallel_loop3A_436 : vector<1x16xf32> to vector<16xf32>
          %parallel_loop3A_438 = arith.mulf %parallel_loop3A_437, %parallel_loop3A_433 : vector<16xf32>
          %parallel_loop3A_439 = arith.index_cast %parallel_loop3A_372 : i32 to index
          %parallel_loop3A_440 = arith.constant 48 : index
          %parallel_loop3A_441 = tpu.vector_load %arg20[%parallel_loop3A_439, %parallel_loop3A_440] {strides = array<i32>} : memref<40x144xf32, #tpu.memory_space<vmem>>, vector<1x16xf32>,
          %parallel_loop3A_442 = vector.shape_cast %parallel_loop3A_441 : vector<1x16xf32> to vector<16xf32>
          %parallel_loop3A_443 = vector.shape_cast %parallel_loop3A_438 : vector<16xf32> to vector<1x16xf32>
          tpu.vector_store %arg20[%parallel_loop3A_439, %parallel_loop3A_440], %parallel_loop3A_443 {strides = array<i32>} : memref<40x144xf32, #tpu.memory_space<vmem>>, vector<1x16xf32>,
          %parallel_loop3A_444 = vector.extract_strided_slice %parallel_loop3A_386 {offsets = [4], sizes = [1], strides = [1]} : vector<16xf32> to vector<1xf32>
          %parallel_loop3A_445 = vector.extract %parallel_loop3A_444[0] : f32 from vector<1xf32>
          %parallel_loop3A_446 = vector.broadcast %parallel_loop3A_445 : f32 to vector<16xf32>
          %parallel_loop3A_447 = arith.index_cast %parallel_loop3A_372 : i32 to index
          %parallel_loop3A_448 = arith.constant 64 : index
          %parallel_loop3A_449 = tpu.vector_load %arg20[%parallel_loop3A_447, %parallel_loop3A_448] {strides = array<i32>} : memref<40x144xf32, #tpu.memory_space<vmem>>, vector<1x16xf32>,
          %parallel_loop3A_450 = vector.shape_cast %parallel_loop3A_449 : vector<1x16xf32> to vector<16xf32>
          %parallel_loop3A_451 = arith.mulf %parallel_loop3A_450, %parallel_loop3A_446 : vector<16xf32>
          %parallel_loop3A_452 = arith.index_cast %parallel_loop3A_372 : i32 to index
          %parallel_loop3A_453 = arith.constant 64 : index
          %parallel_loop3A_454 = tpu.vector_load %arg20[%parallel_loop3A_452, %parallel_loop3A_453] {strides = array<i32>} : memref<40x144xf32, #tpu.memory_space<vmem>>, vector<1x16xf32>,
          %parallel_loop3A_455 = vector.shape_cast %parallel_loop3A_454 : vector<1x16xf32> to vector<16xf32>
          %parallel_loop3A_456 = vector.shape_cast %parallel_loop3A_451 : vector<16xf32> to vector<1x16xf32>
          tpu.vector_store %arg20[%parallel_loop3A_452, %parallel_loop3A_453], %parallel_loop3A_456 {strides = array<i32>} : memref<40x144xf32, #tpu.memory_space<vmem>>, vector<1x16xf32>,
          %parallel_loop3A_457 = vector.extract_strided_slice %parallel_loop3A_386 {offsets = [5], sizes = [1], strides = [1]} : vector<16xf32> to vector<1xf32>
          %parallel_loop3A_458 = vector.extract %parallel_loop3A_457[0] : f32 from vector<1xf32>
          %parallel_loop3A_459 = vector.broadcast %parallel_loop3A_458 : f32 to vector<16xf32>
          %parallel_loop3A_460 = arith.index_cast %parallel_loop3A_372 : i32 to index
          %parallel_loop3A_461 = arith.constant 80 : index
          %parallel_loop3A_462 = tpu.vector_load %arg20[%parallel_loop3A_460, %parallel_loop3A_461] {strides = array<i32>} : memref<40x144xf32, #tpu.memory_space<vmem>>, vector<1x16xf32>,
          %parallel_loop3A_463 = vector.shape_cast %parallel_loop3A_462 : vector<1x16xf32> to vector<16xf32>
          %parallel_loop3A_464 = arith.mulf %parallel_loop3A_463, %parallel_loop3A_459 : vector<16xf32>
          %parallel_loop3A_465 = arith.index_cast %parallel_loop3A_372 : i32 to index
          %parallel_loop3A_466 = arith.constant 80 : index
          %parallel_loop3A_467 = tpu.vector_load %arg20[%parallel_loop3A_465, %parallel_loop3A_466] {strides = array<i32>} : memref<40x144xf32, #tpu.memory_space<vmem>>, vector<1x16xf32>,
          %parallel_loop3A_468 = vector.shape_cast %parallel_loop3A_467 : vector<1x16xf32> to vector<16xf32>
          %parallel_loop3A_469 = vector.shape_cast %parallel_loop3A_464 : vector<16xf32> to vector<1x16xf32>
          tpu.vector_store %arg20[%parallel_loop3A_465, %parallel_loop3A_466], %parallel_loop3A_469 {strides = array<i32>} : memref<40x144xf32, #tpu.memory_space<vmem>>, vector<1x16xf32>,
          %parallel_loop3A_470 = vector.extract_strided_slice %parallel_loop3A_386 {offsets = [6], sizes = [1], strides = [1]} : vector<16xf32> to vector<1xf32>
          %parallel_loop3A_471 = vector.extract %parallel_loop3A_470[0] : f32 from vector<1xf32>
          %parallel_loop3A_472 = vector.broadcast %parallel_loop3A_471 : f32 to vector<16xf32>
          %parallel_loop3A_473 = arith.index_cast %parallel_loop3A_372 : i32 to index
          %parallel_loop3A_474 = arith.constant 96 : index
          %parallel_loop3A_475 = tpu.vector_load %arg20[%parallel_loop3A_473, %parallel_loop3A_474] {strides = array<i32>} : memref<40x144xf32, #tpu.memory_space<vmem>>, vector<1x16xf32>,
          %parallel_loop3A_476 = vector.shape_cast %parallel_loop3A_475 : vector<1x16xf32> to vector<16xf32>
          %parallel_loop3A_477 = arith.mulf %parallel_loop3A_476, %parallel_loop3A_472 : vector<16xf32>
          %parallel_loop3A_478 = arith.index_cast %parallel_loop3A_372 : i32 to index
          %parallel_loop3A_479 = arith.constant 96 : index
          %parallel_loop3A_480 = tpu.vector_load %arg20[%parallel_loop3A_478, %parallel_loop3A_479] {strides = array<i32>} : memref<40x144xf32, #tpu.memory_space<vmem>>, vector<1x16xf32>,
          %parallel_loop3A_481 = vector.shape_cast %parallel_loop3A_480 : vector<1x16xf32> to vector<16xf32>
          %parallel_loop3A_482 = vector.shape_cast %parallel_loop3A_477 : vector<16xf32> to vector<1x16xf32>
          tpu.vector_store %arg20[%parallel_loop3A_478, %parallel_loop3A_479], %parallel_loop3A_482 {strides = array<i32>} : memref<40x144xf32, #tpu.memory_space<vmem>>, vector<1x16xf32>,
          %parallel_loop3A_483 = vector.extract_strided_slice %parallel_loop3A_386 {offsets = [7], sizes = [1], strides = [1]} : vector<16xf32> to vector<1xf32>
          %parallel_loop3A_484 = vector.extract %parallel_loop3A_483[0] : f32 from vector<1xf32>
          %parallel_loop3A_485 = vector.broadcast %parallel_loop3A_484 : f32 to vector<16xf32>
          %parallel_loop3A_486 = arith.index_cast %parallel_loop3A_372 : i32 to index
          %parallel_loop3A_487 = arith.constant 112 : index
          %parallel_loop3A_488 = tpu.vector_load %arg20[%parallel_loop3A_486, %parallel_loop3A_487] {strides = array<i32>} : memref<40x144xf32, #tpu.memory_space<vmem>>, vector<1x16xf32>,
          %parallel_loop3A_489 = vector.shape_cast %parallel_loop3A_488 : vector<1x16xf32> to vector<16xf32>
          %parallel_loop3A_490 = arith.mulf %parallel_loop3A_489, %parallel_loop3A_485 : vector<16xf32>
          %parallel_loop3A_491 = arith.index_cast %parallel_loop3A_372 : i32 to index
          %parallel_loop3A_492 = arith.constant 112 : index
          %parallel_loop3A_493 = tpu.vector_load %arg20[%parallel_loop3A_491, %parallel_loop3A_492] {strides = array<i32>} : memref<40x144xf32, #tpu.memory_space<vmem>>, vector<1x16xf32>,
          %parallel_loop3A_494 = vector.shape_cast %parallel_loop3A_493 : vector<1x16xf32> to vector<16xf32>
          %parallel_loop3A_495 = vector.shape_cast %parallel_loop3A_490 : vector<16xf32> to vector<1x16xf32>
          tpu.vector_store %arg20[%parallel_loop3A_491, %parallel_loop3A_492], %parallel_loop3A_495 {strides = array<i32>} : memref<40x144xf32, #tpu.memory_space<vmem>>, vector<1x16xf32>,
        } {sc.loop_unroll_factor = 2 : i64, sc.parallel_access}
        %dma_start3A_249 = arith.constant 0 : i32
        %dma_start3A_250 = tpu.memref_slice %arg10[%add3A_202, %dma_start3A_249] : memref<50x40xi32, #tpu.memory_space<vmem>> -> memref<1x40xi32, #tpu.memory_space<vmem>>
        %dma_start3A_251 = tpu.memref_squeeze %dma_start3A_250 : memref<1x40xi32, #tpu.memory_space<vmem>> -> memref<40xi32, #tpu.memory_space<vmem>>
        %dma_start3A_252 = arith.constant 0 : i32
        %dma_start3A_253 = arith.constant 0 : i32
        %dma_start3A_254 = tpu.memref_slice %arg23[%dma_start3A_252, %dma_start3A_253] : memref<10112x144xf32, #tpu.memory_space<vmem_shared>> -> memref<10112x144xf32, #tpu.memory_space<vmem_shared>>
        tpu.enqueue_indirect_dma source(%arg20 : memref<40x144xf32, #tpu.memory_space<vmem>>) target(%dma_start3A_254 : memref<10112x144xf32, #tpu.memory_space<vmem_shared>>) offsets(%dma_start3A_251 : memref<40xi32, #tpu.memory_space<vmem>>) semaphore(%arg29 : memref<!tpu.dma_semaphore, #tpu.memory_space<semaphore_mem>>) {add = true}
        %mul3A_255 = arith.constant 4 : i32
        %mul3A_256 = arith.muli %mul3A_255, %scan3A_145 : i32
        %add3A_257 = arith.constant 2 : i32
        %add3A_258 = arith.addi %mul3A_256, %add3A_257 : i32
        %sub3A = arith.constant 2 : i32
        %sub3A_259 = arith.subi %add3A_258, %sub3A : i32
        %dma_wait3A_260 = arith.constant 0 : i32
        %dma_wait3A_261 = tpu.memref_slice %arg10[%sub3A_259, %dma_wait3A_260] : memref<50x40xi32, #tpu.memory_space<vmem>> -> memref<1x40xi32, #tpu.memory_space<vmem>>
        %dma_wait3A_262 = tpu.memref_squeeze %dma_wait3A_261 : memref<1x40xi32, #tpu.memory_space<vmem>> -> memref<40xi32, #tpu.memory_space<vmem>>
        %dma_wait3A_263 = arith.constant 0 : i32
        %dma_wait3A_264 = arith.constant 0 : i32
        %dma_wait3A_265 = tpu.memref_slice %arg23[%dma_wait3A_263, %dma_wait3A_264] : memref<10112x144xf32, #tpu.memory_space<vmem_shared>> -> memref<10112x144xf32, #tpu.memory_space<vmem_shared>>
        tpu.wait_indirect_dma semaphore(%arg28 : memref<!tpu.dma_semaphore, #tpu.memory_space<semaphore_mem>>) src(%arg19 : memref<40x144xf32, #tpu.memory_space<vmem>>) dst(%dma_wait3A_265 : memref<10112x144xf32, #tpu.memory_space<vmem_shared>>)
        %add3A_266 = arith.constant 1 : i32
        %add3A_267 = arith.addi %add3A_258, %add3A_266 : i32
        %dma_start3A_268 = arith.constant 0 : i32
        %dma_start3A_269 = tpu.memref_slice %arg9[%add3A_267, %dma_start3A_268] : memref<50x40xi32, #tpu.memory_space<vmem>> -> memref<1x40xi32, #tpu.memory_space<vmem>>
        %dma_start3A_270 = tpu.memref_squeeze %dma_start3A_269 : memref<1x40xi32, #tpu.memory_space<vmem>> -> memref<40xi32, #tpu.memory_space<vmem>>
        %dma_start3A_271 = arith.constant 0 : i32
        %dma_start3A_272 = arith.constant 0 : i32
        %dma_start3A_273 = tpu.memref_slice %arg3[%dma_start3A_271, %dma_start3A_272] : memref<10000x16xf32, #tpu.memory_space<hbm>> -> memref<10000x16xf32, #tpu.memory_space<hbm>>
        tpu.enqueue_indirect_dma source(%dma_start3A_273 : memref<10000x16xf32, #tpu.memory_space<hbm>>) target(%arg14 : memref<40x16xf32, #tpu.memory_space<vmem>>) offsets(%dma_start3A_270 : memref<40xi32, #tpu.memory_space<vmem>>) semaphore(%arg27 : memref<!tpu.dma_semaphore, #tpu.memory_space<semaphore_mem>>)
        %dma_start3A_274 = arith.constant 0 : i32
        %dma_start3A_275 = tpu.memref_slice %arg10[%add3A_267, %dma_start3A_274] : memref<50x40xi32, #tpu.memory_space<vmem>> -> memref<1x40xi32, #tpu.memory_space<vmem>>
        %dma_start3A_276 = tpu.memref_squeeze %dma_start3A_275 : memref<1x40xi32, #tpu.memory_space<vmem>> -> memref<40xi32, #tpu.memory_space<vmem>>
        %dma_start3A_277 = arith.constant 0 : i32
        %dma_start3A_278 = arith.constant 0 : i32
        %dma_start3A_279 = tpu.memref_slice %arg4[%dma_start3A_277, %dma_start3A_278] : memref<10000x16xf32, #tpu.memory_space<hbm>> -> memref<10000x16xf32, #tpu.memory_space<hbm>>
        tpu.enqueue_indirect_dma source(%dma_start3A_279 : memref<10000x16xf32, #tpu.memory_space<hbm>>) target(%arg18 : memref<40x16xf32, #tpu.memory_space<vmem>>) offsets(%dma_start3A_276 : memref<40xi32, #tpu.memory_space<vmem>>) semaphore(%arg27 : memref<!tpu.dma_semaphore, #tpu.memory_space<semaphore_mem>>)
        %dma_start3A_280 = arith.constant 0 : i32
        %dma_start3A_281 = tpu.memref_slice %arg9[%add3A_267, %dma_start3A_280] : memref<50x40xi32, #tpu.memory_space<vmem>> -> memref<1x40xi32, #tpu.memory_space<vmem>>
        %dma_start3A_282 = tpu.memref_squeeze %dma_start3A_281 : memref<1x40xi32, #tpu.memory_space<vmem>> -> memref<40xi32, #tpu.memory_space<vmem>>
        %dma_start3A_283 = arith.constant 0 : i32
        %dma_start3A_284 = arith.constant 0 : i32
        %dma_start3A_285 = tpu.memref_slice %arg2[%dma_start3A_283, %dma_start3A_284] : memref<10000x144xf32, #tpu.memory_space<hbm>> -> memref<10000x144xf32, #tpu.memory_space<hbm>>
        tpu.enqueue_indirect_dma source(%dma_start3A_285 : memref<10000x144xf32, #tpu.memory_space<hbm>>) target(%arg22 : memref<40x144xf32, #tpu.memory_space<vmem>>) offsets(%dma_start3A_282 : memref<40xi32, #tpu.memory_space<vmem>>) semaphore(%arg27 : memref<!tpu.dma_semaphore, #tpu.memory_space<semaphore_mem>>)
        %dma_wait3A_286 = arith.constant 0 : i32
        %dma_wait3A_287 = tpu.memref_slice %arg9[%add3A_258, %dma_wait3A_286] : memref<50x40xi32, #tpu.memory_space<vmem>> -> memref<1x40xi32, #tpu.memory_space<vmem>>
        %dma_wait3A_288 = tpu.memref_squeeze %dma_wait3A_287 : memref<1x40xi32, #tpu.memory_space<vmem>> -> memref<40xi32, #tpu.memory_space<vmem>>
        %dma_wait3A_289 = arith.constant 0 : i32
        %dma_wait3A_290 = arith.constant 0 : i32
        %dma_wait3A_291 = tpu.memref_slice %arg3[%dma_wait3A_289, %dma_wait3A_290] : memref<10000x16xf32, #tpu.memory_space<hbm>> -> memref<10000x16xf32, #tpu.memory_space<hbm>>
        tpu.wait_indirect_dma semaphore(%arg26 : memref<!tpu.dma_semaphore, #tpu.memory_space<semaphore_mem>>) src(%dma_wait3A_291 : memref<10000x16xf32, #tpu.memory_space<hbm>>) dst(%arg13 : memref<40x16xf32, #tpu.memory_space<vmem>>)
        %dma_wait3A_292 = arith.constant 0 : i32
        %dma_wait3A_293 = tpu.memref_slice %arg10[%add3A_258, %dma_wait3A_292] : memref<50x40xi32, #tpu.memory_space<vmem>> -> memref<1x40xi32, #tpu.memory_space<vmem>>
        %dma_wait3A_294 = tpu.memref_squeeze %dma_wait3A_293 : memref<1x40xi32, #tpu.memory_space<vmem>> -> memref<40xi32, #tpu.memory_space<vmem>>
        %dma_wait3A_295 = arith.constant 0 : i32
        %dma_wait3A_296 = arith.constant 0 : i32
        %dma_wait3A_297 = tpu.memref_slice %arg4[%dma_wait3A_295, %dma_wait3A_296] : memref<10000x16xf32, #tpu.memory_space<hbm>> -> memref<10000x16xf32, #tpu.memory_space<hbm>>
        tpu.wait_indirect_dma semaphore(%arg26 : memref<!tpu.dma_semaphore, #tpu.memory_space<semaphore_mem>>) src(%dma_wait3A_297 : memref<10000x16xf32, #tpu.memory_space<hbm>>) dst(%arg17 : memref<40x16xf32, #tpu.memory_space<vmem>>)
        %dma_wait3A_298 = arith.constant 0 : i32
        %dma_wait3A_299 = tpu.memref_slice %arg9[%add3A_258, %dma_wait3A_298] : memref<50x40xi32, #tpu.memory_space<vmem>> -> memref<1x40xi32, #tpu.memory_space<vmem>>
        %dma_wait3A_300 = tpu.memref_squeeze %dma_wait3A_299 : memref<1x40xi32, #tpu.memory_space<vmem>> -> memref<40xi32, #tpu.memory_space<vmem>>
        %dma_wait3A_301 = arith.constant 0 : i32
        %dma_wait3A_302 = arith.constant 0 : i32
        %dma_wait3A_303 = tpu.memref_slice %arg2[%dma_wait3A_301, %dma_wait3A_302] : memref<10000x144xf32, #tpu.memory_space<hbm>> -> memref<10000x144xf32, #tpu.memory_space<hbm>>
        tpu.wait_indirect_dma semaphore(%arg26 : memref<!tpu.dma_semaphore, #tpu.memory_space<semaphore_mem>>) src(%dma_wait3A_303 : memref<10000x144xf32, #tpu.memory_space<hbm>>) dst(%arg21 : memref<40x144xf32, #tpu.memory_space<vmem>>)
        %parallel_loop3A_304 = arith.constant 0 : i32
        %parallel_loop3A_305 = arith.constant 40 : i32
        %parallel_loop3A_306 = arith.constant 1 : i32
        scf.for %parallel_loop3A_372 = %parallel_loop3A_304 to %parallel_loop3A_305 step %parallel_loop3A_306  : i32 {
          %parallel_loop3A_373 = arith.index_cast %parallel_loop3A_372 : i32 to index
          %parallel_loop3A_374 = arith.constant 0 : index
          %parallel_loop3A_375 = tpu.vector_load %arg13[%parallel_loop3A_373, %parallel_loop3A_374] {strides = array<i32>} : memref<40x16xf32, #tpu.memory_space<vmem>>, vector<1x16xf32>,
          %parallel_loop3A_376 = vector.shape_cast %parallel_loop3A_375 : vector<1x16xf32> to vector<16xf32>
          %parallel_loop3A_377 = arith.index_cast %parallel_loop3A_372 : i32 to index
          %parallel_loop3A_378 = arith.constant 0 : index
          %parallel_loop3A_379 = tpu.vector_load %arg17[%parallel_loop3A_377, %parallel_loop3A_378] {strides = array<i32>} : memref<40x16xf32, #tpu.memory_space<vmem>>, vector<1x16xf32>,
          %parallel_loop3A_380 = vector.shape_cast %parallel_loop3A_379 : vector<1x16xf32> to vector<16xf32>
          %parallel_loop3A_381 = arith.addf %parallel_loop3A_376, %parallel_loop3A_380 : vector<16xf32>
          %parallel_loop3A_382 = arith.constant 2.000000e-01 : f32
          %parallel_loop3A_383 = vector.broadcast %parallel_loop3A_382 : f32 to vector<16xf32>
          %parallel_loop3A_384 = arith.mulf %parallel_loop3A_381, %parallel_loop3A_383 : vector<16xf32>
          %parallel_loop3A_385 = arith.maximumf %parallel_loop3A_381, %parallel_loop3A_384 : vector<16xf32>
          %parallel_loop3A_386 = math.exp %parallel_loop3A_385 : vector<16xf32>
          %parallel_loop3A_387 = arith.index_cast %parallel_loop3A_372 : i32 to index
          %parallel_loop3A_388 = arith.constant 128 : index
          %parallel_loop3A_389 = tpu.vector_load %arg21[%parallel_loop3A_387, %parallel_loop3A_388] {strides = array<i32>} : memref<40x144xf32, #tpu.memory_space<vmem>>, vector<1x16xf32>,
          %parallel_loop3A_390 = vector.shape_cast %parallel_loop3A_389 : vector<1x16xf32> to vector<16xf32>
          %parallel_loop3A_391 = vector.shape_cast %parallel_loop3A_386 : vector<16xf32> to vector<1x16xf32>
          tpu.vector_store %arg21[%parallel_loop3A_387, %parallel_loop3A_388], %parallel_loop3A_391 {strides = array<i32>} : memref<40x144xf32, #tpu.memory_space<vmem>>, vector<1x16xf32>,
          %parallel_loop3A_392 = vector.extract_strided_slice %parallel_loop3A_386 {offsets = [0], sizes = [1], strides = [1]} : vector<16xf32> to vector<1xf32>
          %parallel_loop3A_393 = vector.extract %parallel_loop3A_392[0] : f32 from vector<1xf32>
          %parallel_loop3A_394 = vector.broadcast %parallel_loop3A_393 : f32 to vector<16xf32>
          %parallel_loop3A_395 = arith.index_cast %parallel_loop3A_372 : i32 to index
          %parallel_loop3A_396 = arith.constant 0 : index
          %parallel_loop3A_397 = tpu.vector_load %arg21[%parallel_loop3A_395, %parallel_loop3A_396] {strides = array<i32>} : memref<40x144xf32, #tpu.memory_space<vmem>>, vector<1x16xf32>,
          %parallel_loop3A_398 = vector.shape_cast %parallel_loop3A_397 : vector<1x16xf32> to vector<16xf32>
          %parallel_loop3A_399 = arith.mulf %parallel_loop3A_398, %parallel_loop3A_394 : vector<16xf32>
          %parallel_loop3A_400 = arith.index_cast %parallel_loop3A_372 : i32 to index
          %parallel_loop3A_401 = arith.constant 0 : index
          %parallel_loop3A_402 = tpu.vector_load %arg21[%parallel_loop3A_400, %parallel_loop3A_401] {strides = array<i32>} : memref<40x144xf32, #tpu.memory_space<vmem>>, vector<1x16xf32>,
          %parallel_loop3A_403 = vector.shape_cast %parallel_loop3A_402 : vector<1x16xf32> to vector<16xf32>
          %parallel_loop3A_404 = vector.shape_cast %parallel_loop3A_399 : vector<16xf32> to vector<1x16xf32>
          tpu.vector_store %arg21[%parallel_loop3A_400, %parallel_loop3A_401], %parallel_loop3A_404 {strides = array<i32>} : memref<40x144xf32, #tpu.memory_space<vmem>>, vector<1x16xf32>,
          %parallel_loop3A_405 = vector.extract_strided_slice %parallel_loop3A_386 {offsets = [1], sizes = [1], strides = [1]} : vector<16xf32> to vector<1xf32>
          %parallel_loop3A_406 = vector.extract %parallel_loop3A_405[0] : f32 from vector<1xf32>
          %parallel_loop3A_407 = vector.broadcast %parallel_loop3A_406 : f32 to vector<16xf32>
          %parallel_loop3A_408 = arith.index_cast %parallel_loop3A_372 : i32 to index
          %parallel_loop3A_409 = arith.constant 16 : index
          %parallel_loop3A_410 = tpu.vector_load %arg21[%parallel_loop3A_408, %parallel_loop3A_409] {strides = array<i32>} : memref<40x144xf32, #tpu.memory_space<vmem>>, vector<1x16xf32>,
          %parallel_loop3A_411 = vector.shape_cast %parallel_loop3A_410 : vector<1x16xf32> to vector<16xf32>
          %parallel_loop3A_412 = arith.mulf %parallel_loop3A_411, %parallel_loop3A_407 : vector<16xf32>
          %parallel_loop3A_413 = arith.index_cast %parallel_loop3A_372 : i32 to index
          %parallel_loop3A_414 = arith.constant 16 : index
          %parallel_loop3A_415 = tpu.vector_load %arg21[%parallel_loop3A_413, %parallel_loop3A_414] {strides = array<i32>} : memref<40x144xf32, #tpu.memory_space<vmem>>, vector<1x16xf32>,
          %parallel_loop3A_416 = vector.shape_cast %parallel_loop3A_415 : vector<1x16xf32> to vector<16xf32>
          %parallel_loop3A_417 = vector.shape_cast %parallel_loop3A_412 : vector<16xf32> to vector<1x16xf32>
          tpu.vector_store %arg21[%parallel_loop3A_413, %parallel_loop3A_414], %parallel_loop3A_417 {strides = array<i32>} : memref<40x144xf32, #tpu.memory_space<vmem>>, vector<1x16xf32>,
          %parallel_loop3A_418 = vector.extract_strided_slice %parallel_loop3A_386 {offsets = [2], sizes = [1], strides = [1]} : vector<16xf32> to vector<1xf32>
          %parallel_loop3A_419 = vector.extract %parallel_loop3A_418[0] : f32 from vector<1xf32>
          %parallel_loop3A_420 = vector.broadcast %parallel_loop3A_419 : f32 to vector<16xf32>
          %parallel_loop3A_421 = arith.index_cast %parallel_loop3A_372 : i32 to index
          %parallel_loop3A_422 = arith.constant 32 : index
          %parallel_loop3A_423 = tpu.vector_load %arg21[%parallel_loop3A_421, %parallel_loop3A_422] {strides = array<i32>} : memref<40x144xf32, #tpu.memory_space<vmem>>, vector<1x16xf32>,
          %parallel_loop3A_424 = vector.shape_cast %parallel_loop3A_423 : vector<1x16xf32> to vector<16xf32>
          %parallel_loop3A_425 = arith.mulf %parallel_loop3A_424, %parallel_loop3A_420 : vector<16xf32>
          %parallel_loop3A_426 = arith.index_cast %parallel_loop3A_372 : i32 to index
          %parallel_loop3A_427 = arith.constant 32 : index
          %parallel_loop3A_428 = tpu.vector_load %arg21[%parallel_loop3A_426, %parallel_loop3A_427] {strides = array<i32>} : memref<40x144xf32, #tpu.memory_space<vmem>>, vector<1x16xf32>,
          %parallel_loop3A_429 = vector.shape_cast %parallel_loop3A_428 : vector<1x16xf32> to vector<16xf32>
          %parallel_loop3A_430 = vector.shape_cast %parallel_loop3A_425 : vector<16xf32> to vector<1x16xf32>
          tpu.vector_store %arg21[%parallel_loop3A_426, %parallel_loop3A_427], %parallel_loop3A_430 {strides = array<i32>} : memref<40x144xf32, #tpu.memory_space<vmem>>, vector<1x16xf32>,
          %parallel_loop3A_431 = vector.extract_strided_slice %parallel_loop3A_386 {offsets = [3], sizes = [1], strides = [1]} : vector<16xf32> to vector<1xf32>
          %parallel_loop3A_432 = vector.extract %parallel_loop3A_431[0] : f32 from vector<1xf32>
          %parallel_loop3A_433 = vector.broadcast %parallel_loop3A_432 : f32 to vector<16xf32>
          %parallel_loop3A_434 = arith.index_cast %parallel_loop3A_372 : i32 to index
          %parallel_loop3A_435 = arith.constant 48 : index
          %parallel_loop3A_436 = tpu.vector_load %arg21[%parallel_loop3A_434, %parallel_loop3A_435] {strides = array<i32>} : memref<40x144xf32, #tpu.memory_space<vmem>>, vector<1x16xf32>,
          %parallel_loop3A_437 = vector.shape_cast %parallel_loop3A_436 : vector<1x16xf32> to vector<16xf32>
          %parallel_loop3A_438 = arith.mulf %parallel_loop3A_437, %parallel_loop3A_433 : vector<16xf32>
          %parallel_loop3A_439 = arith.index_cast %parallel_loop3A_372 : i32 to index
          %parallel_loop3A_440 = arith.constant 48 : index
          %parallel_loop3A_441 = tpu.vector_load %arg21[%parallel_loop3A_439, %parallel_loop3A_440] {strides = array<i32>} : memref<40x144xf32, #tpu.memory_space<vmem>>, vector<1x16xf32>,
          %parallel_loop3A_442 = vector.shape_cast %parallel_loop3A_441 : vector<1x16xf32> to vector<16xf32>
          %parallel_loop3A_443 = vector.shape_cast %parallel_loop3A_438 : vector<16xf32> to vector<1x16xf32>
          tpu.vector_store %arg21[%parallel_loop3A_439, %parallel_loop3A_440], %parallel_loop3A_443 {strides = array<i32>} : memref<40x144xf32, #tpu.memory_space<vmem>>, vector<1x16xf32>,
          %parallel_loop3A_444 = vector.extract_strided_slice %parallel_loop3A_386 {offsets = [4], sizes = [1], strides = [1]} : vector<16xf32> to vector<1xf32>
          %parallel_loop3A_445 = vector.extract %parallel_loop3A_444[0] : f32 from vector<1xf32>
          %parallel_loop3A_446 = vector.broadcast %parallel_loop3A_445 : f32 to vector<16xf32>
          %parallel_loop3A_447 = arith.index_cast %parallel_loop3A_372 : i32 to index
          %parallel_loop3A_448 = arith.constant 64 : index
          %parallel_loop3A_449 = tpu.vector_load %arg21[%parallel_loop3A_447, %parallel_loop3A_448] {strides = array<i32>} : memref<40x144xf32, #tpu.memory_space<vmem>>, vector<1x16xf32>,
          %parallel_loop3A_450 = vector.shape_cast %parallel_loop3A_449 : vector<1x16xf32> to vector<16xf32>
          %parallel_loop3A_451 = arith.mulf %parallel_loop3A_450, %parallel_loop3A_446 : vector<16xf32>
          %parallel_loop3A_452 = arith.index_cast %parallel_loop3A_372 : i32 to index
          %parallel_loop3A_453 = arith.constant 64 : index
          %parallel_loop3A_454 = tpu.vector_load %arg21[%parallel_loop3A_452, %parallel_loop3A_453] {strides = array<i32>} : memref<40x144xf32, #tpu.memory_space<vmem>>, vector<1x16xf32>,
          %parallel_loop3A_455 = vector.shape_cast %parallel_loop3A_454 : vector<1x16xf32> to vector<16xf32>
          %parallel_loop3A_456 = vector.shape_cast %parallel_loop3A_451 : vector<16xf32> to vector<1x16xf32>
          tpu.vector_store %arg21[%parallel_loop3A_452, %parallel_loop3A_453], %parallel_loop3A_456 {strides = array<i32>} : memref<40x144xf32, #tpu.memory_space<vmem>>, vector<1x16xf32>,
          %parallel_loop3A_457 = vector.extract_strided_slice %parallel_loop3A_386 {offsets = [5], sizes = [1], strides = [1]} : vector<16xf32> to vector<1xf32>
          %parallel_loop3A_458 = vector.extract %parallel_loop3A_457[0] : f32 from vector<1xf32>
          %parallel_loop3A_459 = vector.broadcast %parallel_loop3A_458 : f32 to vector<16xf32>
          %parallel_loop3A_460 = arith.index_cast %parallel_loop3A_372 : i32 to index
          %parallel_loop3A_461 = arith.constant 80 : index
          %parallel_loop3A_462 = tpu.vector_load %arg21[%parallel_loop3A_460, %parallel_loop3A_461] {strides = array<i32>} : memref<40x144xf32, #tpu.memory_space<vmem>>, vector<1x16xf32>,
          %parallel_loop3A_463 = vector.shape_cast %parallel_loop3A_462 : vector<1x16xf32> to vector<16xf32>
          %parallel_loop3A_464 = arith.mulf %parallel_loop3A_463, %parallel_loop3A_459 : vector<16xf32>
          %parallel_loop3A_465 = arith.index_cast %parallel_loop3A_372 : i32 to index
          %parallel_loop3A_466 = arith.constant 80 : index
          %parallel_loop3A_467 = tpu.vector_load %arg21[%parallel_loop3A_465, %parallel_loop3A_466] {strides = array<i32>} : memref<40x144xf32, #tpu.memory_space<vmem>>, vector<1x16xf32>,
          %parallel_loop3A_468 = vector.shape_cast %parallel_loop3A_467 : vector<1x16xf32> to vector<16xf32>
          %parallel_loop3A_469 = vector.shape_cast %parallel_loop3A_464 : vector<16xf32> to vector<1x16xf32>
          tpu.vector_store %arg21[%parallel_loop3A_465, %parallel_loop3A_466], %parallel_loop3A_469 {strides = array<i32>} : memref<40x144xf32, #tpu.memory_space<vmem>>, vector<1x16xf32>,
          %parallel_loop3A_470 = vector.extract_strided_slice %parallel_loop3A_386 {offsets = [6], sizes = [1], strides = [1]} : vector<16xf32> to vector<1xf32>
          %parallel_loop3A_471 = vector.extract %parallel_loop3A_470[0] : f32 from vector<1xf32>
          %parallel_loop3A_472 = vector.broadcast %parallel_loop3A_471 : f32 to vector<16xf32>
          %parallel_loop3A_473 = arith.index_cast %parallel_loop3A_372 : i32 to index
          %parallel_loop3A_474 = arith.constant 96 : index
          %parallel_loop3A_475 = tpu.vector_load %arg21[%parallel_loop3A_473, %parallel_loop3A_474] {strides = array<i32>} : memref<40x144xf32, #tpu.memory_space<vmem>>, vector<1x16xf32>,
          %parallel_loop3A_476 = vector.shape_cast %parallel_loop3A_475 : vector<1x16xf32> to vector<16xf32>
          %parallel_loop3A_477 = arith.mulf %parallel_loop3A_476, %parallel_loop3A_472 : vector<16xf32>
          %parallel_loop3A_478 = arith.index_cast %parallel_loop3A_372 : i32 to index
          %parallel_loop3A_479 = arith.constant 96 : index
          %parallel_loop3A_480 = tpu.vector_load %arg21[%parallel_loop3A_478, %parallel_loop3A_479] {strides = array<i32>} : memref<40x144xf32, #tpu.memory_space<vmem>>, vector<1x16xf32>,
          %parallel_loop3A_481 = vector.shape_cast %parallel_loop3A_480 : vector<1x16xf32> to vector<16xf32>
          %parallel_loop3A_482 = vector.shape_cast %parallel_loop3A_477 : vector<16xf32> to vector<1x16xf32>
          tpu.vector_store %arg21[%parallel_loop3A_478, %parallel_loop3A_479], %parallel_loop3A_482 {strides = array<i32>} : memref<40x144xf32, #tpu.memory_space<vmem>>, vector<1x16xf32>,
          %parallel_loop3A_483 = vector.extract_strided_slice %parallel_loop3A_386 {offsets = [7], sizes = [1], strides = [1]} : vector<16xf32> to vector<1xf32>
          %parallel_loop3A_484 = vector.extract %parallel_loop3A_483[0] : f32 from vector<1xf32>
          %parallel_loop3A_485 = vector.broadcast %parallel_loop3A_484 : f32 to vector<16xf32>
          %parallel_loop3A_486 = arith.index_cast %parallel_loop3A_372 : i32 to index
          %parallel_loop3A_487 = arith.constant 112 : index
          %parallel_loop3A_488 = tpu.vector_load %arg21[%parallel_loop3A_486, %parallel_loop3A_487] {strides = array<i32>} : memref<40x144xf32, #tpu.memory_space<vmem>>, vector<1x16xf32>,
          %parallel_loop3A_489 = vector.shape_cast %parallel_loop3A_488 : vector<1x16xf32> to vector<16xf32>
          %parallel_loop3A_490 = arith.mulf %parallel_loop3A_489, %parallel_loop3A_485 : vector<16xf32>
          %parallel_loop3A_491 = arith.index_cast %parallel_loop3A_372 : i32 to index
          %parallel_loop3A_492 = arith.constant 112 : index
          %parallel_loop3A_493 = tpu.vector_load %arg21[%parallel_loop3A_491, %parallel_loop3A_492] {strides = array<i32>} : memref<40x144xf32, #tpu.memory_space<vmem>>, vector<1x16xf32>,
          %parallel_loop3A_494 = vector.shape_cast %parallel_loop3A_493 : vector<1x16xf32> to vector<16xf32>
          %parallel_loop3A_495 = vector.shape_cast %parallel_loop3A_490 : vector<16xf32> to vector<1x16xf32>
          tpu.vector_store %arg21[%parallel_loop3A_491, %parallel_loop3A_492], %parallel_loop3A_495 {strides = array<i32>} : memref<40x144xf32, #tpu.memory_space<vmem>>, vector<1x16xf32>,
        } {sc.loop_unroll_factor = 2 : i64, sc.parallel_access}
        %dma_start3A_307 = arith.constant 0 : i32
        %dma_start3A_308 = tpu.memref_slice %arg10[%add3A_258, %dma_start3A_307] : memref<50x40xi32, #tpu.memory_space<vmem>> -> memref<1x40xi32, #tpu.memory_space<vmem>>
        %dma_start3A_309 = tpu.memref_squeeze %dma_start3A_308 : memref<1x40xi32, #tpu.memory_space<vmem>> -> memref<40xi32, #tpu.memory_space<vmem>>
        %dma_start3A_310 = arith.constant 0 : i32
        %dma_start3A_311 = arith.constant 0 : i32
        %dma_start3A_312 = tpu.memref_slice %arg23[%dma_start3A_310, %dma_start3A_311] : memref<10112x144xf32, #tpu.memory_space<vmem_shared>> -> memref<10112x144xf32, #tpu.memory_space<vmem_shared>>
        tpu.enqueue_indirect_dma source(%arg21 : memref<40x144xf32, #tpu.memory_space<vmem>>) target(%dma_start3A_312 : memref<10112x144xf32, #tpu.memory_space<vmem_shared>>) offsets(%dma_start3A_309 : memref<40xi32, #tpu.memory_space<vmem>>) semaphore(%arg30 : memref<!tpu.dma_semaphore, #tpu.memory_space<semaphore_mem>>) {add = true}
        %mul3A_313 = arith.constant 4 : i32
        %mul3A_314 = arith.muli %mul3A_313, %scan3A_145 : i32
        %add3A_315 = arith.constant 3 : i32
        %add3A_316 = arith.addi %mul3A_314, %add3A_315 : i32
        %sub3A_317 = arith.constant 2 : i32
        %sub3A_318 = arith.subi %add3A_316, %sub3A_317 : i32
        %dma_wait3A_319 = arith.constant 0 : i32
        %dma_wait3A_320 = tpu.memref_slice %arg10[%sub3A_318, %dma_wait3A_319] : memref<50x40xi32, #tpu.memory_space<vmem>> -> memref<1x40xi32, #tpu.memory_space<vmem>>
        %dma_wait3A_321 = tpu.memref_squeeze %dma_wait3A_320 : memref<1x40xi32, #tpu.memory_space<vmem>> -> memref<40xi32, #tpu.memory_space<vmem>>
        %dma_wait3A_322 = arith.constant 0 : i32
        %dma_wait3A_323 = arith.constant 0 : i32
        %dma_wait3A_324 = tpu.memref_slice %arg23[%dma_wait3A_322, %dma_wait3A_323] : memref<10112x144xf32, #tpu.memory_space<vmem_shared>> -> memref<10112x144xf32, #tpu.memory_space<vmem_shared>>
        tpu.wait_indirect_dma semaphore(%arg29 : memref<!tpu.dma_semaphore, #tpu.memory_space<semaphore_mem>>) src(%arg20 : memref<40x144xf32, #tpu.memory_space<vmem>>) dst(%dma_wait3A_324 : memref<10112x144xf32, #tpu.memory_space<vmem_shared>>)
        %add3A_325 = arith.constant 1 : i32
        %add3A_326 = arith.addi %add3A_316, %add3A_325 : i32
        %dma_start3A_327 = arith.constant 0 : i32
        %dma_start3A_328 = tpu.memref_slice %arg9[%add3A_326, %dma_start3A_327] : memref<50x40xi32, #tpu.memory_space<vmem>> -> memref<1x40xi32, #tpu.memory_space<vmem>>
        %dma_start3A_329 = tpu.memref_squeeze %dma_start3A_328 : memref<1x40xi32, #tpu.memory_space<vmem>> -> memref<40xi32, #tpu.memory_space<vmem>>
        %dma_start3A_330 = arith.constant 0 : i32
        %dma_start3A_331 = arith.constant 0 : i32
        %dma_start3A_332 = tpu.memref_slice %arg3[%dma_start3A_330, %dma_start3A_331] : memref<10000x16xf32, #tpu.memory_space<hbm>> -> memref<10000x16xf32, #tpu.memory_space<hbm>>
        tpu.enqueue_indirect_dma source(%dma_start3A_332 : memref<10000x16xf32, #tpu.memory_space<hbm>>) target(%arg11 : memref<40x16xf32, #tpu.memory_space<vmem>>) offsets(%dma_start3A_329 : memref<40xi32, #tpu.memory_space<vmem>>) semaphore(%arg24 : memref<!tpu.dma_semaphore, #tpu.memory_space<semaphore_mem>>)
        %dma_start3A_333 = arith.constant 0 : i32
        %dma_start3A_334 = tpu.memref_slice %arg10[%add3A_326, %dma_start3A_333] : memref<50x40xi32, #tpu.memory_space<vmem>> -> memref<1x40xi32, #tpu.memory_space<vmem>>
        %dma_start3A_335 = tpu.memref_squeeze %dma_start3A_334 : memref<1x40xi32, #tpu.memory_space<vmem>> -> memref<40xi32, #tpu.memory_space<vmem>>
        %dma_start3A_336 = arith.constant 0 : i32
        %dma_start3A_337 = arith.constant 0 : i32
        %dma_start3A_338 = tpu.memref_slice %arg4[%dma_start3A_336, %dma_start3A_337] : memref<10000x16xf32, #tpu.memory_space<hbm>> -> memref<10000x16xf32, #tpu.memory_space<hbm>>
        tpu.enqueue_indirect_dma source(%dma_start3A_338 : memref<10000x16xf32, #tpu.memory_space<hbm>>) target(%arg15 : memref<40x16xf32, #tpu.memory_space<vmem>>) offsets(%dma_start3A_335 : memref<40xi32, #tpu.memory_space<vmem>>) semaphore(%arg24 : memref<!tpu.dma_semaphore, #tpu.memory_space<semaphore_mem>>)
        %dma_start3A_339 = arith.constant 0 : i32
        %dma_start3A_340 = tpu.memref_slice %arg9[%add3A_326, %dma_start3A_339] : memref<50x40xi32, #tpu.memory_space<vmem>> -> memref<1x40xi32, #tpu.memory_space<vmem>>
        %dma_start3A_341 = tpu.memref_squeeze %dma_start3A_340 : memref<1x40xi32, #tpu.memory_space<vmem>> -> memref<40xi32, #tpu.memory_space<vmem>>
        %dma_start3A_342 = arith.constant 0 : i32
        %dma_start3A_343 = arith.constant 0 : i32
        %dma_start3A_344 = tpu.memref_slice %arg2[%dma_start3A_342, %dma_start3A_343] : memref<10000x144xf32, #tpu.memory_space<hbm>> -> memref<10000x144xf32, #tpu.memory_space<hbm>>
        tpu.enqueue_indirect_dma source(%dma_start3A_344 : memref<10000x144xf32, #tpu.memory_space<hbm>>) target(%arg19 : memref<40x144xf32, #tpu.memory_space<vmem>>) offsets(%dma_start3A_341 : memref<40xi32, #tpu.memory_space<vmem>>) semaphore(%arg24 : memref<!tpu.dma_semaphore, #tpu.memory_space<semaphore_mem>>)
        %dma_wait3A_345 = arith.constant 0 : i32
        %dma_wait3A_346 = tpu.memref_slice %arg9[%add3A_316, %dma_wait3A_345] : memref<50x40xi32, #tpu.memory_space<vmem>> -> memref<1x40xi32, #tpu.memory_space<vmem>>
        %dma_wait3A_347 = tpu.memref_squeeze %dma_wait3A_346 : memref<1x40xi32, #tpu.memory_space<vmem>> -> memref<40xi32, #tpu.memory_space<vmem>>
        %dma_wait3A_348 = arith.constant 0 : i32
        %dma_wait3A_349 = arith.constant 0 : i32
        %dma_wait3A_350 = tpu.memref_slice %arg3[%dma_wait3A_348, %dma_wait3A_349] : memref<10000x16xf32, #tpu.memory_space<hbm>> -> memref<10000x16xf32, #tpu.memory_space<hbm>>
        tpu.wait_indirect_dma semaphore(%arg27 : memref<!tpu.dma_semaphore, #tpu.memory_space<semaphore_mem>>) src(%dma_wait3A_350 : memref<10000x16xf32, #tpu.memory_space<hbm>>) dst(%arg14 : memref<40x16xf32, #tpu.memory_space<vmem>>)
        %dma_wait3A_351 = arith.constant 0 : i32
        %dma_wait3A_352 = tpu.memref_slice %arg10[%add3A_316, %dma_wait3A_351] : memref<50x40xi32, #tpu.memory_space<vmem>> -> memref<1x40xi32, #tpu.memory_space<vmem>>
        %dma_wait3A_353 = tpu.memref_squeeze %dma_wait3A_352 : memref<1x40xi32, #tpu.memory_space<vmem>> -> memref<40xi32, #tpu.memory_space<vmem>>
        %dma_wait3A_354 = arith.constant 0 : i32
        %dma_wait3A_355 = arith.constant 0 : i32
        %dma_wait3A_356 = tpu.memref_slice %arg4[%dma_wait3A_354, %dma_wait3A_355] : memref<10000x16xf32, #tpu.memory_space<hbm>> -> memref<10000x16xf32, #tpu.memory_space<hbm>>
        tpu.wait_indirect_dma semaphore(%arg27 : memref<!tpu.dma_semaphore, #tpu.memory_space<semaphore_mem>>) src(%dma_wait3A_356 : memref<10000x16xf32, #tpu.memory_space<hbm>>) dst(%arg18 : memref<40x16xf32, #tpu.memory_space<vmem>>)
        %dma_wait3A_357 = arith.constant 0 : i32
        %dma_wait3A_358 = tpu.memref_slice %arg9[%add3A_316, %dma_wait3A_357] : memref<50x40xi32, #tpu.memory_space<vmem>> -> memref<1x40xi32, #tpu.memory_space<vmem>>
        %dma_wait3A_359 = tpu.memref_squeeze %dma_wait3A_358 : memref<1x40xi32, #tpu.memory_space<vmem>> -> memref<40xi32, #tpu.memory_space<vmem>>
        %dma_wait3A_360 = arith.constant 0 : i32
        %dma_wait3A_361 = arith.constant 0 : i32
        %dma_wait3A_362 = tpu.memref_slice %arg2[%dma_wait3A_360, %dma_wait3A_361] : memref<10000x144xf32, #tpu.memory_space<hbm>> -> memref<10000x144xf32, #tpu.memory_space<hbm>>
        tpu.wait_indirect_dma semaphore(%arg27 : memref<!tpu.dma_semaphore, #tpu.memory_space<semaphore_mem>>) src(%dma_wait3A_362 : memref<10000x144xf32, #tpu.memory_space<hbm>>) dst(%arg22 : memref<40x144xf32, #tpu.memory_space<vmem>>)
        %parallel_loop3A_363 = arith.constant 0 : i32
        %parallel_loop3A_364 = arith.constant 40 : i32
        %parallel_loop3A_365 = arith.constant 1 : i32
        scf.for %parallel_loop3A_372 = %parallel_loop3A_363 to %parallel_loop3A_364 step %parallel_loop3A_365  : i32 {
          %parallel_loop3A_373 = arith.index_cast %parallel_loop3A_372 : i32 to index
          %parallel_loop3A_374 = arith.constant 0 : index
          %parallel_loop3A_375 = tpu.vector_load %arg14[%parallel_loop3A_373, %parallel_loop3A_374] {strides = array<i32>} : memref<40x16xf32, #tpu.memory_space<vmem>>, vector<1x16xf32>,
          %parallel_loop3A_376 = vector.shape_cast %parallel_loop3A_375 : vector<1x16xf32> to vector<16xf32>
          %parallel_loop3A_377 = arith.index_cast %parallel_loop3A_372 : i32 to index
          %parallel_loop3A_378 = arith.constant 0 : index
          %parallel_loop3A_379 = tpu.vector_load %arg18[%parallel_loop3A_377, %parallel_loop3A_378] {strides = array<i32>} : memref<40x16xf32, #tpu.memory_space<vmem>>, vector<1x16xf32>,
          %parallel_loop3A_380 = vector.shape_cast %parallel_loop3A_379 : vector<1x16xf32> to vector<16xf32>
          %parallel_loop3A_381 = arith.addf %parallel_loop3A_376, %parallel_loop3A_380 : vector<16xf32>
          %parallel_loop3A_382 = arith.constant 2.000000e-01 : f32
          %parallel_loop3A_383 = vector.broadcast %parallel_loop3A_382 : f32 to vector<16xf32>
          %parallel_loop3A_384 = arith.mulf %parallel_loop3A_381, %parallel_loop3A_383 : vector<16xf32>
          %parallel_loop3A_385 = arith.maximumf %parallel_loop3A_381, %parallel_loop3A_384 : vector<16xf32>
          %parallel_loop3A_386 = math.exp %parallel_loop3A_385 : vector<16xf32>
          %parallel_loop3A_387 = arith.index_cast %parallel_loop3A_372 : i32 to index
          %parallel_loop3A_388 = arith.constant 128 : index
          %parallel_loop3A_389 = tpu.vector_load %arg22[%parallel_loop3A_387, %parallel_loop3A_388] {strides = array<i32>} : memref<40x144xf32, #tpu.memory_space<vmem>>, vector<1x16xf32>,
          %parallel_loop3A_390 = vector.shape_cast %parallel_loop3A_389 : vector<1x16xf32> to vector<16xf32>
          %parallel_loop3A_391 = vector.shape_cast %parallel_loop3A_386 : vector<16xf32> to vector<1x16xf32>
          tpu.vector_store %arg22[%parallel_loop3A_387, %parallel_loop3A_388], %parallel_loop3A_391 {strides = array<i32>} : memref<40x144xf32, #tpu.memory_space<vmem>>, vector<1x16xf32>,
          %parallel_loop3A_392 = vector.extract_strided_slice %parallel_loop3A_386 {offsets = [0], sizes = [1], strides = [1]} : vector<16xf32> to vector<1xf32>
          %parallel_loop3A_393 = vector.extract %parallel_loop3A_392[0] : f32 from vector<1xf32>
          %parallel_loop3A_394 = vector.broadcast %parallel_loop3A_393 : f32 to vector<16xf32>
          %parallel_loop3A_395 = arith.index_cast %parallel_loop3A_372 : i32 to index
          %parallel_loop3A_396 = arith.constant 0 : index
          %parallel_loop3A_397 = tpu.vector_load %arg22[%parallel_loop3A_395, %parallel_loop3A_396] {strides = array<i32>} : memref<40x144xf32, #tpu.memory_space<vmem>>, vector<1x16xf32>,
          %parallel_loop3A_398 = vector.shape_cast %parallel_loop3A_397 : vector<1x16xf32> to vector<16xf32>
          %parallel_loop3A_399 = arith.mulf %parallel_loop3A_398, %parallel_loop3A_394 : vector<16xf32>
          %parallel_loop3A_400 = arith.index_cast %parallel_loop3A_372 : i32 to index
          %parallel_loop3A_401 = arith.constant 0 : index
          %parallel_loop3A_402 = tpu.vector_load %arg22[%parallel_loop3A_400, %parallel_loop3A_401] {strides = array<i32>} : memref<40x144xf32, #tpu.memory_space<vmem>>, vector<1x16xf32>,
          %parallel_loop3A_403 = vector.shape_cast %parallel_loop3A_402 : vector<1x16xf32> to vector<16xf32>
          %parallel_loop3A_404 = vector.shape_cast %parallel_loop3A_399 : vector<16xf32> to vector<1x16xf32>
          tpu.vector_store %arg22[%parallel_loop3A_400, %parallel_loop3A_401], %parallel_loop3A_404 {strides = array<i32>} : memref<40x144xf32, #tpu.memory_space<vmem>>, vector<1x16xf32>,
          %parallel_loop3A_405 = vector.extract_strided_slice %parallel_loop3A_386 {offsets = [1], sizes = [1], strides = [1]} : vector<16xf32> to vector<1xf32>
          %parallel_loop3A_406 = vector.extract %parallel_loop3A_405[0] : f32 from vector<1xf32>
          %parallel_loop3A_407 = vector.broadcast %parallel_loop3A_406 : f32 to vector<16xf32>
          %parallel_loop3A_408 = arith.index_cast %parallel_loop3A_372 : i32 to index
          %parallel_loop3A_409 = arith.constant 16 : index
          %parallel_loop3A_410 = tpu.vector_load %arg22[%parallel_loop3A_408, %parallel_loop3A_409] {strides = array<i32>} : memref<40x144xf32, #tpu.memory_space<vmem>>, vector<1x16xf32>,
          %parallel_loop3A_411 = vector.shape_cast %parallel_loop3A_410 : vector<1x16xf32> to vector<16xf32>
          %parallel_loop3A_412 = arith.mulf %parallel_loop3A_411, %parallel_loop3A_407 : vector<16xf32>
          %parallel_loop3A_413 = arith.index_cast %parallel_loop3A_372 : i32 to index
          %parallel_loop3A_414 = arith.constant 16 : index
          %parallel_loop3A_415 = tpu.vector_load %arg22[%parallel_loop3A_413, %parallel_loop3A_414] {strides = array<i32>} : memref<40x144xf32, #tpu.memory_space<vmem>>, vector<1x16xf32>,
          %parallel_loop3A_416 = vector.shape_cast %parallel_loop3A_415 : vector<1x16xf32> to vector<16xf32>
          %parallel_loop3A_417 = vector.shape_cast %parallel_loop3A_412 : vector<16xf32> to vector<1x16xf32>
          tpu.vector_store %arg22[%parallel_loop3A_413, %parallel_loop3A_414], %parallel_loop3A_417 {strides = array<i32>} : memref<40x144xf32, #tpu.memory_space<vmem>>, vector<1x16xf32>,
          %parallel_loop3A_418 = vector.extract_strided_slice %parallel_loop3A_386 {offsets = [2], sizes = [1], strides = [1]} : vector<16xf32> to vector<1xf32>
          %parallel_loop3A_419 = vector.extract %parallel_loop3A_418[0] : f32 from vector<1xf32>
          %parallel_loop3A_420 = vector.broadcast %parallel_loop3A_419 : f32 to vector<16xf32>
          %parallel_loop3A_421 = arith.index_cast %parallel_loop3A_372 : i32 to index
          %parallel_loop3A_422 = arith.constant 32 : index
          %parallel_loop3A_423 = tpu.vector_load %arg22[%parallel_loop3A_421, %parallel_loop3A_422] {strides = array<i32>} : memref<40x144xf32, #tpu.memory_space<vmem>>, vector<1x16xf32>,
          %parallel_loop3A_424 = vector.shape_cast %parallel_loop3A_423 : vector<1x16xf32> to vector<16xf32>
          %parallel_loop3A_425 = arith.mulf %parallel_loop3A_424, %parallel_loop3A_420 : vector<16xf32>
          %parallel_loop3A_426 = arith.index_cast %parallel_loop3A_372 : i32 to index
          %parallel_loop3A_427 = arith.constant 32 : index
          %parallel_loop3A_428 = tpu.vector_load %arg22[%parallel_loop3A_426, %parallel_loop3A_427] {strides = array<i32>} : memref<40x144xf32, #tpu.memory_space<vmem>>, vector<1x16xf32>,
          %parallel_loop3A_429 = vector.shape_cast %parallel_loop3A_428 : vector<1x16xf32> to vector<16xf32>
          %parallel_loop3A_430 = vector.shape_cast %parallel_loop3A_425 : vector<16xf32> to vector<1x16xf32>
          tpu.vector_store %arg22[%parallel_loop3A_426, %parallel_loop3A_427], %parallel_loop3A_430 {strides = array<i32>} : memref<40x144xf32, #tpu.memory_space<vmem>>, vector<1x16xf32>,
          %parallel_loop3A_431 = vector.extract_strided_slice %parallel_loop3A_386 {offsets = [3], sizes = [1], strides = [1]} : vector<16xf32> to vector<1xf32>
          %parallel_loop3A_432 = vector.extract %parallel_loop3A_431[0] : f32 from vector<1xf32>
          %parallel_loop3A_433 = vector.broadcast %parallel_loop3A_432 : f32 to vector<16xf32>
          %parallel_loop3A_434 = arith.index_cast %parallel_loop3A_372 : i32 to index
          %parallel_loop3A_435 = arith.constant 48 : index
          %parallel_loop3A_436 = tpu.vector_load %arg22[%parallel_loop3A_434, %parallel_loop3A_435] {strides = array<i32>} : memref<40x144xf32, #tpu.memory_space<vmem>>, vector<1x16xf32>,
          %parallel_loop3A_437 = vector.shape_cast %parallel_loop3A_436 : vector<1x16xf32> to vector<16xf32>
          %parallel_loop3A_438 = arith.mulf %parallel_loop3A_437, %parallel_loop3A_433 : vector<16xf32>
          %parallel_loop3A_439 = arith.index_cast %parallel_loop3A_372 : i32 to index
          %parallel_loop3A_440 = arith.constant 48 : index
          %parallel_loop3A_441 = tpu.vector_load %arg22[%parallel_loop3A_439, %parallel_loop3A_440] {strides = array<i32>} : memref<40x144xf32, #tpu.memory_space<vmem>>, vector<1x16xf32>,
          %parallel_loop3A_442 = vector.shape_cast %parallel_loop3A_441 : vector<1x16xf32> to vector<16xf32>
          %parallel_loop3A_443 = vector.shape_cast %parallel_loop3A_438 : vector<16xf32> to vector<1x16xf32>
          tpu.vector_store %arg22[%parallel_loop3A_439, %parallel_loop3A_440], %parallel_loop3A_443 {strides = array<i32>} : memref<40x144xf32, #tpu.memory_space<vmem>>, vector<1x16xf32>,
          %parallel_loop3A_444 = vector.extract_strided_slice %parallel_loop3A_386 {offsets = [4], sizes = [1], strides = [1]} : vector<16xf32> to vector<1xf32>
          %parallel_loop3A_445 = vector.extract %parallel_loop3A_444[0] : f32 from vector<1xf32>
          %parallel_loop3A_446 = vector.broadcast %parallel_loop3A_445 : f32 to vector<16xf32>
          %parallel_loop3A_447 = arith.index_cast %parallel_loop3A_372 : i32 to index
          %parallel_loop3A_448 = arith.constant 64 : index
          %parallel_loop3A_449 = tpu.vector_load %arg22[%parallel_loop3A_447, %parallel_loop3A_448] {strides = array<i32>} : memref<40x144xf32, #tpu.memory_space<vmem>>, vector<1x16xf32>,
          %parallel_loop3A_450 = vector.shape_cast %parallel_loop3A_449 : vector<1x16xf32> to vector<16xf32>
          %parallel_loop3A_451 = arith.mulf %parallel_loop3A_450, %parallel_loop3A_446 : vector<16xf32>
          %parallel_loop3A_452 = arith.index_cast %parallel_loop3A_372 : i32 to index
          %parallel_loop3A_453 = arith.constant 64 : index
          %parallel_loop3A_454 = tpu.vector_load %arg22[%parallel_loop3A_452, %parallel_loop3A_453] {strides = array<i32>} : memref<40x144xf32, #tpu.memory_space<vmem>>, vector<1x16xf32>,
          %parallel_loop3A_455 = vector.shape_cast %parallel_loop3A_454 : vector<1x16xf32> to vector<16xf32>
          %parallel_loop3A_456 = vector.shape_cast %parallel_loop3A_451 : vector<16xf32> to vector<1x16xf32>
          tpu.vector_store %arg22[%parallel_loop3A_452, %parallel_loop3A_453], %parallel_loop3A_456 {strides = array<i32>} : memref<40x144xf32, #tpu.memory_space<vmem>>, vector<1x16xf32>,
          %parallel_loop3A_457 = vector.extract_strided_slice %parallel_loop3A_386 {offsets = [5], sizes = [1], strides = [1]} : vector<16xf32> to vector<1xf32>
          %parallel_loop3A_458 = vector.extract %parallel_loop3A_457[0] : f32 from vector<1xf32>
          %parallel_loop3A_459 = vector.broadcast %parallel_loop3A_458 : f32 to vector<16xf32>
          %parallel_loop3A_460 = arith.index_cast %parallel_loop3A_372 : i32 to index
          %parallel_loop3A_461 = arith.constant 80 : index
          %parallel_loop3A_462 = tpu.vector_load %arg22[%parallel_loop3A_460, %parallel_loop3A_461] {strides = array<i32>} : memref<40x144xf32, #tpu.memory_space<vmem>>, vector<1x16xf32>,
          %parallel_loop3A_463 = vector.shape_cast %parallel_loop3A_462 : vector<1x16xf32> to vector<16xf32>
          %parallel_loop3A_464 = arith.mulf %parallel_loop3A_463, %parallel_loop3A_459 : vector<16xf32>
          %parallel_loop3A_465 = arith.index_cast %parallel_loop3A_372 : i32 to index
          %parallel_loop3A_466 = arith.constant 80 : index
          %parallel_loop3A_467 = tpu.vector_load %arg22[%parallel_loop3A_465, %parallel_loop3A_466] {strides = array<i32>} : memref<40x144xf32, #tpu.memory_space<vmem>>, vector<1x16xf32>,
          %parallel_loop3A_468 = vector.shape_cast %parallel_loop3A_467 : vector<1x16xf32> to vector<16xf32>
          %parallel_loop3A_469 = vector.shape_cast %parallel_loop3A_464 : vector<16xf32> to vector<1x16xf32>
          tpu.vector_store %arg22[%parallel_loop3A_465, %parallel_loop3A_466], %parallel_loop3A_469 {strides = array<i32>} : memref<40x144xf32, #tpu.memory_space<vmem>>, vector<1x16xf32>,
          %parallel_loop3A_470 = vector.extract_strided_slice %parallel_loop3A_386 {offsets = [6], sizes = [1], strides = [1]} : vector<16xf32> to vector<1xf32>
          %parallel_loop3A_471 = vector.extract %parallel_loop3A_470[0] : f32 from vector<1xf32>
          %parallel_loop3A_472 = vector.broadcast %parallel_loop3A_471 : f32 to vector<16xf32>
          %parallel_loop3A_473 = arith.index_cast %parallel_loop3A_372 : i32 to index
          %parallel_loop3A_474 = arith.constant 96 : index
          %parallel_loop3A_475 = tpu.vector_load %arg22[%parallel_loop3A_473, %parallel_loop3A_474] {strides = array<i32>} : memref<40x144xf32, #tpu.memory_space<vmem>>, vector<1x16xf32>,
          %parallel_loop3A_476 = vector.shape_cast %parallel_loop3A_475 : vector<1x16xf32> to vector<16xf32>
          %parallel_loop3A_477 = arith.mulf %parallel_loop3A_476, %parallel_loop3A_472 : vector<16xf32>
          %parallel_loop3A_478 = arith.index_cast %parallel_loop3A_372 : i32 to index
          %parallel_loop3A_479 = arith.constant 96 : index
          %parallel_loop3A_480 = tpu.vector_load %arg22[%parallel_loop3A_478, %parallel_loop3A_479] {strides = array<i32>} : memref<40x144xf32, #tpu.memory_space<vmem>>, vector<1x16xf32>,
          %parallel_loop3A_481 = vector.shape_cast %parallel_loop3A_480 : vector<1x16xf32> to vector<16xf32>
          %parallel_loop3A_482 = vector.shape_cast %parallel_loop3A_477 : vector<16xf32> to vector<1x16xf32>
          tpu.vector_store %arg22[%parallel_loop3A_478, %parallel_loop3A_479], %parallel_loop3A_482 {strides = array<i32>} : memref<40x144xf32, #tpu.memory_space<vmem>>, vector<1x16xf32>,
          %parallel_loop3A_483 = vector.extract_strided_slice %parallel_loop3A_386 {offsets = [7], sizes = [1], strides = [1]} : vector<16xf32> to vector<1xf32>
          %parallel_loop3A_484 = vector.extract %parallel_loop3A_483[0] : f32 from vector<1xf32>
          %parallel_loop3A_485 = vector.broadcast %parallel_loop3A_484 : f32 to vector<16xf32>
          %parallel_loop3A_486 = arith.index_cast %parallel_loop3A_372 : i32 to index
          %parallel_loop3A_487 = arith.constant 112 : index
          %parallel_loop3A_488 = tpu.vector_load %arg22[%parallel_loop3A_486, %parallel_loop3A_487] {strides = array<i32>} : memref<40x144xf32, #tpu.memory_space<vmem>>, vector<1x16xf32>,
          %parallel_loop3A_489 = vector.shape_cast %parallel_loop3A_488 : vector<1x16xf32> to vector<16xf32>
          %parallel_loop3A_490 = arith.mulf %parallel_loop3A_489, %parallel_loop3A_485 : vector<16xf32>
          %parallel_loop3A_491 = arith.index_cast %parallel_loop3A_372 : i32 to index
          %parallel_loop3A_492 = arith.constant 112 : index
          %parallel_loop3A_493 = tpu.vector_load %arg22[%parallel_loop3A_491, %parallel_loop3A_492] {strides = array<i32>} : memref<40x144xf32, #tpu.memory_space<vmem>>, vector<1x16xf32>,
          %parallel_loop3A_494 = vector.shape_cast %parallel_loop3A_493 : vector<1x16xf32> to vector<16xf32>
          %parallel_loop3A_495 = vector.shape_cast %parallel_loop3A_490 : vector<16xf32> to vector<1x16xf32>
          tpu.vector_store %arg22[%parallel_loop3A_491, %parallel_loop3A_492], %parallel_loop3A_495 {strides = array<i32>} : memref<40x144xf32, #tpu.memory_space<vmem>>, vector<1x16xf32>,
        } {sc.loop_unroll_factor = 2 : i64, sc.parallel_access}
        %dma_start3A_366 = arith.constant 0 : i32
        %dma_start3A_367 = tpu.memref_slice %arg10[%add3A_316, %dma_start3A_366] : memref<50x40xi32, #tpu.memory_space<vmem>> -> memref<1x40xi32, #tpu.memory_space<vmem>>
        %dma_start3A_368 = tpu.memref_squeeze %dma_start3A_367 : memref<1x40xi32, #tpu.memory_space<vmem>> -> memref<40xi32, #tpu.memory_space<vmem>>
        %dma_start3A_369 = arith.constant 0 : i32
        %dma_start3A_370 = arith.constant 0 : i32
        %dma_start3A_371 = tpu.memref_slice %arg23[%dma_start3A_369, %dma_start3A_370] : memref<10112x144xf32, #tpu.memory_space<vmem_shared>> -> memref<10112x144xf32, #tpu.memory_space<vmem_shared>>
        tpu.enqueue_indirect_dma source(%arg22 : memref<40x144xf32, #tpu.memory_space<vmem>>) target(%dma_start3A_371 : memref<10112x144xf32, #tpu.memory_space<vmem_shared>>) offsets(%dma_start3A_368 : memref<40xi32, #tpu.memory_space<vmem>>) semaphore(%arg31 : memref<!tpu.dma_semaphore, #tpu.memory_space<semaphore_mem>>) {add = true}
      }
      %scan3A_35 = arith.constant 12 : i32
      %dma_wait3A = arith.constant 46 : i32
      %dma_wait3A_36 = arith.constant 0 : i32
      %dma_wait3A_37 = tpu.memref_slice %arg10[%dma_wait3A, %dma_wait3A_36] : memref<50x40xi32, #tpu.memory_space<vmem>> -> memref<1x40xi32, #tpu.memory_space<vmem>>
      %dma_wait3A_38 = tpu.memref_squeeze %dma_wait3A_37 : memref<1x40xi32, #tpu.memory_space<vmem>> -> memref<40xi32, #tpu.memory_space<vmem>>
      %dma_wait3A_39 = arith.constant 0 : i32
      %dma_wait3A_40 = arith.constant 0 : i32
      %dma_wait3A_41 = tpu.memref_slice %arg23[%dma_wait3A_39, %dma_wait3A_40] : memref<10112x144xf32, #tpu.memory_space<vmem_shared>> -> memref<10112x144xf32, #tpu.memory_space<vmem_shared>>
      tpu.wait_indirect_dma semaphore(%arg30 : memref<!tpu.dma_semaphore, #tpu.memory_space<semaphore_mem>>) src(%arg21 : memref<40x144xf32, #tpu.memory_space<vmem>>) dst(%dma_wait3A_41 : memref<10112x144xf32, #tpu.memory_space<vmem_shared>>)
      %dma_start3A_42 = arith.constant 49 : i32
      %dma_start3A_43 = arith.constant 0 : i32
      %dma_start3A_44 = tpu.memref_slice %arg9[%dma_start3A_42, %dma_start3A_43] : memref<50x40xi32, #tpu.memory_space<vmem>> -> memref<1x40xi32, #tpu.memory_space<vmem>>
      %dma_start3A_45 = tpu.memref_squeeze %dma_start3A_44 : memref<1x40xi32, #tpu.memory_space<vmem>> -> memref<40xi32, #tpu.memory_space<vmem>>
      %dma_start3A_46 = arith.constant 0 : i32
      %dma_start3A_47 = arith.constant 0 : i32
      %dma_start3A_48 = tpu.memref_slice %arg3[%dma_start3A_46, %dma_start3A_47] : memref<10000x16xf32, #tpu.memory_space<hbm>> -> memref<10000x16xf32, #tpu.memory_space<hbm>>
      tpu.enqueue_indirect_dma source(%dma_start3A_48 : memref<10000x16xf32, #tpu.memory_space<hbm>>) target(%arg12 : memref<40x16xf32, #tpu.memory_space<vmem>>) offsets(%dma_start3A_45 : memref<40xi32, #tpu.memory_space<vmem>>) semaphore(%arg25 : memref<!tpu.dma_semaphore, #tpu.memory_space<semaphore_mem>>)
      %dma_start3A_49 = arith.constant 49 : i32
      %dma_start3A_50 = arith.constant 0 : i32
      %dma_start3A_51 = tpu.memref_slice %arg10[%dma_start3A_49, %dma_start3A_50] : memref<50x40xi32, #tpu.memory_space<vmem>> -> memref<1x40xi32, #tpu.memory_space<vmem>>
      %dma_start3A_52 = tpu.memref_squeeze %dma_start3A_51 : memref<1x40xi32, #tpu.memory_space<vmem>> -> memref<40xi32, #tpu.memory_space<vmem>>
      %dma_start3A_53 = arith.constant 0 : i32
      %dma_start3A_54 = arith.constant 0 : i32
      %dma_start3A_55 = tpu.memref_slice %arg4[%dma_start3A_53, %dma_start3A_54] : memref<10000x16xf32, #tpu.memory_space<hbm>> -> memref<10000x16xf32, #tpu.memory_space<hbm>>
      tpu.enqueue_indirect_dma source(%dma_start3A_55 : memref<10000x16xf32, #tpu.memory_space<hbm>>) target(%arg16 : memref<40x16xf32, #tpu.memory_space<vmem>>) offsets(%dma_start3A_52 : memref<40xi32, #tpu.memory_space<vmem>>) semaphore(%arg25 : memref<!tpu.dma_semaphore, #tpu.memory_space<semaphore_mem>>)
      %dma_start3A_56 = arith.constant 49 : i32
      %dma_start3A_57 = arith.constant 0 : i32
      %dma_start3A_58 = tpu.memref_slice %arg9[%dma_start3A_56, %dma_start3A_57] : memref<50x40xi32, #tpu.memory_space<vmem>> -> memref<1x40xi32, #tpu.memory_space<vmem>>
      %dma_start3A_59 = tpu.memref_squeeze %dma_start3A_58 : memref<1x40xi32, #tpu.memory_space<vmem>> -> memref<40xi32, #tpu.memory_space<vmem>>
      %dma_start3A_60 = arith.constant 0 : i32
      %dma_start3A_61 = arith.constant 0 : i32
      %dma_start3A_62 = tpu.memref_slice %arg2[%dma_start3A_60, %dma_start3A_61] : memref<10000x144xf32, #tpu.memory_space<hbm>> -> memref<10000x144xf32, #tpu.memory_space<hbm>>
      tpu.enqueue_indirect_dma source(%dma_start3A_62 : memref<10000x144xf32, #tpu.memory_space<hbm>>) target(%arg20 : memref<40x144xf32, #tpu.memory_space<vmem>>) offsets(%dma_start3A_59 : memref<40xi32, #tpu.memory_space<vmem>>) semaphore(%arg25 : memref<!tpu.dma_semaphore, #tpu.memory_space<semaphore_mem>>)
      %dma_wait3A_63 = arith.constant 48 : i32
      %dma_wait3A_64 = arith.constant 0 : i32
      %dma_wait3A_65 = tpu.memref_slice %arg9[%dma_wait3A_63, %dma_wait3A_64] : memref<50x40xi32, #tpu.memory_space<vmem>> -> memref<1x40xi32, #tpu.memory_space<vmem>>
      %dma_wait3A_66 = tpu.memref_squeeze %dma_wait3A_65 : memref<1x40xi32, #tpu.memory_space<vmem>> -> memref<40xi32, #tpu.memory_space<vmem>>
      %dma_wait3A_67 = arith.constant 0 : i32
      %dma_wait3A_68 = arith.constant 0 : i32
      %dma_wait3A_69 = tpu.memref_slice %arg3[%dma_wait3A_67, %dma_wait3A_68] : memref<10000x16xf32, #tpu.memory_space<hbm>> -> memref<10000x16xf32, #tpu.memory_space<hbm>>
      tpu.wait_indirect_dma semaphore(%arg24 : memref<!tpu.dma_semaphore, #tpu.memory_space<semaphore_mem>>) src(%dma_wait3A_69 : memref<10000x16xf32, #tpu.memory_space<hbm>>) dst(%arg11 : memref<40x16xf32, #tpu.memory_space<vmem>>)
      %dma_wait3A_70 = arith.constant 48 : i32
      %dma_wait3A_71 = arith.constant 0 : i32
      %dma_wait3A_72 = tpu.memref_slice %arg10[%dma_wait3A_70, %dma_wait3A_71] : memref<50x40xi32, #tpu.memory_space<vmem>> -> memref<1x40xi32, #tpu.memory_space<vmem>>
      %dma_wait3A_73 = tpu.memref_squeeze %dma_wait3A_72 : memref<1x40xi32, #tpu.memory_space<vmem>> -> memref<40xi32, #tpu.memory_space<vmem>>
      %dma_wait3A_74 = arith.constant 0 : i32
      %dma_wait3A_75 = arith.constant 0 : i32
      %dma_wait3A_76 = tpu.memref_slice %arg4[%dma_wait3A_74, %dma_wait3A_75] : memref<10000x16xf32, #tpu.memory_space<hbm>> -> memref<10000x16xf32, #tpu.memory_space<hbm>>
      tpu.wait_indirect_dma semaphore(%arg24 : memref<!tpu.dma_semaphore, #tpu.memory_space<semaphore_mem>>) src(%dma_wait3A_76 : memref<10000x16xf32, #tpu.memory_space<hbm>>) dst(%arg15 : memref<40x16xf32, #tpu.memory_space<vmem>>)
      %dma_wait3A_77 = arith.constant 48 : i32
      %dma_wait3A_78 = arith.constant 0 : i32
      %dma_wait3A_79 = tpu.memref_slice %arg9[%dma_wait3A_77, %dma_wait3A_78] : memref<50x40xi32, #tpu.memory_space<vmem>> -> memref<1x40xi32, #tpu.memory_space<vmem>>
      %dma_wait3A_80 = tpu.memref_squeeze %dma_wait3A_79 : memref<1x40xi32, #tpu.memory_space<vmem>> -> memref<40xi32, #tpu.memory_space<vmem>>
      %dma_wait3A_81 = arith.constant 0 : i32
      %dma_wait3A_82 = arith.constant 0 : i32
      %dma_wait3A_83 = tpu.memref_slice %arg2[%dma_wait3A_81, %dma_wait3A_82] : memref<10000x144xf32, #tpu.memory_space<hbm>> -> memref<10000x144xf32, #tpu.memory_space<hbm>>
      tpu.wait_indirect_dma semaphore(%arg24 : memref<!tpu.dma_semaphore, #tpu.memory_space<semaphore_mem>>) src(%dma_wait3A_83 : memref<10000x144xf32, #tpu.memory_space<hbm>>) dst(%arg19 : memref<40x144xf32, #tpu.memory_space<vmem>>)
      %parallel_loop3A = arith.constant 0 : i32
      %parallel_loop3A_84 = arith.constant 40 : i32
      %parallel_loop3A_85 = arith.constant 1 : i32
      scf.for %parallel_loop3A_145 = %parallel_loop3A to %parallel_loop3A_84 step %parallel_loop3A_85  : i32 {
        %parallel_loop3A_146 = arith.index_cast %parallel_loop3A_145 : i32 to index
        %parallel_loop3A_147 = arith.constant 0 : index
        %parallel_loop3A_148 = tpu.vector_load %arg11[%parallel_loop3A_146, %parallel_loop3A_147] {strides = array<i32>} : memref<40x16xf32, #tpu.memory_space<vmem>>, vector<1x16xf32>,
        %parallel_loop3A_149 = vector.shape_cast %parallel_loop3A_148 : vector<1x16xf32> to vector<16xf32>
        %parallel_loop3A_150 = arith.index_cast %parallel_loop3A_145 : i32 to index
        %parallel_loop3A_151 = arith.constant 0 : index
        %parallel_loop3A_152 = tpu.vector_load %arg15[%parallel_loop3A_150, %parallel_loop3A_151] {strides = array<i32>} : memref<40x16xf32, #tpu.memory_space<vmem>>, vector<1x16xf32>,
        %parallel_loop3A_153 = vector.shape_cast %parallel_loop3A_152 : vector<1x16xf32> to vector<16xf32>
        %parallel_loop3A_154 = arith.addf %parallel_loop3A_149, %parallel_loop3A_153 : vector<16xf32>
        %parallel_loop3A_155 = arith.constant 2.000000e-01 : f32
        %parallel_loop3A_156 = vector.broadcast %parallel_loop3A_155 : f32 to vector<16xf32>
        %parallel_loop3A_157 = arith.mulf %parallel_loop3A_154, %parallel_loop3A_156 : vector<16xf32>
        %parallel_loop3A_158 = arith.maximumf %parallel_loop3A_154, %parallel_loop3A_157 : vector<16xf32>
        %parallel_loop3A_159 = math.exp %parallel_loop3A_158 : vector<16xf32>
        %parallel_loop3A_160 = arith.index_cast %parallel_loop3A_145 : i32 to index
        %parallel_loop3A_161 = arith.constant 128 : index
        %parallel_loop3A_162 = tpu.vector_load %arg19[%parallel_loop3A_160, %parallel_loop3A_161] {strides = array<i32>} : memref<40x144xf32, #tpu.memory_space<vmem>>, vector<1x16xf32>,
        %parallel_loop3A_163 = vector.shape_cast %parallel_loop3A_162 : vector<1x16xf32> to vector<16xf32>
        %parallel_loop3A_164 = vector.shape_cast %parallel_loop3A_159 : vector<16xf32> to vector<1x16xf32>
        tpu.vector_store %arg19[%parallel_loop3A_160, %parallel_loop3A_161], %parallel_loop3A_164 {strides = array<i32>} : memref<40x144xf32, #tpu.memory_space<vmem>>, vector<1x16xf32>,
        %parallel_loop3A_165 = vector.extract_strided_slice %parallel_loop3A_159 {offsets = [0], sizes = [1], strides = [1]} : vector<16xf32> to vector<1xf32>
        %parallel_loop3A_166 = vector.extract %parallel_loop3A_165[0] : f32 from vector<1xf32>
        %parallel_loop3A_167 = vector.broadcast %parallel_loop3A_166 : f32 to vector<16xf32>
        %parallel_loop3A_168 = arith.index_cast %parallel_loop3A_145 : i32 to index
        %parallel_loop3A_169 = arith.constant 0 : index
        %parallel_loop3A_170 = tpu.vector_load %arg19[%parallel_loop3A_168, %parallel_loop3A_169] {strides = array<i32>} : memref<40x144xf32, #tpu.memory_space<vmem>>, vector<1x16xf32>,
        %parallel_loop3A_171 = vector.shape_cast %parallel_loop3A_170 : vector<1x16xf32> to vector<16xf32>
        %parallel_loop3A_172 = arith.mulf %parallel_loop3A_171, %parallel_loop3A_167 : vector<16xf32>
        %parallel_loop3A_173 = arith.index_cast %parallel_loop3A_145 : i32 to index
        %parallel_loop3A_174 = arith.constant 0 : index
        %parallel_loop3A_175 = tpu.vector_load %arg19[%parallel_loop3A_173, %parallel_loop3A_174] {strides = array<i32>} : memref<40x144xf32, #tpu.memory_space<vmem>>, vector<1x16xf32>,
        %parallel_loop3A_176 = vector.shape_cast %parallel_loop3A_175 : vector<1x16xf32> to vector<16xf32>
        %parallel_loop3A_177 = vector.shape_cast %parallel_loop3A_172 : vector<16xf32> to vector<1x16xf32>
        tpu.vector_store %arg19[%parallel_loop3A_173, %parallel_loop3A_174], %parallel_loop3A_177 {strides = array<i32>} : memref<40x144xf32, #tpu.memory_space<vmem>>, vector<1x16xf32>,
        %parallel_loop3A_178 = vector.extract_strided_slice %parallel_loop3A_159 {offsets = [1], sizes = [1], strides = [1]} : vector<16xf32> to vector<1xf32>
        %parallel_loop3A_179 = vector.extract %parallel_loop3A_178[0] : f32 from vector<1xf32>
        %parallel_loop3A_180 = vector.broadcast %parallel_loop3A_179 : f32 to vector<16xf32>
        %parallel_loop3A_181 = arith.index_cast %parallel_loop3A_145 : i32 to index
        %parallel_loop3A_182 = arith.constant 16 : index
        %parallel_loop3A_183 = tpu.vector_load %arg19[%parallel_loop3A_181, %parallel_loop3A_182] {strides = array<i32>} : memref<40x144xf32, #tpu.memory_space<vmem>>, vector<1x16xf32>,
        %parallel_loop3A_184 = vector.shape_cast %parallel_loop3A_183 : vector<1x16xf32> to vector<16xf32>
        %parallel_loop3A_185 = arith.mulf %parallel_loop3A_184, %parallel_loop3A_180 : vector<16xf32>
        %parallel_loop3A_186 = arith.index_cast %parallel_loop3A_145 : i32 to index
        %parallel_loop3A_187 = arith.constant 16 : index
        %parallel_loop3A_188 = tpu.vector_load %arg19[%parallel_loop3A_186, %parallel_loop3A_187] {strides = array<i32>} : memref<40x144xf32, #tpu.memory_space<vmem>>, vector<1x16xf32>,
        %parallel_loop3A_189 = vector.shape_cast %parallel_loop3A_188 : vector<1x16xf32> to vector<16xf32>
        %parallel_loop3A_190 = vector.shape_cast %parallel_loop3A_185 : vector<16xf32> to vector<1x16xf32>
        tpu.vector_store %arg19[%parallel_loop3A_186, %parallel_loop3A_187], %parallel_loop3A_190 {strides = array<i32>} : memref<40x144xf32, #tpu.memory_space<vmem>>, vector<1x16xf32>,
        %parallel_loop3A_191 = vector.extract_strided_slice %parallel_loop3A_159 {offsets = [2], sizes = [1], strides = [1]} : vector<16xf32> to vector<1xf32>
        %parallel_loop3A_192 = vector.extract %parallel_loop3A_191[0] : f32 from vector<1xf32>
        %parallel_loop3A_193 = vector.broadcast %parallel_loop3A_192 : f32 to vector<16xf32>
        %parallel_loop3A_194 = arith.index_cast %parallel_loop3A_145 : i32 to index
        %parallel_loop3A_195 = arith.constant 32 : index
        %parallel_loop3A_196 = tpu.vector_load %arg19[%parallel_loop3A_194, %parallel_loop3A_195] {strides = array<i32>} : memref<40x144xf32, #tpu.memory_space<vmem>>, vector<1x16xf32>,
        %parallel_loop3A_197 = vector.shape_cast %parallel_loop3A_196 : vector<1x16xf32> to vector<16xf32>
        %parallel_loop3A_198 = arith.mulf %parallel_loop3A_197, %parallel_loop3A_193 : vector<16xf32>
        %parallel_loop3A_199 = arith.index_cast %parallel_loop3A_145 : i32 to index
        %parallel_loop3A_200 = arith.constant 32 : index
        %parallel_loop3A_201 = tpu.vector_load %arg19[%parallel_loop3A_199, %parallel_loop3A_200] {strides = array<i32>} : memref<40x144xf32, #tpu.memory_space<vmem>>, vector<1x16xf32>,
        %parallel_loop3A_202 = vector.shape_cast %parallel_loop3A_201 : vector<1x16xf32> to vector<16xf32>
        %parallel_loop3A_203 = vector.shape_cast %parallel_loop3A_198 : vector<16xf32> to vector<1x16xf32>
        tpu.vector_store %arg19[%parallel_loop3A_199, %parallel_loop3A_200], %parallel_loop3A_203 {strides = array<i32>} : memref<40x144xf32, #tpu.memory_space<vmem>>, vector<1x16xf32>,
        %parallel_loop3A_204 = vector.extract_strided_slice %parallel_loop3A_159 {offsets = [3], sizes = [1], strides = [1]} : vector<16xf32> to vector<1xf32>
        %parallel_loop3A_205 = vector.extract %parallel_loop3A_204[0] : f32 from vector<1xf32>
        %parallel_loop3A_206 = vector.broadcast %parallel_loop3A_205 : f32 to vector<16xf32>
        %parallel_loop3A_207 = arith.index_cast %parallel_loop3A_145 : i32 to index
        %parallel_loop3A_208 = arith.constant 48 : index
        %parallel_loop3A_209 = tpu.vector_load %arg19[%parallel_loop3A_207, %parallel_loop3A_208] {strides = array<i32>} : memref<40x144xf32, #tpu.memory_space<vmem>>, vector<1x16xf32>,
        %parallel_loop3A_210 = vector.shape_cast %parallel_loop3A_209 : vector<1x16xf32> to vector<16xf32>
        %parallel_loop3A_211 = arith.mulf %parallel_loop3A_210, %parallel_loop3A_206 : vector<16xf32>
        %parallel_loop3A_212 = arith.index_cast %parallel_loop3A_145 : i32 to index
        %parallel_loop3A_213 = arith.constant 48 : index
        %parallel_loop3A_214 = tpu.vector_load %arg19[%parallel_loop3A_212, %parallel_loop3A_213] {strides = array<i32>} : memref<40x144xf32, #tpu.memory_space<vmem>>, vector<1x16xf32>,
        %parallel_loop3A_215 = vector.shape_cast %parallel_loop3A_214 : vector<1x16xf32> to vector<16xf32>
        %parallel_loop3A_216 = vector.shape_cast %parallel_loop3A_211 : vector<16xf32> to vector<1x16xf32>
        tpu.vector_store %arg19[%parallel_loop3A_212, %parallel_loop3A_213], %parallel_loop3A_216 {strides = array<i32>} : memref<40x144xf32, #tpu.memory_space<vmem>>, vector<1x16xf32>,
        %parallel_loop3A_217 = vector.extract_strided_slice %parallel_loop3A_159 {offsets = [4], sizes = [1], strides = [1]} : vector<16xf32> to vector<1xf32>
        %parallel_loop3A_218 = vector.extract %parallel_loop3A_217[0] : f32 from vector<1xf32>
        %parallel_loop3A_219 = vector.broadcast %parallel_loop3A_218 : f32 to vector<16xf32>
        %parallel_loop3A_220 = arith.index_cast %parallel_loop3A_145 : i32 to index
        %parallel_loop3A_221 = arith.constant 64 : index
        %parallel_loop3A_222 = tpu.vector_load %arg19[%parallel_loop3A_220, %parallel_loop3A_221] {strides = array<i32>} : memref<40x144xf32, #tpu.memory_space<vmem>>, vector<1x16xf32>,
        %parallel_loop3A_223 = vector.shape_cast %parallel_loop3A_222 : vector<1x16xf32> to vector<16xf32>
        %parallel_loop3A_224 = arith.mulf %parallel_loop3A_223, %parallel_loop3A_219 : vector<16xf32>
        %parallel_loop3A_225 = arith.index_cast %parallel_loop3A_145 : i32 to index
        %parallel_loop3A_226 = arith.constant 64 : index
        %parallel_loop3A_227 = tpu.vector_load %arg19[%parallel_loop3A_225, %parallel_loop3A_226] {strides = array<i32>} : memref<40x144xf32, #tpu.memory_space<vmem>>, vector<1x16xf32>,
        %parallel_loop3A_228 = vector.shape_cast %parallel_loop3A_227 : vector<1x16xf32> to vector<16xf32>
        %parallel_loop3A_229 = vector.shape_cast %parallel_loop3A_224 : vector<16xf32> to vector<1x16xf32>
        tpu.vector_store %arg19[%parallel_loop3A_225, %parallel_loop3A_226], %parallel_loop3A_229 {strides = array<i32>} : memref<40x144xf32, #tpu.memory_space<vmem>>, vector<1x16xf32>,
        %parallel_loop3A_230 = vector.extract_strided_slice %parallel_loop3A_159 {offsets = [5], sizes = [1], strides = [1]} : vector<16xf32> to vector<1xf32>
        %parallel_loop3A_231 = vector.extract %parallel_loop3A_230[0] : f32 from vector<1xf32>
        %parallel_loop3A_232 = vector.broadcast %parallel_loop3A_231 : f32 to vector<16xf32>
        %parallel_loop3A_233 = arith.index_cast %parallel_loop3A_145 : i32 to index
        %parallel_loop3A_234 = arith.constant 80 : index
        %parallel_loop3A_235 = tpu.vector_load %arg19[%parallel_loop3A_233, %parallel_loop3A_234] {strides = array<i32>} : memref<40x144xf32, #tpu.memory_space<vmem>>, vector<1x16xf32>,
        %parallel_loop3A_236 = vector.shape_cast %parallel_loop3A_235 : vector<1x16xf32> to vector<16xf32>
        %parallel_loop3A_237 = arith.mulf %parallel_loop3A_236, %parallel_loop3A_232 : vector<16xf32>
        %parallel_loop3A_238 = arith.index_cast %parallel_loop3A_145 : i32 to index
        %parallel_loop3A_239 = arith.constant 80 : index
        %parallel_loop3A_240 = tpu.vector_load %arg19[%parallel_loop3A_238, %parallel_loop3A_239] {strides = array<i32>} : memref<40x144xf32, #tpu.memory_space<vmem>>, vector<1x16xf32>,
        %parallel_loop3A_241 = vector.shape_cast %parallel_loop3A_240 : vector<1x16xf32> to vector<16xf32>
        %parallel_loop3A_242 = vector.shape_cast %parallel_loop3A_237 : vector<16xf32> to vector<1x16xf32>
        tpu.vector_store %arg19[%parallel_loop3A_238, %parallel_loop3A_239], %parallel_loop3A_242 {strides = array<i32>} : memref<40x144xf32, #tpu.memory_space<vmem>>, vector<1x16xf32>,
        %parallel_loop3A_243 = vector.extract_strided_slice %parallel_loop3A_159 {offsets = [6], sizes = [1], strides = [1]} : vector<16xf32> to vector<1xf32>
        %parallel_loop3A_244 = vector.extract %parallel_loop3A_243[0] : f32 from vector<1xf32>
        %parallel_loop3A_245 = vector.broadcast %parallel_loop3A_244 : f32 to vector<16xf32>
        %parallel_loop3A_246 = arith.index_cast %parallel_loop3A_145 : i32 to index
        %parallel_loop3A_247 = arith.constant 96 : index
        %parallel_loop3A_248 = tpu.vector_load %arg19[%parallel_loop3A_246, %parallel_loop3A_247] {strides = array<i32>} : memref<40x144xf32, #tpu.memory_space<vmem>>, vector<1x16xf32>,
        %parallel_loop3A_249 = vector.shape_cast %parallel_loop3A_248 : vector<1x16xf32> to vector<16xf32>
        %parallel_loop3A_250 = arith.mulf %parallel_loop3A_249, %parallel_loop3A_245 : vector<16xf32>
        %parallel_loop3A_251 = arith.index_cast %parallel_loop3A_145 : i32 to index
        %parallel_loop3A_252 = arith.constant 96 : index
        %parallel_loop3A_253 = tpu.vector_load %arg19[%parallel_loop3A_251, %parallel_loop3A_252] {strides = array<i32>} : memref<40x144xf32, #tpu.memory_space<vmem>>, vector<1x16xf32>,
        %parallel_loop3A_254 = vector.shape_cast %parallel_loop3A_253 : vector<1x16xf32> to vector<16xf32>
        %parallel_loop3A_255 = vector.shape_cast %parallel_loop3A_250 : vector<16xf32> to vector<1x16xf32>
        tpu.vector_store %arg19[%parallel_loop3A_251, %parallel_loop3A_252], %parallel_loop3A_255 {strides = array<i32>} : memref<40x144xf32, #tpu.memory_space<vmem>>, vector<1x16xf32>,
        %parallel_loop3A_256 = vector.extract_strided_slice %parallel_loop3A_159 {offsets = [7], sizes = [1], strides = [1]} : vector<16xf32> to vector<1xf32>
        %parallel_loop3A_257 = vector.extract %parallel_loop3A_256[0] : f32 from vector<1xf32>
        %parallel_loop3A_258 = vector.broadcast %parallel_loop3A_257 : f32 to vector<16xf32>
        %parallel_loop3A_259 = arith.index_cast %parallel_loop3A_145 : i32 to index
        %parallel_loop3A_260 = arith.constant 112 : index
        %parallel_loop3A_261 = tpu.vector_load %arg19[%parallel_loop3A_259, %parallel_loop3A_260] {strides = array<i32>} : memref<40x144xf32, #tpu.memory_space<vmem>>, vector<1x16xf32>,
        %parallel_loop3A_262 = vector.shape_cast %parallel_loop3A_261 : vector<1x16xf32> to vector<16xf32>
        %parallel_loop3A_263 = arith.mulf %parallel_loop3A_262, %parallel_loop3A_258 : vector<16xf32>
        %parallel_loop3A_264 = arith.index_cast %parallel_loop3A_145 : i32 to index
        %parallel_loop3A_265 = arith.constant 112 : index
        %parallel_loop3A_266 = tpu.vector_load %arg19[%parallel_loop3A_264, %parallel_loop3A_265] {strides = array<i32>} : memref<40x144xf32, #tpu.memory_space<vmem>>, vector<1x16xf32>,
        %parallel_loop3A_267 = vector.shape_cast %parallel_loop3A_266 : vector<1x16xf32> to vector<16xf32>
        %parallel_loop3A_268 = vector.shape_cast %parallel_loop3A_263 : vector<16xf32> to vector<1x16xf32>
        tpu.vector_store %arg19[%parallel_loop3A_264, %parallel_loop3A_265], %parallel_loop3A_268 {strides = array<i32>} : memref<40x144xf32, #tpu.memory_space<vmem>>, vector<1x16xf32>,
      } {sc.loop_unroll_factor = 2 : i64, sc.parallel_access}
      %dma_start3A_86 = arith.constant 48 : i32
      %dma_start3A_87 = arith.constant 0 : i32
      %dma_start3A_88 = tpu.memref_slice %arg10[%dma_start3A_86, %dma_start3A_87] : memref<50x40xi32, #tpu.memory_space<vmem>> -> memref<1x40xi32, #tpu.memory_space<vmem>>
      %dma_start3A_89 = tpu.memref_squeeze %dma_start3A_88 : memref<1x40xi32, #tpu.memory_space<vmem>> -> memref<40xi32, #tpu.memory_space<vmem>>
      %dma_start3A_90 = arith.constant 0 : i32
      %dma_start3A_91 = arith.constant 0 : i32
      %dma_start3A_92 = tpu.memref_slice %arg23[%dma_start3A_90, %dma_start3A_91] : memref<10112x144xf32, #tpu.memory_space<vmem_shared>> -> memref<10112x144xf32, #tpu.memory_space<vmem_shared>>
      tpu.enqueue_indirect_dma source(%arg19 : memref<40x144xf32, #tpu.memory_space<vmem>>) target(%dma_start3A_92 : memref<10112x144xf32, #tpu.memory_space<vmem_shared>>) offsets(%dma_start3A_89 : memref<40xi32, #tpu.memory_space<vmem>>) semaphore(%arg28 : memref<!tpu.dma_semaphore, #tpu.memory_space<semaphore_mem>>) {add = true}
      %dma_wait3A_93 = arith.constant 47 : i32
      %dma_wait3A_94 = arith.constant 0 : i32
      %dma_wait3A_95 = tpu.memref_slice %arg10[%dma_wait3A_93, %dma_wait3A_94] : memref<50x40xi32, #tpu.memory_space<vmem>> -> memref<1x40xi32, #tpu.memory_space<vmem>>
      %dma_wait3A_96 = tpu.memref_squeeze %dma_wait3A_95 : memref<1x40xi32, #tpu.memory_space<vmem>> -> memref<40xi32, #tpu.memory_space<vmem>>
      %dma_wait3A_97 = arith.constant 0 : i32
      %dma_wait3A_98 = arith.constant 0 : i32
      %dma_wait3A_99 = tpu.memref_slice %arg23[%dma_wait3A_97, %dma_wait3A_98] : memref<10112x144xf32, #tpu.memory_space<vmem_shared>> -> memref<10112x144xf32, #tpu.memory_space<vmem_shared>>
      tpu.wait_indirect_dma semaphore(%arg31 : memref<!tpu.dma_semaphore, #tpu.memory_space<semaphore_mem>>) src(%arg22 : memref<40x144xf32, #tpu.memory_space<vmem>>) dst(%dma_wait3A_99 : memref<10112x144xf32, #tpu.memory_space<vmem_shared>>)
      %dma_wait3A_100 = arith.constant 49 : i32
      %dma_wait3A_101 = arith.constant 0 : i32
      %dma_wait3A_102 = tpu.memref_slice %arg9[%dma_wait3A_100, %dma_wait3A_101] : memref<50x40xi32, #tpu.memory_space<vmem>> -> memref<1x40xi32, #tpu.memory_space<vmem>>
      %dma_wait3A_103 = tpu.memref_squeeze %dma_wait3A_102 : memref<1x40xi32, #tpu.memory_space<vmem>> -> memref<40xi32, #tpu.memory_space<vmem>>
      %dma_wait3A_104 = arith.constant 0 : i32
      %dma_wait3A_105 = arith.constant 0 : i32
      %dma_wait3A_106 = tpu.memref_slice %arg3[%dma_wait3A_104, %dma_wait3A_105] : memref<10000x16xf32, #tpu.memory_space<hbm>> -> memref<10000x16xf32, #tpu.memory_space<hbm>>
      tpu.wait_indirect_dma semaphore(%arg25 : memref<!tpu.dma_semaphore, #tpu.memory_space<semaphore_mem>>) src(%dma_wait3A_106 : memref<10000x16xf32, #tpu.memory_space<hbm>>) dst(%arg12 : memref<40x16xf32, #tpu.memory_space<vmem>>)
      %dma_wait3A_107 = arith.constant 49 : i32
      %dma_wait3A_108 = arith.constant 0 : i32
      %dma_wait3A_109 = tpu.memref_slice %arg10[%dma_wait3A_107, %dma_wait3A_108] : memref<50x40xi32, #tpu.memory_space<vmem>> -> memref<1x40xi32, #tpu.memory_space<vmem>>
      %dma_wait3A_110 = tpu.memref_squeeze %dma_wait3A_109 : memref<1x40xi32, #tpu.memory_space<vmem>> -> memref<40xi32, #tpu.memory_space<vmem>>
      %dma_wait3A_111 = arith.constant 0 : i32
      %dma_wait3A_112 = arith.constant 0 : i32
      %dma_wait3A_113 = tpu.memref_slice %arg4[%dma_wait3A_111, %dma_wait3A_112] : memref<10000x16xf32, #tpu.memory_space<hbm>> -> memref<10000x16xf32, #tpu.memory_space<hbm>>
      tpu.wait_indirect_dma semaphore(%arg25 : memref<!tpu.dma_semaphore, #tpu.memory_space<semaphore_mem>>) src(%dma_wait3A_113 : memref<10000x16xf32, #tpu.memory_space<hbm>>) dst(%arg16 : memref<40x16xf32, #tpu.memory_space<vmem>>)
      %dma_wait3A_114 = arith.constant 49 : i32
      %dma_wait3A_115 = arith.constant 0 : i32
      %dma_wait3A_116 = tpu.memref_slice %arg9[%dma_wait3A_114, %dma_wait3A_115] : memref<50x40xi32, #tpu.memory_space<vmem>> -> memref<1x40xi32, #tpu.memory_space<vmem>>
      %dma_wait3A_117 = tpu.memref_squeeze %dma_wait3A_116 : memref<1x40xi32, #tpu.memory_space<vmem>> -> memref<40xi32, #tpu.memory_space<vmem>>
      %dma_wait3A_118 = arith.constant 0 : i32
      %dma_wait3A_119 = arith.constant 0 : i32
      %dma_wait3A_120 = tpu.memref_slice %arg2[%dma_wait3A_118, %dma_wait3A_119] : memref<10000x144xf32, #tpu.memory_space<hbm>> -> memref<10000x144xf32, #tpu.memory_space<hbm>>
      tpu.wait_indirect_dma semaphore(%arg25 : memref<!tpu.dma_semaphore, #tpu.memory_space<semaphore_mem>>) src(%dma_wait3A_120 : memref<10000x144xf32, #tpu.memory_space<hbm>>) dst(%arg20 : memref<40x144xf32, #tpu.memory_space<vmem>>)
      %parallel_loop3A_121 = arith.constant 0 : i32
      %parallel_loop3A_122 = arith.constant 40 : i32
      %parallel_loop3A_123 = arith.constant 1 : i32
      scf.for %parallel_loop3A_145 = %parallel_loop3A_121 to %parallel_loop3A_122 step %parallel_loop3A_123  : i32 {
        %parallel_loop3A_146 = arith.index_cast %parallel_loop3A_145 : i32 to index
        %parallel_loop3A_147 = arith.constant 0 : index
        %parallel_loop3A_148 = tpu.vector_load %arg12[%parallel_loop3A_146, %parallel_loop3A_147] {strides = array<i32>} : memref<40x16xf32, #tpu.memory_space<vmem>>, vector<1x16xf32>,
        %parallel_loop3A_149 = vector.shape_cast %parallel_loop3A_148 : vector<1x16xf32> to vector<16xf32>
        %parallel_loop3A_150 = arith.index_cast %parallel_loop3A_145 : i32 to index
        %parallel_loop3A_151 = arith.constant 0 : index
        %parallel_loop3A_152 = tpu.vector_load %arg16[%parallel_loop3A_150, %parallel_loop3A_151] {strides = array<i32>} : memref<40x16xf32, #tpu.memory_space<vmem>>, vector<1x16xf32>,
        %parallel_loop3A_153 = vector.shape_cast %parallel_loop3A_152 : vector<1x16xf32> to vector<16xf32>
        %parallel_loop3A_154 = arith.addf %parallel_loop3A_149, %parallel_loop3A_153 : vector<16xf32>
        %parallel_loop3A_155 = arith.constant 2.000000e-01 : f32
        %parallel_loop3A_156 = vector.broadcast %parallel_loop3A_155 : f32 to vector<16xf32>
        %parallel_loop3A_157 = arith.mulf %parallel_loop3A_154, %parallel_loop3A_156 : vector<16xf32>
        %parallel_loop3A_158 = arith.maximumf %parallel_loop3A_154, %parallel_loop3A_157 : vector<16xf32>
        %parallel_loop3A_159 = math.exp %parallel_loop3A_158 : vector<16xf32>
        %parallel_loop3A_160 = arith.index_cast %parallel_loop3A_145 : i32 to index
        %parallel_loop3A_161 = arith.constant 128 : index
        %parallel_loop3A_162 = tpu.vector_load %arg20[%parallel_loop3A_160, %parallel_loop3A_161] {strides = array<i32>} : memref<40x144xf32, #tpu.memory_space<vmem>>, vector<1x16xf32>,
        %parallel_loop3A_163 = vector.shape_cast %parallel_loop3A_162 : vector<1x16xf32> to vector<16xf32>
        %parallel_loop3A_164 = vector.shape_cast %parallel_loop3A_159 : vector<16xf32> to vector<1x16xf32>
        tpu.vector_store %arg20[%parallel_loop3A_160, %parallel_loop3A_161], %parallel_loop3A_164 {strides = array<i32>} : memref<40x144xf32, #tpu.memory_space<vmem>>, vector<1x16xf32>,
        %parallel_loop3A_165 = vector.extract_strided_slice %parallel_loop3A_159 {offsets = [0], sizes = [1], strides = [1]} : vector<16xf32> to vector<1xf32>
        %parallel_loop3A_166 = vector.extract %parallel_loop3A_165[0] : f32 from vector<1xf32>
        %parallel_loop3A_167 = vector.broadcast %parallel_loop3A_166 : f32 to vector<16xf32>
        %parallel_loop3A_168 = arith.index_cast %parallel_loop3A_145 : i32 to index
        %parallel_loop3A_169 = arith.constant 0 : index
        %parallel_loop3A_170 = tpu.vector_load %arg20[%parallel_loop3A_168, %parallel_loop3A_169] {strides = array<i32>} : memref<40x144xf32, #tpu.memory_space<vmem>>, vector<1x16xf32>,
        %parallel_loop3A_171 = vector.shape_cast %parallel_loop3A_170 : vector<1x16xf32> to vector<16xf32>
        %parallel_loop3A_172 = arith.mulf %parallel_loop3A_171, %parallel_loop3A_167 : vector<16xf32>
        %parallel_loop3A_173 = arith.index_cast %parallel_loop3A_145 : i32 to index
        %parallel_loop3A_174 = arith.constant 0 : index
        %parallel_loop3A_175 = tpu.vector_load %arg20[%parallel_loop3A_173, %parallel_loop3A_174] {strides = array<i32>} : memref<40x144xf32, #tpu.memory_space<vmem>>, vector<1x16xf32>,
        %parallel_loop3A_176 = vector.shape_cast %parallel_loop3A_175 : vector<1x16xf32> to vector<16xf32>
        %parallel_loop3A_177 = vector.shape_cast %parallel_loop3A_172 : vector<16xf32> to vector<1x16xf32>
        tpu.vector_store %arg20[%parallel_loop3A_173, %parallel_loop3A_174], %parallel_loop3A_177 {strides = array<i32>} : memref<40x144xf32, #tpu.memory_space<vmem>>, vector<1x16xf32>,
        %parallel_loop3A_178 = vector.extract_strided_slice %parallel_loop3A_159 {offsets = [1], sizes = [1], strides = [1]} : vector<16xf32> to vector<1xf32>
        %parallel_loop3A_179 = vector.extract %parallel_loop3A_178[0] : f32 from vector<1xf32>
        %parallel_loop3A_180 = vector.broadcast %parallel_loop3A_179 : f32 to vector<16xf32>
        %parallel_loop3A_181 = arith.index_cast %parallel_loop3A_145 : i32 to index
        %parallel_loop3A_182 = arith.constant 16 : index
        %parallel_loop3A_183 = tpu.vector_load %arg20[%parallel_loop3A_181, %parallel_loop3A_182] {strides = array<i32>} : memref<40x144xf32, #tpu.memory_space<vmem>>, vector<1x16xf32>,
        %parallel_loop3A_184 = vector.shape_cast %parallel_loop3A_183 : vector<1x16xf32> to vector<16xf32>
        %parallel_loop3A_185 = arith.mulf %parallel_loop3A_184, %parallel_loop3A_180 : vector<16xf32>
        %parallel_loop3A_186 = arith.index_cast %parallel_loop3A_145 : i32 to index
        %parallel_loop3A_187 = arith.constant 16 : index
        %parallel_loop3A_188 = tpu.vector_load %arg20[%parallel_loop3A_186, %parallel_loop3A_187] {strides = array<i32>} : memref<40x144xf32, #tpu.memory_space<vmem>>, vector<1x16xf32>,
        %parallel_loop3A_189 = vector.shape_cast %parallel_loop3A_188 : vector<1x16xf32> to vector<16xf32>
        %parallel_loop3A_190 = vector.shape_cast %parallel_loop3A_185 : vector<16xf32> to vector<1x16xf32>
        tpu.vector_store %arg20[%parallel_loop3A_186, %parallel_loop3A_187], %parallel_loop3A_190 {strides = array<i32>} : memref<40x144xf32, #tpu.memory_space<vmem>>, vector<1x16xf32>,
        %parallel_loop3A_191 = vector.extract_strided_slice %parallel_loop3A_159 {offsets = [2], sizes = [1], strides = [1]} : vector<16xf32> to vector<1xf32>
        %parallel_loop3A_192 = vector.extract %parallel_loop3A_191[0] : f32 from vector<1xf32>
        %parallel_loop3A_193 = vector.broadcast %parallel_loop3A_192 : f32 to vector<16xf32>
        %parallel_loop3A_194 = arith.index_cast %parallel_loop3A_145 : i32 to index
        %parallel_loop3A_195 = arith.constant 32 : index
        %parallel_loop3A_196 = tpu.vector_load %arg20[%parallel_loop3A_194, %parallel_loop3A_195] {strides = array<i32>} : memref<40x144xf32, #tpu.memory_space<vmem>>, vector<1x16xf32>,
        %parallel_loop3A_197 = vector.shape_cast %parallel_loop3A_196 : vector<1x16xf32> to vector<16xf32>
        %parallel_loop3A_198 = arith.mulf %parallel_loop3A_197, %parallel_loop3A_193 : vector<16xf32>
        %parallel_loop3A_199 = arith.index_cast %parallel_loop3A_145 : i32 to index
        %parallel_loop3A_200 = arith.constant 32 : index
        %parallel_loop3A_201 = tpu.vector_load %arg20[%parallel_loop3A_199, %parallel_loop3A_200] {strides = array<i32>} : memref<40x144xf32, #tpu.memory_space<vmem>>, vector<1x16xf32>,
        %parallel_loop3A_202 = vector.shape_cast %parallel_loop3A_201 : vector<1x16xf32> to vector<16xf32>
        %parallel_loop3A_203 = vector.shape_cast %parallel_loop3A_198 : vector<16xf32> to vector<1x16xf32>
        tpu.vector_store %arg20[%parallel_loop3A_199, %parallel_loop3A_200], %parallel_loop3A_203 {strides = array<i32>} : memref<40x144xf32, #tpu.memory_space<vmem>>, vector<1x16xf32>,
        %parallel_loop3A_204 = vector.extract_strided_slice %parallel_loop3A_159 {offsets = [3], sizes = [1], strides = [1]} : vector<16xf32> to vector<1xf32>
        %parallel_loop3A_205 = vector.extract %parallel_loop3A_204[0] : f32 from vector<1xf32>
        %parallel_loop3A_206 = vector.broadcast %parallel_loop3A_205 : f32 to vector<16xf32>
        %parallel_loop3A_207 = arith.index_cast %parallel_loop3A_145 : i32 to index
        %parallel_loop3A_208 = arith.constant 48 : index
        %parallel_loop3A_209 = tpu.vector_load %arg20[%parallel_loop3A_207, %parallel_loop3A_208] {strides = array<i32>} : memref<40x144xf32, #tpu.memory_space<vmem>>, vector<1x16xf32>,
        %parallel_loop3A_210 = vector.shape_cast %parallel_loop3A_209 : vector<1x16xf32> to vector<16xf32>
        %parallel_loop3A_211 = arith.mulf %parallel_loop3A_210, %parallel_loop3A_206 : vector<16xf32>
        %parallel_loop3A_212 = arith.index_cast %parallel_loop3A_145 : i32 to index
        %parallel_loop3A_213 = arith.constant 48 : index
        %parallel_loop3A_214 = tpu.vector_load %arg20[%parallel_loop3A_212, %parallel_loop3A_213] {strides = array<i32>} : memref<40x144xf32, #tpu.memory_space<vmem>>, vector<1x16xf32>,
        %parallel_loop3A_215 = vector.shape_cast %parallel_loop3A_214 : vector<1x16xf32> to vector<16xf32>
        %parallel_loop3A_216 = vector.shape_cast %parallel_loop3A_211 : vector<16xf32> to vector<1x16xf32>
        tpu.vector_store %arg20[%parallel_loop3A_212, %parallel_loop3A_213], %parallel_loop3A_216 {strides = array<i32>} : memref<40x144xf32, #tpu.memory_space<vmem>>, vector<1x16xf32>,
        %parallel_loop3A_217 = vector.extract_strided_slice %parallel_loop3A_159 {offsets = [4], sizes = [1], strides = [1]} : vector<16xf32> to vector<1xf32>
        %parallel_loop3A_218 = vector.extract %parallel_loop3A_217[0] : f32 from vector<1xf32>
        %parallel_loop3A_219 = vector.broadcast %parallel_loop3A_218 : f32 to vector<16xf32>
        %parallel_loop3A_220 = arith.index_cast %parallel_loop3A_145 : i32 to index
        %parallel_loop3A_221 = arith.constant 64 : index
        %parallel_loop3A_222 = tpu.vector_load %arg20[%parallel_loop3A_220, %parallel_loop3A_221] {strides = array<i32>} : memref<40x144xf32, #tpu.memory_space<vmem>>, vector<1x16xf32>,
        %parallel_loop3A_223 = vector.shape_cast %parallel_loop3A_222 : vector<1x16xf32> to vector<16xf32>
        %parallel_loop3A_224 = arith.mulf %parallel_loop3A_223, %parallel_loop3A_219 : vector<16xf32>
        %parallel_loop3A_225 = arith.index_cast %parallel_loop3A_145 : i32 to index
        %parallel_loop3A_226 = arith.constant 64 : index
        %parallel_loop3A_227 = tpu.vector_load %arg20[%parallel_loop3A_225, %parallel_loop3A_226] {strides = array<i32>} : memref<40x144xf32, #tpu.memory_space<vmem>>, vector<1x16xf32>,
        %parallel_loop3A_228 = vector.shape_cast %parallel_loop3A_227 : vector<1x16xf32> to vector<16xf32>
        %parallel_loop3A_229 = vector.shape_cast %parallel_loop3A_224 : vector<16xf32> to vector<1x16xf32>
        tpu.vector_store %arg20[%parallel_loop3A_225, %parallel_loop3A_226], %parallel_loop3A_229 {strides = array<i32>} : memref<40x144xf32, #tpu.memory_space<vmem>>, vector<1x16xf32>,
        %parallel_loop3A_230 = vector.extract_strided_slice %parallel_loop3A_159 {offsets = [5], sizes = [1], strides = [1]} : vector<16xf32> to vector<1xf32>
        %parallel_loop3A_231 = vector.extract %parallel_loop3A_230[0] : f32 from vector<1xf32>
        %parallel_loop3A_232 = vector.broadcast %parallel_loop3A_231 : f32 to vector<16xf32>
        %parallel_loop3A_233 = arith.index_cast %parallel_loop3A_145 : i32 to index
        %parallel_loop3A_234 = arith.constant 80 : index
        %parallel_loop3A_235 = tpu.vector_load %arg20[%parallel_loop3A_233, %parallel_loop3A_234] {strides = array<i32>} : memref<40x144xf32, #tpu.memory_space<vmem>>, vector<1x16xf32>,
        %parallel_loop3A_236 = vector.shape_cast %parallel_loop3A_235 : vector<1x16xf32> to vector<16xf32>
        %parallel_loop3A_237 = arith.mulf %parallel_loop3A_236, %parallel_loop3A_232 : vector<16xf32>
        %parallel_loop3A_238 = arith.index_cast %parallel_loop3A_145 : i32 to index
        %parallel_loop3A_239 = arith.constant 80 : index
        %parallel_loop3A_240 = tpu.vector_load %arg20[%parallel_loop3A_238, %parallel_loop3A_239] {strides = array<i32>} : memref<40x144xf32, #tpu.memory_space<vmem>>, vector<1x16xf32>,
        %parallel_loop3A_241 = vector.shape_cast %parallel_loop3A_240 : vector<1x16xf32> to vector<16xf32>
        %parallel_loop3A_242 = vector.shape_cast %parallel_loop3A_237 : vector<16xf32> to vector<1x16xf32>
        tpu.vector_store %arg20[%parallel_loop3A_238, %parallel_loop3A_239], %parallel_loop3A_242 {strides = array<i32>} : memref<40x144xf32, #tpu.memory_space<vmem>>, vector<1x16xf32>,
        %parallel_loop3A_243 = vector.extract_strided_slice %parallel_loop3A_159 {offsets = [6], sizes = [1], strides = [1]} : vector<16xf32> to vector<1xf32>
        %parallel_loop3A_244 = vector.extract %parallel_loop3A_243[0] : f32 from vector<1xf32>
        %parallel_loop3A_245 = vector.broadcast %parallel_loop3A_244 : f32 to vector<16xf32>
        %parallel_loop3A_246 = arith.index_cast %parallel_loop3A_145 : i32 to index
        %parallel_loop3A_247 = arith.constant 96 : index
        %parallel_loop3A_248 = tpu.vector_load %arg20[%parallel_loop3A_246, %parallel_loop3A_247] {strides = array<i32>} : memref<40x144xf32, #tpu.memory_space<vmem>>, vector<1x16xf32>,
        %parallel_loop3A_249 = vector.shape_cast %parallel_loop3A_248 : vector<1x16xf32> to vector<16xf32>
        %parallel_loop3A_250 = arith.mulf %parallel_loop3A_249, %parallel_loop3A_245 : vector<16xf32>
        %parallel_loop3A_251 = arith.index_cast %parallel_loop3A_145 : i32 to index
        %parallel_loop3A_252 = arith.constant 96 : index
        %parallel_loop3A_253 = tpu.vector_load %arg20[%parallel_loop3A_251, %parallel_loop3A_252] {strides = array<i32>} : memref<40x144xf32, #tpu.memory_space<vmem>>, vector<1x16xf32>,
        %parallel_loop3A_254 = vector.shape_cast %parallel_loop3A_253 : vector<1x16xf32> to vector<16xf32>
        %parallel_loop3A_255 = vector.shape_cast %parallel_loop3A_250 : vector<16xf32> to vector<1x16xf32>
        tpu.vector_store %arg20[%parallel_loop3A_251, %parallel_loop3A_252], %parallel_loop3A_255 {strides = array<i32>} : memref<40x144xf32, #tpu.memory_space<vmem>>, vector<1x16xf32>,
        %parallel_loop3A_256 = vector.extract_strided_slice %parallel_loop3A_159 {offsets = [7], sizes = [1], strides = [1]} : vector<16xf32> to vector<1xf32>
        %parallel_loop3A_257 = vector.extract %parallel_loop3A_256[0] : f32 from vector<1xf32>
        %parallel_loop3A_258 = vector.broadcast %parallel_loop3A_257 : f32 to vector<16xf32>
        %parallel_loop3A_259 = arith.index_cast %parallel_loop3A_145 : i32 to index
        %parallel_loop3A_260 = arith.constant 112 : index
        %parallel_loop3A_261 = tpu.vector_load %arg20[%parallel_loop3A_259, %parallel_loop3A_260] {strides = array<i32>} : memref<40x144xf32, #tpu.memory_space<vmem>>, vector<1x16xf32>,
        %parallel_loop3A_262 = vector.shape_cast %parallel_loop3A_261 : vector<1x16xf32> to vector<16xf32>
        %parallel_loop3A_263 = arith.mulf %parallel_loop3A_262, %parallel_loop3A_258 : vector<16xf32>
        %parallel_loop3A_264 = arith.index_cast %parallel_loop3A_145 : i32 to index
        %parallel_loop3A_265 = arith.constant 112 : index
        %parallel_loop3A_266 = tpu.vector_load %arg20[%parallel_loop3A_264, %parallel_loop3A_265] {strides = array<i32>} : memref<40x144xf32, #tpu.memory_space<vmem>>, vector<1x16xf32>,
        %parallel_loop3A_267 = vector.shape_cast %parallel_loop3A_266 : vector<1x16xf32> to vector<16xf32>
        %parallel_loop3A_268 = vector.shape_cast %parallel_loop3A_263 : vector<16xf32> to vector<1x16xf32>
        tpu.vector_store %arg20[%parallel_loop3A_264, %parallel_loop3A_265], %parallel_loop3A_268 {strides = array<i32>} : memref<40x144xf32, #tpu.memory_space<vmem>>, vector<1x16xf32>,
      } {sc.loop_unroll_factor = 2 : i64, sc.parallel_access}
      %dma_start3A_124 = arith.constant 49 : i32
      %dma_start3A_125 = arith.constant 0 : i32
      %dma_start3A_126 = tpu.memref_slice %arg10[%dma_start3A_124, %dma_start3A_125] : memref<50x40xi32, #tpu.memory_space<vmem>> -> memref<1x40xi32, #tpu.memory_space<vmem>>
      %dma_start3A_127 = tpu.memref_squeeze %dma_start3A_126 : memref<1x40xi32, #tpu.memory_space<vmem>> -> memref<40xi32, #tpu.memory_space<vmem>>
      %dma_start3A_128 = arith.constant 0 : i32
      %dma_start3A_129 = arith.constant 0 : i32
      %dma_start3A_130 = tpu.memref_slice %arg23[%dma_start3A_128, %dma_start3A_129] : memref<10112x144xf32, #tpu.memory_space<vmem_shared>> -> memref<10112x144xf32, #tpu.memory_space<vmem_shared>>
      tpu.enqueue_indirect_dma source(%arg20 : memref<40x144xf32, #tpu.memory_space<vmem>>) target(%dma_start3A_130 : memref<10112x144xf32, #tpu.memory_space<vmem_shared>>) offsets(%dma_start3A_127 : memref<40xi32, #tpu.memory_space<vmem>>) semaphore(%arg29 : memref<!tpu.dma_semaphore, #tpu.memory_space<semaphore_mem>>) {add = true}
      %dma_wait3A_131 = arith.constant 48 : i32
      %dma_wait3A_132 = arith.constant 0 : i32
      %dma_wait3A_133 = tpu.memref_slice %arg10[%dma_wait3A_131, %dma_wait3A_132] : memref<50x40xi32, #tpu.memory_space<vmem>> -> memref<1x40xi32, #tpu.memory_space<vmem>>
      %dma_wait3A_134 = tpu.memref_squeeze %dma_wait3A_133 : memref<1x40xi32, #tpu.memory_space<vmem>> -> memref<40xi32, #tpu.memory_space<vmem>>
      %dma_wait3A_135 = arith.constant 0 : i32
      %dma_wait3A_136 = arith.constant 0 : i32
      %dma_wait3A_137 = tpu.memref_slice %arg23[%dma_wait3A_135, %dma_wait3A_136] : memref<10112x144xf32, #tpu.memory_space<vmem_shared>> -> memref<10112x144xf32, #tpu.memory_space<vmem_shared>>
      tpu.wait_indirect_dma semaphore(%arg28 : memref<!tpu.dma_semaphore, #tpu.memory_space<semaphore_mem>>) src(%arg19 : memref<40x144xf32, #tpu.memory_space<vmem>>) dst(%dma_wait3A_137 : memref<10112x144xf32, #tpu.memory_space<vmem_shared>>)
      %dma_wait3A_138 = arith.constant 49 : i32
      %dma_wait3A_139 = arith.constant 0 : i32
      %dma_wait3A_140 = tpu.memref_slice %arg10[%dma_wait3A_138, %dma_wait3A_139] : memref<50x40xi32, #tpu.memory_space<vmem>> -> memref<1x40xi32, #tpu.memory_space<vmem>>
      %dma_wait3A_141 = tpu.memref_squeeze %dma_wait3A_140 : memref<1x40xi32, #tpu.memory_space<vmem>> -> memref<40xi32, #tpu.memory_space<vmem>>
      %dma_wait3A_142 = arith.constant 0 : i32
      %dma_wait3A_143 = arith.constant 0 : i32
      %dma_wait3A_144 = tpu.memref_slice %arg23[%dma_wait3A_142, %dma_wait3A_143] : memref<10112x144xf32, #tpu.memory_space<vmem_shared>> -> memref<10112x144xf32, #tpu.memory_space<vmem_shared>>
      tpu.wait_indirect_dma semaphore(%arg29 : memref<!tpu.dma_semaphore, #tpu.memory_space<semaphore_mem>>) src(%arg20 : memref<40x144xf32, #tpu.memory_space<vmem>>) dst(%dma_wait3A_144 : memref<10112x144xf32, #tpu.memory_space<vmem_shared>>)
    }
    %scan3A_7 = arith.constant 5 : i32
    %barrier3A_8 = arith.constant 0 : index
    tpu.barrier barrier_id(%barrier3A_8)
    "tpu.region"() ({
      %run_scoped3A = tpu.sem_alloc : memref<!tpu.dma_semaphore, #tpu.memory_space<semaphore_mem>>
      %dma_start3A = arith.constant 0 : i32
      %dma_start3A_9 = tpu.memref_slice %arg8[%arg0, %mul3A_2, %dma_start3A] : memref<2x10112x144xf32, #tpu.memory_space<hbm>> -> memref<1x632x144xf32, #tpu.memory_space<hbm>>
      %dma_start3A_10 = tpu.memref_squeeze %dma_start3A_9 : memref<1x632x144xf32, #tpu.memory_space<hbm>> -> memref<632x144xf32, #tpu.memory_space<hbm>>
      %dma_start3A_11 = arith.constant 0 : i32
      %dma_start3A_12 = tpu.memref_slice %arg23[%mul3A_2, %dma_start3A_11] : memref<10112x144xf32, #tpu.memory_space<vmem_shared>> -> memref<632x144xf32, #tpu.memory_space<vmem_shared>>
      tpu.enqueue_dma source(%dma_start3A_12 : memref<632x144xf32, #tpu.memory_space<vmem_shared>>) target(%dma_start3A_10 : memref<632x144xf32, #tpu.memory_space<hbm>>) target_semaphore(%run_scoped3A : memref<!tpu.dma_semaphore, #tpu.memory_space<semaphore_mem>>)
      %dma_wait3A = arith.constant 0 : i32
      %dma_wait3A_13 = tpu.memref_slice %arg8[%arg0, %mul3A_2, %dma_wait3A] : memref<2x10112x144xf32, #tpu.memory_space<hbm>> -> memref<1x632x144xf32, #tpu.memory_space<hbm>>
      %dma_wait3A_14 = tpu.memref_squeeze %dma_wait3A_13 : memref<1x632x144xf32, #tpu.memory_space<hbm>> -> memref<632x144xf32, #tpu.memory_space<hbm>>
      %dma_wait3A_15 = arith.constant 0 : i32
      %dma_wait3A_16 = tpu.memref_slice %arg23[%mul3A_2, %dma_wait3A_15] : memref<10112x144xf32, #tpu.memory_space<vmem_shared>> -> memref<632x144xf32, #tpu.memory_space<vmem_shared>>
      tpu.wait_dma2 semaphore(%run_scoped3A : memref<!tpu.dma_semaphore, #tpu.memory_space<semaphore_mem>>) src(%dma_wait3A_16 : memref<632x144xf32, #tpu.memory_space<vmem_shared>>) dst(%dma_wait3A_14 : memref<632x144xf32, #tpu.memory_space<hbm>>)
      tpu.yield
    }) : () -> ()
    return
  }
}

module attributes {stable_mosaic.version = 14 : i64} {
  func.func @body(%arg0: i32, %arg1: memref<400x128xf32, #tpu.memory_space<vmem>>, %arg2: memref<128x144xf32, #tpu.memory_space<vmem>>, %arg3: memref<144x16xf32, #tpu.memory_space<vmem>>, %arg4: memref<144x16xf32, #tpu.memory_space<vmem>>, %arg5: memref<400x144xf32, #tpu.memory_space<vmem>>, %arg6: memref<400x16xf32, #tpu.memory_space<vmem>>, %arg7: memref<400x16xf32, #tpu.memory_space<vmem>>) attributes {dimension_semantics = [#tpu.dimension_semantics<arbitrary>], iteration_bounds = array<i64: 25>, scalar_prefetch = 0 : i64, scratch_operands = 0 : i64, tpu.core_type = #tpu.core_type<tc>, window_params = [{transform_indices = @transform_0, window_bounds = array<i64: 400, 128>}, {pipeline_mode = #tpu.pipeline_mode<synchronous>, transform_indices = @transform_1, window_bounds = array<i64: 128, 144>}, {pipeline_mode = #tpu.pipeline_mode<synchronous>, transform_indices = @transform_2, window_bounds = array<i64: 144, 16>}, {pipeline_mode = #tpu.pipeline_mode<synchronous>, transform_indices = @transform_3, window_bounds = array<i64: 144, 16>}, {transform_indices = @transform_4, window_bounds = array<i64: 400, 144>}, {transform_indices = @transform_5, window_bounds = array<i64: 400, 16>}, {transform_indices = @transform_6, window_bounds = array<i64: 400, 16>}]} {
    %get3A = arith.constant 0 : index
    %get3A_0 = arith.constant 0 : index
    %get3A_1 = vector.load %arg1[%get3A, %get3A_0] : memref<400x128xf32, #tpu.memory_space<vmem>>, vector<400x128xf32>
    %get3A_2 = arith.constant 0 : index
    %get3A_3 = arith.constant 0 : index
    %get3A_4 = vector.load %arg2[%get3A_2, %get3A_3] : memref<128x144xf32, #tpu.memory_space<vmem>>, vector<128x144xf32>
    %dot_general3A = arith.constant dense<0.000000e+00> : vector<400x144xf32>
    %dot_general3A_5 = tpu.matmul %get3A_1, %get3A_4, %dot_general3A {dimension_numbers = #tpu.dot_dimension_numbers<[1], [0], [0], [1], [0, 0, 1, 1], [], []>, transpose_lhs_hint = false} : vector<400x128xf32>, vector<128x144xf32>, vector<400x144xf32> -> vector<400x144xf32>
    %swap3A = arith.constant 0 : index
    %swap3A_6 = arith.constant 0 : index
    %swap3A_7 = vector.load %arg5[%swap3A, %swap3A_6] : memref<400x144xf32, #tpu.memory_space<vmem>>, vector<400x144xf32>
    tpu.vector_store %arg5[%swap3A, %swap3A_6], %dot_general3A_5 {strides = array<i32>} : memref<400x144xf32, #tpu.memory_space<vmem>>, vector<400x144xf32>,
    %get3A_8 = arith.constant 0 : index
    %get3A_9 = arith.constant 0 : index
    %get3A_10 = vector.load %arg3[%get3A_8, %get3A_9] : memref<144x16xf32, #tpu.memory_space<vmem>>, vector<144x16xf32>
    %dot_general3A_11 = arith.constant dense<0.000000e+00> : vector<400x16xf32>
    %dot_general3A_12 = tpu.matmul %dot_general3A_5, %get3A_10, %dot_general3A_11 {dimension_numbers = #tpu.dot_dimension_numbers<[1], [0], [0], [1], [0, 0, 1, 1], [], []>, transpose_lhs_hint = false} : vector<400x144xf32>, vector<144x16xf32>, vector<400x16xf32> -> vector<400x16xf32>
    %swap3A_13 = arith.constant 0 : index
    %swap3A_14 = arith.constant 0 : index
    %swap3A_15 = vector.load %arg6[%swap3A_13, %swap3A_14] : memref<400x16xf32, #tpu.memory_space<vmem>>, vector<400x16xf32>
    tpu.vector_store %arg6[%swap3A_13, %swap3A_14], %dot_general3A_12 {strides = array<i32>} : memref<400x16xf32, #tpu.memory_space<vmem>>, vector<400x16xf32>,
    %get3A_16 = arith.constant 0 : index
    %get3A_17 = arith.constant 0 : index
    %get3A_18 = vector.load %arg4[%get3A_16, %get3A_17] : memref<144x16xf32, #tpu.memory_space<vmem>>, vector<144x16xf32>
    %dot_general3A_19 = arith.constant dense<0.000000e+00> : vector<400x16xf32>
    %dot_general3A_20 = tpu.matmul %dot_general3A_5, %get3A_18, %dot_general3A_19 {dimension_numbers = #tpu.dot_dimension_numbers<[1], [0], [0], [1], [0, 0, 1, 1], [], []>, transpose_lhs_hint = false} : vector<400x144xf32>, vector<144x16xf32>, vector<400x16xf32> -> vector<400x16xf32>
    %swap3A_21 = arith.constant 0 : index
    %swap3A_22 = arith.constant 0 : index
    %swap3A_23 = vector.load %arg7[%swap3A_21, %swap3A_22] : memref<400x16xf32, #tpu.memory_space<vmem>>, vector<400x16xf32>
    tpu.vector_store %arg7[%swap3A_21, %swap3A_22], %dot_general3A_20 {strides = array<i32>} : memref<400x16xf32, #tpu.memory_space<vmem>>, vector<400x16xf32>,
    return
  }
  func.func @transform_0(%arg0: i32) -> (i32, i32) {
    %c0_i32 = arith.constant 0 : i32
    %c0_i32_0 = arith.constant 0 : i32
    return %arg0, %c0_i32 : i32, i32
  }
  func.func @transform_1(%arg0: i32) -> (i32, i32) {
    %c0_i32 = arith.constant 0 : i32
    %c0_i32_0 = arith.constant 0 : i32
    %c0_i32_1 = arith.constant 0 : i32
    return %c0_i32, %c0_i32_0 : i32, i32
  }
  func.func @transform_2(%arg0: i32) -> (i32, i32) {
    %c0_i32 = arith.constant 0 : i32
    %c0_i32_0 = arith.constant 0 : i32
    %c0_i32_1 = arith.constant 0 : i32
    return %c0_i32, %c0_i32_0 : i32, i32
  }
  func.func @transform_3(%arg0: i32) -> (i32, i32) {
    %c0_i32 = arith.constant 0 : i32
    %c0_i32_0 = arith.constant 0 : i32
    %c0_i32_1 = arith.constant 0 : i32
    return %c0_i32, %c0_i32_0 : i32, i32
  }
  func.func @transform_4(%arg0: i32) -> (i32, i32) {
    %c0_i32 = arith.constant 0 : i32
    %c0_i32_0 = arith.constant 0 : i32
    return %arg0, %c0_i32 : i32, i32
  }
  func.func @transform_5(%arg0: i32) -> (i32, i32) {
    %c0_i32 = arith.constant 0 : i32
    %c0_i32_0 = arith.constant 0 : i32
    return %arg0, %c0_i32 : i32, i32
  }
  func.func @transform_6(%arg0: i32) -> (i32, i32) {
    %c0_i32 = arith.constant 0 : i32
    %c0_i32_0 = arith.constant 0 : i32
    return %arg0, %c0_i32 : i32, i32
  }
}

module attributes {stable_mosaic.version = 14 : i64} {
  func.func @body(%arg0: i32, %arg1: memref<1x400x144xf32, #tpu.memory_space<vmem>>, %arg2: memref<1x400x144xf32, #tpu.memory_space<vmem>>, %arg3: memref<16x128xf32, #tpu.memory_space<vmem>>, %arg4: memref<1x128xf32, #tpu.memory_space<vmem>>, %arg5: memref<128x144xf32, #tpu.memory_space<vmem>>, %arg6: memref<144x16xf32, #tpu.memory_space<vmem>>, %arg7: memref<144x16xf32, #tpu.memory_space<vmem>>, %arg8: memref<400x128xf32, #tpu.memory_space<vmem>>, %arg9: memref<400x144xf32, #tpu.memory_space<vmem>>, %arg10: memref<400x16xf32, #tpu.memory_space<vmem>>, %arg11: memref<400x16xf32, #tpu.memory_space<vmem>>) attributes {dimension_semantics = [#tpu.dimension_semantics<arbitrary>], iteration_bounds = array<i64: 25>, scalar_prefetch = 0 : i64, scratch_operands = 0 : i64, tpu.core_type = #tpu.core_type<tc>, window_params = [{transform_indices = @transform_0, window_bounds = array<i64: 1, 400, 144>}, {transform_indices = @transform_1, window_bounds = array<i64: 1, 400, 144>}, {pipeline_mode = #tpu.pipeline_mode<synchronous>, transform_indices = @transform_2, window_bounds = array<i64: 16, 128>}, {pipeline_mode = #tpu.pipeline_mode<synchronous>, transform_indices = @transform_3, window_bounds = array<i64: 1, 128>}, {pipeline_mode = #tpu.pipeline_mode<synchronous>, transform_indices = @transform_4, window_bounds = array<i64: 128, 144>}, {pipeline_mode = #tpu.pipeline_mode<synchronous>, transform_indices = @transform_5, window_bounds = array<i64: 144, 16>}, {pipeline_mode = #tpu.pipeline_mode<synchronous>, transform_indices = @transform_6, window_bounds = array<i64: 144, 16>}, {transform_indices = @transform_7, window_bounds = array<i64: 400, 128>}, {transform_indices = @transform_8, window_bounds = array<i64: 400, 144>}, {transform_indices = @transform_9, window_bounds = array<i64: 400, 16>}, {transform_indices = @transform_10, window_bounds = array<i64: 400, 16>}]} {
    %get3A = arith.constant 0 : index
    %get3A_0 = arith.constant 0 : index
    %get3A_1 = arith.constant 0 : index
    %get3A_2 = vector.load %arg1[%get3A, %get3A_0, %get3A_1] : memref<1x400x144xf32, #tpu.memory_space<vmem>>, vector<1x400x144xf32>
    %get3A_3 = vector.shape_cast %get3A_2 : vector<1x400x144xf32> to vector<400x144xf32>
    %get3A_4 = arith.constant 0 : index
    %get3A_5 = arith.constant 0 : index
    %get3A_6 = arith.constant 0 : index
    %get3A_7 = vector.load %arg2[%get3A_4, %get3A_5, %get3A_6] : memref<1x400x144xf32, #tpu.memory_space<vmem>>, vector<1x400x144xf32>
    %get3A_8 = vector.shape_cast %get3A_7 : vector<1x400x144xf32> to vector<400x144xf32>
    %slice3A = vector.extract_strided_slice %get3A_3 {offsets = [0, 0], sizes = [400, 128], strides = [1, 1]} : vector<400x144xf32> to vector<400x128xf32>
    %slice3A_9 = vector.extract_strided_slice %get3A_8 {offsets = [0, 0], sizes = [400, 128], strides = [1, 1]} : vector<400x144xf32> to vector<400x128xf32>
    %add3A = arith.addf %slice3A, %slice3A_9 : vector<400x128xf32>
    %slice3A_10 = vector.extract_strided_slice %get3A_3 {offsets = [0, 128], sizes = [400, 16], strides = [1, 1]} : vector<400x144xf32> to vector<400x16xf32>
    %slice3A_11 = vector.extract_strided_slice %get3A_8 {offsets = [0, 128], sizes = [400, 16], strides = [1, 1]} : vector<400x144xf32> to vector<400x16xf32>
    %add3A_12 = arith.addf %slice3A_10, %slice3A_11 : vector<400x16xf32>
    %get3A_13 = arith.constant 0 : index
    %get3A_14 = arith.constant 0 : index
    %get3A_15 = vector.load %arg3[%get3A_13, %get3A_14] : memref<16x128xf32, #tpu.memory_space<vmem>>, vector<16x128xf32>
    %dot_general3A = arith.constant dense<0.000000e+00> : vector<400x128xf32>
    %dot_general3A_16 = tpu.matmul %add3A_12, %get3A_15, %dot_general3A {dimension_numbers = #tpu.dot_dimension_numbers<[1], [0], [0], [1], [0, 0, 1, 1], [], []>, transpose_lhs_hint = false} : vector<400x16xf32>, vector<16x128xf32>, vector<400x128xf32> -> vector<400x128xf32>
    %add3A_17 = arith.constant 9.99999971E-10 : f32
    %add3A_18 = vector.broadcast %add3A_17 : f32 to vector<400x128xf32>
    %add3A_19 = arith.addf %dot_general3A_16, %add3A_18 : vector<400x128xf32>
    %div3A = arith.divf %add3A, %add3A_19 : vector<400x128xf32>
    %get3A_20 = arith.constant 0 : index
    %get3A_21 = arith.constant 0 : index
    %get3A_22 = vector.load %arg4[%get3A_20, %get3A_21] : memref<1x128xf32, #tpu.memory_space<vmem>>, vector<1x128xf32>
    %add3A_23 = vector.broadcast %get3A_22 : vector<1x128xf32> to vector<400x128xf32>
    %add3A_24 = arith.addf %div3A, %add3A_23 : vector<400x128xf32>
    %gt3A = arith.constant 0.000000e+00 : f32
    %gt3A_25 = vector.broadcast %gt3A : f32 to vector<400x128xf32>
    %gt3A_26 = arith.cmpf ogt, %add3A_24, %gt3A_25 : vector<400x128xf32>
    %exp3A = math.exp %add3A_24 : vector<400x128xf32>
    %sub3A = arith.constant 1.000000e+00 : f32
    %sub3A_27 = vector.broadcast %sub3A : f32 to vector<400x128xf32>
    %sub3A_28 = arith.subf %exp3A, %sub3A_27 : vector<400x128xf32>
    %select_n3A = arith.select %gt3A_26, %add3A_24, %sub3A_28 : vector<400x128xi1>, vector<400x128xf32>
    %swap3A = arith.constant 0 : index
    %swap3A_29 = arith.constant 0 : index
    %swap3A_30 = vector.load %arg8[%swap3A, %swap3A_29] : memref<400x128xf32, #tpu.memory_space<vmem>>, vector<400x128xf32>
    tpu.vector_store %arg8[%swap3A, %swap3A_29], %select_n3A {strides = array<i32>} : memref<400x128xf32, #tpu.memory_space<vmem>>, vector<400x128xf32>,
    %get3A_31 = arith.constant 0 : index
    %get3A_32 = arith.constant 0 : index
    %get3A_33 = vector.load %arg5[%get3A_31, %get3A_32] : memref<128x144xf32, #tpu.memory_space<vmem>>, vector<128x144xf32>
    %dot_general3A_34 = arith.constant dense<0.000000e+00> : vector<400x144xf32>
    %dot_general3A_35 = tpu.matmul %select_n3A, %get3A_33, %dot_general3A_34 {dimension_numbers = #tpu.dot_dimension_numbers<[1], [0], [0], [1], [0, 0, 1, 1], [], []>, transpose_lhs_hint = false} : vector<400x128xf32>, vector<128x144xf32>, vector<400x144xf32> -> vector<400x144xf32>
    %swap3A_36 = arith.constant 0 : index
    %swap3A_37 = arith.constant 0 : index
    %swap3A_38 = vector.load %arg9[%swap3A_36, %swap3A_37] : memref<400x144xf32, #tpu.memory_space<vmem>>, vector<400x144xf32>
    tpu.vector_store %arg9[%swap3A_36, %swap3A_37], %dot_general3A_35 {strides = array<i32>} : memref<400x144xf32, #tpu.memory_space<vmem>>, vector<400x144xf32>,
    %get3A_39 = arith.constant 0 : index
    %get3A_40 = arith.constant 0 : index
    %get3A_41 = vector.load %arg6[%get3A_39, %get3A_40] : memref<144x16xf32, #tpu.memory_space<vmem>>, vector<144x16xf32>
    %dot_general3A_42 = arith.constant dense<0.000000e+00> : vector<400x16xf32>
    %dot_general3A_43 = tpu.matmul %dot_general3A_35, %get3A_41, %dot_general3A_42 {dimension_numbers = #tpu.dot_dimension_numbers<[1], [0], [0], [1], [0, 0, 1, 1], [], []>, transpose_lhs_hint = false} : vector<400x144xf32>, vector<144x16xf32>, vector<400x16xf32> -> vector<400x16xf32>
    %swap3A_44 = arith.constant 0 : index
    %swap3A_45 = arith.constant 0 : index
    %swap3A_46 = vector.load %arg10[%swap3A_44, %swap3A_45] : memref<400x16xf32, #tpu.memory_space<vmem>>, vector<400x16xf32>
    tpu.vector_store %arg10[%swap3A_44, %swap3A_45], %dot_general3A_43 {strides = array<i32>} : memref<400x16xf32, #tpu.memory_space<vmem>>, vector<400x16xf32>,
    %get3A_47 = arith.constant 0 : index
    %get3A_48 = arith.constant 0 : index
    %get3A_49 = vector.load %arg7[%get3A_47, %get3A_48] : memref<144x16xf32, #tpu.memory_space<vmem>>, vector<144x16xf32>
    %dot_general3A_50 = arith.constant dense<0.000000e+00> : vector<400x16xf32>
    %dot_general3A_51 = tpu.matmul %dot_general3A_35, %get3A_49, %dot_general3A_50 {dimension_numbers = #tpu.dot_dimension_numbers<[1], [0], [0], [1], [0, 0, 1, 1], [], []>, transpose_lhs_hint = false} : vector<400x144xf32>, vector<144x16xf32>, vector<400x16xf32> -> vector<400x16xf32>
    %swap3A_52 = arith.constant 0 : index
    %swap3A_53 = arith.constant 0 : index
    %swap3A_54 = vector.load %arg11[%swap3A_52, %swap3A_53] : memref<400x16xf32, #tpu.memory_space<vmem>>, vector<400x16xf32>
    tpu.vector_store %arg11[%swap3A_52, %swap3A_53], %dot_general3A_51 {strides = array<i32>} : memref<400x16xf32, #tpu.memory_space<vmem>>, vector<400x16xf32>,
    return
  }
  func.func @transform_0(%arg0: i32) -> (i32, i32, i32) {
    %c0_i32 = arith.constant 0 : i32
    %c0_i32_0 = arith.constant 0 : i32
    %c0_i32_1 = arith.constant 0 : i32
    return %c0_i32, %arg0, %c0_i32_0 : i32, i32, i32
  }
  func.func @transform_1(%arg0: i32) -> (i32, i32, i32) {
    %c1_i32 = arith.constant 1 : i32
    %c0_i32 = arith.constant 0 : i32
    %c0_i32_0 = arith.constant 0 : i32
    return %c1_i32, %arg0, %c0_i32 : i32, i32, i32
  }
  func.func @transform_2(%arg0: i32) -> (i32, i32) {
    %c0_i32 = arith.constant 0 : i32
    %c0_i32_0 = arith.constant 0 : i32
    %c0_i32_1 = arith.constant 0 : i32
    return %c0_i32, %c0_i32_0 : i32, i32
  }
  func.func @transform_3(%arg0: i32) -> (i32, i32) {
    %c0_i32 = arith.constant 0 : i32
    %c0_i32_0 = arith.constant 0 : i32
    %c0_i32_1 = arith.constant 0 : i32
    return %c0_i32, %c0_i32_0 : i32, i32
  }
  func.func @transform_4(%arg0: i32) -> (i32, i32) {
    %c0_i32 = arith.constant 0 : i32
    %c0_i32_0 = arith.constant 0 : i32
    %c0_i32_1 = arith.constant 0 : i32
    return %c0_i32, %c0_i32_0 : i32, i32
  }
  func.func @transform_5(%arg0: i32) -> (i32, i32) {
    %c0_i32 = arith.constant 0 : i32
    %c0_i32_0 = arith.constant 0 : i32
    %c0_i32_1 = arith.constant 0 : i32
    return %c0_i32, %c0_i32_0 : i32, i32
  }
  func.func @transform_6(%arg0: i32) -> (i32, i32) {
    %c0_i32 = arith.constant 0 : i32
    %c0_i32_0 = arith.constant 0 : i32
    %c0_i32_1 = arith.constant 0 : i32
    return %c0_i32, %c0_i32_0 : i32, i32
  }
  func.func @transform_7(%arg0: i32) -> (i32, i32) {
    %c0_i32 = arith.constant 0 : i32
    %c0_i32_0 = arith.constant 0 : i32
    return %arg0, %c0_i32 : i32, i32
  }
  func.func @transform_8(%arg0: i32) -> (i32, i32) {
    %c0_i32 = arith.constant 0 : i32
    %c0_i32_0 = arith.constant 0 : i32
    return %arg0, %c0_i32 : i32, i32
  }
  func.func @transform_9(%arg0: i32) -> (i32, i32) {
    %c0_i32 = arith.constant 0 : i32
    %c0_i32_0 = arith.constant 0 : i32
    return %arg0, %c0_i32 : i32, i32
  }
  func.func @transform_10(%arg0: i32) -> (i32, i32) {
    %c0_i32 = arith.constant 0 : i32
    %c0_i32_0 = arith.constant 0 : i32
    return %arg0, %c0_i32 : i32, i32
  }
}

module attributes {stable_mosaic.version = 14 : i64} {
  func.func @body(%arg0: i32, %arg1: memref<1x400x144xf32, #tpu.memory_space<vmem>>, %arg2: memref<1x400x144xf32, #tpu.memory_space<vmem>>, %arg3: memref<16x128xf32, #tpu.memory_space<vmem>>, %arg4: memref<400x128xf32, #tpu.memory_space<vmem>>, %arg5: memref<1x128xf32, #tpu.memory_space<vmem>>, %arg6: memref<400x128xf32, #tpu.memory_space<vmem>>) attributes {dimension_semantics = [#tpu.dimension_semantics<arbitrary>], iteration_bounds = array<i64: 25>, scalar_prefetch = 0 : i64, scratch_operands = 0 : i64, tpu.core_type = #tpu.core_type<tc>, window_params = [{transform_indices = @transform_0, window_bounds = array<i64: 1, 400, 144>}, {transform_indices = @transform_1, window_bounds = array<i64: 1, 400, 144>}, {pipeline_mode = #tpu.pipeline_mode<synchronous>, transform_indices = @transform_2, window_bounds = array<i64: 16, 128>}, {transform_indices = @transform_3, window_bounds = array<i64: 400, 128>}, {pipeline_mode = #tpu.pipeline_mode<synchronous>, transform_indices = @transform_4, window_bounds = array<i64: 1, 128>}, {transform_indices = @transform_5, window_bounds = array<i64: 400, 128>}]} {
    %get3A = arith.constant 0 : index
    %get3A_0 = arith.constant 0 : index
    %get3A_1 = arith.constant 0 : index
    %get3A_2 = vector.load %arg1[%get3A, %get3A_0, %get3A_1] : memref<1x400x144xf32, #tpu.memory_space<vmem>>, vector<1x400x144xf32>
    %get3A_3 = vector.shape_cast %get3A_2 : vector<1x400x144xf32> to vector<400x144xf32>
    %get3A_4 = arith.constant 0 : index
    %get3A_5 = arith.constant 0 : index
    %get3A_6 = arith.constant 0 : index
    %get3A_7 = vector.load %arg2[%get3A_4, %get3A_5, %get3A_6] : memref<1x400x144xf32, #tpu.memory_space<vmem>>, vector<1x400x144xf32>
    %get3A_8 = vector.shape_cast %get3A_7 : vector<1x400x144xf32> to vector<400x144xf32>
    %slice3A = vector.extract_strided_slice %get3A_3 {offsets = [0, 0], sizes = [400, 128], strides = [1, 1]} : vector<400x144xf32> to vector<400x128xf32>
    %slice3A_9 = vector.extract_strided_slice %get3A_8 {offsets = [0, 0], sizes = [400, 128], strides = [1, 1]} : vector<400x144xf32> to vector<400x128xf32>
    %add3A = arith.addf %slice3A, %slice3A_9 : vector<400x128xf32>
    %slice3A_10 = vector.extract_strided_slice %get3A_3 {offsets = [0, 128], sizes = [400, 16], strides = [1, 1]} : vector<400x144xf32> to vector<400x16xf32>
    %slice3A_11 = vector.extract_strided_slice %get3A_8 {offsets = [0, 128], sizes = [400, 16], strides = [1, 1]} : vector<400x144xf32> to vector<400x16xf32>
    %add3A_12 = arith.addf %slice3A_10, %slice3A_11 : vector<400x16xf32>
    %get3A_13 = arith.constant 0 : index
    %get3A_14 = arith.constant 0 : index
    %get3A_15 = vector.load %arg3[%get3A_13, %get3A_14] : memref<16x128xf32, #tpu.memory_space<vmem>>, vector<16x128xf32>
    %dot_general3A = arith.constant dense<0.000000e+00> : vector<400x128xf32>
    %dot_general3A_16 = tpu.matmul %add3A_12, %get3A_15, %dot_general3A {dimension_numbers = #tpu.dot_dimension_numbers<[1], [0], [0], [1], [0, 0, 1, 1], [], []>, transpose_lhs_hint = false} : vector<400x16xf32>, vector<16x128xf32>, vector<400x128xf32> -> vector<400x128xf32>
    %add3A_17 = arith.constant 9.99999971E-10 : f32
    %add3A_18 = vector.broadcast %add3A_17 : f32 to vector<400x128xf32>
    %add3A_19 = arith.addf %dot_general3A_16, %add3A_18 : vector<400x128xf32>
    %div3A = arith.divf %add3A, %add3A_19 : vector<400x128xf32>
    %get3A_20 = arith.constant 0 : index
    %get3A_21 = arith.constant 0 : index
    %get3A_22 = vector.load %arg4[%get3A_20, %get3A_21] : memref<400x128xf32, #tpu.memory_space<vmem>>, vector<400x128xf32>
    %add3A_23 = arith.addf %div3A, %get3A_22 : vector<400x128xf32>
    %get3A_24 = arith.constant 0 : index
    %get3A_25 = arith.constant 0 : index
    %get3A_26 = vector.load %arg5[%get3A_24, %get3A_25] : memref<1x128xf32, #tpu.memory_space<vmem>>, vector<1x128xf32>
    %add3A_27 = vector.broadcast %get3A_26 : vector<1x128xf32> to vector<400x128xf32>
    %add3A_28 = arith.addf %add3A_23, %add3A_27 : vector<400x128xf32>
    %swap3A = arith.constant 0 : index
    %swap3A_29 = arith.constant 0 : index
    %swap3A_30 = vector.load %arg6[%swap3A, %swap3A_29] : memref<400x128xf32, #tpu.memory_space<vmem>>, vector<400x128xf32>
    tpu.vector_store %arg6[%swap3A, %swap3A_29], %add3A_28 {strides = array<i32>} : memref<400x128xf32, #tpu.memory_space<vmem>>, vector<400x128xf32>,
    return
  }
  func.func @transform_0(%arg0: i32) -> (i32, i32, i32) {
    %c0_i32 = arith.constant 0 : i32
    %c0_i32_0 = arith.constant 0 : i32
    %c0_i32_1 = arith.constant 0 : i32
    return %c0_i32, %arg0, %c0_i32_0 : i32, i32, i32
  }
  func.func @transform_1(%arg0: i32) -> (i32, i32, i32) {
    %c1_i32 = arith.constant 1 : i32
    %c0_i32 = arith.constant 0 : i32
    %c0_i32_0 = arith.constant 0 : i32
    return %c1_i32, %arg0, %c0_i32 : i32, i32, i32
  }
  func.func @transform_2(%arg0: i32) -> (i32, i32) {
    %c0_i32 = arith.constant 0 : i32
    %c0_i32_0 = arith.constant 0 : i32
    %c0_i32_1 = arith.constant 0 : i32
    return %c0_i32, %c0_i32_0 : i32, i32
  }
  func.func @transform_3(%arg0: i32) -> (i32, i32) {
    %c0_i32 = arith.constant 0 : i32
    %c0_i32_0 = arith.constant 0 : i32
    return %arg0, %c0_i32 : i32, i32
  }
  func.func @transform_4(%arg0: i32) -> (i32, i32) {
    %c0_i32 = arith.constant 0 : i32
    %c0_i32_0 = arith.constant 0 : i32
    %c0_i32_1 = arith.constant 0 : i32
    return %c0_i32, %c0_i32_0 : i32, i32
  }
  func.func @transform_5(%arg0: i32) -> (i32, i32) {
    %c0_i32 = arith.constant 0 : i32
    %c0_i32_0 = arith.constant 0 : i32
    return %arg0, %c0_i32 : i32, i32
  }
}

</mosaic_0001>

<sc_bundles>
// kernel: gat_edge_h1.3.cloned.1.call-start
scs
__scs_entry_jumppad:
0x0: {  	(pc) =	sbr.rel $0x88, $3  }
0x1: {  	(tag) =	ssettag $0x0;
	lr =	simm.s32 $0x1  }
0x2: {  	[smem:$0x3F97] =	sst lr;
	_ =	strace $0xD0000000  }
0x3: {  	_ = 	snop  }
0x4: {  	_ = 	snop  }
0x5: {  	_ = 	snop  }
0x6: {  	_ = 	snop  }
0x7: {  	_ = 	snop  }
__scs_overlays_trampoline_lowered:
0x8: {  	[smem:$0x3FA6] =	sst s0  }
0x9: {  	[smem:$0x3FA7] =	sst s1  }
0xa: {  	[smem:$0x3FA8] =	sst s2  }
0xb: {  	[smem:$0x3FA9] =	sst s3  }
0xc: {  	[smem:$0x3FAA] =	sst s4  }
0xd: {  	[smem:$0x3FAB] =	sst s5  }
0xe: {  	[smem:$0x3FAC] =	sst s6  }
0xf: {  	[smem:$0x3FAD] =	sst s7  }
0x10: {  	[smem:$0x3FAE] =	sst s8  }
0x11: {  	[smem:$0x3FAF] =	sst s9;
	s0 =	simm.s32 @!p0 $0x0  }
0x12: {  	s1 =	sld [smem:$0x3F95];
	s0 =	simm.s32 @p0 $0x1  }
0x13: {  	[smem:$0x3FB0] =	sst s0;
	s0 =	simm.s32 @!p1 $0x0  }
0x14: {  	s2 =	sld [smem:$0x3F94];
	s0 =	simm.s32 @p1 $0x1  }
0x15: {  	[smem:$0x3FB1] =	sst s0;
	s0 =	simm.s32 @!p2 $0x0  }
0x16: {  	s3 =	sld [smem:$0x3FDB];
	s0 =	simm.s32 @p2 $0x1  }
0x17: {  	s4 =	simm.s32 $0x1BF5;
	[smem:$0x3FB3] =	sst s0  }
0x18: {  	s0 =	sld [smem:$0x3F96];
	_ =	swait.ge [sflag:s4], $0x0  }
0x19: {  	s7 =	sld [smem:$0x3F97]  }
0x1a: {  	s8 =	sadd.s32 $0xFFFFE003, lr  }
0x1b: {  	s9 =	sadd.s32 $0xFFFFFEF7, lr;
	s5 =	simm.s32 $0xFFFFFFFF;
	p2 =	slt.u32 s8, $0xFFFFF086  }
0x1c: {  	p1 =	slt.u32 s9, $0xF7A;
	s5 =	simm.s32 @!p2 $0x0  }
0x1d: {  	s5 =	simm.s32 @p1 $0x1;
	p0 =	seq.s32 s7, s2  }
0x1e: {  	s7 =	smul.u32 @!p0 $0xF7A, s2;
	p2 =	seq.s32 @!p0 s5, $0x0  }
0x1f: {  	s9 =	smul.u32 $0xF7A, s1;
	s8 =	simm.s32 @!p0 $0x1BF5;
	p2 =	por !p2, p0  }
0x20: {  	[sflag:s8] =	ssyncset.s32 @!p0 $0xFFFFF086;
	s6 =	sadd.s32 @!p0 s3, s7;
	s7 =	simm.s32 @!p0 $0x108  }
0x21: {  	s3 =	sadd.s32 s3, s9;
	s6 =	sadd.s32 @!p0 $0x88, s6;
	s7 =	simm.s32 @p2 $0x1082  }
0x22: {  	[simem:s7], [sflag:s8] =	dma.local @!p0 [hbm:s6], $0xF7A  }
0x23: {  	s9 =	sor.u32 $0xD0000000, s2;
	s6 =	simm.s32 $0x108;
	_ =	swait.ge @!p0 [sflag:s8], $0x0  }
0x24: {  	s3 =	sadd.s32 $0x88, s3;
	s6 =	simm.s32 @!p1 $0x1082;
	[sflag:s4] =	ssyncset.s32 $0xFFFFF086  }
0x25: {  	[simem:s6], [sflag:s4] =	dma.local [hbm:s3], $0xF7A  }
0x26: {  	[smem:$0x3F97] =	sst s1;
	(tag) =	ssettag s2;
	_ =	strace s9  }
0x27: {  	s1 =	sld [smem:$0x3FA7]  }
0x28: {  	s2 =	sld [smem:$0x3FA8]  }
0x29: {  	s4 =	sld [smem:$0x3FAA]  }
0x2a: {  	p0 =	seq.s32 s5, $0x0;
	s5 =	sld [smem:$0x3FAB]  }
0x2b: {  	s6 =	sld [smem:$0x3FAC]  }
0x2c: {  	s7 =	sld [smem:$0x3FAD]  }
0x2d: {  	s3 =	simm.s32 $0x108;
	s8 =	sld [smem:$0x3FAE]  }
0x2e: {  	s3 =	simm.s32 @!p0 $0x1082;
	s9 =	sld [smem:$0x3FAF]  }
0x2f: {  	lr =	sadd.s32 s0, s3;
	s0 =	sld [smem:$0x3FA6]  }
0x30: {  	s3 =	sld [smem:$0x3FA9]  }
0x31: {  	[smem:$0x3FB2] =	sst s10  }
0x32: {  	s10 =	sld [smem:$0x3FB0];
	_ =	sdelay $0x3  }
0x33: {  	p0 =	seq.s32 s10, $0x1;
	s10 =	sld [smem:$0x3FB2];
	_ =	sdelay $0x3  }
0x34: {  	[smem:$0x3FB2] =	sst s10  }
0x35: {  	s10 =	sld [smem:$0x3FB1];
	_ =	sdelay $0x3  }
0x36: {  	p1 =	seq.s32 s10, $0x1;
	s10 =	sld [smem:$0x3FB2];
	_ =	sdelay $0x3  }
0x37: {  	[smem:$0x3FB2] =	sst s10  }
0x38: {  	s10 =	sld [smem:$0x3FB3]  }
0x39: {  	_ = 	snop;
	(pc) =	sbr.ind lr, $3  }
0x3a: {  	_ = 	snop  }
0x3b: {  	_ = 	snop  }
0x3c: {  	p2 =	seq.s32 s10, $0x1;
	s10 =	sld [smem:$0x3FB2]  }
0x3d: {  	_ =	shalt  }
0x3e: {  	_ =	shalt  }
0x3f: {  	_ =	shalt  }
0x40: {  	_ =	shalt  }
0x41: {  	_ =	shalt  }
0x42: {  	_ =	shalt  }
0x43: {  	_ =	shalt  }
0x44: {  	_ =	shalt  }
0x45: {  	_ =	shalt  }
0x46: {  	_ =	shalt  }
0x47: {  	_ =	shalt  }
0x48: {  	_ =	shalt  }
0x49: {  	_ =	shalt  }
0x4a: {  	_ =	shalt  }
0x4b: {  	_ =	shalt  }
0x4c: {  	_ =	shalt  }
0x4d: {  	_ =	shalt  }
0x4e: {  	_ =	shalt  }
0x4f: {  	_ =	shalt  }
0x50: {  	_ =	shalt  }
0x51: {  	_ =	shalt  }
0x52: {  	_ =	shalt  }
0x53: {  	_ =	shalt  }
0x54: {  	_ =	shalt  }
0x55: {  	_ =	shalt  }
0x56: {  	_ =	shalt  }
0x57: {  	_ =	shalt  }
0x58: {  	_ =	shalt  }
0x59: {  	_ =	shalt  }
0x5a: {  	_ =	shalt  }
0x5b: {  	_ =	shalt  }
0x5c: {  	_ =	shalt  }
0x5d: {  	_ =	shalt  }
0x5e: {  	_ =	shalt  }
0x5f: {  	_ =	shalt  }
0x60: {  	_ =	shalt  }
0x61: {  	_ =	shalt  }
0x62: {  	_ =	shalt  }
0x63: {  	_ =	shalt  }
0x64: {  	_ =	shalt  }
0x65: {  	_ =	shalt  }
0x66: {  	_ =	shalt  }
0x67: {  	_ =	shalt  }
0x68: {  	_ =	shalt  }
0x69: {  	_ =	shalt  }
0x6a: {  	_ =	shalt  }
0x6b: {  	_ =	shalt  }
0x6c: {  	_ =	shalt  }
0x6d: {  	_ =	shalt  }
0x6e: {  	_ =	shalt  }
0x6f: {  	_ =	shalt  }
0x70: {  	_ =	shalt  }
0x71: {  	_ =	shalt  }
0x72: {  	_ =	shalt  }
0x73: {  	_ =	shalt  }
0x74: {  	_ =	shalt  }
0x75: {  	_ =	shalt  }
0x76: {  	_ =	shalt  }
0x77: {  	_ =	shalt  }
0x78: {  	_ =	shalt  }
0x79: {  	_ =	shalt  }
0x7a: {  	_ =	shalt  }
0x7b: {  	_ =	shalt  }
0x7c: {  	_ =	shalt  }
0x7d: {  	_ =	shalt  }
0x7e: {  	_ =	shalt  }
0x7f: {  	_ =	shalt  }
0x80: {  	_ =	shalt  }
0x81: {  	_ =	shalt  }
0x82: {  	_ =	shalt  }
0x83: {  	_ =	shalt  }
0x84: {  	_ =	shalt  }
0x85: {  	_ =	shalt  }
0x86: {  	_ =	shalt  }
0x87: {  	_ =	shalt  }
.Lfunc_end0:
.L_simem_size_0:
called_computation.1_lowered:
.L_overlay_start_0:
0x88: {  	s2 =	sld [smem:$0x3FD9]  }
0x89: {  	s3 =	sld [smem:$0x3FFE];
	_ =	sdelay $0x1  }
0x8a: {  	s1 =	srdreg.scid  }
0x8b: {  	s0 =	sand.u32 $0x1, s1  }
0x8c: {  	s17 =	sshll.u32 s0, $0xA;
	s2 =	sadd.s32 s3, s2  }
0x8d: {  	s2 =	sadd.s32 s2, s17  }
0x8e: {  	[smem:$0x3FBE] =	sst s2  }
0x8f: {  	_ = 	snop  }
0x90: {  	s2 =	sld [smem:$0x3FD0];
	(tm) =	ssettm $0x1  }
0x91: {  	s18 =	sld [smem:$0x3FFB];
	_ =	sdelay $0x3  }
0x92: {  	_ =	strace s18  }
0x93: {  	s3 =	sld [smem:$0x3FFC];
	_ =	sdelay $0x3  }
0x94: {  	_ =	strace s3  }
0x95: {  	s3 =	sld [smem:$0x3FFD];
	_ =	sdelay $0x3  }
0x96: {  	_ =	strace s3  }
0x97: {  	_ =	strace $0x8FFFFFFF  }
0x98: {  	s19 =	sld [smem:$0x3FDB];
	_ =	sdelay $0x1  }
0x99: {  	s4 =	simm.s32 $_scs_section_size  }
0x9a: {  	s5 =	simm.s32 $_size__tile_overlayer_lowered;
	s6 =	simm.s32 $_tile_overlayer_lowered  }
0x9b: {  	s22 =	simm.s32 $0x1BFF;
	s21 =	sshll.u32 s6, $0x1;
	s3 =	sadd.s32 s4, s19  }
0x9c: {  	s7 =	simm.s32 $0x0;
	s20 =	sshll.u32 s5, $0x1;
	s5 =	sadd.s32 s21, s3  }
0x9d: {  	[timem:s7], [sflag:s22] =	dma.local [hbm:s5], s20  }
0x9e: {  	_ =	swait.ge [sflag:s22], s20  }
0x9f: {  	s4 =	ssub.s32 $0x0, s20;
	[sflag:s22] =	ssyncset.done $0x0  }
0xa0: {  	[sflag:s22] =	ssyncadd.s32 s4;
	_ =	sdelay $0x1  }
0xa1: {  	s23 =	simm.s32 $0x1B8B  }
0xa2: {  	_ =	swait.ge [sflag:s23], $0x1  }
0xa3: {  	[sflag:s23] =	ssyncset.done $0x0  }
0xa4: {  	s25 =	simm.s32 $0x1B8E;
	s24 =	sld [smem:$0x3FFE];
	[sflag:s23] =	ssyncadd.s32 $0xFFFFFFFF  }
0xa5: {  	s26 =	simm.s32 $execute0_lowered;
	[smem:$0x3FD2] =	sst s25  }
0xa6: {  	s5 =	sshll.u32 s26, $0x1;
	_ =	strace $0x80000049;
	[dreg:$0x1] =	wrdreg $0xFFFFFFFF  }
0xa7: {  	s28 =	simm.s32 $_size_execute0_lowered;
	s3 =	sadd.s32 s3, s5;
	[dreg:$0x0] =	wrdreg $0x0  }
0xa8: {  	s5 =	sshll.u32 s28, $0x1;
	[dreg:$0x2] =	wrdreg s3  }
0xa9: {  	[dreg:$0x3] =	wrdreg s5  }
0xaa: {  	[dreg:$0x4] =	wrdreg $0xC0  }
0xab: {  	_ =	task [dreg:s7], $0x5FFFF  }
0xac: {  	[dreg:$0x1] =	wrdreg $0xFFFFFFFF  }
0xad: {  	[dreg:$0x0] =	wrdreg $0x60  }
0xae: {  	[dreg:$0x2] =	wrdreg s24  }
0xaf: {  	[dreg:$0x3] =	wrdreg s2  }
0xb0: {  	[dreg:$0x4] =	wrdreg $0x7DA00  }
0xb1: {  	[dreg:$0x5] =	wrdreg $0x9  }
0xb2: {  	_ =	task.clear_ibuf [dreg:s7], $0x6FFFF;
	_ =	strace $0x90000049  }
0xb3: {  	s29 =	simm.s32 $0x9;
	_ =	strace $0x8000004B  }
0xb4: {  	_ =	swait.ge [sflag:s29], $0x1  }
0xb5: {  	[sflag:s29] =	ssyncadd.s32 $0xFFFFFFFF  }
0xb6: {  	_ =	strace $0x9000004B  }
0xb7: {  	_ =	sfence  }
0xb8: {  	s30 =	sld [smem:$0x0];
	_ =	sdelay $0x2  }
0xb9: {  	s31 =	sshll.u32 s1, $0xD;
	s1 =	sshrl.u32 s1, $0x2  }
0xba: {  	s3 =	sand.u32 $0x4000, s31;
	s1 =	sadd.s32 s1, s30  }
0xbb: {  	s0 =	sor.u32 s3, s0;
	s1 =	sshll.u32 s1, $0x11  }
0xbc: {  	s0 =	sor.u32 s1, s0  }
0xbd: {  	s0 =	sadd.s32 $0x8F2B, s0  }
0xbe: {  	[sflag:s0] =	ssyncadd.remote.s32 $0x1  }
0xbf: {  	_ =	sfence.sel $0xFFFF  }
0xc0: {  	[dreg:$0x0] =	wrdreg $0xFFFFFFFF;
	(pc) =	sbr.abs _section_cstart, $3  }
0xc1: {  	[dreg:$0x1] =	wrdreg $0xFFFFFFFF  }
0xc2: {  	_ =	task.clear_ibuf [dreg:s7], $0x2FFFF;
	_ =	strace $0x9FFFFFFF  }
0xc3: {  	(tm) =	ssettm $0x7FFFFFFF  }
tec
execute0_lowered:
.L_overlay_start_1:
0x0: {  	(tag) =	ssettag $0x1  }
0x1: {  	s0 =	rddreg [dreg:$0x0]  }
0x2: {  	s3 =	rddreg [dreg:$0x2];
	s4 =	simm.s32 $0x0  }
0x3: {  	s11 =	stileid.u32;
	s1 =	srdreg.scid;
	s2 =	simm.s32 $0x0  }
0x4: {  	s14 =	simm.s32 $0x9;
	s17 =	simm.s32 $0x28;
	s18 =	simm.s32 $0xFA0  }
0x5: {  	s19 =	simm.s32 $0x19A0;
	s20 =	simm.s32 $0x23A0;
	s28 =	simm.s32 $0x50A0  }
0x6: {  	s29 =	simm.s32 $0x2;
	s30 =	simm.s32 $0x5;
	s31 =	simm.s32 $0x1720  }
0x7: {  	s12 =	simm.s32 $0x6;
	s13 =	simm.s32 $0x4;
	[dreg:$0x4] =	wrdreg s2  }
0x8: {  	[smem:$0x7FF] =	sst s4;
	s21 =	smul.u32 $0x16380, s11;
	s1 =	sand.u32 $0x1, s1  }
0x9: {  	s5 =	sadd.s32 $0x90200, s0;
	s6 =	sadd.s32 $0x6A00, s0;
	s7 =	sadd.s32 $0x1A00, s0  }
0xa: {  	s8 =	sadd.s32 $0xBA00, s0;
	s10 =	sshll.u32 s11, $0x1;
	s25 =	sshll.u32 s11, $0x6  }
0xb: {  	_ =	strace $0x8000004A;
	s22 =	smul.u32 $0x163800, s1;
	[dreg:$0x5] =	wrdreg s8  }
0xc: {  	s9 =	ssub.s32 $0x2, s1;
	s1 =	sor.u32 s1, s10;
	s23 =	sshrl.u32 s21, $0x3  }
0xd: {  	s24 =	sshrl.u32 s9, $0x1;
	s2 =	sadd.s32 s21, s3;
	s1 =	smul.u32 $0x2710, s1  }
0xe: {  	s4 =	sadd.s32 s21, s22;
	s8 =	sadd.s32 s23, s0;
	s10 =	sshrl.u32 s2, $0x3  }
0xf: {  	s21 =	simm.s32 $0x1220;
	s22 =	simm.s32 $0x1C20;
	s23 =	simm.s32 $0x3A20  }
0x10: {  	s4 =	sshrl.u32 s4, $0x3;
	s8 =	sadd.s32 $0x15800, s8;
	[dreg:$0x8] =	wrdreg s1  }
0x11: {  	s1 =	simm.s32 $0x6720;
	[dreg:$0xb] =	wrdreg s10;
	s0 =	sadd.s32 s4, s0  }
0x12: {  	s4 =	ssub.s32 s9, s24;
	[dreg:$0x6] =	wrdreg s8;
	s8 =	sor.u32 $0x1C09, s25  }
0x13: {  	s24 =	simm.s32 $0x1;
	s0 =	sadd.s32 $0xBC200, s0;
	[dreg:$0x7] =	wrdreg s8  }
0x14: {  	s9 =	simm.s32 $0x3;
	s26 =	smax.u32 s4, $0x1;
	[dreg:$0x9] =	wrdreg s0  }
0x15: {  	[dreg:$0xa] =	wrdreg s26;
	s26 =	simm.s32 $0x1EA0;
	s0 =	simm.s32 $0x2120  }
.LBB2_1:
0x16: {  	s2 =	rddreg [dreg:$0x6]  }
0x17: {  	[spmem:s10], [sflag:s8] =	dma.local [hbm:s2], $0x2C70  }
0x18: {  	_ =	swait.ge [sflag:s14], $0x2C70  }
0x19: {  	[sflag:s14] =	ssyncset.done $0x0  }
0x1a: {  	[sflag:s14] =	ssyncadd.s32 $0xFFFFD390  }
0x1b: {  	s2 =	simm.s32 $0x0;
	[bflag:$0x0] =	sbarrier.arrive $0xFFFF  }
.LBB2_2:
0x1c: {  	s11 =	smul.u32 $0x7D0, s2  }
0x1d: {  	s4 =	rddreg [dreg:$0x8]  }
0x1e: {  	[dreg:$0xc] =	wrdreg s2;
	s2 =	sadd.s32 s4, s11  }
0x1f: {  	s15 =	rddreg [dreg:$0x5];
	s2 =	sshrl.u32 s2, $0x3  }
0x20: {  	s11 =	simm.s32 $0x0;
	s4 =	sadd.s32 s15, s2  }
0x21: {  	[tilespmem:s11], [sflag:$0x9] =	stream.linear.gather [hbm4b:s4+s11], $0x7D0, $0x38;
	[tilespmem:$0x1E120] =	vst v63  }
0x22: {  	_ =	swait.ge [sflag:s14], $0x7D0  }
0x23: {  	[sflag:s14] =	ssyncset.done $0x0  }
0x24: {  	[sflag:s14] =	ssyncadd.s32 $0xFFFFF830  }
0x25: {  	s16 =	rddreg [dreg:$0x1]  }
0x26: {  	s25 =	simm.s32 $0x7D0;
	s2 =	sadd.s32 s16, s2  }
0x27: {  	[tilespmem:s25], [sflag:$0x9] =	stream.linear.gather [hbm4b:s2+s11], $0x7D0, $0x38;
	[tilespmem:$0x1E120] =	vst v63  }
0x28: {  	_ =	swait.ge [sflag:s14], $0x7D0  }
0x29: {  	[sflag:s14] =	ssyncset.done $0x0  }
0x2a: {  	[sflag:s14] =	ssyncadd.s32 $0xFFFFF830  }
0x2b: {  	[tilespmem:s18], [sflag:$0x1] =	stream.indirect.gather [hbm4b:s6+s17], $0x10, s11, s17, $0xb8;
	[tilespmem:$0x1E120] =	vst v63  }
0x2c: {  	_ = 	snop  }
0x2d: {  	[tilespmem:s19], [sflag:$0x1] =	stream.indirect.gather [hbm4b:s7+s17], $0x10, s25, s17, $0xb8;
	[tilespmem:$0x1E120] =	vst v63  }
0x2e: {  	_ = 	snop  }
0x2f: {  	[tilespmem:s20], [sflag:$0x1] =	stream.indirect.gather [hbm4b:s5+s17], $0x90, s11, s17, $0xb8;
	[tilespmem:$0x1E120] =	vst v63  }
.LBB2_3:
0x30: {  	p0 =	seq.s32 s11, $0x0  }
0x31: {  	s2 =	simm.s32 @!p0 $0x7  }
0x32: {  	s16 =	smul.u32 $0xA0, s11;
	_ =	swait.ge @!p0 [sflag:s2], $0x1680  }
0x33: {  	[sflag:s2] =	ssyncset.done @!p0 $0x0  }
0x34: {  	s15 =	sadd.s32 $0x28, s16;
	[sflag:s2] =	ssyncadd.s32 @!p0 $0xFFFFE980  }
0x35: {  	[tilespmem:s21], [sflag:$0x2] =	stream.indirect.gather [hbm4b:s6+s17], $0x10, s15, s17, $0xb8;
	[tilespmem:$0x1E120] =	vst v63  }
0x36: {  	s14 =	sadd.s32 $0x7F8, s16  }
0x37: {  	[tilespmem:s22], [sflag:$0x2] =	stream.indirect.gather [hbm4b:s7+s17], $0x10, s14, s17, $0xb8;
	[tilespmem:$0x1E120] =	vst v63  }
0x38: {  	_ = 	snop  }
0x39: {  	[tilespmem:s23], [sflag:$0x2] =	stream.indirect.gather [hbm4b:s5+s17], $0x90, s15, s17, $0xb8;
	[tilespmem:$0x1E120] =	vst v63  }
0x3a: {  	_ =	swait.ge [sflag:s24], $0x280  }
0x3b: {  	[sflag:s24] =	ssyncset.done $0x0  }
0x3c: {  	[sflag:s24] =	ssyncadd.s32 $0xFFFFFD80  }
0x3d: {  	_ =	swait.ge [sflag:s24], $0x280  }
0x3e: {  	[sflag:s24] =	ssyncset.done $0x0  }
0x3f: {  	[sflag:s24] =	ssyncadd.s32 $0xFFFFFD80  }
0x40: {  	_ =	swait.ge [sflag:s24], $0x1680  }
0x41: {  	[sflag:s24] =	ssyncset.done $0x0  }
0x42: {  	s25 =	simm.s32 $0xFB0;
	[sflag:s24] =	ssyncadd.s32 $0xFFFFE980  }
0x43: {  	s4 =	simm.s32 $0x19B0;
	v0 =	vld [tilespmem:s25+$0x0]  }
0x44: {  	v1 =	vld [tilespmem:s4+$0x0]  }
0x45: {  	v2 =	vld [tilespmem:s4+$0xFFFFFFF0]  }
0x46: {  	v3 =	vld [tilespmem:s25+$0xFFFFFFF0];
	_ =	sdelay $0x3  }
0x47: {  	v0 =	vadd.f32 v1, v0  }
0x48: {  	v1 =	vadd.f32 v2, v3  }
0x49: {  	v2 =	vmul.f32 $2.000000030e-01, v0  }
0x4a: {  	v3 =	vmul.f32 $2.000000030e-01, v1  }
0x4b: {  	v0 =	vmax.f32 v0, v2  }
0x4c: {  	v1 =	vmax.f32 v1, v3;
	v0 =	vmul.f32 $1.442695020e+00, v0  }
0x4d: {  	v1 =	vmul.f32 $1.442695020e+00, v1  }
0x4e: {  	(erf) = vpow2.f32 v0  }
0x4f: {  	(erf) = vpow2.f32 v1;
	_ =	sdelay $0x2  }
0x50: {  	s2 =	simm.s32 $0x19D0  }
0x51: {  	s4 =	simm.s32 $0x2430;
	v4 =	vld [tilespmem:s2+$0xFFFFFFF0]  }
0x52: {  	s8 =	simm.s32 $0xFD0;
	v5 =	vld [tilespmem:s4+$0xFFFFFF70]  }
0x53: {  	v2 =	vld [tilespmem:s8+$0x0]  }
0x54: {  	v3 =	vld [tilespmem:s2+$0x0]  }
0x55: {  	v11 =	vld [tilespmem:s8+$0xFFFFFFF0];
	v7 =	vpop (erf)  }
0x56: {  	v9 =	vpop (erf)  }
0x57: {  	v1 =	vld [tilespmem:s4+$0x70];
	v12 =	vbroadcast v9, $0x0  }
0x58: {  	v6 =	vld [tilespmem:s4+$0xFFFFFF80]  }
0x59: {  	v8 =	vld [tilespmem:s4+$0xFFFFFF90];
	v2 =	vadd.f32 v3, v2;
	v5 =	vmul.f32 v12, v5  }
0x5a: {  	v10 =	vld [tilespmem:s4+$0xFFFFFFA0];
	v3 =	vadd.f32 v4, v11;
	v0 =	vbroadcast v7, $0x0  }
0x5b: {  	v13 =	vld [tilespmem:s4+$0xFFFFFFC0];
	[tilespmem:s4+$0xFFFFFF70] =	vst v5;
	v5 =	vmul.f32 $2.000000030e-01, v2  }
0x5c: {  	v11 =	vmul.f32 $2.000000030e-01, v3;
	[tilespmem:s4+$0xFFFFFFF0] =	vst v9;
	v9 =	vld [tilespmem:s4+$0xFFFFFFB0];
	v1 =	vmul.f32 v1, v0  }
0x5d: {  	v4 =	vmul.f32 v12, v6;
	v6 =	vld [tilespmem:s4+$0xFFFFFFE0];
	v2 =	vmax.f32 v2, v5  }
0x5e: {  	v3 =	vmax.f32 v3, v11;
	[tilespmem:s4+$0x70] =	vst v1;
	v1 =	vld [tilespmem:s4+$0xFFFFFFD0];
	v2 =	vmul.f32 $1.442695020e+00, v2  }
0x5f: {  	v11 =	vmul.f32 $1.442695020e+00, v3;
	[tilespmem:s4+$0x80] =	vst v7;
	v7 =	vmul.f32 v12, v8;
	v8 =	vld [tilespmem:s4+$0x0]  }
0x60: {  	[tilespmem:s4+$0xFFFFFF80] =	vst v4;
	v4 =	vmul.f32 v10, v12;
	v10 =	vld [tilespmem:s4+$0x10];
	(erf) = vpow2.f32 v2  }
0x61: {  	[tilespmem:s4+$0xFFFFFF90] =	vst v7;
	v5 =	vmul.f32 v9, v12;
	v9 =	vld [tilespmem:s4+$0x20]  }
0x62: {  	v7 =	vmul.f32 v13, v12;
	[tilespmem:s4+$0xFFFFFFA0] =	vst v4;
	v4 =	vld [tilespmem:s4+$0x30];
	(erf) = vpow2.f32 v11  }
0x63: {  	v1 =	vmul.f32 v1, v12;
	[tilespmem:s4+$0xFFFFFFB0] =	vst v5;
	v5 =	vld [tilespmem:s4+$0x40]  }
0x64: {  	v3 =	vld [tilespmem:s4+$0x50];
	[tilespmem:s4+$0xFFFFFFC0] =	vst v7;
	v12 =	vmul.f32 v6, v12  }
0x65: {  	s10 =	simm.s32 $0x2550;
	v6 =	vmul.f32 v0, v8;
	v2 =	vld [tilespmem:s4+$0x60];
	[tilespmem:s4+$0xFFFFFFD0] =	vst v1  }
0x66: {  	s15 =	simm.s32 $0x2;
	s8 =	simm.s32 $0xFF0;
	v7 =	vmul.f32 v0, v10;
	v1 =	vld [tilespmem:s10+$0x70];
	[tilespmem:s4+$0xFFFFFFE0] =	vst v12;
	v8 =	vmul.f32 v0, v9  }
.LBB2_4:
0x67: {  	v9 =	vld [tilespmem:s8+$0x0];
	s2 =	sadd.s32 $0x20, s2;
	[tilespmem:s4+$0x0] =	vst v6;
	v4 =	vmul.f32 v4, v0  }
0x68: {  	s15 =	sadd.s32 $0x2, s15;
	v6 =	vld [tilespmem:s2+$0x0];
	[tilespmem:s4+$0x10] =	vst v7;
	v5 =	vmul.f32 v5, v0  }
0x69: {  	p1 =	slt.u32 s15, $0x26;
	v7 =	vld [tilespmem:s2+$0xFFFFFFF0];
	v10 =	vpop (erf);
	[tilespmem:s4+$0x20] =	vst v8;
	v3 =	vmul.f32 v3, v0  }
0x6a: {  	v8 =	vld [tilespmem:s8+$0xFFFFFFF0];
	[tilespmem:s4+$0x30] =	vst v4;
	v2 =	vmul.f32 v2, v0;
	v0 =	vbroadcast v10, $0x0  }
0x6b: {  	v4 =	vld [tilespmem:s10+$0xFFFFFF70];
	v11 =	vpop (erf);
	[tilespmem:s4+$0x40] =	vst v5  }
0x6c: {  	v5 =	vbroadcast v11, $0x0;
	v12 =	vld [tilespmem:s10+$0xFFFFFF80];
	v1 =	vmul.f32 v1, v0;
	[tilespmem:s4+$0x50] =	vst v3  }
0x6d: {  	v3 =	vadd.f32 v6, v9;
	v6 =	vld [tilespmem:s10+$0xFFFFFF90];
	[tilespmem:s4+$0x60] =	vst v2;
	s4 =	smov.u32 s10  }
0x6e: {  	v2 =	vld [tilespmem:s10+$0xFFFFFFA0];
	[tilespmem:s10+$0x70] =	vst v1  }
0x6f: {  	v1 =	vadd.f32 v7, v8;
	v7 =	vmul.f32 $2.000000030e-01, v3;
	[tilespmem:s10+$0xFFFFFFF0] =	vst v11;
	v8 =	vld [tilespmem:s10+$0xFFFFFFB0]  }
0x70: {  	v4 =	vmul.f32 v5, v4;
	v9 =	vld [tilespmem:s10+$0xFFFFFFC0];
	[tilespmem:s10+$0x80] =	vst v10  }
0x71: {  	v10 =	vmul.f32 $2.000000030e-01, v1;
	v3 =	vmax.f32 v3, v7;
	v7 =	vmul.f32 v5, v12;
	v11 =	vld [tilespmem:s10+$0xFFFFFFD0]  }
0x72: {  	v3 =	vmul.f32 $1.442695020e+00, v3;
	[tilespmem:s10+$0xFFFFFF70] =	vst v4;
	v4 =	vmul.f32 v5, v6;
	v6 =	vld [tilespmem:s10+$0xFFFFFFE0]  }
0x73: {  	v1 =	vmax.f32 v1, v10;
	[tilespmem:s10+$0xFFFFFF80] =	vst v7;
	v2 =	vmul.f32 v2, v5;
	v7 =	vld [tilespmem:s10+$0x0]  }
0x74: {  	v1 =	vmul.f32 $1.442695020e+00, v1;
	(erf) = vpow2.f32 v3;
	[tilespmem:s10+$0xFFFFFF90] =	vst v4;
	v10 =	vld [tilespmem:s10+$0x10]  }
0x75: {  	[tilespmem:s10+$0xFFFFFFA0] =	vst v2;
	v2 =	vmul.f32 v8, v5;
	v3 =	vmul.f32 v9, v5;
	v8 =	vld [tilespmem:s10+$0x20]  }
.Ltmp0:
0x76: {  	(erf) = vpow2.f32 v1;
	v1 =	vmul.f32 v11, v5;
	v4 =	vld [tilespmem:s10+$0x30];
	(pc) =	sbr.rel @p1 .LBB2_4-.Ltmp0, $4  }
0x77: {  	[tilespmem:s10+$0xFFFFFFB0] =	vst v2;
	v9 =	vmul.f32 v6, v5;
	v5 =	vld [tilespmem:s10+$0x40]  }
0x78: {  	[tilespmem:s10+$0xFFFFFFC0] =	vst v3;
	v6 =	vmul.f32 v0, v7;
	v3 =	vld [tilespmem:s10+$0x50]  }
0x79: {  	s10 =	sadd.s32 $0x120, s10;
	[tilespmem:s4+$0xFFFFFFD0] =	vst v1;
	v7 =	vmul.f32 v0, v10;
	v2 =	vld [tilespmem:s4+$0x60]  }
0x7a: {  	s8 =	sadd.s32 $0x20, s8;
	v1 =	vld [tilespmem:s10+$0x70];
	[tilespmem:s4+$0xFFFFFFE0] =	vst v9;
	v8 =	vmul.f32 v0, v8  }
0x7b: {  	[tilespmem:s4+$0x0] =	vst v6  }
0x7c: {  	v4 =	vmul.f32 v4, v0;
	[tilespmem:s4+$0x10] =	vst v7  }
0x7d: {  	v5 =	vmul.f32 v5, v0;
	[tilespmem:s4+$0x20] =	vst v8  }
0x7e: {  	v6 =	vld [tilespmem:s10+$0xFFFFFF70];
	[tilespmem:s4+$0x30] =	vst v4  }
0x7f: {  	v7 =	vld [tilespmem:s10+$0xFFFFFF80];
	v8 =	vpop (erf);
	v3 =	vmul.f32 v3, v0;
	[tilespmem:s4+$0x40] =	vst v5  }
0x80: {  	v4 =	vld [tilespmem:s10+$0xFFFFFF90];
	v9 =	vbroadcast v8, $0x0;
	[tilespmem:s10+$0x80] =	vst v8;
	v10 =	vpop (erf)  }
0x81: {  	v5 =	vld [tilespmem:s10+$0xFFFFFFA0];
	v0 =	vmul.f32 v2, v0;
	[tilespmem:s4+$0x50] =	vst v3;
	v2 =	vbroadcast v10, $0x0  }
0x82: {  	v3 =	vld [tilespmem:s10+$0xFFFFFFB0];
	[tilespmem:s10+$0xFFFFFFF0] =	vst v10;
	v1 =	vmul.f32 v1, v9  }
0x83: {  	[tilespmem:s4+$0x60] =	vst v0;
	v0 =	vmul.f32 v2, v6;
	v6 =	vld [tilespmem:s10+$0xFFFFFFC0]  }
0x84: {  	[tilespmem:s10+$0x70] =	vst v1;
	v1 =	vld [tilespmem:s10+$0xFFFFFFD0];
	v7 =	vmul.f32 v2, v7  }
0x85: {  	[tilespmem:s10+$0xFFFFFF70] =	vst v0;
	v0 =	vmul.f32 v2, v4;
	v4 =	vld [tilespmem:s10+$0xFFFFFFE0]  }
0x86: {  	v5 =	vmul.f32 v5, v2;
	[tilespmem:s10+$0xFFFFFF80] =	vst v7;
	v7 =	vld [tilespmem:s10+$0x0]  }
0x87: {  	v3 =	vmul.f32 v3, v2;
	[tilespmem:s10+$0xFFFFFF90] =	vst v0;
	v0 =	vld [tilespmem:s10+$0x10]  }
0x88: {  	v8 =	vld [tilespmem:s10+$0x30];
	[tilespmem:s10+$0xFFFFFFA0] =	vst v5;
	v5 =	vmul.f32 v6, v2  }
0x89: {  	[tilespmem:s10+$0xFFFFFFB0] =	vst v3;
	v6 =	vld [tilespmem:s10+$0x20];
	v1 =	vmul.f32 v1, v2  }
0x8a: {  	v3 =	vld [tilespmem:s10+$0x40];
	v2 =	vmul.f32 v4, v2;
	[tilespmem:s10+$0xFFFFFFC0] =	vst v5  }
0x8b: {  	v4 =	vmul.f32 v9, v7;
	v5 =	vld [tilespmem:s10+$0x50];
	[tilespmem:s10+$0xFFFFFFD0] =	vst v1  }
0x8c: {  	v1 =	vld [tilespmem:s10+$0x60];
	v0 =	vmul.f32 v9, v0;
	[tilespmem:s10+$0xFFFFFFE0] =	vst v2  }
0x8d: {  	[tilespmem:s10+$0x0] =	vst v4;
	v4 =	vmul.f32 v8, v9  }
0x8e: {  	v2 =	vmul.f32 v9, v6;
	[tilespmem:s10+$0x10] =	vst v0  }
0x8f: {  	v0 =	vmul.f32 v3, v9;
	[tilespmem:s10+$0x30] =	vst v4  }
0x90: {  	s2 =	smul.u32 $0x280, s11;
	[tilespmem:s10+$0x20] =	vst v2;
	v2 =	vmul.f32 v5, v9  }
0x91: {  	v1 =	vmul.f32 v1, v9;
	[tilespmem:s10+$0x40] =	vst v0  }
0x92: {  	s2 =	sshra.s32 s2, $0x2;
	[tilespmem:s10+$0x50] =	vst v2  }
0x93: {  	s2 =	sadd.s32 $0x7D0, s2;
	[tilespmem:s10+$0x60] =	vst v1  }
0x94: {  	[spmem:s3] =	stream.indirect.scatter.add.f32 [tilespmem:s20], [sflag:$0x5], $0x90, s2, s17, $0xb8;
	[tilespmem:$0x1E120] =	vst v63  }
0x95: {  	s2 =	simm.s32 @!p0 $0x8  }
0x96: {  	_ =	swait.ge @!p0 [sflag:s2], $0x1680  }
0x97: {  	[sflag:s2] =	ssyncset.done @!p0 $0x0  }
0x98: {  	s8 =	sadd.s32 $0x50, s16;
	s10 =	simm.s32 $0x14A0;
	[sflag:s2] =	ssyncadd.s32 @!p0 $0xFFFFE980  }
0x99: {  	[tilespmem:s10], [sflag:$0x3] =	stream.indirect.gather [hbm4b:s6+s17], $0x10, s8, s17, $0xb8;
	[tilespmem:$0x1E120] =	vst v63  }
0x9a: {  	s4 =	sadd.s32 $0x820, s16  }
0x9b: {  	[tilespmem:s26], [sflag:$0x3] =	stream.indirect.gather [hbm4b:s7+s17], $0x10, s4, s17, $0xb8;
	[tilespmem:$0x1E120] =	vst v63  }
0x9c: {  	_ = 	snop  }
0x9d: {  	[tilespmem:s28], [sflag:$0x3] =	stream.indirect.gather [hbm4b:s5+s17], $0x90, s8, s17, $0xb8;
	[tilespmem:$0x1E120] =	vst v63  }
0x9e: {  	_ =	swait.ge [sflag:s29], $0x280  }
0x9f: {  	[sflag:s29] =	ssyncset.done $0x0  }
0xa0: {  	[sflag:s29] =	ssyncadd.s32 $0xFFFFFD80  }
0xa1: {  	_ =	swait.ge [sflag:s29], $0x280  }
0xa2: {  	[sflag:s29] =	ssyncset.done $0x0  }
0xa3: {  	[sflag:s29] =	ssyncadd.s32 $0xFFFFFD80  }
0xa4: {  	_ =	swait.ge [sflag:s29], $0x1680  }
0xa5: {  	[sflag:s29] =	ssyncset.done $0x0  }
0xa6: {  	s15 =	simm.s32 $0x1230;
	[sflag:s29] =	ssyncadd.s32 $0xFFFFE980  }
0xa7: {  	s8 =	simm.s32 $0x1C30;
	v0 =	vld [tilespmem:s15+$0x0]  }
0xa8: {  	v1 =	vld [tilespmem:s8+$0x0]  }
0xa9: {  	v2 =	vld [tilespmem:s8+$0xFFFFFFF0]  }
0xaa: {  	v3 =	vld [tilespmem:s15+$0xFFFFFFF0];
	_ =	sdelay $0x3  }
0xab: {  	v0 =	vadd.f32 v1, v0  }
0xac: {  	v1 =	vadd.f32 v2, v3  }
0xad: {  	v2 =	vmul.f32 $2.000000030e-01, v0  }
0xae: {  	v3 =	vmul.f32 $2.000000030e-01, v1  }
0xaf: {  	v0 =	vmax.f32 v0, v2  }
0xb0: {  	v1 =	vmax.f32 v1, v3;
	v0 =	vmul.f32 $1.442695020e+00, v0  }
0xb1: {  	v1 =	vmul.f32 $1.442695020e+00, v1  }
0xb2: {  	(erf) = vpow2.f32 v0  }
0xb3: {  	(erf) = vpow2.f32 v1;
	_ =	sdelay $0x2  }
0xb4: {  	s10 =	simm.s32 $0x3AB0  }
0xb5: {  	s25 =	simm.s32 $0x1250;
	v5 =	vld [tilespmem:s10+$0xFFFFFF70]  }
0xb6: {  	v11 =	vld [tilespmem:s25+$0xFFFFFFF0]  }
0xb7: {  	s15 =	simm.s32 $0x1C50;
	v2 =	vld [tilespmem:s25+$0x0]  }
0xb8: {  	v3 =	vld [tilespmem:s15+$0x0]  }
0xb9: {  	v4 =	vld [tilespmem:s15+$0xFFFFFFF0];
	v7 =	vpop (erf)  }
0xba: {  	v9 =	vpop (erf)  }
0xbb: {  	v1 =	vld [tilespmem:s10+$0x70];
	v12 =	vbroadcast v9, $0x0  }
0xbc: {  	v6 =	vld [tilespmem:s10+$0xFFFFFF80]  }
0xbd: {  	v8 =	vld [tilespmem:s10+$0xFFFFFF90];
	v2 =	vadd.f32 v3, v2;
	v5 =	vmul.f32 v12, v5  }
0xbe: {  	v10 =	vld [tilespmem:s10+$0xFFFFFFA0];
	v3 =	vadd.f32 v4, v11;
	v0 =	vbroadcast v7, $0x0  }
0xbf: {  	v13 =	vld [tilespmem:s10+$0xFFFFFFC0];
	[tilespmem:s10+$0xFFFFFF70] =	vst v5;
	v5 =	vmul.f32 $2.000000030e-01, v2  }
0xc0: {  	v11 =	vmul.f32 $2.000000030e-01, v3;
	[tilespmem:s10+$0xFFFFFFF0] =	vst v9;
	v9 =	vld [tilespmem:s10+$0xFFFFFFB0];
	v1 =	vmul.f32 v1, v0  }
0xc1: {  	v4 =	vmul.f32 v12, v6;
	v6 =	vld [tilespmem:s10+$0xFFFFFFE0];
	v2 =	vmax.f32 v2, v5  }
0xc2: {  	v3 =	vmax.f32 v3, v11;
	[tilespmem:s10+$0x70] =	vst v1;
	v1 =	vld [tilespmem:s10+$0xFFFFFFD0];
	v2 =	vmul.f32 $1.442695020e+00, v2  }
0xc3: {  	v11 =	vmul.f32 $1.442695020e+00, v3;
	[tilespmem:s10+$0x80] =	vst v7;
	v7 =	vmul.f32 v12, v8;
	v8 =	vld [tilespmem:s10+$0x0]  }
0xc4: {  	[tilespmem:s10+$0xFFFFFF80] =	vst v4;
	v4 =	vmul.f32 v10, v12;
	v10 =	vld [tilespmem:s10+$0x10];
	(erf) = vpow2.f32 v2  }
0xc5: {  	[tilespmem:s10+$0xFFFFFF90] =	vst v7;
	v5 =	vmul.f32 v9, v12;
	v9 =	vld [tilespmem:s10+$0x20]  }
0xc6: {  	v7 =	vmul.f32 v13, v12;
	[tilespmem:s10+$0xFFFFFFA0] =	vst v4;
	v4 =	vld [tilespmem:s10+$0x30];
	(erf) = vpow2.f32 v11  }
0xc7: {  	v1 =	vmul.f32 v1, v12;
	[tilespmem:s10+$0xFFFFFFB0] =	vst v5;
	v5 =	vld [tilespmem:s10+$0x40]  }
0xc8: {  	v3 =	vld [tilespmem:s10+$0x50];
	[tilespmem:s10+$0xFFFFFFC0] =	vst v7;
	v12 =	vmul.f32 v6, v12  }
0xc9: {  	s2 =	simm.s32 $0x3BD0;
	v6 =	vmul.f32 v0, v8;
	v2 =	vld [tilespmem:s10+$0x60];
	[tilespmem:s10+$0xFFFFFFD0] =	vst v1  }
0xca: {  	s8 =	simm.s32 $0x2;
	s25 =	simm.s32 $0x1270;
	v7 =	vmul.f32 v0, v10;
	v1 =	vld [tilespmem:s2+$0x70];
	[tilespmem:s10+$0xFFFFFFE0] =	vst v12;
	v8 =	vmul.f32 v0, v9  }
.LBB2_6:
0xcb: {  	v9 =	vld [tilespmem:s25+$0x0];
	s15 =	sadd.s32 $0x20, s15;
	[tilespmem:s10+$0x0] =	vst v6;
	v4 =	vmul.f32 v4, v0  }
0xcc: {  	s8 =	sadd.s32 $0x2, s8;
	v6 =	vld [tilespmem:s15+$0x0];
	[tilespmem:s10+$0x10] =	vst v7;
	v5 =	vmul.f32 v5, v0  }
0xcd: {  	p0 =	slt.u32 s8, $0x26;
	v7 =	vld [tilespmem:s15+$0xFFFFFFF0];
	v10 =	vpop (erf);
	[tilespmem:s10+$0x20] =	vst v8;
	v3 =	vmul.f32 v3, v0  }
0xce: {  	v8 =	vld [tilespmem:s25+$0xFFFFFFF0];
	[tilespmem:s10+$0x30] =	vst v4;
	v2 =	vmul.f32 v2, v0;
	v0 =	vbroadcast v10, $0x0  }
0xcf: {  	v4 =	vld [tilespmem:s2+$0xFFFFFF70];
	v11 =	vpop (erf);
	[tilespmem:s10+$0x40] =	vst v5  }
0xd0: {  	v5 =	vbroadcast v11, $0x0;
	v12 =	vld [tilespmem:s2+$0xFFFFFF80];
	v1 =	vmul.f32 v1, v0;
	[tilespmem:s10+$0x50] =	vst v3  }
0xd1: {  	v3 =	vadd.f32 v6, v9;
	v6 =	vld [tilespmem:s2+$0xFFFFFF90];
	[tilespmem:s10+$0x60] =	vst v2;
	s10 =	smov.u32 s2  }
0xd2: {  	v2 =	vld [tilespmem:s2+$0xFFFFFFA0];
	[tilespmem:s2+$0x70] =	vst v1  }
0xd3: {  	v1 =	vadd.f32 v7, v8;
	v7 =	vmul.f32 $2.000000030e-01, v3;
	[tilespmem:s2+$0xFFFFFFF0] =	vst v11;
	v8 =	vld [tilespmem:s2+$0xFFFFFFB0]  }
0xd4: {  	v4 =	vmul.f32 v5, v4;
	v9 =	vld [tilespmem:s2+$0xFFFFFFC0];
	[tilespmem:s2+$0x80] =	vst v10  }
0xd5: {  	v10 =	vmul.f32 $2.000000030e-01, v1;
	v3 =	vmax.f32 v3, v7;
	v7 =	vmul.f32 v5, v12;
	v11 =	vld [tilespmem:s2+$0xFFFFFFD0]  }
0xd6: {  	v3 =	vmul.f32 $1.442695020e+00, v3;
	[tilespmem:s2+$0xFFFFFF70] =	vst v4;
	v4 =	vmul.f32 v5, v6;
	v6 =	vld [tilespmem:s2+$0xFFFFFFE0]  }
0xd7: {  	v1 =	vmax.f32 v1, v10;
	[tilespmem:s2+$0xFFFFFF80] =	vst v7;
	v2 =	vmul.f32 v2, v5;
	v7 =	vld [tilespmem:s2+$0x0]  }
0xd8: {  	v1 =	vmul.f32 $1.442695020e+00, v1;
	(erf) = vpow2.f32 v3;
	[tilespmem:s2+$0xFFFFFF90] =	vst v4;
	v10 =	vld [tilespmem:s2+$0x10]  }
0xd9: {  	[tilespmem:s2+$0xFFFFFFA0] =	vst v2;
	v2 =	vmul.f32 v8, v5;
	v3 =	vmul.f32 v9, v5;
	v8 =	vld [tilespmem:s2+$0x20]  }
.Ltmp1:
0xda: {  	(erf) = vpow2.f32 v1;
	v1 =	vmul.f32 v11, v5;
	v4 =	vld [tilespmem:s2+$0x30];
	(pc) =	sbr.rel @p0 .LBB2_6-.Ltmp1, $4  }
0xdb: {  	[tilespmem:s2+$0xFFFFFFB0] =	vst v2;
	v9 =	vmul.f32 v6, v5;
	v5 =	vld [tilespmem:s2+$0x40]  }
0xdc: {  	[tilespmem:s2+$0xFFFFFFC0] =	vst v3;
	v6 =	vmul.f32 v0, v7;
	v3 =	vld [tilespmem:s2+$0x50]  }
0xdd: {  	s2 =	sadd.s32 $0x120, s2;
	[tilespmem:s10+$0xFFFFFFD0] =	vst v1;
	v7 =	vmul.f32 v0, v10;
	v2 =	vld [tilespmem:s10+$0x60]  }
0xde: {  	s25 =	sadd.s32 $0x20, s25;
	v1 =	vld [tilespmem:s2+$0x70];
	[tilespmem:s10+$0xFFFFFFE0] =	vst v9;
	v8 =	vmul.f32 v0, v8  }
0xdf: {  	[tilespmem:s10+$0x0] =	vst v6  }
0xe0: {  	v4 =	vmul.f32 v4, v0;
	[tilespmem:s10+$0x10] =	vst v7  }
0xe1: {  	v5 =	vmul.f32 v5, v0;
	[tilespmem:s10+$0x20] =	vst v8  }
0xe2: {  	v6 =	vld [tilespmem:s2+$0xFFFFFF70];
	[tilespmem:s10+$0x30] =	vst v4  }
0xe3: {  	v7 =	vld [tilespmem:s2+$0xFFFFFF80];
	v8 =	vpop (erf);
	v3 =	vmul.f32 v3, v0;
	[tilespmem:s10+$0x40] =	vst v5  }
0xe4: {  	v4 =	vld [tilespmem:s2+$0xFFFFFF90];
	v9 =	vbroadcast v8, $0x0;
	[tilespmem:s2+$0x80] =	vst v8;
	v10 =	vpop (erf)  }
0xe5: {  	v5 =	vld [tilespmem:s2+$0xFFFFFFA0];
	v0 =	vmul.f32 v2, v0;
	[tilespmem:s10+$0x50] =	vst v3;
	v2 =	vbroadcast v10, $0x0  }
0xe6: {  	v3 =	vld [tilespmem:s2+$0xFFFFFFB0];
	[tilespmem:s2+$0xFFFFFFF0] =	vst v10;
	v1 =	vmul.f32 v1, v9  }
0xe7: {  	[tilespmem:s10+$0x60] =	vst v0;
	v0 =	vmul.f32 v2, v6;
	v6 =	vld [tilespmem:s2+$0xFFFFFFC0]  }
0xe8: {  	[tilespmem:s2+$0x70] =	vst v1;
	v1 =	vld [tilespmem:s2+$0xFFFFFFD0];
	v7 =	vmul.f32 v2, v7  }
0xe9: {  	[tilespmem:s2+$0xFFFFFF70] =	vst v0;
	v0 =	vmul.f32 v2, v4;
	v4 =	vld [tilespmem:s2+$0xFFFFFFE0]  }
0xea: {  	v5 =	vmul.f32 v5, v2;
	[tilespmem:s2+$0xFFFFFF80] =	vst v7;
	v7 =	vld [tilespmem:s2+$0x0]  }
0xeb: {  	v3 =	vmul.f32 v3, v2;
	[tilespmem:s2+$0xFFFFFF90] =	vst v0;
	v0 =	vld [tilespmem:s2+$0x10]  }
0xec: {  	v8 =	vld [tilespmem:s2+$0x30];
	[tilespmem:s2+$0xFFFFFFA0] =	vst v5;
	v5 =	vmul.f32 v6, v2  }
0xed: {  	[tilespmem:s2+$0xFFFFFFB0] =	vst v3;
	v6 =	vld [tilespmem:s2+$0x20];
	v1 =	vmul.f32 v1, v2  }
0xee: {  	v3 =	vld [tilespmem:s2+$0x40];
	v2 =	vmul.f32 v4, v2;
	[tilespmem:s2+$0xFFFFFFC0] =	vst v5  }
0xef: {  	v4 =	vmul.f32 v9, v7;
	v5 =	vld [tilespmem:s2+$0x50];
	[tilespmem:s2+$0xFFFFFFD0] =	vst v1  }
0xf0: {  	v1 =	vld [tilespmem:s2+$0x60];
	v0 =	vmul.f32 v9, v0;
	[tilespmem:s2+$0xFFFFFFE0] =	vst v2  }
0xf1: {  	[tilespmem:s2+$0x0] =	vst v4;
	v4 =	vmul.f32 v8, v9  }
0xf2: {  	v2 =	vmul.f32 v9, v6;
	[tilespmem:s2+$0x10] =	vst v0  }
0xf3: {  	v0 =	vmul.f32 v3, v9;
	[tilespmem:s2+$0x30] =	vst v4  }
0xf4: {  	[tilespmem:s2+$0x20] =	vst v2;
	v2 =	vmul.f32 v5, v9  }
0xf5: {  	v1 =	vmul.f32 v1, v9;
	[tilespmem:s2+$0x40] =	vst v0  }
0xf6: {  	[tilespmem:s2+$0x50] =	vst v2  }
0xf7: {  	[tilespmem:s2+$0x60] =	vst v1  }
0xf8: {  	[spmem:s3] =	stream.indirect.scatter.add.f32 [tilespmem:s23], [sflag:$0x6], $0x90, s14, s17, $0xb8;
	[tilespmem:$0x1E120] =	vst v63  }
0xf9: {  	_ =	swait.ge [sflag:s30], $0x1680  }
0xfa: {  	[sflag:s30] =	ssyncset.done $0x0  }
0xfb: {  	s10 =	sadd.s32 $0x78, s16;
	[sflag:s30] =	ssyncadd.s32 $0xFFFFE980  }
0xfc: {  	[tilespmem:s31], [sflag:$0x4] =	stream.indirect.gather [hbm4b:s6+s17], $0x10, s10, s17, $0xb8;
	[tilespmem:$0x1E120] =	vst v63  }
0xfd: {  	s14 =	sadd.s32 $0x848, s16  }
0xfe: {  	[tilespmem:s0], [sflag:$0x4] =	stream.indirect.gather [hbm4b:s7+s17], $0x10, s14, s17, $0xb8;
	[tilespmem:$0x1E120] =	vst v63  }
0xff: {  	_ = 	snop  }
0x100: {  	[tilespmem:s1], [sflag:$0x4] =	stream.indirect.gather [hbm4b:s5+s17], $0x90, s10, s17, $0xb8;
	[tilespmem:$0x1E120] =	vst v63  }
0x101: {  	_ =	swait.ge [sflag:s9], $0x280  }
0x102: {  	[sflag:s9] =	ssyncset.done $0x0  }
0x103: {  	[sflag:s9] =	ssyncadd.s32 $0xFFFFFD80  }
0x104: {  	_ =	swait.ge [sflag:s9], $0x280  }
0x105: {  	[sflag:s9] =	ssyncset.done $0x0  }
0x106: {  	[sflag:s9] =	ssyncadd.s32 $0xFFFFFD80  }
0x107: {  	_ =	swait.ge [sflag:s9], $0x1680  }
0x108: {  	[sflag:s9] =	ssyncset.done $0x0  }
0x109: {  	s15 =	simm.s32 $0x14B0;
	[sflag:s9] =	ssyncadd.s32 $0xFFFFE980  }
0x10a: {  	s8 =	simm.s32 $0x1EB0;
	v0 =	vld [tilespmem:s15+$0x0]  }
0x10b: {  	v1 =	vld [tilespmem:s8+$0x0]  }
0x10c: {  	v2 =	vld [tilespmem:s8+$0xFFFFFFF0]  }
0x10d: {  	v3 =	vld [tilespmem:s15+$0xFFFFFFF0];
	_ =	sdelay $0x3  }
0x10e: {  	v0 =	vadd.f32 v1, v0  }
0x10f: {  	v1 =	vadd.f32 v2, v3  }
0x110: {  	v2 =	vmul.f32 $2.000000030e-01, v0  }
0x111: {  	v3 =	vmul.f32 $2.000000030e-01, v1  }
0x112: {  	v0 =	vmax.f32 v0, v2  }
0x113: {  	v1 =	vmax.f32 v1, v3;
	v0 =	vmul.f32 $1.442695020e+00, v0  }
0x114: {  	v1 =	vmul.f32 $1.442695020e+00, v1  }
0x115: {  	(erf) = vpow2.f32 v0  }
0x116: {  	(erf) = vpow2.f32 v1;
	_ =	sdelay $0x2  }
0x117: {  	s10 =	simm.s32 $0x5130  }
0x118: {  	s25 =	simm.s32 $0x14D0;
	v5 =	vld [tilespmem:s10+$0xFFFFFF70]  }
0x119: {  	v11 =	vld [tilespmem:s25+$0xFFFFFFF0]  }
0x11a: {  	s15 =	simm.s32 $0x1ED0;
	v2 =	vld [tilespmem:s25+$0x0]  }
0x11b: {  	v3 =	vld [tilespmem:s15+$0x0]  }
0x11c: {  	v4 =	vld [tilespmem:s15+$0xFFFFFFF0];
	v7 =	vpop (erf)  }
0x11d: {  	v9 =	vpop (erf)  }
0x11e: {  	v1 =	vld [tilespmem:s10+$0x70];
	v12 =	vbroadcast v9, $0x0  }
0x11f: {  	v6 =	vld [tilespmem:s10+$0xFFFFFF80]  }
0x120: {  	v8 =	vld [tilespmem:s10+$0xFFFFFF90];
	v2 =	vadd.f32 v3, v2;
	v5 =	vmul.f32 v12, v5  }
0x121: {  	v10 =	vld [tilespmem:s10+$0xFFFFFFA0];
	v3 =	vadd.f32 v4, v11;
	v0 =	vbroadcast v7, $0x0  }
0x122: {  	v13 =	vld [tilespmem:s10+$0xFFFFFFC0];
	[tilespmem:s10+$0xFFFFFF70] =	vst v5;
	v5 =	vmul.f32 $2.000000030e-01, v2  }
0x123: {  	v11 =	vmul.f32 $2.000000030e-01, v3;
	[tilespmem:s10+$0xFFFFFFF0] =	vst v9;
	v9 =	vld [tilespmem:s10+$0xFFFFFFB0];
	v1 =	vmul.f32 v1, v0  }
0x124: {  	v4 =	vmul.f32 v12, v6;
	v6 =	vld [tilespmem:s10+$0xFFFFFFE0];
	v2 =	vmax.f32 v2, v5  }
0x125: {  	v3 =	vmax.f32 v3, v11;
	[tilespmem:s10+$0x70] =	vst v1;
	v1 =	vld [tilespmem:s10+$0xFFFFFFD0];
	v2 =	vmul.f32 $1.442695020e+00, v2  }
0x126: {  	v11 =	vmul.f32 $1.442695020e+00, v3;
	[tilespmem:s10+$0x80] =	vst v7;
	v7 =	vmul.f32 v12, v8;
	v8 =	vld [tilespmem:s10+$0x0]  }
0x127: {  	[tilespmem:s10+$0xFFFFFF80] =	vst v4;
	v4 =	vmul.f32 v10, v12;
	v10 =	vld [tilespmem:s10+$0x10];
	(erf) = vpow2.f32 v2  }
0x128: {  	[tilespmem:s10+$0xFFFFFF90] =	vst v7;
	v5 =	vmul.f32 v9, v12;
	v9 =	vld [tilespmem:s10+$0x20]  }
0x129: {  	v7 =	vmul.f32 v13, v12;
	[tilespmem:s10+$0xFFFFFFA0] =	vst v4;
	v4 =	vld [tilespmem:s10+$0x30];
	(erf) = vpow2.f32 v11  }
0x12a: {  	v1 =	vmul.f32 v1, v12;
	[tilespmem:s10+$0xFFFFFFB0] =	vst v5;
	v5 =	vld [tilespmem:s10+$0x40]  }
0x12b: {  	v3 =	vld [tilespmem:s10+$0x50];
	[tilespmem:s10+$0xFFFFFFC0] =	vst v7;
	v12 =	vmul.f32 v6, v12  }
0x12c: {  	s2 =	simm.s32 $0x5250;
	v6 =	vmul.f32 v0, v8;
	v2 =	vld [tilespmem:s10+$0x60];
	[tilespmem:s10+$0xFFFFFFD0] =	vst v1  }
0x12d: {  	s8 =	simm.s32 $0x2;
	s25 =	simm.s32 $0x14F0;
	v7 =	vmul.f32 v0, v10;
	v1 =	vld [tilespmem:s2+$0x70];
	[tilespmem:s10+$0xFFFFFFE0] =	vst v12;
	v8 =	vmul.f32 v0, v9  }
.LBB2_8:
0x12e: {  	v9 =	vld [tilespmem:s25+$0x0];
	s15 =	sadd.s32 $0x20, s15;
	[tilespmem:s10+$0x0] =	vst v6;
	v4 =	vmul.f32 v4, v0  }
0x12f: {  	s8 =	sadd.s32 $0x2, s8;
	v6 =	vld [tilespmem:s15+$0x0];
	[tilespmem:s10+$0x10] =	vst v7;
	v5 =	vmul.f32 v5, v0  }
0x130: {  	p0 =	slt.u32 s8, $0x26;
	v7 =	vld [tilespmem:s15+$0xFFFFFFF0];
	v10 =	vpop (erf);
	[tilespmem:s10+$0x20] =	vst v8;
	v3 =	vmul.f32 v3, v0  }
0x131: {  	v8 =	vld [tilespmem:s25+$0xFFFFFFF0];
	[tilespmem:s10+$0x30] =	vst v4;
	v2 =	vmul.f32 v2, v0;
	v0 =	vbroadcast v10, $0x0  }
0x132: {  	v4 =	vld [tilespmem:s2+$0xFFFFFF70];
	v11 =	vpop (erf);
	[tilespmem:s10+$0x40] =	vst v5  }
0x133: {  	v5 =	vbroadcast v11, $0x0;
	v12 =	vld [tilespmem:s2+$0xFFFFFF80];
	v1 =	vmul.f32 v1, v0;
	[tilespmem:s10+$0x50] =	vst v3  }
0x134: {  	v3 =	vadd.f32 v6, v9;
	v6 =	vld [tilespmem:s2+$0xFFFFFF90];
	[tilespmem:s10+$0x60] =	vst v2;
	s10 =	smov.u32 s2  }
0x135: {  	v2 =	vld [tilespmem:s2+$0xFFFFFFA0];
	[tilespmem:s2+$0x70] =	vst v1  }
0x136: {  	v1 =	vadd.f32 v7, v8;
	v7 =	vmul.f32 $2.000000030e-01, v3;
	[tilespmem:s2+$0xFFFFFFF0] =	vst v11;
	v8 =	vld [tilespmem:s2+$0xFFFFFFB0]  }
0x137: {  	v4 =	vmul.f32 v5, v4;
	v9 =	vld [tilespmem:s2+$0xFFFFFFC0];
	[tilespmem:s2+$0x80] =	vst v10  }
0x138: {  	v10 =	vmul.f32 $2.000000030e-01, v1;
	v3 =	vmax.f32 v3, v7;
	v7 =	vmul.f32 v5, v12;
	v11 =	vld [tilespmem:s2+$0xFFFFFFD0]  }
0x139: {  	v3 =	vmul.f32 $1.442695020e+00, v3;
	[tilespmem:s2+$0xFFFFFF70] =	vst v4;
	v4 =	vmul.f32 v5, v6;
	v6 =	vld [tilespmem:s2+$0xFFFFFFE0]  }
0x13a: {  	v1 =	vmax.f32 v1, v10;
	[tilespmem:s2+$0xFFFFFF80] =	vst v7;
	v2 =	vmul.f32 v2, v5;
	v7 =	vld [tilespmem:s2+$0x0]  }
0x13b: {  	v1 =	vmul.f32 $1.442695020e+00, v1;
	(erf) = vpow2.f32 v3;
	[tilespmem:s2+$0xFFFFFF90] =	vst v4;
	v10 =	vld [tilespmem:s2+$0x10]  }
0x13c: {  	[tilespmem:s2+$0xFFFFFFA0] =	vst v2;
	v2 =	vmul.f32 v8, v5;
	v3 =	vmul.f32 v9, v5;
	v8 =	vld [tilespmem:s2+$0x20]  }
.Ltmp2:
0x13d: {  	(erf) = vpow2.f32 v1;
	v1 =	vmul.f32 v11, v5;
	v4 =	vld [tilespmem:s2+$0x30];
	(pc) =	sbr.rel @p0 .LBB2_8-.Ltmp2, $4  }
0x13e: {  	[tilespmem:s2+$0xFFFFFFB0] =	vst v2;
	v9 =	vmul.f32 v6, v5;
	v5 =	vld [tilespmem:s2+$0x40]  }
0x13f: {  	[tilespmem:s2+$0xFFFFFFC0] =	vst v3;
	v6 =	vmul.f32 v0, v7;
	v3 =	vld [tilespmem:s2+$0x50]  }
0x140: {  	s2 =	sadd.s32 $0x120, s2;
	[tilespmem:s10+$0xFFFFFFD0] =	vst v1;
	v7 =	vmul.f32 v0, v10;
	v2 =	vld [tilespmem:s10+$0x60]  }
0x141: {  	s25 =	sadd.s32 $0x20, s25;
	v1 =	vld [tilespmem:s2+$0x70];
	[tilespmem:s10+$0xFFFFFFE0] =	vst v9;
	v8 =	vmul.f32 v0, v8  }
0x142: {  	[tilespmem:s10+$0x0] =	vst v6  }
0x143: {  	v4 =	vmul.f32 v4, v0;
	[tilespmem:s10+$0x10] =	vst v7  }
0x144: {  	v5 =	vmul.f32 v5, v0;
	[tilespmem:s10+$0x20] =	vst v8  }
0x145: {  	v6 =	vld [tilespmem:s2+$0xFFFFFF70];
	[tilespmem:s10+$0x30] =	vst v4  }
0x146: {  	v7 =	vld [tilespmem:s2+$0xFFFFFF80];
	v8 =	vpop (erf);
	v3 =	vmul.f32 v3, v0;
	[tilespmem:s10+$0x40] =	vst v5  }
0x147: {  	v4 =	vld [tilespmem:s2+$0xFFFFFF90];
	v9 =	vbroadcast v8, $0x0;
	[tilespmem:s2+$0x80] =	vst v8;
	v10 =	vpop (erf)  }
0x148: {  	v5 =	vld [tilespmem:s2+$0xFFFFFFA0];
	v0 =	vmul.f32 v2, v0;
	[tilespmem:s10+$0x50] =	vst v3;
	v2 =	vbroadcast v10, $0x0  }
0x149: {  	v3 =	vld [tilespmem:s2+$0xFFFFFFB0];
	[tilespmem:s2+$0xFFFFFFF0] =	vst v10;
	v1 =	vmul.f32 v1, v9  }
0x14a: {  	[tilespmem:s10+$0x60] =	vst v0;
	v0 =	vmul.f32 v2, v6;
	v6 =	vld [tilespmem:s2+$0xFFFFFFC0]  }
0x14b: {  	[tilespmem:s2+$0x70] =	vst v1;
	v1 =	vld [tilespmem:s2+$0xFFFFFFD0];
	v7 =	vmul.f32 v2, v7  }
0x14c: {  	[tilespmem:s2+$0xFFFFFF70] =	vst v0;
	v0 =	vmul.f32 v2, v4;
	v4 =	vld [tilespmem:s2+$0xFFFFFFE0]  }
0x14d: {  	v5 =	vmul.f32 v5, v2;
	[tilespmem:s2+$0xFFFFFF80] =	vst v7;
	v7 =	vld [tilespmem:s2+$0x0]  }
0x14e: {  	v3 =	vmul.f32 v3, v2;
	[tilespmem:s2+$0xFFFFFF90] =	vst v0;
	v0 =	vld [tilespmem:s2+$0x10]  }
0x14f: {  	v8 =	vld [tilespmem:s2+$0x30];
	[tilespmem:s2+$0xFFFFFFA0] =	vst v5;
	v5 =	vmul.f32 v6, v2  }
0x150: {  	[tilespmem:s2+$0xFFFFFFB0] =	vst v3;
	v6 =	vld [tilespmem:s2+$0x20];
	v1 =	vmul.f32 v1, v2  }
0x151: {  	v3 =	vld [tilespmem:s2+$0x40];
	v2 =	vmul.f32 v4, v2;
	[tilespmem:s2+$0xFFFFFFC0] =	vst v5  }
0x152: {  	v4 =	vmul.f32 v9, v7;
	v5 =	vld [tilespmem:s2+$0x50];
	[tilespmem:s2+$0xFFFFFFD0] =	vst v1  }
0x153: {  	v1 =	vld [tilespmem:s2+$0x60];
	v0 =	vmul.f32 v9, v0;
	[tilespmem:s2+$0xFFFFFFE0] =	vst v2  }
0x154: {  	[tilespmem:s2+$0x0] =	vst v4;
	v4 =	vmul.f32 v8, v9  }
0x155: {  	v2 =	vmul.f32 v9, v6;
	[tilespmem:s2+$0x10] =	vst v0  }
0x156: {  	v0 =	vmul.f32 v3, v9;
	[tilespmem:s2+$0x30] =	vst v4  }
0x157: {  	[tilespmem:s2+$0x20] =	vst v2;
	v2 =	vmul.f32 v5, v9  }
0x158: {  	v1 =	vmul.f32 v1, v9;
	[tilespmem:s2+$0x40] =	vst v0  }
0x159: {  	[tilespmem:s2+$0x50] =	vst v2  }
0x15a: {  	[tilespmem:s2+$0x60] =	vst v1  }
0x15b: {  	[spmem:s3] =	stream.indirect.scatter.add.f32 [tilespmem:s28], [sflag:$0x7], $0x90, s4, s17, $0xb8;
	[tilespmem:$0x1E120] =	vst v63  }
0x15c: {  	_ =	swait.ge [sflag:s12], $0x1680  }
0x15d: {  	[sflag:s12] =	ssyncset.done $0x0  }
0x15e: {  	s8 =	sadd.s32 $0xA0, s16;
	[sflag:s12] =	ssyncadd.s32 $0xFFFFE980  }
0x15f: {  	[tilespmem:s18], [sflag:$0x1] =	stream.indirect.gather [hbm4b:s6+s17], $0x10, s8, s17, $0xb8;
	[tilespmem:$0x1E120] =	vst v63  }
0x160: {  	s10 =	sadd.s32 $0x870, s16  }
0x161: {  	[tilespmem:s19], [sflag:$0x1] =	stream.indirect.gather [hbm4b:s7+s17], $0x10, s10, s17, $0xb8;
	[tilespmem:$0x1E120] =	vst v63  }
0x162: {  	_ = 	snop  }
0x163: {  	[tilespmem:s20], [sflag:$0x1] =	stream.indirect.gather [hbm4b:s5+s17], $0x90, s8, s17, $0xb8;
	[tilespmem:$0x1E120] =	vst v63  }
0x164: {  	_ =	swait.ge [sflag:s13], $0x280  }
0x165: {  	[sflag:s13] =	ssyncset.done $0x0  }
0x166: {  	[sflag:s13] =	ssyncadd.s32 $0xFFFFFD80  }
0x167: {  	_ =	swait.ge [sflag:s13], $0x280  }
0x168: {  	[sflag:s13] =	ssyncset.done $0x0  }
0x169: {  	[sflag:s13] =	ssyncadd.s32 $0xFFFFFD80  }
0x16a: {  	_ =	swait.ge [sflag:s13], $0x1680  }
0x16b: {  	[sflag:s13] =	ssyncset.done $0x0  }
0x16c: {  	s15 =	simm.s32 $0x1730;
	[sflag:s13] =	ssyncadd.s32 $0xFFFFE980  }
0x16d: {  	s16 =	simm.s32 $0x2130;
	v0 =	vld [tilespmem:s15+$0x0]  }
0x16e: {  	v1 =	vld [tilespmem:s16+$0x0]  }
0x16f: {  	v2 =	vld [tilespmem:s16+$0xFFFFFFF0]  }
0x170: {  	v3 =	vld [tilespmem:s15+$0xFFFFFFF0];
	_ =	sdelay $0x3  }
0x171: {  	v0 =	vadd.f32 v1, v0  }
0x172: {  	v1 =	vadd.f32 v2, v3  }
0x173: {  	v2 =	vmul.f32 $2.000000030e-01, v0  }
0x174: {  	v3 =	vmul.f32 $2.000000030e-01, v1  }
0x175: {  	v0 =	vmax.f32 v0, v2  }
0x176: {  	v1 =	vmax.f32 v1, v3;
	v0 =	vmul.f32 $1.442695020e+00, v0  }
0x177: {  	v1 =	vmul.f32 $1.442695020e+00, v1  }
0x178: {  	(erf) = vpow2.f32 v0  }
0x179: {  	(erf) = vpow2.f32 v1;
	_ =	sdelay $0x2  }
0x17a: {  	s10 =	simm.s32 $0x2150  }
0x17b: {  	s4 =	simm.s32 $0x67B0;
	v4 =	vld [tilespmem:s10+$0xFFFFFFF0]  }
0x17c: {  	s25 =	simm.s32 $0x1750;
	v5 =	vld [tilespmem:s4+$0xFFFFFF70]  }
0x17d: {  	v2 =	vld [tilespmem:s25+$0x0]  }
0x17e: {  	v3 =	vld [tilespmem:s10+$0x0]  }
0x17f: {  	v11 =	vld [tilespmem:s25+$0xFFFFFFF0];
	v7 =	vpop (erf)  }
0x180: {  	v9 =	vpop (erf)  }
0x181: {  	v1 =	vld [tilespmem:s4+$0x70];
	v12 =	vbroadcast v9, $0x0  }
0x182: {  	v6 =	vld [tilespmem:s4+$0xFFFFFF80]  }
0x183: {  	v8 =	vld [tilespmem:s4+$0xFFFFFF90];
	v2 =	vadd.f32 v3, v2;
	v5 =	vmul.f32 v12, v5  }
0x184: {  	v10 =	vld [tilespmem:s4+$0xFFFFFFA0];
	v3 =	vadd.f32 v4, v11;
	v0 =	vbroadcast v7, $0x0  }
0x185: {  	v13 =	vld [tilespmem:s4+$0xFFFFFFC0];
	[tilespmem:s4+$0xFFFFFF70] =	vst v5;
	v5 =	vmul.f32 $2.000000030e-01, v2  }
0x186: {  	v11 =	vmul.f32 $2.000000030e-01, v3;
	[tilespmem:s4+$0xFFFFFFF0] =	vst v9;
	v9 =	vld [tilespmem:s4+$0xFFFFFFB0];
	v1 =	vmul.f32 v1, v0  }
0x187: {  	v4 =	vmul.f32 v12, v6;
	v6 =	vld [tilespmem:s4+$0xFFFFFFE0];
	v2 =	vmax.f32 v2, v5  }
0x188: {  	v3 =	vmax.f32 v3, v11;
	[tilespmem:s4+$0x70] =	vst v1;
	v1 =	vld [tilespmem:s4+$0xFFFFFFD0];
	v2 =	vmul.f32 $1.442695020e+00, v2  }
0x189: {  	v11 =	vmul.f32 $1.442695020e+00, v3;
	[tilespmem:s4+$0x80] =	vst v7;
	v7 =	vmul.f32 v12, v8;
	v8 =	vld [tilespmem:s4+$0x0]  }
0x18a: {  	[tilespmem:s4+$0xFFFFFF80] =	vst v4;
	v4 =	vmul.f32 v10, v12;
	v10 =	vld [tilespmem:s4+$0x10];
	(erf) = vpow2.f32 v2  }
0x18b: {  	[tilespmem:s4+$0xFFFFFF90] =	vst v7;
	v5 =	vmul.f32 v9, v12;
	v9 =	vld [tilespmem:s4+$0x20]  }
0x18c: {  	v7 =	vmul.f32 v13, v12;
	[tilespmem:s4+$0xFFFFFFA0] =	vst v4;
	v4 =	vld [tilespmem:s4+$0x30];
	(erf) = vpow2.f32 v11  }
0x18d: {  	v1 =	vmul.f32 v1, v12;
	[tilespmem:s4+$0xFFFFFFB0] =	vst v5;
	v5 =	vld [tilespmem:s4+$0x40]  }
0x18e: {  	v3 =	vld [tilespmem:s4+$0x50];
	[tilespmem:s4+$0xFFFFFFC0] =	vst v7;
	v12 =	vmul.f32 v6, v12  }
0x18f: {  	s2 =	simm.s32 $0x68D0;
	v6 =	vmul.f32 v0, v8;
	v2 =	vld [tilespmem:s4+$0x60];
	[tilespmem:s4+$0xFFFFFFD0] =	vst v1  }
0x190: {  	s8 =	simm.s32 $0x2;
	s15 =	simm.s32 $0x1770;
	v7 =	vmul.f32 v0, v10;
	v1 =	vld [tilespmem:s2+$0x70];
	[tilespmem:s4+$0xFFFFFFE0] =	vst v12;
	v8 =	vmul.f32 v0, v9  }
.LBB2_10:
0x191: {  	v9 =	vld [tilespmem:s15+$0x0];
	s10 =	sadd.s32 $0x20, s10;
	[tilespmem:s4+$0x0] =	vst v6;
	v4 =	vmul.f32 v4, v0  }
0x192: {  	s8 =	sadd.s32 $0x2, s8;
	v6 =	vld [tilespmem:s10+$0x0];
	[tilespmem:s4+$0x10] =	vst v7;
	v5 =	vmul.f32 v5, v0  }
0x193: {  	p0 =	slt.u32 s8, $0x26;
	v7 =	vld [tilespmem:s10+$0xFFFFFFF0];
	v10 =	vpop (erf);
	[tilespmem:s4+$0x20] =	vst v8;
	v3 =	vmul.f32 v3, v0  }
0x194: {  	v8 =	vld [tilespmem:s15+$0xFFFFFFF0];
	[tilespmem:s4+$0x30] =	vst v4;
	v2 =	vmul.f32 v2, v0;
	v0 =	vbroadcast v10, $0x0  }
0x195: {  	v4 =	vld [tilespmem:s2+$0xFFFFFF70];
	v11 =	vpop (erf);
	[tilespmem:s4+$0x40] =	vst v5  }
0x196: {  	v5 =	vbroadcast v11, $0x0;
	v12 =	vld [tilespmem:s2+$0xFFFFFF80];
	v1 =	vmul.f32 v1, v0;
	[tilespmem:s4+$0x50] =	vst v3  }
0x197: {  	v3 =	vadd.f32 v6, v9;
	v6 =	vld [tilespmem:s2+$0xFFFFFF90];
	[tilespmem:s4+$0x60] =	vst v2;
	s4 =	smov.u32 s2  }
0x198: {  	v2 =	vld [tilespmem:s2+$0xFFFFFFA0];
	[tilespmem:s2+$0x70] =	vst v1  }
0x199: {  	v1 =	vadd.f32 v7, v8;
	v7 =	vmul.f32 $2.000000030e-01, v3;
	[tilespmem:s2+$0xFFFFFFF0] =	vst v11;
	v8 =	vld [tilespmem:s2+$0xFFFFFFB0]  }
0x19a: {  	v4 =	vmul.f32 v5, v4;
	v9 =	vld [tilespmem:s2+$0xFFFFFFC0];
	[tilespmem:s2+$0x80] =	vst v10  }
0x19b: {  	v10 =	vmul.f32 $2.000000030e-01, v1;
	v3 =	vmax.f32 v3, v7;
	v7 =	vmul.f32 v5, v12;
	v11 =	vld [tilespmem:s2+$0xFFFFFFD0]  }
0x19c: {  	v3 =	vmul.f32 $1.442695020e+00, v3;
	[tilespmem:s2+$0xFFFFFF70] =	vst v4;
	v4 =	vmul.f32 v5, v6;
	v6 =	vld [tilespmem:s2+$0xFFFFFFE0]  }
0x19d: {  	v1 =	vmax.f32 v1, v10;
	[tilespmem:s2+$0xFFFFFF80] =	vst v7;
	v2 =	vmul.f32 v2, v5;
	v7 =	vld [tilespmem:s2+$0x0]  }
0x19e: {  	v1 =	vmul.f32 $1.442695020e+00, v1;
	(erf) = vpow2.f32 v3;
	[tilespmem:s2+$0xFFFFFF90] =	vst v4;
	v10 =	vld [tilespmem:s2+$0x10]  }
0x19f: {  	[tilespmem:s2+$0xFFFFFFA0] =	vst v2;
	v2 =	vmul.f32 v8, v5;
	v3 =	vmul.f32 v9, v5;
	v8 =	vld [tilespmem:s2+$0x20]  }
.Ltmp3:
0x1a0: {  	(erf) = vpow2.f32 v1;
	v1 =	vmul.f32 v11, v5;
	v4 =	vld [tilespmem:s2+$0x30];
	(pc) =	sbr.rel @p0 .LBB2_10-.Ltmp3, $4  }
0x1a1: {  	[tilespmem:s2+$0xFFFFFFB0] =	vst v2;
	v9 =	vmul.f32 v6, v5;
	v5 =	vld [tilespmem:s2+$0x40]  }
0x1a2: {  	[tilespmem:s2+$0xFFFFFFC0] =	vst v3;
	v6 =	vmul.f32 v0, v7;
	v3 =	vld [tilespmem:s2+$0x50]  }
0x1a3: {  	s2 =	sadd.s32 $0x120, s2;
	[tilespmem:s4+$0xFFFFFFD0] =	vst v1;
	v7 =	vmul.f32 v0, v10;
	v2 =	vld [tilespmem:s4+$0x60]  }
0x1a4: {  	s15 =	sadd.s32 $0x20, s15;
	v1 =	vld [tilespmem:s2+$0x70];
	[tilespmem:s4+$0xFFFFFFE0] =	vst v9;
	v8 =	vmul.f32 v0, v8  }
0x1a5: {  	[tilespmem:s4+$0x0] =	vst v6  }
0x1a6: {  	v4 =	vmul.f32 v4, v0;
	[tilespmem:s4+$0x10] =	vst v7  }
0x1a7: {  	v5 =	vmul.f32 v5, v0;
	[tilespmem:s4+$0x20] =	vst v8  }
0x1a8: {  	v51 =	vld [tilespmem:s2+$0x0];
	[tilespmem:s4+$0x30] =	vst v4  }
0x1a9: {  	v52 =	vld [tilespmem:s2+$0x10];
	v40 =	vpop (erf);
	v3 =	vmul.f32 v3, v0;
	[tilespmem:s4+$0x40] =	vst v5  }
0x1aa: {  	v54 =	vld [tilespmem:s2+$0x20];
	v9 =	vbroadcast v40, $0x0;
	[tilespmem:s2+$0x80] =	vst v40  }
0x1ab: {  	v55 =	vld [tilespmem:s2+$0x30];
	v43 =	vmul.f32 v2, v0;
	v10 =	vpop (erf);
	[tilespmem:s4+$0x50] =	vst v3  }
0x1ac: {  	v56 =	vld [tilespmem:s2+$0x40];
	[tilespmem:s2+$0xFFFFFFF0] =	vst v10;
	v1 =	vmul.f32 v1, v9  }
0x1ad: {  	v58 =	vld [tilespmem:s2+$0x50];
	[tilespmem:s4+$0x60] =	vst v43;
	v57 =	vmul.f32 v9, v51  }
0x1ae: {  	v38 =	vld [tilespmem:s2+$0xFFFFFF70];
	v0 =	vmul.f32 v9, v52;
	[tilespmem:s2+$0x70] =	vst v1  }
0x1af: {  	v39 =	vld [tilespmem:s2+$0xFFFFFF80];
	v60 =	vmul.f32 v9, v54;
	[tilespmem:s2+$0x0] =	vst v57  }
0x1b0: {  	v41 =	vld [tilespmem:s2+$0xFFFFFF90];
	v61 =	vmul.f32 v55, v9;
	[tilespmem:s2+$0x10] =	vst v0  }
0x1b1: {  	v42 =	vld [tilespmem:s2+$0xFFFFFFA0];
	v44 =	vbroadcast v10, $0x0;
	v62 =	vmul.f32 v56, v9;
	[tilespmem:s2+$0x20] =	vst v60  }
0x1b2: {  	v45 =	vld [tilespmem:s2+$0xFFFFFFB0];
	v63 =	vmul.f32 v58, v9;
	[tilespmem:s2+$0x30] =	vst v61  }
0x1b3: {  	v47 =	vld [tilespmem:s2+$0xFFFFFFC0];
	v46 =	vmul.f32 v44, v38;
	[tilespmem:s2+$0x40] =	vst v62  }
0x1b4: {  	v48 =	vld [tilespmem:s2+$0xFFFFFFD0];
	v7 =	vmul.f32 v44, v39;
	[tilespmem:s2+$0x50] =	vst v63  }
0x1b5: {  	v50 =	vld [tilespmem:s2+$0xFFFFFFE0];
	v49 =	vmul.f32 v44, v41;
	[tilespmem:s2+$0xFFFFFF70] =	vst v46  }
0x1b6: {  	v59 =	vld [tilespmem:s2+$0x60];
	v5 =	vmul.f32 v42, v44;
	[tilespmem:s2+$0xFFFFFF80] =	vst v7  }
0x1b7: {  	v3 =	vmul.f32 v45, v44;
	[tilespmem:s2+$0xFFFFFF90] =	vst v49  }
0x1b8: {  	s11 =	sadd.s32 $0x1, s11;
	v53 =	vmul.f32 v47, v44;
	[tilespmem:s2+$0xFFFFFFA0] =	vst v5  }
0x1b9: {  	p0 =	sne.s32 s11, $0xC;
	v1 =	vmul.f32 v48, v44;
	[tilespmem:s2+$0xFFFFFFB0] =	vst v3  }
.Ltmp4:
0x1ba: {  	v2 =	vmul.f32 v50, v44;
	[tilespmem:s2+$0xFFFFFFC0] =	vst v53;
	(pc) =	sbr.rel @p0 .LBB2_3-.Ltmp4, $4  }
0x1bb: {  	[tilespmem:s2+$0xFFFFFFD0] =	vst v1;
	v1 =	vmul.f32 v59, v9  }
0x1bc: {  	[tilespmem:s2+$0xFFFFFFE0] =	vst v2  }
0x1bd: {  	[tilespmem:s2+$0x60] =	vst v1  }
0x1be: {  	[spmem:s3] =	stream.indirect.scatter.add.f32 [tilespmem:s1], [sflag:$0x8], $0x90, s14, s17, $0xb8;
	[tilespmem:$0x1E120] =	vst v63  }
0x1bf: {  	s2 =	simm.s32 $0x7  }
0x1c0: {  	_ =	swait.ge [sflag:s2], $0x1680  }
0x1c1: {  	[sflag:s2] =	ssyncset.done $0x0  }
0x1c2: {  	s15 =	simm.s32 $0x7A8;
	[sflag:s2] =	ssyncadd.s32 $0xFFFFE980  }
0x1c3: {  	[tilespmem:s21], [sflag:$0x2] =	stream.indirect.gather [hbm4b:s6+s17], $0x10, s15, s17, $0xb8;
	[tilespmem:$0x1E120] =	vst v63  }
0x1c4: {  	s14 =	simm.s32 $0xF78  }
0x1c5: {  	[tilespmem:s22], [sflag:$0x2] =	stream.indirect.gather [hbm4b:s7+s17], $0x10, s14, s17, $0xb8;
	[tilespmem:$0x1E120] =	vst v63  }
0x1c6: {  	_ = 	snop  }
0x1c7: {  	[tilespmem:s23], [sflag:$0x2] =	stream.indirect.gather [hbm4b:s5+s17], $0x90, s15, s17, $0xb8;
	[tilespmem:$0x1E120] =	vst v63  }
0x1c8: {  	_ =	swait.ge [sflag:s24], $0x280  }
0x1c9: {  	[sflag:s24] =	ssyncset.done $0x0  }
0x1ca: {  	[sflag:s24] =	ssyncadd.s32 $0xFFFFFD80  }
0x1cb: {  	_ =	swait.ge [sflag:s24], $0x280  }
0x1cc: {  	[sflag:s24] =	ssyncset.done $0x0  }
0x1cd: {  	[sflag:s24] =	ssyncadd.s32 $0xFFFFFD80  }
0x1ce: {  	_ =	swait.ge [sflag:s24], $0x1680  }
0x1cf: {  	[sflag:s24] =	ssyncset.done $0x0  }
0x1d0: {  	s16 =	simm.s32 $0xFB0;
	[sflag:s24] =	ssyncadd.s32 $0xFFFFE980  }
0x1d1: {  	s4 =	simm.s32 $0x19B0;
	v0 =	vld [tilespmem:s16+$0x0]  }
0x1d2: {  	v1 =	vld [tilespmem:s4+$0x0]  }
0x1d3: {  	v2 =	vld [tilespmem:s4+$0xFFFFFFF0]  }
0x1d4: {  	v3 =	vld [tilespmem:s16+$0xFFFFFFF0];
	_ =	sdelay $0x3  }
0x1d5: {  	v0 =	vadd.f32 v1, v0  }
0x1d6: {  	v1 =	vadd.f32 v2, v3  }
0x1d7: {  	v2 =	vmul.f32 $2.000000030e-01, v0  }
0x1d8: {  	v3 =	vmul.f32 $2.000000030e-01, v1  }
0x1d9: {  	v0 =	vmax.f32 v0, v2  }
0x1da: {  	v1 =	vmax.f32 v1, v3;
	v0 =	vmul.f32 $1.442695020e+00, v0  }
0x1db: {  	v1 =	vmul.f32 $1.442695020e+00, v1  }
0x1dc: {  	(erf) = vpow2.f32 v0  }
0x1dd: {  	(erf) = vpow2.f32 v1;
	_ =	sdelay $0x2  }
0x1de: {  	s10 =	simm.s32 $0x19D0  }
0x1df: {  	s4 =	simm.s32 $0x2430;
	v4 =	vld [tilespmem:s10+$0xFFFFFFF0]  }
0x1e0: {  	s25 =	simm.s32 $0xFD0;
	v5 =	vld [tilespmem:s4+$0xFFFFFF70]  }
0x1e1: {  	v2 =	vld [tilespmem:s25+$0x0]  }
0x1e2: {  	v3 =	vld [tilespmem:s10+$0x0]  }
0x1e3: {  	v11 =	vld [tilespmem:s25+$0xFFFFFFF0];
	v7 =	vpop (erf)  }
0x1e4: {  	v9 =	vpop (erf)  }
0x1e5: {  	v1 =	vld [tilespmem:s4+$0x70];
	v12 =	vbroadcast v9, $0x0  }
0x1e6: {  	v6 =	vld [tilespmem:s4+$0xFFFFFF80]  }
0x1e7: {  	v8 =	vld [tilespmem:s4+$0xFFFFFF90];
	v2 =	vadd.f32 v3, v2;
	v5 =	vmul.f32 v12, v5  }
0x1e8: {  	v10 =	vld [tilespmem:s4+$0xFFFFFFA0];
	v3 =	vadd.f32 v4, v11;
	v0 =	vbroadcast v7, $0x0  }
0x1e9: {  	v13 =	vld [tilespmem:s4+$0xFFFFFFC0];
	[tilespmem:s4+$0xFFFFFF70] =	vst v5;
	v5 =	vmul.f32 $2.000000030e-01, v2  }
0x1ea: {  	v11 =	vmul.f32 $2.000000030e-01, v3;
	[tilespmem:s4+$0xFFFFFFF0] =	vst v9;
	v9 =	vld [tilespmem:s4+$0xFFFFFFB0];
	v1 =	vmul.f32 v1, v0  }
0x1eb: {  	v4 =	vmul.f32 v12, v6;
	v6 =	vld [tilespmem:s4+$0xFFFFFFE0];
	v2 =	vmax.f32 v2, v5  }
0x1ec: {  	v3 =	vmax.f32 v3, v11;
	[tilespmem:s4+$0x70] =	vst v1;
	v1 =	vld [tilespmem:s4+$0xFFFFFFD0];
	v2 =	vmul.f32 $1.442695020e+00, v2  }
0x1ed: {  	v11 =	vmul.f32 $1.442695020e+00, v3;
	[tilespmem:s4+$0x80] =	vst v7;
	v7 =	vmul.f32 v12, v8;
	v8 =	vld [tilespmem:s4+$0x0]  }
0x1ee: {  	[tilespmem:s4+$0xFFFFFF80] =	vst v4;
	v4 =	vmul.f32 v10, v12;
	v10 =	vld [tilespmem:s4+$0x10];
	(erf) = vpow2.f32 v2  }
0x1ef: {  	[tilespmem:s4+$0xFFFFFF90] =	vst v7;
	v5 =	vmul.f32 v9, v12;
	v9 =	vld [tilespmem:s4+$0x20]  }
0x1f0: {  	v7 =	vmul.f32 v13, v12;
	[tilespmem:s4+$0xFFFFFFA0] =	vst v4;
	v4 =	vld [tilespmem:s4+$0x30];
	(erf) = vpow2.f32 v11  }
0x1f1: {  	v1 =	vmul.f32 v1, v12;
	[tilespmem:s4+$0xFFFFFFB0] =	vst v5;
	v5 =	vld [tilespmem:s4+$0x40]  }
0x1f2: {  	v3 =	vld [tilespmem:s4+$0x50];
	[tilespmem:s4+$0xFFFFFFC0] =	vst v7;
	v12 =	vmul.f32 v6, v12  }
0x1f3: {  	s2 =	simm.s32 $0x2550;
	v6 =	vmul.f32 v0, v8;
	v2 =	vld [tilespmem:s4+$0x60];
	[tilespmem:s4+$0xFFFFFFD0] =	vst v1  }
0x1f4: {  	s8 =	simm.s32 $0x2;
	s11 =	simm.s32 $0xFF0;
	v7 =	vmul.f32 v0, v10;
	v1 =	vld [tilespmem:s2+$0x70];
	[tilespmem:s4+$0xFFFFFFE0] =	vst v12;
	v8 =	vmul.f32 v0, v9  }
.LBB2_13:
0x1f5: {  	v9 =	vld [tilespmem:s11+$0x0];
	s10 =	sadd.s32 $0x20, s10;
	[tilespmem:s4+$0x0] =	vst v6;
	v4 =	vmul.f32 v4, v0  }
0x1f6: {  	s8 =	sadd.s32 $0x2, s8;
	v6 =	vld [tilespmem:s10+$0x0];
	[tilespmem:s4+$0x10] =	vst v7;
	v5 =	vmul.f32 v5, v0  }
0x1f7: {  	p0 =	slt.u32 s8, $0x26;
	v7 =	vld [tilespmem:s10+$0xFFFFFFF0];
	v10 =	vpop (erf);
	[tilespmem:s4+$0x20] =	vst v8;
	v3 =	vmul.f32 v3, v0  }
0x1f8: {  	v8 =	vld [tilespmem:s11+$0xFFFFFFF0];
	[tilespmem:s4+$0x30] =	vst v4;
	v2 =	vmul.f32 v2, v0;
	v0 =	vbroadcast v10, $0x0  }
0x1f9: {  	v4 =	vld [tilespmem:s2+$0xFFFFFF70];
	v11 =	vpop (erf);
	[tilespmem:s4+$0x40] =	vst v5  }
0x1fa: {  	v5 =	vbroadcast v11, $0x0;
	v12 =	vld [tilespmem:s2+$0xFFFFFF80];
	v1 =	vmul.f32 v1, v0;
	[tilespmem:s4+$0x50] =	vst v3  }
0x1fb: {  	v3 =	vadd.f32 v6, v9;
	v6 =	vld [tilespmem:s2+$0xFFFFFF90];
	[tilespmem:s4+$0x60] =	vst v2;
	s4 =	smov.u32 s2  }
0x1fc: {  	v2 =	vld [tilespmem:s2+$0xFFFFFFA0];
	[tilespmem:s2+$0x70] =	vst v1  }
0x1fd: {  	v1 =	vadd.f32 v7, v8;
	v7 =	vmul.f32 $2.000000030e-01, v3;
	[tilespmem:s2+$0xFFFFFFF0] =	vst v11;
	v8 =	vld [tilespmem:s2+$0xFFFFFFB0]  }
0x1fe: {  	v4 =	vmul.f32 v5, v4;
	v9 =	vld [tilespmem:s2+$0xFFFFFFC0];
	[tilespmem:s2+$0x80] =	vst v10  }
0x1ff: {  	v10 =	vmul.f32 $2.000000030e-01, v1;
	v3 =	vmax.f32 v3, v7;
	v7 =	vmul.f32 v5, v12;
	v11 =	vld [tilespmem:s2+$0xFFFFFFD0]  }
0x200: {  	v3 =	vmul.f32 $1.442695020e+00, v3;
	[tilespmem:s2+$0xFFFFFF70] =	vst v4;
	v4 =	vmul.f32 v5, v6;
	v6 =	vld [tilespmem:s2+$0xFFFFFFE0]  }
0x201: {  	v1 =	vmax.f32 v1, v10;
	[tilespmem:s2+$0xFFFFFF80] =	vst v7;
	v2 =	vmul.f32 v2, v5;
	v7 =	vld [tilespmem:s2+$0x0]  }
0x202: {  	v1 =	vmul.f32 $1.442695020e+00, v1;
	(erf) = vpow2.f32 v3;
	[tilespmem:s2+$0xFFFFFF90] =	vst v4;
	v10 =	vld [tilespmem:s2+$0x10]  }
0x203: {  	[tilespmem:s2+$0xFFFFFFA0] =	vst v2;
	v2 =	vmul.f32 v8, v5;
	v3 =	vmul.f32 v9, v5;
	v8 =	vld [tilespmem:s2+$0x20]  }
.Ltmp5:
0x204: {  	(erf) = vpow2.f32 v1;
	v1 =	vmul.f32 v11, v5;
	v4 =	vld [tilespmem:s2+$0x30];
	(pc) =	sbr.rel @p0 .LBB2_13-.Ltmp5, $4  }
0x205: {  	[tilespmem:s2+$0xFFFFFFB0] =	vst v2;
	v9 =	vmul.f32 v6, v5;
	v5 =	vld [tilespmem:s2+$0x40]  }
0x206: {  	[tilespmem:s2+$0xFFFFFFC0] =	vst v3;
	v6 =	vmul.f32 v0, v7;
	v3 =	vld [tilespmem:s2+$0x50]  }
0x207: {  	s2 =	sadd.s32 $0x120, s2;
	[tilespmem:s4+$0xFFFFFFD0] =	vst v1;
	v7 =	vmul.f32 v0, v10;
	v2 =	vld [tilespmem:s4+$0x60]  }
0x208: {  	s11 =	sadd.s32 $0x20, s11;
	v1 =	vld [tilespmem:s2+$0x70];
	[tilespmem:s4+$0xFFFFFFE0] =	vst v9;
	v8 =	vmul.f32 v0, v8  }
0x209: {  	[tilespmem:s4+$0x0] =	vst v6  }
0x20a: {  	v4 =	vmul.f32 v4, v0;
	[tilespmem:s4+$0x10] =	vst v7  }
0x20b: {  	v5 =	vmul.f32 v5, v0;
	[tilespmem:s4+$0x20] =	vst v8  }
0x20c: {  	v6 =	vld [tilespmem:s2+$0xFFFFFF70];
	[tilespmem:s4+$0x30] =	vst v4  }
0x20d: {  	v7 =	vld [tilespmem:s2+$0xFFFFFF80];
	v8 =	vpop (erf);
	v3 =	vmul.f32 v3, v0;
	[tilespmem:s4+$0x40] =	vst v5  }
0x20e: {  	v4 =	vld [tilespmem:s2+$0xFFFFFF90];
	v9 =	vbroadcast v8, $0x0;
	[tilespmem:s2+$0x80] =	vst v8;
	v10 =	vpop (erf)  }
0x20f: {  	v5 =	vld [tilespmem:s2+$0xFFFFFFA0];
	v0 =	vmul.f32 v2, v0;
	[tilespmem:s4+$0x50] =	vst v3;
	v2 =	vbroadcast v10, $0x0  }
0x210: {  	v3 =	vld [tilespmem:s2+$0xFFFFFFB0];
	[tilespmem:s2+$0xFFFFFFF0] =	vst v10;
	v1 =	vmul.f32 v1, v9  }
0x211: {  	[tilespmem:s4+$0x60] =	vst v0;
	v0 =	vmul.f32 v2, v6;
	v6 =	vld [tilespmem:s2+$0xFFFFFFC0]  }
0x212: {  	[tilespmem:s2+$0x70] =	vst v1;
	v1 =	vld [tilespmem:s2+$0xFFFFFFD0];
	v7 =	vmul.f32 v2, v7  }
0x213: {  	[tilespmem:s2+$0xFFFFFF70] =	vst v0;
	v0 =	vmul.f32 v2, v4;
	v4 =	vld [tilespmem:s2+$0xFFFFFFE0]  }
0x214: {  	v5 =	vmul.f32 v5, v2;
	[tilespmem:s2+$0xFFFFFF80] =	vst v7;
	v7 =	vld [tilespmem:s2+$0x0]  }
0x215: {  	v3 =	vmul.f32 v3, v2;
	[tilespmem:s2+$0xFFFFFF90] =	vst v0;
	v0 =	vld [tilespmem:s2+$0x10]  }
0x216: {  	v8 =	vld [tilespmem:s2+$0x30];
	[tilespmem:s2+$0xFFFFFFA0] =	vst v5;
	v5 =	vmul.f32 v6, v2  }
0x217: {  	[tilespmem:s2+$0xFFFFFFB0] =	vst v3;
	v6 =	vld [tilespmem:s2+$0x20];
	v1 =	vmul.f32 v1, v2  }
0x218: {  	v3 =	vld [tilespmem:s2+$0x40];
	v2 =	vmul.f32 v4, v2;
	[tilespmem:s2+$0xFFFFFFC0] =	vst v5  }
0x219: {  	v4 =	vmul.f32 v9, v7;
	v5 =	vld [tilespmem:s2+$0x50];
	[tilespmem:s2+$0xFFFFFFD0] =	vst v1  }
0x21a: {  	v1 =	vld [tilespmem:s2+$0x60];
	v0 =	vmul.f32 v9, v0;
	[tilespmem:s2+$0xFFFFFFE0] =	vst v2  }
0x21b: {  	[tilespmem:s2+$0x0] =	vst v4;
	v4 =	vmul.f32 v8, v9  }
0x21c: {  	v2 =	vmul.f32 v9, v6;
	[tilespmem:s2+$0x10] =	vst v0  }
0x21d: {  	v0 =	vmul.f32 v3, v9;
	[tilespmem:s2+$0x30] =	vst v4  }
0x21e: {  	[tilespmem:s2+$0x20] =	vst v2;
	v2 =	vmul.f32 v5, v9  }
0x21f: {  	v1 =	vmul.f32 v1, v9;
	[tilespmem:s2+$0x40] =	vst v0  }
0x220: {  	[tilespmem:s2+$0x50] =	vst v2  }
0x221: {  	s10 =	simm.s32 $0xF50;
	s11 =	simm.s32 $0x8;
	[tilespmem:s2+$0x60] =	vst v1  }
0x222: {  	[spmem:s3] =	stream.indirect.scatter.add.f32 [tilespmem:s20], [sflag:$0x5], $0x90, s10, s17, $0xb8;
	[tilespmem:$0x1E120] =	vst v63  }
0x223: {  	_ =	swait.ge [sflag:s11], $0x1680  }
0x224: {  	[sflag:s11] =	ssyncset.done $0x0  }
0x225: {  	[sflag:s11] =	ssyncadd.s32 $0xFFFFE980  }
0x226: {  	_ =	swait.ge [sflag:s29], $0x280  }
0x227: {  	[sflag:s29] =	ssyncset.done $0x0  }
0x228: {  	[sflag:s29] =	ssyncadd.s32 $0xFFFFFD80  }
0x229: {  	_ =	swait.ge [sflag:s29], $0x280  }
0x22a: {  	[sflag:s29] =	ssyncset.done $0x0  }
0x22b: {  	[sflag:s29] =	ssyncadd.s32 $0xFFFFFD80  }
0x22c: {  	_ =	swait.ge [sflag:s29], $0x1680  }
0x22d: {  	[sflag:s29] =	ssyncset.done $0x0  }
0x22e: {  	s15 =	simm.s32 $0x1230;
	[sflag:s29] =	ssyncadd.s32 $0xFFFFE980  }
0x22f: {  	s16 =	simm.s32 $0x1C30;
	v0 =	vld [tilespmem:s15+$0x0]  }
0x230: {  	v1 =	vld [tilespmem:s16+$0x0]  }
0x231: {  	v2 =	vld [tilespmem:s16+$0xFFFFFFF0]  }
0x232: {  	v3 =	vld [tilespmem:s15+$0xFFFFFFF0];
	_ =	sdelay $0x3  }
0x233: {  	v0 =	vadd.f32 v1, v0  }
0x234: {  	v1 =	vadd.f32 v2, v3  }
0x235: {  	v2 =	vmul.f32 $2.000000030e-01, v0  }
0x236: {  	v3 =	vmul.f32 $2.000000030e-01, v1  }
0x237: {  	v0 =	vmax.f32 v0, v2  }
0x238: {  	v1 =	vmax.f32 v1, v3;
	v0 =	vmul.f32 $1.442695020e+00, v0  }
0x239: {  	v1 =	vmul.f32 $1.442695020e+00, v1  }
0x23a: {  	(erf) = vpow2.f32 v0  }
0x23b: {  	(erf) = vpow2.f32 v1;
	_ =	sdelay $0x2  }
0x23c: {  	s10 =	simm.s32 $0x1C50  }
0x23d: {  	s4 =	simm.s32 $0x3AB0;
	v4 =	vld [tilespmem:s10+$0xFFFFFFF0]  }
0x23e: {  	s25 =	simm.s32 $0x1250;
	v5 =	vld [tilespmem:s4+$0xFFFFFF70]  }
0x23f: {  	v2 =	vld [tilespmem:s25+$0x0]  }
0x240: {  	v3 =	vld [tilespmem:s10+$0x0]  }
0x241: {  	v11 =	vld [tilespmem:s25+$0xFFFFFFF0];
	v7 =	vpop (erf)  }
0x242: {  	v9 =	vpop (erf)  }
0x243: {  	v1 =	vld [tilespmem:s4+$0x70];
	v12 =	vbroadcast v9, $0x0  }
0x244: {  	v6 =	vld [tilespmem:s4+$0xFFFFFF80]  }
0x245: {  	v8 =	vld [tilespmem:s4+$0xFFFFFF90];
	v2 =	vadd.f32 v3, v2;
	v5 =	vmul.f32 v12, v5  }
0x246: {  	v10 =	vld [tilespmem:s4+$0xFFFFFFA0];
	v3 =	vadd.f32 v4, v11;
	v0 =	vbroadcast v7, $0x0  }
0x247: {  	v13 =	vld [tilespmem:s4+$0xFFFFFFC0];
	[tilespmem:s4+$0xFFFFFF70] =	vst v5;
	v5 =	vmul.f32 $2.000000030e-01, v2  }
0x248: {  	v11 =	vmul.f32 $2.000000030e-01, v3;
	[tilespmem:s4+$0xFFFFFFF0] =	vst v9;
	v9 =	vld [tilespmem:s4+$0xFFFFFFB0];
	v1 =	vmul.f32 v1, v0  }
0x249: {  	v4 =	vmul.f32 v12, v6;
	v6 =	vld [tilespmem:s4+$0xFFFFFFE0];
	v2 =	vmax.f32 v2, v5  }
0x24a: {  	v3 =	vmax.f32 v3, v11;
	[tilespmem:s4+$0x70] =	vst v1;
	v1 =	vld [tilespmem:s4+$0xFFFFFFD0];
	v2 =	vmul.f32 $1.442695020e+00, v2  }
0x24b: {  	v11 =	vmul.f32 $1.442695020e+00, v3;
	[tilespmem:s4+$0x80] =	vst v7;
	v7 =	vmul.f32 v12, v8;
	v8 =	vld [tilespmem:s4+$0x0]  }
0x24c: {  	[tilespmem:s4+$0xFFFFFF80] =	vst v4;
	v4 =	vmul.f32 v10, v12;
	v10 =	vld [tilespmem:s4+$0x10];
	(erf) = vpow2.f32 v2  }
0x24d: {  	[tilespmem:s4+$0xFFFFFF90] =	vst v7;
	v5 =	vmul.f32 v9, v12;
	v9 =	vld [tilespmem:s4+$0x20]  }
0x24e: {  	v7 =	vmul.f32 v13, v12;
	[tilespmem:s4+$0xFFFFFFA0] =	vst v4;
	v4 =	vld [tilespmem:s4+$0x30];
	(erf) = vpow2.f32 v11  }
0x24f: {  	v1 =	vmul.f32 v1, v12;
	[tilespmem:s4+$0xFFFFFFB0] =	vst v5;
	v5 =	vld [tilespmem:s4+$0x40]  }
0x250: {  	v3 =	vld [tilespmem:s4+$0x50];
	[tilespmem:s4+$0xFFFFFFC0] =	vst v7;
	v12 =	vmul.f32 v6, v12  }
0x251: {  	s2 =	simm.s32 $0x3BD0;
	v6 =	vmul.f32 v0, v8;
	v2 =	vld [tilespmem:s4+$0x60];
	[tilespmem:s4+$0xFFFFFFD0] =	vst v1  }
0x252: {  	s8 =	simm.s32 $0x2;
	s11 =	simm.s32 $0x1270;
	v7 =	vmul.f32 v0, v10;
	v1 =	vld [tilespmem:s2+$0x70];
	[tilespmem:s4+$0xFFFFFFE0] =	vst v12;
	v8 =	vmul.f32 v0, v9  }
.LBB2_15:
0x253: {  	v9 =	vld [tilespmem:s11+$0x0];
	s10 =	sadd.s32 $0x20, s10;
	[tilespmem:s4+$0x0] =	vst v6;
	v4 =	vmul.f32 v4, v0  }
0x254: {  	s8 =	sadd.s32 $0x2, s8;
	v6 =	vld [tilespmem:s10+$0x0];
	[tilespmem:s4+$0x10] =	vst v7;
	v5 =	vmul.f32 v5, v0  }
0x255: {  	p0 =	slt.u32 s8, $0x26;
	v7 =	vld [tilespmem:s10+$0xFFFFFFF0];
	v10 =	vpop (erf);
	[tilespmem:s4+$0x20] =	vst v8;
	v3 =	vmul.f32 v3, v0  }
0x256: {  	v8 =	vld [tilespmem:s11+$0xFFFFFFF0];
	[tilespmem:s4+$0x30] =	vst v4;
	v2 =	vmul.f32 v2, v0;
	v0 =	vbroadcast v10, $0x0  }
0x257: {  	v4 =	vld [tilespmem:s2+$0xFFFFFF70];
	v11 =	vpop (erf);
	[tilespmem:s4+$0x40] =	vst v5  }
0x258: {  	v5 =	vbroadcast v11, $0x0;
	v12 =	vld [tilespmem:s2+$0xFFFFFF80];
	v1 =	vmul.f32 v1, v0;
	[tilespmem:s4+$0x50] =	vst v3  }
0x259: {  	v3 =	vadd.f32 v6, v9;
	v6 =	vld [tilespmem:s2+$0xFFFFFF90];
	[tilespmem:s4+$0x60] =	vst v2;
	s4 =	smov.u32 s2  }
0x25a: {  	v2 =	vld [tilespmem:s2+$0xFFFFFFA0];
	[tilespmem:s2+$0x70] =	vst v1  }
0x25b: {  	v1 =	vadd.f32 v7, v8;
	v7 =	vmul.f32 $2.000000030e-01, v3;
	[tilespmem:s2+$0xFFFFFFF0] =	vst v11;
	v8 =	vld [tilespmem:s2+$0xFFFFFFB0]  }
0x25c: {  	v4 =	vmul.f32 v5, v4;
	v9 =	vld [tilespmem:s2+$0xFFFFFFC0];
	[tilespmem:s2+$0x80] =	vst v10  }
0x25d: {  	v10 =	vmul.f32 $2.000000030e-01, v1;
	v3 =	vmax.f32 v3, v7;
	v7 =	vmul.f32 v5, v12;
	v11 =	vld [tilespmem:s2+$0xFFFFFFD0]  }
0x25e: {  	v3 =	vmul.f32 $1.442695020e+00, v3;
	[tilespmem:s2+$0xFFFFFF70] =	vst v4;
	v4 =	vmul.f32 v5, v6;
	v6 =	vld [tilespmem:s2+$0xFFFFFFE0]  }
0x25f: {  	v1 =	vmax.f32 v1, v10;
	[tilespmem:s2+$0xFFFFFF80] =	vst v7;
	v2 =	vmul.f32 v2, v5;
	v7 =	vld [tilespmem:s2+$0x0]  }
0x260: {  	v1 =	vmul.f32 $1.442695020e+00, v1;
	(erf) = vpow2.f32 v3;
	[tilespmem:s2+$0xFFFFFF90] =	vst v4;
	v10 =	vld [tilespmem:s2+$0x10]  }
0x261: {  	[tilespmem:s2+$0xFFFFFFA0] =	vst v2;
	v2 =	vmul.f32 v8, v5;
	v3 =	vmul.f32 v9, v5;
	v8 =	vld [tilespmem:s2+$0x20]  }
.Ltmp6:
0x262: {  	(erf) = vpow2.f32 v1;
	v1 =	vmul.f32 v11, v5;
	v4 =	vld [tilespmem:s2+$0x30];
	(pc) =	sbr.rel @p0 .LBB2_15-.Ltmp6, $4  }
0x263: {  	[tilespmem:s2+$0xFFFFFFB0] =	vst v2;
	v9 =	vmul.f32 v6, v5;
	v5 =	vld [tilespmem:s2+$0x40]  }
0x264: {  	[tilespmem:s2+$0xFFFFFFC0] =	vst v3;
	v6 =	vmul.f32 v0, v7;
	v3 =	vld [tilespmem:s2+$0x50]  }
0x265: {  	s2 =	sadd.s32 $0x120, s2;
	[tilespmem:s4+$0xFFFFFFD0] =	vst v1;
	v7 =	vmul.f32 v0, v10;
	v2 =	vld [tilespmem:s4+$0x60]  }
0x266: {  	s11 =	sadd.s32 $0x20, s11;
	v1 =	vld [tilespmem:s2+$0x70];
	[tilespmem:s4+$0xFFFFFFE0] =	vst v9;
	v8 =	vmul.f32 v0, v8  }
0x267: {  	[tilespmem:s4+$0x0] =	vst v6  }
0x268: {  	v4 =	vmul.f32 v4, v0;
	[tilespmem:s4+$0x10] =	vst v7  }
0x269: {  	v5 =	vmul.f32 v5, v0;
	[tilespmem:s4+$0x20] =	vst v8  }
0x26a: {  	v51 =	vld [tilespmem:s2+$0x0];
	[tilespmem:s4+$0x30] =	vst v4  }
0x26b: {  	v52 =	vld [tilespmem:s2+$0x10];
	v40 =	vpop (erf);
	v3 =	vmul.f32 v3, v0;
	[tilespmem:s4+$0x40] =	vst v5  }
0x26c: {  	v54 =	vld [tilespmem:s2+$0x20];
	v9 =	vbroadcast v40, $0x0;
	[tilespmem:s2+$0x80] =	vst v40  }
0x26d: {  	v55 =	vld [tilespmem:s2+$0x30];
	v43 =	vmul.f32 v2, v0;
	v10 =	vpop (erf);
	[tilespmem:s4+$0x50] =	vst v3  }
0x26e: {  	v56 =	vld [tilespmem:s2+$0x40];
	[tilespmem:s2+$0xFFFFFFF0] =	vst v10;
	v1 =	vmul.f32 v1, v9  }
0x26f: {  	v58 =	vld [tilespmem:s2+$0x50];
	[tilespmem:s4+$0x60] =	vst v43;
	v57 =	vmul.f32 v9, v51  }
0x270: {  	v38 =	vld [tilespmem:s2+$0xFFFFFF70];
	v0 =	vmul.f32 v9, v52;
	[tilespmem:s2+$0x70] =	vst v1  }
0x271: {  	v39 =	vld [tilespmem:s2+$0xFFFFFF80];
	v60 =	vmul.f32 v9, v54;
	[tilespmem:s2+$0x0] =	vst v57  }
0x272: {  	v41 =	vld [tilespmem:s2+$0xFFFFFF90];
	v61 =	vmul.f32 v55, v9;
	[tilespmem:s2+$0x10] =	vst v0  }
0x273: {  	v42 =	vld [tilespmem:s2+$0xFFFFFFA0];
	v44 =	vbroadcast v10, $0x0;
	v62 =	vmul.f32 v56, v9;
	[tilespmem:s2+$0x20] =	vst v60  }
0x274: {  	v45 =	vld [tilespmem:s2+$0xFFFFFFB0];
	v63 =	vmul.f32 v58, v9;
	[tilespmem:s2+$0x30] =	vst v61  }
0x275: {  	v47 =	vld [tilespmem:s2+$0xFFFFFFC0];
	v46 =	vmul.f32 v44, v38;
	[tilespmem:s2+$0x40] =	vst v62  }
0x276: {  	v48 =	vld [tilespmem:s2+$0xFFFFFFD0];
	v7 =	vmul.f32 v44, v39;
	[tilespmem:s2+$0x50] =	vst v63  }
0x277: {  	v50 =	vld [tilespmem:s2+$0xFFFFFFE0];
	v49 =	vmul.f32 v44, v41;
	[tilespmem:s2+$0xFFFFFF70] =	vst v46  }
0x278: {  	v59 =	vld [tilespmem:s2+$0x60];
	v5 =	vmul.f32 v42, v44;
	[tilespmem:s2+$0xFFFFFF80] =	vst v7  }
0x279: {  	v3 =	vmul.f32 v45, v44;
	[tilespmem:s2+$0xFFFFFF90] =	vst v49  }
0x27a: {  	v53 =	vmul.f32 v47, v44;
	[tilespmem:s2+$0xFFFFFFA0] =	vst v5  }
0x27b: {  	v1 =	vmul.f32 v48, v44;
	[tilespmem:s2+$0xFFFFFFB0] =	vst v3  }
0x27c: {  	v2 =	vmul.f32 v50, v44;
	[tilespmem:s2+$0xFFFFFFC0] =	vst v53  }
0x27d: {  	[tilespmem:s2+$0xFFFFFFD0] =	vst v1;
	v1 =	vmul.f32 v59, v9  }
0x27e: {  	[tilespmem:s2+$0xFFFFFFE0] =	vst v2  }
0x27f: {  	[tilespmem:s2+$0x60] =	vst v1  }
0x280: {  	[spmem:s3] =	stream.indirect.scatter.add.f32 [tilespmem:s23], [sflag:$0x6], $0x90, s14, s17, $0xb8;
	[tilespmem:$0x1E120] =	vst v63  }
0x281: {  	_ =	swait.ge [sflag:s30], $0x1680  }
0x282: {  	[sflag:s30] =	ssyncset.done $0x0  }
0x283: {  	[sflag:s30] =	ssyncadd.s32 $0xFFFFE980  }
0x284: {  	_ =	swait.ge [sflag:s12], $0x1680  }
0x285: {  	s25 =	rddreg [dreg:$0xc]  }
0x286: {  	s2 =	sadd.s32 $0x1, s25  }
0x287: {  	p0 =	sne.s32 s2, $0x5  }
.Ltmp7:
0x288: {  	_ = 	snop;
	(pc) =	sbr.rel @p0 .LBB2_2-.Ltmp7, $3  }
0x289: {  	_ =	sdelay $0x1  }
0x28a: {  	[sflag:s12] =	ssyncset.done $0x0  }
0x28b: {  	s14 =	simm.s32 $0x9;
	[sflag:s12] =	ssyncadd.s32 $0xFFFFE980  }
0x28c: {  	[bflag:$0x0] =	sbarrier.arrive $0xFFFF  }
0x28d: {  	s8 =	rddreg [dreg:$0x7]  }
0x28e: {  	s2 =	rddreg [dreg:$0x9]  }
0x28f: {  	s10 =	rddreg [dreg:$0xb]  }
0x290: {  	[hbm:s2], [sflag:s8] =	dma.local [spmem:s10], $0x2C70  }
0x291: {  	_ =	swait.ge [sflag:s14], $0x2C70  }
0x292: {  	s25 =	rddreg [dreg:$0x4]  }
0x293: {  	s4 =	rddreg [dreg:$0xa];
	s2 =	sadd.s32 $0x1, s25  }
0x294: {  	p0 =	sne.s32 s2, s4  }
.Ltmp8:
0x295: {  	_ = 	snop;
	(pc) =	sbr.rel @p0 .LBB2_1-.Ltmp8, $3  }
0x296: {  	_ =	sdelay $0x1  }
0x297: {  	[sflag:s14] =	ssyncset.done $0x0  }
0x298: {  	[sflag:s14] =	ssyncadd.s32 $0xFFFFD390;
	[dreg:$0x4] =	wrdreg s2  }
0x299: {  	_ =	sfence.sel $0x180000  }
0x29a: {  	[bflag:$0x0] =	sbarrier.arrive $0xFFFF  }
0x29b: {  	_ =	strace $0x9000004A  }
0x29c: {  	s0 =	stileid.u32;
	[bflag:$0x2] =	sbarrier.arrive $0xFFFF  }
0x29d: {  	p0 =	sne.s32 s0, $0x0;
	s0 =	rddreg [dreg:$0x3]  }
0x29e: {  	s0 =	sadd.s32 @!p0 $0x100000, s0  }
0x29f: {  	[sflag:s0] =	ssyncadd.tile.s32 @!p0 $0x1;
	_ =	shalt  }
.Lfunc_end2:
_tile_overlayer_lowered:
.L_overlay_start_2:
0x2a0: {  	(tag) =	ssettag $0x2  }
0x2a1: {  	s0 =	rddreg [dreg:$0x0];
	s2 =	stileid.u32  }
0x2a2: {  	s1 =	rddreg [dreg:$0x1];
	p0 =	sne.s32 s2, $0x0  }
0x2a3: {  	s3 =	rddreg [dreg:$0x2];
	[bflag:$0x3] =	sbarrier.arrive $0xFFFF;
	s2 =	simm.s32 @!p0 $0x1C09  }
0x2a4: {  	[timem:s3], [sflag:s2] =	dma.local @!p0 [hbm:s0], s1  }
0x2a5: {  	s0 =	simm.s32 @!p0 $0x9  }
0x2a6: {  	_ =	swait.ge @!p0 [sflag:s0], s1  }
0x2a7: {  	s1 =	ssub.s32 @!p0 $0x0, s1;
	[sflag:s0] =	ssyncset.done @!p0 $0x0  }
0x2a8: {  	[sflag:s0] =	ssyncadd.s32 @!p0 s1  }
0x2a9: {  	[bflag:$0x3] =	sbarrier.arrive $0xFFFF  }
0x2aa: {  	_ =	shalt  }

// kernel: gat_edge_h8.3.cloned.1.call-start
scs
__scs_entry_jumppad:
0x0: {  	(pc) =	sbr.rel $0x88, $3  }
0x1: {  	(tag) =	ssettag $0x0;
	lr =	simm.s32 $0x1  }
0x2: {  	[smem:$0x3F97] =	sst lr;
	_ =	strace $0xD0000000  }
0x3: {  	_ = 	snop  }
0x4: {  	_ = 	snop  }
0x5: {  	_ = 	snop  }
0x6: {  	_ = 	snop  }
0x7: {  	_ = 	snop  }
__scs_overlays_trampoline_lowered:
0x8: {  	[smem:$0x3FA6] =	sst s0  }
0x9: {  	[smem:$0x3FA7] =	sst s1  }
0xa: {  	[smem:$0x3FA8] =	sst s2  }
0xb: {  	[smem:$0x3FA9] =	sst s3  }
0xc: {  	[smem:$0x3FAA] =	sst s4  }
0xd: {  	[smem:$0x3FAB] =	sst s5  }
0xe: {  	[smem:$0x3FAC] =	sst s6  }
0xf: {  	[smem:$0x3FAD] =	sst s7  }
0x10: {  	[smem:$0x3FAE] =	sst s8  }
0x11: {  	[smem:$0x3FAF] =	sst s9;
	s0 =	simm.s32 @!p0 $0x0  }
0x12: {  	s1 =	sld [smem:$0x3F95];
	s0 =	simm.s32 @p0 $0x1  }
0x13: {  	[smem:$0x3FB0] =	sst s0;
	s0 =	simm.s32 @!p1 $0x0  }
0x14: {  	s2 =	sld [smem:$0x3F94];
	s0 =	simm.s32 @p1 $0x1  }
0x15: {  	[smem:$0x3FB1] =	sst s0;
	s0 =	simm.s32 @!p2 $0x0  }
0x16: {  	s3 =	sld [smem:$0x3FDB];
	s0 =	simm.s32 @p2 $0x1  }
0x17: {  	s4 =	simm.s32 $0x1BF5;
	[smem:$0x3FB3] =	sst s0  }
0x18: {  	s0 =	sld [smem:$0x3F96];
	_ =	swait.ge [sflag:s4], $0x0  }
0x19: {  	s7 =	sld [smem:$0x3F97]  }
0x1a: {  	s8 =	sadd.s32 $0xFFFFE003, lr  }
0x1b: {  	s9 =	sadd.s32 $0xFFFFFEF7, lr;
	s5 =	simm.s32 $0xFFFFFFFF;
	p2 =	slt.u32 s8, $0xFFFFF086  }
0x1c: {  	p1 =	slt.u32 s9, $0xF7A;
	s5 =	simm.s32 @!p2 $0x0  }
0x1d: {  	s5 =	simm.s32 @p1 $0x1;
	p0 =	seq.s32 s7, s2  }
0x1e: {  	s7 =	smul.u32 @!p0 $0xF7A, s2;
	p2 =	seq.s32 @!p0 s5, $0x0  }
0x1f: {  	s9 =	smul.u32 $0xF7A, s1;
	s8 =	simm.s32 @!p0 $0x1BF5;
	p2 =	por !p2, p0  }
0x20: {  	[sflag:s8] =	ssyncset.s32 @!p0 $0xFFFFF086;
	s6 =	sadd.s32 @!p0 s3, s7;
	s7 =	simm.s32 @!p0 $0x108  }
0x21: {  	s3 =	sadd.s32 s3, s9;
	s6 =	sadd.s32 @!p0 $0x88, s6;
	s7 =	simm.s32 @p2 $0x1082  }
0x22: {  	[simem:s7], [sflag:s8] =	dma.local @!p0 [hbm:s6], $0xF7A  }
0x23: {  	s9 =	sor.u32 $0xD0000000, s2;
	s6 =	simm.s32 $0x108;
	_ =	swait.ge @!p0 [sflag:s8], $0x0  }
0x24: {  	s3 =	sadd.s32 $0x88, s3;
	s6 =	simm.s32 @!p1 $0x1082;
	[sflag:s4] =	ssyncset.s32 $0xFFFFF086  }
0x25: {  	[simem:s6], [sflag:s4] =	dma.local [hbm:s3], $0xF7A  }
0x26: {  	[smem:$0x3F97] =	sst s1;
	(tag) =	ssettag s2;
	_ =	strace s9  }
0x27: {  	s1 =	sld [smem:$0x3FA7]  }
0x28: {  	s2 =	sld [smem:$0x3FA8]  }
0x29: {  	s4 =	sld [smem:$0x3FAA]  }
0x2a: {  	p0 =	seq.s32 s5, $0x0;
	s5 =	sld [smem:$0x3FAB]  }
0x2b: {  	s6 =	sld [smem:$0x3FAC]  }
0x2c: {  	s7 =	sld [smem:$0x3FAD]  }
0x2d: {  	s3 =	simm.s32 $0x108;
	s8 =	sld [smem:$0x3FAE]  }
0x2e: {  	s3 =	simm.s32 @!p0 $0x1082;
	s9 =	sld [smem:$0x3FAF]  }
0x2f: {  	lr =	sadd.s32 s0, s3;
	s0 =	sld [smem:$0x3FA6]  }
0x30: {  	s3 =	sld [smem:$0x3FA9]  }
0x31: {  	[smem:$0x3FB2] =	sst s10  }
0x32: {  	s10 =	sld [smem:$0x3FB0];
	_ =	sdelay $0x3  }
0x33: {  	p0 =	seq.s32 s10, $0x1;
	s10 =	sld [smem:$0x3FB2];
	_ =	sdelay $0x3  }
0x34: {  	[smem:$0x3FB2] =	sst s10  }
0x35: {  	s10 =	sld [smem:$0x3FB1];
	_ =	sdelay $0x3  }
0x36: {  	p1 =	seq.s32 s10, $0x1;
	s10 =	sld [smem:$0x3FB2];
	_ =	sdelay $0x3  }
0x37: {  	[smem:$0x3FB2] =	sst s10  }
0x38: {  	s10 =	sld [smem:$0x3FB3]  }
0x39: {  	_ = 	snop;
	(pc) =	sbr.ind lr, $3  }
0x3a: {  	_ = 	snop  }
0x3b: {  	_ = 	snop  }
0x3c: {  	p2 =	seq.s32 s10, $0x1;
	s10 =	sld [smem:$0x3FB2]  }
0x3d: {  	_ =	shalt  }
0x3e: {  	_ =	shalt  }
0x3f: {  	_ =	shalt  }
0x40: {  	_ =	shalt  }
0x41: {  	_ =	shalt  }
0x42: {  	_ =	shalt  }
0x43: {  	_ =	shalt  }
0x44: {  	_ =	shalt  }
0x45: {  	_ =	shalt  }
0x46: {  	_ =	shalt  }
0x47: {  	_ =	shalt  }
0x48: {  	_ =	shalt  }
0x49: {  	_ =	shalt  }
0x4a: {  	_ =	shalt  }
0x4b: {  	_ =	shalt  }
0x4c: {  	_ =	shalt  }
0x4d: {  	_ =	shalt  }
0x4e: {  	_ =	shalt  }
0x4f: {  	_ =	shalt  }
0x50: {  	_ =	shalt  }
0x51: {  	_ =	shalt  }
0x52: {  	_ =	shalt  }
0x53: {  	_ =	shalt  }
0x54: {  	_ =	shalt  }
0x55: {  	_ =	shalt  }
0x56: {  	_ =	shalt  }
0x57: {  	_ =	shalt  }
0x58: {  	_ =	shalt  }
0x59: {  	_ =	shalt  }
0x5a: {  	_ =	shalt  }
0x5b: {  	_ =	shalt  }
0x5c: {  	_ =	shalt  }
0x5d: {  	_ =	shalt  }
0x5e: {  	_ =	shalt  }
0x5f: {  	_ =	shalt  }
0x60: {  	_ =	shalt  }
0x61: {  	_ =	shalt  }
0x62: {  	_ =	shalt  }
0x63: {  	_ =	shalt  }
0x64: {  	_ =	shalt  }
0x65: {  	_ =	shalt  }
0x66: {  	_ =	shalt  }
0x67: {  	_ =	shalt  }
0x68: {  	_ =	shalt  }
0x69: {  	_ =	shalt  }
0x6a: {  	_ =	shalt  }
0x6b: {  	_ =	shalt  }
0x6c: {  	_ =	shalt  }
0x6d: {  	_ =	shalt  }
0x6e: {  	_ =	shalt  }
0x6f: {  	_ =	shalt  }
0x70: {  	_ =	shalt  }
0x71: {  	_ =	shalt  }
0x72: {  	_ =	shalt  }
0x73: {  	_ =	shalt  }
0x74: {  	_ =	shalt  }
0x75: {  	_ =	shalt  }
0x76: {  	_ =	shalt  }
0x77: {  	_ =	shalt  }
0x78: {  	_ =	shalt  }
0x79: {  	_ =	shalt  }
0x7a: {  	_ =	shalt  }
0x7b: {  	_ =	shalt  }
0x7c: {  	_ =	shalt  }
0x7d: {  	_ =	shalt  }
0x7e: {  	_ =	shalt  }
0x7f: {  	_ =	shalt  }
0x80: {  	_ =	shalt  }
0x81: {  	_ =	shalt  }
0x82: {  	_ =	shalt  }
0x83: {  	_ =	shalt  }
0x84: {  	_ =	shalt  }
0x85: {  	_ =	shalt  }
0x86: {  	_ =	shalt  }
0x87: {  	_ =	shalt  }
.Lfunc_end0:
.L_simem_size_0:
called_computation_lowered:
.L_overlay_start_0:
0x88: {  	s2 =	sld [smem:$0x3FD9]  }
0x89: {  	s3 =	sld [smem:$0x3FFE];
	_ =	sdelay $0x1  }
0x8a: {  	s1 =	srdreg.scid  }
0x8b: {  	s0 =	sand.u32 $0x1, s1  }
0x8c: {  	s17 =	sshll.u32 s0, $0xA;
	s2 =	sadd.s32 s3, s2  }
0x8d: {  	s2 =	sadd.s32 s2, s17  }
0x8e: {  	[smem:$0x3FBE] =	sst s2  }
0x8f: {  	_ = 	snop  }
0x90: {  	s2 =	sld [smem:$0x3FD0];
	(tm) =	ssettm $0x1  }
0x91: {  	s18 =	sld [smem:$0x3FFB];
	_ =	sdelay $0x3  }
0x92: {  	_ =	strace s18  }
0x93: {  	s3 =	sld [smem:$0x3FFC];
	_ =	sdelay $0x3  }
0x94: {  	_ =	strace s3  }
0x95: {  	s3 =	sld [smem:$0x3FFD];
	_ =	sdelay $0x3  }
0x96: {  	_ =	strace s3  }
0x97: {  	_ =	strace $0x8FFFFFFF  }
0x98: {  	s19 =	sld [smem:$0x3FDB];
	_ =	sdelay $0x1  }
0x99: {  	s4 =	simm.s32 $_scs_section_size  }
0x9a: {  	s5 =	simm.s32 $_size__tile_overlayer_lowered;
	s6 =	simm.s32 $_tile_overlayer_lowered  }
0x9b: {  	s22 =	simm.s32 $0x1BFF;
	s21 =	sshll.u32 s6, $0x1;
	s3 =	sadd.s32 s4, s19  }
0x9c: {  	s7 =	simm.s32 $0x0;
	s20 =	sshll.u32 s5, $0x1;
	s5 =	sadd.s32 s21, s3  }
0x9d: {  	[timem:s7], [sflag:s22] =	dma.local [hbm:s5], s20  }
0x9e: {  	_ =	swait.ge [sflag:s22], s20  }
0x9f: {  	s4 =	ssub.s32 $0x0, s20;
	[sflag:s22] =	ssyncset.done $0x0  }
0xa0: {  	[sflag:s22] =	ssyncadd.s32 s4;
	_ =	sdelay $0x1  }
0xa1: {  	s23 =	simm.s32 $0x1B8B  }
0xa2: {  	_ =	swait.ge [sflag:s23], $0x1  }
0xa3: {  	[sflag:s23] =	ssyncset.done $0x0  }
0xa4: {  	s25 =	simm.s32 $0x1B8E;
	s24 =	sld [smem:$0x3FFE];
	[sflag:s23] =	ssyncadd.s32 $0xFFFFFFFF  }
0xa5: {  	s26 =	simm.s32 $execute0_lowered;
	[smem:$0x3FD2] =	sst s25  }
0xa6: {  	s5 =	sshll.u32 s26, $0x1;
	_ =	strace $0x80000046;
	[dreg:$0x1] =	wrdreg $0xFFFFFFFF  }
0xa7: {  	s28 =	simm.s32 $_size_execute0_lowered;
	s3 =	sadd.s32 s3, s5;
	[dreg:$0x0] =	wrdreg $0x0  }
0xa8: {  	s5 =	sshll.u32 s28, $0x1;
	[dreg:$0x2] =	wrdreg s3  }
0xa9: {  	[dreg:$0x3] =	wrdreg s5  }
0xaa: {  	[dreg:$0x4] =	wrdreg $0xC0  }
0xab: {  	_ =	task [dreg:s7], $0x5FFFF  }
0xac: {  	[dreg:$0x1] =	wrdreg $0xFFFFFFFF  }
0xad: {  	[dreg:$0x0] =	wrdreg $0x60  }
0xae: {  	[dreg:$0x2] =	wrdreg s24  }
0xaf: {  	[dreg:$0x3] =	wrdreg s2  }
0xb0: {  	[dreg:$0x4] =	wrdreg $0x7DA00  }
0xb1: {  	[dreg:$0x5] =	wrdreg $0x9  }
0xb2: {  	_ =	task.clear_ibuf [dreg:s7], $0x6FFFF;
	_ =	strace $0x90000046  }
0xb3: {  	s29 =	simm.s32 $0x9;
	_ =	strace $0x80000048  }
0xb4: {  	_ =	swait.ge [sflag:s29], $0x1  }
0xb5: {  	[sflag:s29] =	ssyncadd.s32 $0xFFFFFFFF  }
0xb6: {  	_ =	strace $0x90000048  }
0xb7: {  	_ =	sfence  }
0xb8: {  	s30 =	sld [smem:$0x0];
	_ =	sdelay $0x2  }
0xb9: {  	s31 =	sshll.u32 s1, $0xD;
	s1 =	sshrl.u32 s1, $0x2  }
0xba: {  	s3 =	sand.u32 $0x4000, s31;
	s1 =	sadd.s32 s1, s30  }
0xbb: {  	s0 =	sor.u32 s3, s0;
	s1 =	sshll.u32 s1, $0x11  }
0xbc: {  	s0 =	sor.u32 s1, s0  }
0xbd: {  	s0 =	sadd.s32 $0x8F2B, s0  }
0xbe: {  	[sflag:s0] =	ssyncadd.remote.s32 $0x1  }
0xbf: {  	_ =	sfence.sel $0xFFFF  }
0xc0: {  	[dreg:$0x0] =	wrdreg $0xFFFFFFFF;
	(pc) =	sbr.abs _section_cstart, $3  }
0xc1: {  	[dreg:$0x1] =	wrdreg $0xFFFFFFFF  }
0xc2: {  	_ =	task.clear_ibuf [dreg:s7], $0x2FFFF;
	_ =	strace $0x9FFFFFFF  }
0xc3: {  	(tm) =	ssettm $0x7FFFFFFF  }
tec
execute0_lowered:
.L_overlay_start_1:
0x0: {  	(tag) =	ssettag $0x1  }
0x1: {  	s0 =	rddreg [dreg:$0x0]  }
0x2: {  	s3 =	rddreg [dreg:$0x2];
	s14 =	simm.s32 $0x0  }
0x3: {  	s11 =	stileid.u32;
	s1 =	srdreg.scid;
	s17 =	simm.s32 $0x28  }
0x4: {  	s18 =	simm.s32 $0xFA0;
	s19 =	simm.s32 $0x19A0;
	s20 =	simm.s32 $0x23A0  }
0x5: {  	s21 =	simm.s32 $0x1220;
	s22 =	simm.s32 $0x1C20;
	s28 =	simm.s32 $0x50A0  }
0x6: {  	s29 =	simm.s32 $0x2;
	s30 =	simm.s32 $0x5;
	s31 =	simm.s32 $0x1720  }
0x7: {  	s12 =	simm.s32 $0x6;
	s13 =	simm.s32 $0x4;
	[smem:$0x7FF] =	sst s14  }
0x8: {  	s2 =	smul.u32 $0x16380, s11;
	s1 =	sand.u32 $0x1, s1;
	s5 =	sadd.s32 $0x4FC00, s0  }
0x9: {  	s6 =	sadd.s32 $0x6A00, s0;
	s7 =	sadd.s32 $0x1A00, s0;
	s8 =	sadd.s32 $0xBA00, s0  }
0xa: {  	s10 =	sshll.u32 s11, $0x1;
	s25 =	sshll.u32 s11, $0x6;
	_ =	strace $0x80000047  }
0xb: {  	s4 =	smul.u32 $0x163800, s1;
	[dreg:$0x5] =	wrdreg s8;
	s9 =	ssub.s32 $0x2, s1  }
0xc: {  	s1 =	sor.u32 s1, s10;
	s10 =	simm.s32 $0x9;
	s23 =	sshrl.u32 s2, $0x3  }
0xd: {  	s24 =	sshrl.u32 s9, $0x1;
	s1 =	smul.u32 $0x2710, s1;
	s4 =	sadd.s32 s2, s4  }
0xe: {  	s8 =	sadd.s32 s23, s0;
	s2 =	sadd.s32 s2, s3;
	s23 =	simm.s32 $0x3A20  }
0xf: {  	s4 =	sshrl.u32 s4, $0x3;
	s8 =	sadd.s32 $0x15800, s8;
	[dreg:$0x8] =	wrdreg s1  }
0x10: {  	s0 =	sadd.s32 s4, s0;
	[dreg:$0x6] =	wrdreg s8;
	s8 =	sor.u32 $0x1C09, s25  }
0x11: {  	s4 =	ssub.s32 s9, s24;
	s0 =	sadd.s32 $0x7BC00, s0;
	[dreg:$0x7] =	wrdreg s8  }
0x12: {  	s1 =	simm.s32 $0x6720;
	s26 =	smax.u32 s4, $0x1;
	[dreg:$0x9] =	wrdreg s0  }
0x13: {  	s24 =	simm.s32 $0x1;
	s4 =	sshrl.u32 s2, $0x3;
	[dreg:$0xa] =	wrdreg s26  }
0x14: {  	s9 =	simm.s32 $0x3;
	s0 =	simm.s32 $0x2120;
	[dreg:$0xb] =	wrdreg s4  }
.LBB2_1:
0x15: {  	[dreg:$0x4] =	wrdreg s14  }
0x16: {  	s2 =	rddreg [dreg:$0x6]  }
0x17: {  	[spmem:s4], [sflag:s8] =	dma.local [hbm:s2], $0x2C70  }
0x18: {  	_ =	swait.ge [sflag:s10], $0x2C70  }
0x19: {  	[sflag:s10] =	ssyncset.done $0x0  }
0x1a: {  	[sflag:s10] =	ssyncadd.s32 $0xFFFFD390  }
0x1b: {  	s2 =	simm.s32 $0x0;
	[bflag:$0x0] =	sbarrier.arrive $0xFFFF  }
.LBB2_2:
0x1c: {  	s15 =	smul.u32 $0x7D0, s2  }
0x1d: {  	s4 =	rddreg [dreg:$0x8]  }
0x1e: {  	[dreg:$0xc] =	wrdreg s2;
	s2 =	sadd.s32 s4, s15  }
0x1f: {  	s16 =	rddreg [dreg:$0x5];
	s2 =	sshrl.u32 s2, $0x3  }
0x20: {  	s11 =	simm.s32 $0x0;
	s4 =	sadd.s32 s16, s2  }
0x21: {  	[tilespmem:s11], [sflag:$0x9] =	stream.linear.gather [hbm4b:s4+s11], $0x7D0, $0x38;
	[tilespmem:$0x1E120] =	vst v63  }
0x22: {  	_ =	swait.ge [sflag:s10], $0x7D0  }
0x23: {  	[sflag:s10] =	ssyncset.done $0x0  }
0x24: {  	[sflag:s10] =	ssyncadd.s32 $0xFFFFF830  }
0x25: {  	s25 =	rddreg [dreg:$0x1]  }
0x26: {  	s26 =	simm.s32 $0x7D0;
	s2 =	sadd.s32 s25, s2  }
0x27: {  	[tilespmem:s26], [sflag:$0x9] =	stream.linear.gather [hbm4b:s2+s11], $0x7D0, $0x38;
	[tilespmem:$0x1E120] =	vst v63  }
0x28: {  	_ =	swait.ge [sflag:s10], $0x7D0  }
0x29: {  	[sflag:s10] =	ssyncset.done $0x0  }
0x2a: {  	[sflag:s10] =	ssyncadd.s32 $0xFFFFF830  }
0x2b: {  	[tilespmem:s18], [sflag:$0x1] =	stream.indirect.gather [hbm4b:s6+s17], $0x10, s11, s17, $0xb8;
	[tilespmem:$0x1E120] =	vst v63  }
0x2c: {  	_ = 	snop  }
0x2d: {  	[tilespmem:s19], [sflag:$0x1] =	stream.indirect.gather [hbm4b:s7+s17], $0x10, s26, s17, $0xb8;
	[tilespmem:$0x1E120] =	vst v63  }
0x2e: {  	_ = 	snop  }
0x2f: {  	[tilespmem:s20], [sflag:$0x1] =	stream.indirect.gather [hbm4b:s5+s17], $0x90, s11, s17, $0xb8;
	[tilespmem:$0x1E120] =	vst v63  }
.LBB2_3:
0x30: {  	p0 =	seq.s32 s11, $0x0  }
0x31: {  	s2 =	simm.s32 @!p0 $0x7  }
0x32: {  	s16 =	smul.u32 $0xA0, s11;
	_ =	swait.ge @!p0 [sflag:s2], $0x1680  }
0x33: {  	[sflag:s2] =	ssyncset.done @!p0 $0x0  }
0x34: {  	s10 =	sadd.s32 $0x28, s16;
	[sflag:s2] =	ssyncadd.s32 @!p0 $0xFFFFE980  }
0x35: {  	[tilespmem:s21], [sflag:$0x2] =	stream.indirect.gather [hbm4b:s6+s17], $0x10, s10, s17, $0xb8;
	[tilespmem:$0x1E120] =	vst v63  }
0x36: {  	s14 =	sadd.s32 $0x7F8, s16  }
0x37: {  	[tilespmem:s22], [sflag:$0x2] =	stream.indirect.gather [hbm4b:s7+s17], $0x10, s14, s17, $0xb8;
	[tilespmem:$0x1E120] =	vst v63  }
0x38: {  	_ = 	snop  }
0x39: {  	[tilespmem:s23], [sflag:$0x2] =	stream.indirect.gather [hbm4b:s5+s17], $0x90, s10, s17, $0xb8;
	[tilespmem:$0x1E120] =	vst v63  }
0x3a: {  	_ =	swait.ge [sflag:s24], $0x280  }
0x3b: {  	[sflag:s24] =	ssyncset.done $0x0  }
0x3c: {  	[sflag:s24] =	ssyncadd.s32 $0xFFFFFD80  }
0x3d: {  	_ =	swait.ge [sflag:s24], $0x280  }
0x3e: {  	[sflag:s24] =	ssyncset.done $0x0  }
0x3f: {  	[sflag:s24] =	ssyncadd.s32 $0xFFFFFD80  }
0x40: {  	_ =	swait.ge [sflag:s24], $0x1680  }
0x41: {  	[sflag:s24] =	ssyncset.done $0x0  }
0x42: {  	s15 =	simm.s32 $0xFB0;
	[sflag:s24] =	ssyncadd.s32 $0xFFFFE980  }
0x43: {  	s4 =	simm.s32 $0x19B0;
	v0 =	vld [tilespmem:s15+$0x0]  }
0x44: {  	v1 =	vld [tilespmem:s4+$0x0]  }
0x45: {  	v2 =	vld [tilespmem:s4+$0xFFFFFFF0]  }
0x46: {  	v3 =	vld [tilespmem:s15+$0xFFFFFFF0];
	_ =	sdelay $0x2  }
0x47: {  	v0 =	vadd.f32 v1, v0;
	_ =	sdelay $0x1  }
0x48: {  	v1 =	vadd.f32 v2, v3;
	v2 =	vmul.f32 $2.000000030e-01, v0;
	_ =	sdelay $0x1  }
0x49: {  	v3 =	vmul.f32 $2.000000030e-01, v1;
	v0 =	vmax.f32 v0, v2  }
0x4a: {  	v0 =	vmul.f32 $1.442695020e+00, v0  }
0x4b: {  	v1 =	vmax.f32 v1, v3  }
0x4c: {  	s8 =	simm.s32 $0x19D0;
	v1 =	vmul.f32 $1.442695020e+00, v1;
	(erf) = vpow2.f32 v0  }
0x4d: {  	s25 =	simm.s32 $0xFD0;
	v2 =	vld [tilespmem:s8+$0x0]  }
0x4e: {  	(erf) = vpow2.f32 v1;
	v1 =	vld [tilespmem:s25+$0x0]  }
0x4f: {  	v5 =	vld [tilespmem:s25+$0xFFFFFFF0]  }
0x50: {  	v3 =	vld [tilespmem:s8+$0xFFFFFFF0];
	_ =	sdelay $0x2  }
0x51: {  	s4 =	simm.s32 $0x2430;
	v1 =	vadd.f32 v2, v1  }
0x52: {  	v7 =	vld [tilespmem:s4+$0xFFFFFF70]  }
0x53: {  	v11 =	vld [tilespmem:s4+$0xFFFFFF80];
	v3 =	vadd.f32 v3, v5;
	v5 =	vmul.f32 $2.000000030e-01, v1;
	v4 =	vpop (erf)  }
0x54: {  	v14 =	vld [tilespmem:s4+$0xFFFFFFA0];
	v6 =	vbroadcast v4, $0x0;
	v8 =	vbroadcast v4, $0x7  }
0x55: {  	v0 =	vld [tilespmem:s4+$0x70];
	v9 =	vbroadcast v4, $0x1;
	v12 =	vbroadcast v4, $0x2  }
0x56: {  	v16 =	vld [tilespmem:s4+$0xFFFFFFB0];
	v10 =	vpop (erf);
	v24 =	vbroadcast v4, $0x3;
	v27 =	vbroadcast v4, $0x4  }
0x57: {  	v2 =	vld [tilespmem:s4+$0xFFFFFF90];
	v13 =	vbroadcast v10, $0x0;
	v15 =	vbroadcast v10, $0x2  }
0x58: {  	v19 =	vld [tilespmem:s4+$0xFFFFFFC0];
	v17 =	vbroadcast v10, $0x3;
	v18 =	vbroadcast v10, $0x4  }
0x59: {  	v29 =	vld [tilespmem:s4+$0x20];
	v1 =	vmax.f32 v1, v5;
	v20 =	vbroadcast v10, $0x5;
	v21 =	vbroadcast v10, $0x6  }
0x5a: {  	v22 =	vld [tilespmem:s4+$0x0];
	v1 =	vmul.f32 $1.442695020e+00, v1;
	v0 =	vmul.f32 v0, v8  }
0x5b: {  	v25 =	vld [tilespmem:s4+$0xFFFFFFE0];
	v23 =	vbroadcast v10, $0x7;
	v8 =	vbroadcast v10, $0x1  }
0x5c: {  	v26 =	vld [tilespmem:s4+$0x10];
	v2 =	vmul.f32 v15, v2;
	[tilespmem:s4+$0x70] =	vst v0;
	v0 =	vmul.f32 $2.000000030e-01, v3  }
0x5d: {  	s15 =	simm.s32 $0x19F0;
	v5 =	vld [tilespmem:s4+$0xFFFFFFD0];
	[tilespmem:s4+$0xFFFFFFF0] =	vst v10;
	(erf) = vpow2.f32 v1;
	v10 =	vmul.f32 v16, v18  }
0x5e: {  	s26 =	simm.s32 $0xFF0;
	v28 =	vbroadcast v4, $0x5;
	[tilespmem:s4+$0xFFFFFF90] =	vst v2;
	v2 =	vmul.f32 v12, v29;
	v12 =	vld [tilespmem:s15+$0x0];
	v0 =	vmax.f32 v3, v0  }
0x5f: {  	[tilespmem:s4+$0xFFFFFFB0] =	vst v10;
	v10 =	vld [tilespmem:s26+$0xFFFFFFF0];
	v3 =	vmul.f32 $1.442695020e+00, v0;
	v0 =	vbroadcast v4, $0x6  }
0x60: {  	[tilespmem:s4+$0x80] =	vst v4;
	v4 =	vmul.f32 v13, v7;
	v7 =	vmul.f32 v8, v11;
	v8 =	vld [tilespmem:s4+$0x40]  }
0x61: {  	v11 =	vmul.f32 v14, v17;
	v13 =	vld [tilespmem:s4+$0x50]  }
0x62: {  	[tilespmem:s4+$0xFFFFFF80] =	vst v7;
	v7 =	vmul.f32 v9, v26;
	v9 =	vld [tilespmem:s26+$0x0]  }
0x63: {  	s10 =	simm.s32 $0x2550;
	(erf) = vpow2.f32 v3;
	[tilespmem:s4+$0xFFFFFFA0] =	vst v11;
	v11 =	vld [tilespmem:s15+$0xFFFFFFF0]  }
0x64: {  	v6 =	vmul.f32 v6, v22;
	v15 =	vld [tilespmem:s10+$0x70]  }
0x65: {  	[tilespmem:s4+$0xFFFFFF70] =	vst v4;
	v4 =	vmul.f32 v5, v21;
	v5 =	vmul.f32 v25, v23  }
0x66: {  	[tilespmem:s4+$0x0] =	vst v6;
	v14 =	vmul.f32 v19, v20;
	v3 =	vld [tilespmem:s4+$0x30];
	v8 =	vmul.f32 v8, v27;
	v16 =	vpop (erf)  }
0x67: {  	[tilespmem:s4+$0xFFFFFFE0] =	vst v5;
	v13 =	vmul.f32 v13, v28;
	v17 =	vbroadcast v16, $0x7;
	v5 =	vadd.f32 v12, v9  }
0x68: {  	v56 =	vld [tilespmem:s10+$0xFFFFFF80];
	[tilespmem:s4+$0xFFFFFFD0] =	vst v4;
	v18 =	vbroadcast v16, $0x0;
	v19 =	vbroadcast v16, $0x1;
	v6 =	vadd.f32 v11, v10  }
0x69: {  	v57 =	vld [tilespmem:s10+$0xFFFFFFA0];
	[tilespmem:s4+$0x10] =	vst v7;
	v4 =	vmul.f32 v15, v17;
	v7 =	vmul.f32 $2.000000030e-01, v5  }
0x6a: {  	v59 =	vld [tilespmem:s10+$0xFFFFFFC0];
	[tilespmem:s4+$0x20] =	vst v2;
	v53 =	vbroadcast v16, $0x2;
	v2 =	vmul.f32 $2.000000030e-01, v6  }
0x6b: {  	v62 =	vld [tilespmem:s10+$0xFFFFFFD0];
	v3 =	vmul.f32 v3, v24;
	[tilespmem:s10+$0x70] =	vst v4;
	v4 =	vmax.f32 v5, v7;
	v5 =	vbroadcast v16, $0x3  }
0x6c: {  	v30 =	vld [tilespmem:s10+$0x0];
	v54 =	vpop (erf);
	v7 =	vmax.f32 v6, v2;
	v6 =	vbroadcast v16, $0x5;
	v2 =	vbroadcast v16, $0x6  }
0x6d: {  	v31 =	vld [tilespmem:s10+$0xFFFFFFE0];
	v55 =	vbroadcast v54, $0x0;
	v9 =	vbroadcast v54, $0x1  }
0x6e: {  	[tilespmem:s4+$0xFFFFFFC0] =	vst v14;
	v14 =	vld [tilespmem:s10+$0xFFFFFF70];
	v12 =	vbroadcast v54, $0x2;
	v17 =	vbroadcast v54, $0x3  }
0x6f: {  	v15 =	vld [tilespmem:s10+$0xFFFFFF90];
	v58 =	vbroadcast v54, $0x4;
	v11 =	vbroadcast v54, $0x5  }
0x70: {  	v10 =	vld [tilespmem:s10+$0xFFFFFFB0];
	[tilespmem:s4+$0x30] =	vst v3;
	v60 =	vbroadcast v54, $0x6;
	v3 =	vmul.f32 $1.442695020e+00, v4  }
0x71: {  	v32 =	vld [tilespmem:s10+$0x10];
	[tilespmem:s10+$0x80] =	vst v16;
	v61 =	vbroadcast v54, $0x7;
	v4 =	vbroadcast v16, $0x4  }
0x72: {  	v63 =	vld [tilespmem:s10+$0x20];
	[tilespmem:s4+$0x40] =	vst v8;
	v7 =	vmul.f32 $1.442695020e+00, v7;
	(erf) = vpow2.f32 v3  }
0x73: {  	v1 =	vld [tilespmem:s4+$0x60];
	[tilespmem:s4+$0x50] =	vst v13;
	v3 =	vmul.f32 v55, v14;
	v8 =	vmul.f32 v9, v56  }
0x74: {  	[tilespmem:s10+$0xFFFFFFF0] =	vst v54;
	v12 =	vmul.f32 v12, v15;
	v9 =	vld [tilespmem:s10+$0x30];
	(erf) = vpow2.f32 v7  }
0x75: {  	v13 =	vmul.f32 v57, v17;
	v17 =	vmul.f32 v10, v58;
	v7 =	vld [tilespmem:s10+$0x40];
	[tilespmem:s10+$0xFFFFFF70] =	vst v3  }
0x76: {  	v16 =	vmul.f32 v59, v11;
	v15 =	vmul.f32 v62, v60;
	[tilespmem:s10+$0xFFFFFF80] =	vst v8;
	v8 =	vld [tilespmem:s10+$0x50]  }
0x77: {  	s2 =	simm.s32 $0x2670;
	v14 =	vmul.f32 v31, v61;
	v11 =	vmul.f32 v18, v30;
	[tilespmem:s10+$0xFFFFFF90] =	vst v12;
	v3 =	vld [tilespmem:s10+$0x60]  }
0x78: {  	s8 =	simm.s32 $0x4;
	s25 =	simm.s32 $0x1010;
	v10 =	vmul.f32 v53, v63;
	v12 =	vld [tilespmem:s2+$0x70];
	[tilespmem:s10+$0xFFFFFFA0] =	vst v13;
	v13 =	vmul.f32 v19, v32  }
.LBB2_4:
0x79: {  	v18 =	vld [tilespmem:s25+$0x0];
	s15 =	sadd.s32 $0x20, s15;
	[tilespmem:s10+$0xFFFFFFB0] =	vst v17;
	v5 =	vmul.f32 v9, v5;
	v9 =	vmul.f32 v1, v0;
	v0 =	vmov v2  }
0x7a: {  	s8 =	sadd.s32 $0x2, s8;
	v2 =	vld [tilespmem:s15+$0x0];
	[tilespmem:s10+$0xFFFFFFC0] =	vst v16;
	v4 =	vmul.f32 v7, v4  }
0x7b: {  	p1 =	slt.u32 s8, $0x26;
	v7 =	vld [tilespmem:s15+$0xFFFFFFF0];
	v16 =	vpop (erf);
	[tilespmem:s10+$0xFFFFFFD0] =	vst v15;
	v6 =	vmul.f32 v8, v6  }
0x7c: {  	v8 =	vld [tilespmem:s25+$0xFFFFFFF0];
	v19 =	vbroadcast v16, $0x0;
	v15 =	vbroadcast v16, $0x7;
	[tilespmem:s10+$0xFFFFFFE0] =	vst v14;
	v1 =	vmov v3  }
0x7d: {  	v20 =	vbroadcast v16, $0x1;
	v21 =	vbroadcast v16, $0x2;
	v3 =	vld [tilespmem:s2+$0xFFFFFF70];
	v14 =	vpop (erf);
	[tilespmem:s10+$0x0] =	vst v11  }
0x7e: {  	v11 =	vbroadcast v14, $0x0;
	v17 =	vld [tilespmem:s2+$0xFFFFFF80];
	v12 =	vmul.f32 v12, v15;
	[tilespmem:s10+$0x10] =	vst v13  }
0x7f: {  	v13 =	vbroadcast v14, $0x1;
	v15 =	vbroadcast v14, $0x2;
	v2 =	vadd.f32 v2, v18;
	v18 =	vld [tilespmem:s2+$0xFFFFFF90];
	[tilespmem:s10+$0x20] =	vst v10  }
0x80: {  	v23 =	vbroadcast v14, $0x4;
	v10 =	vbroadcast v14, $0x3;
	v22 =	vld [tilespmem:s2+$0xFFFFFFA0];
	[tilespmem:s2+$0x70] =	vst v12  }
0x81: {  	v24 =	vbroadcast v14, $0x5;
	v7 =	vadd.f32 v7, v8;
	v8 =	vmul.f32 $2.000000030e-01, v2;
	v12 =	vld [tilespmem:s2+$0xFFFFFFB0];
	[tilespmem:s10+$0x30] =	vst v5  }
0x82: {  	v26 =	vbroadcast v14, $0x6;
	v27 =	vbroadcast v14, $0x7;
	v25 =	vld [tilespmem:s2+$0xFFFFFFC0];
	[tilespmem:s10+$0x40] =	vst v4  }
0x83: {  	v5 =	vbroadcast v16, $0x3;
	v28 =	vmul.f32 $2.000000030e-01, v7;
	v2 =	vmax.f32 v2, v8;
	v8 =	vld [tilespmem:s2+$0xFFFFFFD0];
	[tilespmem:s10+$0x50] =	vst v6  }
0x84: {  	v4 =	vbroadcast v16, $0x4;
	v29 =	vmul.f32 $1.442695020e+00, v2;
	v30 =	vld [tilespmem:s2+$0xFFFFFFE0];
	[tilespmem:s4+$0x60] =	vst v9;
	s4 =	smov.u32 s10;
	s10 =	smov.u32 s2  }
0x85: {  	v6 =	vbroadcast v16, $0x5;
	v2 =	vbroadcast v16, $0x6;
	v7 =	vmax.f32 v7, v28;
	[tilespmem:s2+$0xFFFFFFF0] =	vst v14;
	v28 =	vld [tilespmem:s2+$0x0]  }
0x86: {  	v7 =	vmul.f32 $1.442695020e+00, v7;
	(erf) = vpow2.f32 v29;
	[tilespmem:s2+$0x80] =	vst v16;
	v29 =	vld [tilespmem:s2+$0x10]  }
0x87: {  	v3 =	vmul.f32 v11, v3;
	v11 =	vmul.f32 v13, v17;
	v31 =	vld [tilespmem:s2+$0x20]  }
.Ltmp0:
0x88: {  	v13 =	vmul.f32 v15, v18;
	(erf) = vpow2.f32 v7;
	v9 =	vld [tilespmem:s2+$0x30];
	(pc) =	sbr.rel @p1 .LBB2_4-.Ltmp0, $4  }
0x89: {  	v10 =	vmul.f32 v22, v10;
	v17 =	vmul.f32 v12, v23;
	[tilespmem:s2+$0xFFFFFF70] =	vst v3;
	v7 =	vld [tilespmem:s2+$0x40]  }
0x8a: {  	v16 =	vmul.f32 v25, v24;
	v15 =	vmul.f32 v8, v26;
	[tilespmem:s2+$0xFFFFFF80] =	vst v11;
	v8 =	vld [tilespmem:s2+$0x50]  }
0x8b: {  	v14 =	vmul.f32 v30, v27;
	v11 =	vmul.f32 v19, v28;
	s2 =	sadd.s32 $0x120, s2;
	[tilespmem:s10+$0xFFFFFF90] =	vst v13;
	v3 =	vld [tilespmem:s10+$0x60]  }
0x8c: {  	s25 =	sadd.s32 $0x20, s25;
	v13 =	vmul.f32 v20, v29;
	v12 =	vld [tilespmem:s2+$0x70];
	[tilespmem:s10+$0xFFFFFFA0] =	vst v10;
	v10 =	vmul.f32 v21, v31  }
0x8d: {  	[tilespmem:s10+$0xFFFFFFB0] =	vst v17  }
0x8e: {  	[tilespmem:s10+$0xFFFFFFC0] =	vst v16  }
0x8f: {  	[tilespmem:s10+$0xFFFFFFD0] =	vst v15  }
0x90: {  	[tilespmem:s10+$0xFFFFFFE0] =	vst v14  }
0x91: {  	[tilespmem:s10+$0x0] =	vst v11  }
0x92: {  	v5 =	vmul.f32 v9, v5;
	[tilespmem:s10+$0x10] =	vst v13  }
0x93: {  	v0 =	vmul.f32 v1, v0;
	[tilespmem:s10+$0x20] =	vst v10  }
0x94: {  	v4 =	vmul.f32 v7, v4;
	[tilespmem:s10+$0x30] =	vst v5  }
0x95: {  	v14 =	vld [tilespmem:s2+$0xFFFFFF70];
	[tilespmem:s4+$0x60] =	vst v0  }
0x96: {  	v11 =	vld [tilespmem:s2+$0xFFFFFF80];
	v16 =	vpop (erf);
	v6 =	vmul.f32 v8, v6;
	[tilespmem:s10+$0x40] =	vst v4  }
0x97: {  	v9 =	vld [tilespmem:s2+$0xFFFFFF90];
	v15 =	vbroadcast v16, $0x7;
	[tilespmem:s2+$0x80] =	vst v16;
	v1 =	vpop (erf)  }
0x98: {  	v7 =	vld [tilespmem:s2+$0xFFFFFFA0];
	v2 =	vmul.f32 v3, v2;
	[tilespmem:s10+$0x50] =	vst v6;
	v4 =	vbroadcast v1, $0x0  }
0x99: {  	v8 =	vld [tilespmem:s2+$0xFFFFFFB0];
	v12 =	vmul.f32 v12, v15;
	v6 =	vbroadcast v1, $0x1;
	[tilespmem:s2+$0xFFFFFFF0] =	vst v1  }
0x9a: {  	v5 =	vld [tilespmem:s2+$0xFFFFFFC0];
	v0 =	vbroadcast v1, $0x2;
	[tilespmem:s10+$0x60] =	vst v2;
	v4 =	vmul.f32 v4, v14  }
0x9b: {  	v10 =	vld [tilespmem:s2+$0xFFFFFFD0];
	[tilespmem:s2+$0x70] =	vst v12;
	v14 =	vbroadcast v1, $0x3;
	v6 =	vmul.f32 v6, v11  }
0x9c: {  	v12 =	vld [tilespmem:s2+$0xFFFFFFE0];
	v11 =	vbroadcast v1, $0x4;
	v0 =	vmul.f32 v0, v9;
	[tilespmem:s2+$0xFFFFFF70] =	vst v4  }
0x9d: {  	v13 =	vld [tilespmem:s2+$0x0];
	v4 =	vbroadcast v1, $0x5;
	v7 =	vmul.f32 v7, v14;
	[tilespmem:s2+$0xFFFFFF80] =	vst v6  }
0x9e: {  	v9 =	vld [tilespmem:s2+$0x10];
	v6 =	vbroadcast v1, $0x6;
	v8 =	vmul.f32 v8, v11;
	[tilespmem:s2+$0xFFFFFF90] =	vst v0  }
0x9f: {  	v0 =	vbroadcast v1, $0x7;
	v1 =	vld [tilespmem:s2+$0x20];
	v4 =	vmul.f32 v5, v4;
	[tilespmem:s2+$0xFFFFFFA0] =	vst v7  }
0xa0: {  	v5 =	vbroadcast v16, $0x0;
	v7 =	vld [tilespmem:s2+$0x30];
	v6 =	vmul.f32 v10, v6;
	[tilespmem:s2+$0xFFFFFFB0] =	vst v8  }
0xa1: {  	v8 =	vbroadcast v16, $0x1;
	v10 =	vld [tilespmem:s2+$0x40];
	v0 =	vmul.f32 v12, v0;
	[tilespmem:s2+$0xFFFFFFC0] =	vst v4  }
0xa2: {  	v11 =	vld [tilespmem:s2+$0x50];
	v4 =	vbroadcast v16, $0x2;
	v5 =	vmul.f32 v5, v13;
	[tilespmem:s2+$0xFFFFFFD0] =	vst v6  }
0xa3: {  	v12 =	vld [tilespmem:s2+$0x60];
	v6 =	vbroadcast v16, $0x3;
	v8 =	vmul.f32 v8, v9;
	[tilespmem:s2+$0xFFFFFFE0] =	vst v0  }
0xa4: {  	v0 =	vbroadcast v16, $0x4;
	v1 =	vmul.f32 v4, v1;
	[tilespmem:s2+$0x0] =	vst v5  }
0xa5: {  	v4 =	vbroadcast v16, $0x5;
	[tilespmem:s2+$0x10] =	vst v8;
	v5 =	vmul.f32 v7, v6  }
0xa6: {  	v0 =	vmul.f32 v10, v0;
	[tilespmem:s2+$0x20] =	vst v1;
	v1 =	vbroadcast v16, $0x6  }
0xa7: {  	s15 =	smul.u32 $0x280, s11;
	v4 =	vmul.f32 v11, v4;
	[tilespmem:s2+$0x30] =	vst v5  }
0xa8: {  	[tilespmem:s2+$0x40] =	vst v0;
	v0 =	vmul.f32 v12, v1  }
0xa9: {  	s4 =	sshra.s32 s15, $0x2;
	[tilespmem:s2+$0x50] =	vst v4  }
0xaa: {  	s25 =	sadd.s32 $0x7D0, s4;
	[tilespmem:s2+$0x60] =	vst v0;
	s2 =	simm.s32 @!p0 $0x8  }
0xab: {  	[spmem:s3] =	stream.indirect.scatter.add.f32 [tilespmem:s20], [sflag:$0x5], $0x90, s25, s17, $0xb8;
	[tilespmem:$0x1E120] =	vst v63  }
0xac: {  	_ =	swait.ge @!p0 [sflag:s2], $0x1680  }
0xad: {  	[sflag:s2] =	ssyncset.done @!p0 $0x0  }
0xae: {  	s26 =	sadd.s32 $0x50, s16;
	s8 =	simm.s32 $0x14A0;
	[sflag:s2] =	ssyncadd.s32 @!p0 $0xFFFFE980  }
0xaf: {  	[tilespmem:s8], [sflag:$0x3] =	stream.indirect.gather [hbm4b:s6+s17], $0x10, s26, s17, $0xb8;
	[tilespmem:$0x1E120] =	vst v63  }
0xb0: {  	s4 =	sadd.s32 $0x820, s16;
	s8 =	simm.s32 $0x1EA0  }
0xb1: {  	[tilespmem:s8], [sflag:$0x3] =	stream.indirect.gather [hbm4b:s7+s17], $0x10, s4, s17, $0xb8;
	[tilespmem:$0x1E120] =	vst v63  }
0xb2: {  	_ = 	snop  }
0xb3: {  	[tilespmem:s28], [sflag:$0x3] =	stream.indirect.gather [hbm4b:s5+s17], $0x90, s26, s17, $0xb8;
	[tilespmem:$0x1E120] =	vst v63  }
0xb4: {  	_ =	swait.ge [sflag:s29], $0x280  }
0xb5: {  	[sflag:s29] =	ssyncset.done $0x0  }
0xb6: {  	[sflag:s29] =	ssyncadd.s32 $0xFFFFFD80  }
0xb7: {  	_ =	swait.ge [sflag:s29], $0x280  }
0xb8: {  	[sflag:s29] =	ssyncset.done $0x0  }
0xb9: {  	[sflag:s29] =	ssyncadd.s32 $0xFFFFFD80  }
0xba: {  	_ =	swait.ge [sflag:s29], $0x1680  }
0xbb: {  	[sflag:s29] =	ssyncset.done $0x0  }
0xbc: {  	s10 =	simm.s32 $0x1230;
	[sflag:s29] =	ssyncadd.s32 $0xFFFFE980  }
0xbd: {  	s15 =	simm.s32 $0x1C30;
	v0 =	vld [tilespmem:s10+$0x0]  }
0xbe: {  	v1 =	vld [tilespmem:s15+$0x0]  }
0xbf: {  	v2 =	vld [tilespmem:s15+$0xFFFFFFF0]  }
0xc0: {  	v3 =	vld [tilespmem:s10+$0xFFFFFFF0];
	_ =	sdelay $0x2  }
0xc1: {  	v0 =	vadd.f32 v1, v0;
	_ =	sdelay $0x1  }
0xc2: {  	v1 =	vadd.f32 v2, v3;
	v2 =	vmul.f32 $2.000000030e-01, v0;
	_ =	sdelay $0x1  }
0xc3: {  	v3 =	vmul.f32 $2.000000030e-01, v1;
	v0 =	vmax.f32 v0, v2  }
0xc4: {  	v0 =	vmul.f32 $1.442695020e+00, v0  }
0xc5: {  	v1 =	vmax.f32 v1, v3  }
0xc6: {  	s26 =	simm.s32 $0x1C50;
	v1 =	vmul.f32 $1.442695020e+00, v1;
	(erf) = vpow2.f32 v0  }
0xc7: {  	s25 =	simm.s32 $0x1250;
	v2 =	vld [tilespmem:s26+$0x0]  }
0xc8: {  	(erf) = vpow2.f32 v1;
	v1 =	vld [tilespmem:s25+$0x0]  }
0xc9: {  	v5 =	vld [tilespmem:s25+$0xFFFFFFF0]  }
0xca: {  	v3 =	vld [tilespmem:s26+$0xFFFFFFF0];
	_ =	sdelay $0x2  }
0xcb: {  	s10 =	simm.s32 $0x3AB0;
	v1 =	vadd.f32 v2, v1  }
0xcc: {  	v7 =	vld [tilespmem:s10+$0xFFFFFF70]  }
0xcd: {  	v11 =	vld [tilespmem:s10+$0xFFFFFF80];
	v3 =	vadd.f32 v3, v5;
	v5 =	vmul.f32 $2.000000030e-01, v1;
	v4 =	vpop (erf)  }
0xce: {  	v14 =	vld [tilespmem:s10+$0xFFFFFFA0];
	v6 =	vbroadcast v4, $0x0;
	v8 =	vbroadcast v4, $0x7  }
0xcf: {  	v0 =	vld [tilespmem:s10+$0x70];
	v9 =	vbroadcast v4, $0x1;
	v12 =	vbroadcast v4, $0x2  }
0xd0: {  	v16 =	vld [tilespmem:s10+$0xFFFFFFB0];
	v10 =	vpop (erf);
	v24 =	vbroadcast v4, $0x3;
	v27 =	vbroadcast v4, $0x4  }
0xd1: {  	v2 =	vld [tilespmem:s10+$0xFFFFFF90];
	v13 =	vbroadcast v10, $0x0;
	v15 =	vbroadcast v10, $0x2  }
0xd2: {  	v19 =	vld [tilespmem:s10+$0xFFFFFFC0];
	v17 =	vbroadcast v10, $0x3;
	v18 =	vbroadcast v10, $0x4  }
0xd3: {  	v29 =	vld [tilespmem:s10+$0x20];
	v1 =	vmax.f32 v1, v5;
	v20 =	vbroadcast v10, $0x5;
	v21 =	vbroadcast v10, $0x6  }
0xd4: {  	v22 =	vld [tilespmem:s10+$0x0];
	v1 =	vmul.f32 $1.442695020e+00, v1;
	v0 =	vmul.f32 v0, v8  }
0xd5: {  	v25 =	vld [tilespmem:s10+$0xFFFFFFE0];
	v23 =	vbroadcast v10, $0x7;
	v8 =	vbroadcast v10, $0x1  }
0xd6: {  	v26 =	vld [tilespmem:s10+$0x10];
	v2 =	vmul.f32 v15, v2;
	[tilespmem:s10+$0x70] =	vst v0;
	v0 =	vmul.f32 $2.000000030e-01, v3  }
0xd7: {  	s8 =	simm.s32 $0x1C70;
	v5 =	vld [tilespmem:s10+$0xFFFFFFD0];
	[tilespmem:s10+$0xFFFFFFF0] =	vst v10;
	(erf) = vpow2.f32 v1;
	v10 =	vmul.f32 v16, v18  }
0xd8: {  	s15 =	simm.s32 $0x1270;
	v28 =	vbroadcast v4, $0x5;
	[tilespmem:s10+$0xFFFFFF90] =	vst v2;
	v2 =	vmul.f32 v12, v29;
	v12 =	vld [tilespmem:s8+$0x0];
	v0 =	vmax.f32 v3, v0  }
0xd9: {  	[tilespmem:s10+$0xFFFFFFB0] =	vst v10;
	v10 =	vld [tilespmem:s15+$0xFFFFFFF0];
	v3 =	vmul.f32 $1.442695020e+00, v0;
	v0 =	vbroadcast v4, $0x6  }
0xda: {  	[tilespmem:s10+$0x80] =	vst v4;
	v4 =	vmul.f32 v13, v7;
	v7 =	vmul.f32 v8, v11;
	v8 =	vld [tilespmem:s10+$0x40]  }
0xdb: {  	v11 =	vmul.f32 v14, v17;
	v13 =	vld [tilespmem:s10+$0x50]  }
0xdc: {  	[tilespmem:s10+$0xFFFFFF80] =	vst v7;
	v7 =	vmul.f32 v9, v26;
	v9 =	vld [tilespmem:s15+$0x0]  }
0xdd: {  	s2 =	simm.s32 $0x3BD0;
	(erf) = vpow2.f32 v3;
	[tilespmem:s10+$0xFFFFFFA0] =	vst v11;
	v11 =	vld [tilespmem:s8+$0xFFFFFFF0]  }
0xde: {  	v6 =	vmul.f32 v6, v22;
	v15 =	vld [tilespmem:s2+$0x70]  }
0xdf: {  	[tilespmem:s10+$0xFFFFFF70] =	vst v4;
	v4 =	vmul.f32 v5, v21;
	v5 =	vmul.f32 v25, v23  }
0xe0: {  	[tilespmem:s10+$0x0] =	vst v6;
	v14 =	vmul.f32 v19, v20;
	v3 =	vld [tilespmem:s10+$0x30];
	v8 =	vmul.f32 v8, v27;
	v16 =	vpop (erf)  }
0xe1: {  	[tilespmem:s10+$0xFFFFFFE0] =	vst v5;
	v13 =	vmul.f32 v13, v28;
	v17 =	vbroadcast v16, $0x7;
	v5 =	vadd.f32 v12, v9  }
0xe2: {  	v56 =	vld [tilespmem:s2+$0xFFFFFF80];
	[tilespmem:s10+$0xFFFFFFD0] =	vst v4;
	v18 =	vbroadcast v16, $0x0;
	v19 =	vbroadcast v16, $0x1;
	v6 =	vadd.f32 v11, v10  }
0xe3: {  	v57 =	vld [tilespmem:s2+$0xFFFFFFA0];
	[tilespmem:s10+$0x10] =	vst v7;
	v4 =	vmul.f32 v15, v17;
	v7 =	vmul.f32 $2.000000030e-01, v5  }
0xe4: {  	v59 =	vld [tilespmem:s2+$0xFFFFFFC0];
	[tilespmem:s10+$0x20] =	vst v2;
	v53 =	vbroadcast v16, $0x2;
	v2 =	vmul.f32 $2.000000030e-01, v6  }
0xe5: {  	v62 =	vld [tilespmem:s2+$0xFFFFFFD0];
	v3 =	vmul.f32 v3, v24;
	[tilespmem:s2+$0x70] =	vst v4;
	v4 =	vmax.f32 v5, v7;
	v5 =	vbroadcast v16, $0x3  }
0xe6: {  	v30 =	vld [tilespmem:s2+$0x0];
	v54 =	vpop (erf);
	v7 =	vmax.f32 v6, v2;
	v6 =	vbroadcast v16, $0x5;
	v2 =	vbroadcast v16, $0x6  }
0xe7: {  	v31 =	vld [tilespmem:s2+$0xFFFFFFE0];
	v55 =	vbroadcast v54, $0x0;
	v9 =	vbroadcast v54, $0x1  }
0xe8: {  	[tilespmem:s10+$0xFFFFFFC0] =	vst v14;
	v14 =	vld [tilespmem:s2+$0xFFFFFF70];
	v12 =	vbroadcast v54, $0x2;
	v17 =	vbroadcast v54, $0x3  }
0xe9: {  	v15 =	vld [tilespmem:s2+$0xFFFFFF90];
	v58 =	vbroadcast v54, $0x4;
	v11 =	vbroadcast v54, $0x5  }
0xea: {  	v10 =	vld [tilespmem:s2+$0xFFFFFFB0];
	[tilespmem:s10+$0x30] =	vst v3;
	v60 =	vbroadcast v54, $0x6;
	v3 =	vmul.f32 $1.442695020e+00, v4  }
0xeb: {  	v32 =	vld [tilespmem:s2+$0x10];
	[tilespmem:s2+$0x80] =	vst v16;
	v61 =	vbroadcast v54, $0x7;
	v4 =	vbroadcast v16, $0x4  }
0xec: {  	v63 =	vld [tilespmem:s2+$0x20];
	[tilespmem:s10+$0x40] =	vst v8;
	v7 =	vmul.f32 $1.442695020e+00, v7;
	(erf) = vpow2.f32 v3  }
0xed: {  	v1 =	vld [tilespmem:s10+$0x60];
	[tilespmem:s10+$0x50] =	vst v13;
	v3 =	vmul.f32 v55, v14;
	v8 =	vmul.f32 v9, v56  }
0xee: {  	[tilespmem:s2+$0xFFFFFFF0] =	vst v54;
	v12 =	vmul.f32 v12, v15;
	v9 =	vld [tilespmem:s2+$0x30];
	(erf) = vpow2.f32 v7  }
0xef: {  	v13 =	vmul.f32 v57, v17;
	v17 =	vmul.f32 v10, v58;
	v7 =	vld [tilespmem:s2+$0x40];
	[tilespmem:s2+$0xFFFFFF70] =	vst v3  }
0xf0: {  	v16 =	vmul.f32 v59, v11;
	v15 =	vmul.f32 v62, v60;
	[tilespmem:s2+$0xFFFFFF80] =	vst v8;
	v8 =	vld [tilespmem:s2+$0x50]  }
0xf1: {  	s15 =	simm.s32 $0x3CF0;
	v14 =	vmul.f32 v31, v61;
	v11 =	vmul.f32 v18, v30;
	[tilespmem:s2+$0xFFFFFF90] =	vst v12;
	v3 =	vld [tilespmem:s2+$0x60]  }
0xf2: {  	s26 =	simm.s32 $0x1290;
	s25 =	simm.s32 $0x4;
	v10 =	vmul.f32 v53, v63;
	v12 =	vld [tilespmem:s15+$0x70];
	[tilespmem:s2+$0xFFFFFFA0] =	vst v13;
	v13 =	vmul.f32 v19, v32  }
.LBB2_6:
0xf3: {  	v18 =	vld [tilespmem:s26+$0x0];
	s8 =	sadd.s32 $0x20, s8;
	[tilespmem:s2+$0xFFFFFFB0] =	vst v17;
	v5 =	vmul.f32 v9, v5;
	v9 =	vmul.f32 v1, v0;
	v0 =	vmov v2  }
0xf4: {  	s25 =	sadd.s32 $0x2, s25;
	v2 =	vld [tilespmem:s8+$0x0];
	[tilespmem:s2+$0xFFFFFFC0] =	vst v16;
	v4 =	vmul.f32 v7, v4  }
0xf5: {  	p0 =	slt.u32 s25, $0x26;
	v7 =	vld [tilespmem:s8+$0xFFFFFFF0];
	v16 =	vpop (erf);
	[tilespmem:s2+$0xFFFFFFD0] =	vst v15;
	v6 =	vmul.f32 v8, v6  }
0xf6: {  	v8 =	vld [tilespmem:s26+$0xFFFFFFF0];
	v19 =	vbroadcast v16, $0x0;
	v15 =	vbroadcast v16, $0x7;
	[tilespmem:s2+$0xFFFFFFE0] =	vst v14;
	v1 =	vmov v3  }
0xf7: {  	v20 =	vbroadcast v16, $0x1;
	v21 =	vbroadcast v16, $0x2;
	v3 =	vld [tilespmem:s15+$0xFFFFFF70];
	v14 =	vpop (erf);
	[tilespmem:s2+$0x0] =	vst v11  }
0xf8: {  	v11 =	vbroadcast v14, $0x0;
	v17 =	vld [tilespmem:s15+$0xFFFFFF80];
	v12 =	vmul.f32 v12, v15;
	[tilespmem:s2+$0x10] =	vst v13  }
0xf9: {  	v13 =	vbroadcast v14, $0x1;
	v15 =	vbroadcast v14, $0x2;
	v2 =	vadd.f32 v2, v18;
	v18 =	vld [tilespmem:s15+$0xFFFFFF90];
	[tilespmem:s2+$0x20] =	vst v10  }
0xfa: {  	v23 =	vbroadcast v14, $0x4;
	v10 =	vbroadcast v14, $0x3;
	v22 =	vld [tilespmem:s15+$0xFFFFFFA0];
	[tilespmem:s15+$0x70] =	vst v12  }
0xfb: {  	v24 =	vbroadcast v14, $0x5;
	v7 =	vadd.f32 v7, v8;
	v8 =	vmul.f32 $2.000000030e-01, v2;
	v12 =	vld [tilespmem:s15+$0xFFFFFFB0];
	[tilespmem:s2+$0x30] =	vst v5  }
0xfc: {  	v26 =	vbroadcast v14, $0x6;
	v27 =	vbroadcast v14, $0x7;
	v25 =	vld [tilespmem:s15+$0xFFFFFFC0];
	[tilespmem:s2+$0x40] =	vst v4  }
0xfd: {  	v5 =	vbroadcast v16, $0x3;
	v28 =	vmul.f32 $2.000000030e-01, v7;
	v2 =	vmax.f32 v2, v8;
	v8 =	vld [tilespmem:s15+$0xFFFFFFD0];
	[tilespmem:s2+$0x50] =	vst v6  }
0xfe: {  	v4 =	vbroadcast v16, $0x4;
	v29 =	vmul.f32 $1.442695020e+00, v2;
	v30 =	vld [tilespmem:s15+$0xFFFFFFE0];
	[tilespmem:s10+$0x60] =	vst v9;
	s10 =	smov.u32 s2;
	s2 =	smov.u32 s15  }
0xff: {  	v6 =	vbroadcast v16, $0x5;
	v2 =	vbroadcast v16, $0x6;
	v7 =	vmax.f32 v7, v28;
	[tilespmem:s15+$0xFFFFFFF0] =	vst v14;
	v28 =	vld [tilespmem:s15+$0x0]  }
0x100: {  	v7 =	vmul.f32 $1.442695020e+00, v7;
	(erf) = vpow2.f32 v29;
	[tilespmem:s15+$0x80] =	vst v16;
	v29 =	vld [tilespmem:s15+$0x10]  }
0x101: {  	v3 =	vmul.f32 v11, v3;
	v11 =	vmul.f32 v13, v17;
	v31 =	vld [tilespmem:s15+$0x20]  }
.Ltmp1:
0x102: {  	v13 =	vmul.f32 v15, v18;
	(erf) = vpow2.f32 v7;
	v9 =	vld [tilespmem:s15+$0x30];
	(pc) =	sbr.rel @p0 .LBB2_6-.Ltmp1, $4  }
0x103: {  	v10 =	vmul.f32 v22, v10;
	v17 =	vmul.f32 v12, v23;
	[tilespmem:s15+$0xFFFFFF70] =	vst v3;
	v7 =	vld [tilespmem:s15+$0x40]  }
0x104: {  	v16 =	vmul.f32 v25, v24;
	v15 =	vmul.f32 v8, v26;
	[tilespmem:s15+$0xFFFFFF80] =	vst v11;
	v8 =	vld [tilespmem:s15+$0x50]  }
0x105: {  	v14 =	vmul.f32 v30, v27;
	v11 =	vmul.f32 v19, v28;
	s15 =	sadd.s32 $0x120, s15;
	[tilespmem:s2+$0xFFFFFF90] =	vst v13;
	v3 =	vld [tilespmem:s2+$0x60]  }
0x106: {  	s26 =	sadd.s32 $0x20, s26;
	v13 =	vmul.f32 v20, v29;
	v12 =	vld [tilespmem:s15+$0x70];
	[tilespmem:s2+$0xFFFFFFA0] =	vst v10;
	v10 =	vmul.f32 v21, v31  }
0x107: {  	[tilespmem:s2+$0xFFFFFFB0] =	vst v17  }
0x108: {  	[tilespmem:s2+$0xFFFFFFC0] =	vst v16  }
0x109: {  	[tilespmem:s2+$0xFFFFFFD0] =	vst v15  }
0x10a: {  	[tilespmem:s2+$0xFFFFFFE0] =	vst v14  }
0x10b: {  	[tilespmem:s2+$0x0] =	vst v11  }
0x10c: {  	v5 =	vmul.f32 v9, v5;
	[tilespmem:s2+$0x10] =	vst v13  }
0x10d: {  	v0 =	vmul.f32 v1, v0;
	[tilespmem:s2+$0x20] =	vst v10  }
0x10e: {  	v4 =	vmul.f32 v7, v4;
	[tilespmem:s2+$0x30] =	vst v5  }
0x10f: {  	v14 =	vld [tilespmem:s15+$0xFFFFFF70];
	[tilespmem:s10+$0x60] =	vst v0  }
0x110: {  	v11 =	vld [tilespmem:s15+$0xFFFFFF80];
	v16 =	vpop (erf);
	v6 =	vmul.f32 v8, v6;
	[tilespmem:s2+$0x40] =	vst v4  }
0x111: {  	v9 =	vld [tilespmem:s15+$0xFFFFFF90];
	v15 =	vbroadcast v16, $0x7;
	[tilespmem:s15+$0x80] =	vst v16;
	v1 =	vpop (erf)  }
0x112: {  	v7 =	vld [tilespmem:s15+$0xFFFFFFA0];
	v2 =	vmul.f32 v3, v2;
	[tilespmem:s2+$0x50] =	vst v6;
	v4 =	vbroadcast v1, $0x0  }
0x113: {  	v8 =	vld [tilespmem:s15+$0xFFFFFFB0];
	v12 =	vmul.f32 v12, v15;
	v6 =	vbroadcast v1, $0x1;
	[tilespmem:s15+$0xFFFFFFF0] =	vst v1  }
0x114: {  	v5 =	vld [tilespmem:s15+$0xFFFFFFC0];
	v0 =	vbroadcast v1, $0x2;
	[tilespmem:s2+$0x60] =	vst v2;
	v4 =	vmul.f32 v4, v14  }
0x115: {  	v10 =	vld [tilespmem:s15+$0xFFFFFFD0];
	[tilespmem:s15+$0x70] =	vst v12;
	v14 =	vbroadcast v1, $0x3;
	v6 =	vmul.f32 v6, v11  }
0x116: {  	v12 =	vld [tilespmem:s15+$0xFFFFFFE0];
	v11 =	vbroadcast v1, $0x4;
	v0 =	vmul.f32 v0, v9;
	[tilespmem:s15+$0xFFFFFF70] =	vst v4  }
0x117: {  	v13 =	vld [tilespmem:s15+$0x0];
	v4 =	vbroadcast v1, $0x5;
	v7 =	vmul.f32 v7, v14;
	[tilespmem:s15+$0xFFFFFF80] =	vst v6  }
0x118: {  	v9 =	vld [tilespmem:s15+$0x10];
	v6 =	vbroadcast v1, $0x6;
	v8 =	vmul.f32 v8, v11;
	[tilespmem:s15+$0xFFFFFF90] =	vst v0  }
0x119: {  	v0 =	vbroadcast v1, $0x7;
	v1 =	vld [tilespmem:s15+$0x20];
	v4 =	vmul.f32 v5, v4;
	[tilespmem:s15+$0xFFFFFFA0] =	vst v7  }
0x11a: {  	v5 =	vbroadcast v16, $0x0;
	v7 =	vld [tilespmem:s15+$0x30];
	v6 =	vmul.f32 v10, v6;
	[tilespmem:s15+$0xFFFFFFB0] =	vst v8  }
0x11b: {  	v8 =	vbroadcast v16, $0x1;
	v10 =	vld [tilespmem:s15+$0x40];
	v0 =	vmul.f32 v12, v0;
	[tilespmem:s15+$0xFFFFFFC0] =	vst v4  }
0x11c: {  	v11 =	vld [tilespmem:s15+$0x50];
	v4 =	vbroadcast v16, $0x2;
	v5 =	vmul.f32 v5, v13;
	[tilespmem:s15+$0xFFFFFFD0] =	vst v6  }
0x11d: {  	v12 =	vld [tilespmem:s15+$0x60];
	v6 =	vbroadcast v16, $0x3;
	v8 =	vmul.f32 v8, v9;
	[tilespmem:s15+$0xFFFFFFE0] =	vst v0  }
0x11e: {  	v0 =	vbroadcast v16, $0x4;
	v1 =	vmul.f32 v4, v1;
	[tilespmem:s15+$0x0] =	vst v5  }
0x11f: {  	v4 =	vbroadcast v16, $0x5;
	[tilespmem:s15+$0x10] =	vst v8;
	v5 =	vmul.f32 v7, v6  }
0x120: {  	v0 =	vmul.f32 v10, v0;
	[tilespmem:s15+$0x20] =	vst v1;
	v1 =	vbroadcast v16, $0x6  }
0x121: {  	v4 =	vmul.f32 v11, v4;
	[tilespmem:s15+$0x30] =	vst v5  }
0x122: {  	[tilespmem:s15+$0x40] =	vst v0;
	v0 =	vmul.f32 v12, v1  }
0x123: {  	[tilespmem:s15+$0x50] =	vst v4  }
0x124: {  	[tilespmem:s15+$0x60] =	vst v0  }
0x125: {  	[spmem:s3] =	stream.indirect.scatter.add.f32 [tilespmem:s23], [sflag:$0x6], $0x90, s14, s17, $0xb8;
	[tilespmem:$0x1E120] =	vst v63  }
0x126: {  	_ =	swait.ge [sflag:s30], $0x1680  }
0x127: {  	[sflag:s30] =	ssyncset.done $0x0  }
0x128: {  	s8 =	sadd.s32 $0x78, s16;
	[sflag:s30] =	ssyncadd.s32 $0xFFFFE980  }
0x129: {  	[tilespmem:s31], [sflag:$0x4] =	stream.indirect.gather [hbm4b:s6+s17], $0x10, s8, s17, $0xb8;
	[tilespmem:$0x1E120] =	vst v63  }
0x12a: {  	s14 =	sadd.s32 $0x848, s16  }
0x12b: {  	[tilespmem:s0], [sflag:$0x4] =	stream.indirect.gather [hbm4b:s7+s17], $0x10, s14, s17, $0xb8;
	[tilespmem:$0x1E120] =	vst v63  }
0x12c: {  	_ = 	snop  }
0x12d: {  	[tilespmem:s1], [sflag:$0x4] =	stream.indirect.gather [hbm4b:s5+s17], $0x90, s8, s17, $0xb8;
	[tilespmem:$0x1E120] =	vst v63  }
0x12e: {  	_ =	swait.ge [sflag:s9], $0x280  }
0x12f: {  	[sflag:s9] =	ssyncset.done $0x0  }
0x130: {  	[sflag:s9] =	ssyncadd.s32 $0xFFFFFD80  }
0x131: {  	_ =	swait.ge [sflag:s9], $0x280  }
0x132: {  	[sflag:s9] =	ssyncset.done $0x0  }
0x133: {  	[sflag:s9] =	ssyncadd.s32 $0xFFFFFD80  }
0x134: {  	_ =	swait.ge [sflag:s9], $0x1680  }
0x135: {  	[sflag:s9] =	ssyncset.done $0x0  }
0x136: {  	s10 =	simm.s32 $0x14B0;
	[sflag:s9] =	ssyncadd.s32 $0xFFFFE980  }
0x137: {  	s8 =	simm.s32 $0x1EB0;
	v0 =	vld [tilespmem:s10+$0x0]  }
0x138: {  	v1 =	vld [tilespmem:s8+$0x0]  }
0x139: {  	v2 =	vld [tilespmem:s8+$0xFFFFFFF0]  }
0x13a: {  	v3 =	vld [tilespmem:s10+$0xFFFFFFF0];
	_ =	sdelay $0x2  }
0x13b: {  	v0 =	vadd.f32 v1, v0;
	_ =	sdelay $0x1  }
0x13c: {  	v1 =	vadd.f32 v2, v3;
	v2 =	vmul.f32 $2.000000030e-01, v0;
	_ =	sdelay $0x1  }
0x13d: {  	v3 =	vmul.f32 $2.000000030e-01, v1;
	v0 =	vmax.f32 v0, v2  }
0x13e: {  	v0 =	vmul.f32 $1.442695020e+00, v0  }
0x13f: {  	v1 =	vmax.f32 v1, v3  }
0x140: {  	s25 =	simm.s32 $0x1ED0;
	v1 =	vmul.f32 $1.442695020e+00, v1;
	(erf) = vpow2.f32 v0  }
0x141: {  	s15 =	simm.s32 $0x14D0;
	v2 =	vld [tilespmem:s25+$0x0]  }
0x142: {  	(erf) = vpow2.f32 v1;
	v1 =	vld [tilespmem:s15+$0x0]  }
0x143: {  	v5 =	vld [tilespmem:s15+$0xFFFFFFF0]  }
0x144: {  	v3 =	vld [tilespmem:s25+$0xFFFFFFF0];
	_ =	sdelay $0x2  }
0x145: {  	s10 =	simm.s32 $0x5130;
	v1 =	vadd.f32 v2, v1  }
0x146: {  	v7 =	vld [tilespmem:s10+$0xFFFFFF70]  }
0x147: {  	v11 =	vld [tilespmem:s10+$0xFFFFFF80];
	v3 =	vadd.f32 v3, v5;
	v5 =	vmul.f32 $2.000000030e-01, v1;
	v4 =	vpop (erf)  }
0x148: {  	v14 =	vld [tilespmem:s10+$0xFFFFFFA0];
	v6 =	vbroadcast v4, $0x0;
	v8 =	vbroadcast v4, $0x7  }
0x149: {  	v0 =	vld [tilespmem:s10+$0x70];
	v9 =	vbroadcast v4, $0x1;
	v12 =	vbroadcast v4, $0x2  }
0x14a: {  	v16 =	vld [tilespmem:s10+$0xFFFFFFB0];
	v10 =	vpop (erf);
	v24 =	vbroadcast v4, $0x3;
	v27 =	vbroadcast v4, $0x4  }
0x14b: {  	v2 =	vld [tilespmem:s10+$0xFFFFFF90];
	v13 =	vbroadcast v10, $0x0;
	v15 =	vbroadcast v10, $0x2  }
0x14c: {  	v19 =	vld [tilespmem:s10+$0xFFFFFFC0];
	v17 =	vbroadcast v10, $0x3;
	v18 =	vbroadcast v10, $0x4  }
0x14d: {  	v29 =	vld [tilespmem:s10+$0x20];
	v1 =	vmax.f32 v1, v5;
	v20 =	vbroadcast v10, $0x5;
	v21 =	vbroadcast v10, $0x6  }
0x14e: {  	v22 =	vld [tilespmem:s10+$0x0];
	v1 =	vmul.f32 $1.442695020e+00, v1;
	v0 =	vmul.f32 v0, v8  }
0x14f: {  	v25 =	vld [tilespmem:s10+$0xFFFFFFE0];
	v23 =	vbroadcast v10, $0x7;
	v8 =	vbroadcast v10, $0x1  }
0x150: {  	v26 =	vld [tilespmem:s10+$0x10];
	v2 =	vmul.f32 v15, v2;
	[tilespmem:s10+$0x70] =	vst v0;
	v0 =	vmul.f32 $2.000000030e-01, v3  }
0x151: {  	s8 =	simm.s32 $0x1EF0;
	v5 =	vld [tilespmem:s10+$0xFFFFFFD0];
	[tilespmem:s10+$0xFFFFFFF0] =	vst v10;
	(erf) = vpow2.f32 v1;
	v10 =	vmul.f32 v16, v18  }
0x152: {  	s26 =	simm.s32 $0x14F0;
	v28 =	vbroadcast v4, $0x5;
	[tilespmem:s10+$0xFFFFFF90] =	vst v2;
	v2 =	vmul.f32 v12, v29;
	v12 =	vld [tilespmem:s8+$0x0];
	v0 =	vmax.f32 v3, v0  }
0x153: {  	[tilespmem:s10+$0xFFFFFFB0] =	vst v10;
	v10 =	vld [tilespmem:s26+$0xFFFFFFF0];
	v3 =	vmul.f32 $1.442695020e+00, v0;
	v0 =	vbroadcast v4, $0x6  }
0x154: {  	[tilespmem:s10+$0x80] =	vst v4;
	v4 =	vmul.f32 v13, v7;
	v7 =	vmul.f32 v8, v11;
	v8 =	vld [tilespmem:s10+$0x40]  }
0x155: {  	v11 =	vmul.f32 v14, v17;
	v13 =	vld [tilespmem:s10+$0x50]  }
0x156: {  	[tilespmem:s10+$0xFFFFFF80] =	vst v7;
	v7 =	vmul.f32 v9, v26;
	v9 =	vld [tilespmem:s26+$0x0]  }
0x157: {  	s2 =	simm.s32 $0x5250;
	(erf) = vpow2.f32 v3;
	[tilespmem:s10+$0xFFFFFFA0] =	vst v11;
	v11 =	vld [tilespmem:s8+$0xFFFFFFF0]  }
0x158: {  	v6 =	vmul.f32 v6, v22;
	v15 =	vld [tilespmem:s2+$0x70]  }
0x159: {  	[tilespmem:s10+$0xFFFFFF70] =	vst v4;
	v4 =	vmul.f32 v5, v21;
	v5 =	vmul.f32 v25, v23  }
0x15a: {  	[tilespmem:s10+$0x0] =	vst v6;
	v14 =	vmul.f32 v19, v20;
	v3 =	vld [tilespmem:s10+$0x30];
	v8 =	vmul.f32 v8, v27;
	v16 =	vpop (erf)  }
0x15b: {  	[tilespmem:s10+$0xFFFFFFE0] =	vst v5;
	v13 =	vmul.f32 v13, v28;
	v17 =	vbroadcast v16, $0x7;
	v5 =	vadd.f32 v12, v9  }
0x15c: {  	v56 =	vld [tilespmem:s2+$0xFFFFFF80];
	[tilespmem:s10+$0xFFFFFFD0] =	vst v4;
	v18 =	vbroadcast v16, $0x0;
	v19 =	vbroadcast v16, $0x1;
	v6 =	vadd.f32 v11, v10  }
0x15d: {  	v57 =	vld [tilespmem:s2+$0xFFFFFFA0];
	[tilespmem:s10+$0x10] =	vst v7;
	v4 =	vmul.f32 v15, v17;
	v7 =	vmul.f32 $2.000000030e-01, v5  }
0x15e: {  	v59 =	vld [tilespmem:s2+$0xFFFFFFC0];
	[tilespmem:s10+$0x20] =	vst v2;
	v53 =	vbroadcast v16, $0x2;
	v2 =	vmul.f32 $2.000000030e-01, v6  }
0x15f: {  	v62 =	vld [tilespmem:s2+$0xFFFFFFD0];
	v3 =	vmul.f32 v3, v24;
	[tilespmem:s2+$0x70] =	vst v4;
	v4 =	vmax.f32 v5, v7;
	v5 =	vbroadcast v16, $0x3  }
0x160: {  	v30 =	vld [tilespmem:s2+$0x0];
	v54 =	vpop (erf);
	v7 =	vmax.f32 v6, v2;
	v6 =	vbroadcast v16, $0x5;
	v2 =	vbroadcast v16, $0x6  }
0x161: {  	v31 =	vld [tilespmem:s2+$0xFFFFFFE0];
	v55 =	vbroadcast v54, $0x0;
	v9 =	vbroadcast v54, $0x1  }
0x162: {  	[tilespmem:s10+$0xFFFFFFC0] =	vst v14;
	v14 =	vld [tilespmem:s2+$0xFFFFFF70];
	v12 =	vbroadcast v54, $0x2;
	v17 =	vbroadcast v54, $0x3  }
0x163: {  	v15 =	vld [tilespmem:s2+$0xFFFFFF90];
	v58 =	vbroadcast v54, $0x4;
	v11 =	vbroadcast v54, $0x5  }
0x164: {  	v10 =	vld [tilespmem:s2+$0xFFFFFFB0];
	[tilespmem:s10+$0x30] =	vst v3;
	v60 =	vbroadcast v54, $0x6;
	v3 =	vmul.f32 $1.442695020e+00, v4  }
0x165: {  	v32 =	vld [tilespmem:s2+$0x10];
	[tilespmem:s2+$0x80] =	vst v16;
	v61 =	vbroadcast v54, $0x7;
	v4 =	vbroadcast v16, $0x4  }
0x166: {  	v63 =	vld [tilespmem:s2+$0x20];
	[tilespmem:s10+$0x40] =	vst v8;
	v7 =	vmul.f32 $1.442695020e+00, v7;
	(erf) = vpow2.f32 v3  }
0x167: {  	v1 =	vld [tilespmem:s10+$0x60];
	[tilespmem:s10+$0x50] =	vst v13;
	v3 =	vmul.f32 v55, v14;
	v8 =	vmul.f32 v9, v56  }
0x168: {  	[tilespmem:s2+$0xFFFFFFF0] =	vst v54;
	v12 =	vmul.f32 v12, v15;
	v9 =	vld [tilespmem:s2+$0x30];
	(erf) = vpow2.f32 v7  }
0x169: {  	v13 =	vmul.f32 v57, v17;
	v17 =	vmul.f32 v10, v58;
	v7 =	vld [tilespmem:s2+$0x40];
	[tilespmem:s2+$0xFFFFFF70] =	vst v3  }
0x16a: {  	v16 =	vmul.f32 v59, v11;
	v15 =	vmul.f32 v62, v60;
	[tilespmem:s2+$0xFFFFFF80] =	vst v8;
	v8 =	vld [tilespmem:s2+$0x50]  }
0x16b: {  	s15 =	simm.s32 $0x5370;
	v14 =	vmul.f32 v31, v61;
	v11 =	vmul.f32 v18, v30;
	[tilespmem:s2+$0xFFFFFF90] =	vst v12;
	v3 =	vld [tilespmem:s2+$0x60]  }
0x16c: {  	s25 =	simm.s32 $0x4;
	s26 =	simm.s32 $0x1510;
	v10 =	vmul.f32 v53, v63;
	v12 =	vld [tilespmem:s15+$0x70];
	[tilespmem:s2+$0xFFFFFFA0] =	vst v13;
	v13 =	vmul.f32 v19, v32  }
.LBB2_8:
0x16d: {  	v18 =	vld [tilespmem:s26+$0x0];
	s8 =	sadd.s32 $0x20, s8;
	[tilespmem:s2+$0xFFFFFFB0] =	vst v17;
	v5 =	vmul.f32 v9, v5;
	v9 =	vmul.f32 v1, v0;
	v0 =	vmov v2  }
0x16e: {  	s25 =	sadd.s32 $0x2, s25;
	v2 =	vld [tilespmem:s8+$0x0];
	[tilespmem:s2+$0xFFFFFFC0] =	vst v16;
	v4 =	vmul.f32 v7, v4  }
0x16f: {  	p0 =	slt.u32 s25, $0x26;
	v7 =	vld [tilespmem:s8+$0xFFFFFFF0];
	v16 =	vpop (erf);
	[tilespmem:s2+$0xFFFFFFD0] =	vst v15;
	v6 =	vmul.f32 v8, v6  }
0x170: {  	v8 =	vld [tilespmem:s26+$0xFFFFFFF0];
	v19 =	vbroadcast v16, $0x0;
	v15 =	vbroadcast v16, $0x7;
	[tilespmem:s2+$0xFFFFFFE0] =	vst v14;
	v1 =	vmov v3  }
0x171: {  	v20 =	vbroadcast v16, $0x1;
	v21 =	vbroadcast v16, $0x2;
	v3 =	vld [tilespmem:s15+$0xFFFFFF70];
	v14 =	vpop (erf);
	[tilespmem:s2+$0x0] =	vst v11  }
0x172: {  	v11 =	vbroadcast v14, $0x0;
	v17 =	vld [tilespmem:s15+$0xFFFFFF80];
	v12 =	vmul.f32 v12, v15;
	[tilespmem:s2+$0x10] =	vst v13  }
0x173: {  	v13 =	vbroadcast v14, $0x1;
	v15 =	vbroadcast v14, $0x2;
	v2 =	vadd.f32 v2, v18;
	v18 =	vld [tilespmem:s15+$0xFFFFFF90];
	[tilespmem:s2+$0x20] =	vst v10  }
0x174: {  	v23 =	vbroadcast v14, $0x4;
	v10 =	vbroadcast v14, $0x3;
	v22 =	vld [tilespmem:s15+$0xFFFFFFA0];
	[tilespmem:s15+$0x70] =	vst v12  }
0x175: {  	v24 =	vbroadcast v14, $0x5;
	v7 =	vadd.f32 v7, v8;
	v8 =	vmul.f32 $2.000000030e-01, v2;
	v12 =	vld [tilespmem:s15+$0xFFFFFFB0];
	[tilespmem:s2+$0x30] =	vst v5  }
0x176: {  	v26 =	vbroadcast v14, $0x6;
	v27 =	vbroadcast v14, $0x7;
	v25 =	vld [tilespmem:s15+$0xFFFFFFC0];
	[tilespmem:s2+$0x40] =	vst v4  }
0x177: {  	v5 =	vbroadcast v16, $0x3;
	v28 =	vmul.f32 $2.000000030e-01, v7;
	v2 =	vmax.f32 v2, v8;
	v8 =	vld [tilespmem:s15+$0xFFFFFFD0];
	[tilespmem:s2+$0x50] =	vst v6  }
0x178: {  	v4 =	vbroadcast v16, $0x4;
	v29 =	vmul.f32 $1.442695020e+00, v2;
	v30 =	vld [tilespmem:s15+$0xFFFFFFE0];
	[tilespmem:s10+$0x60] =	vst v9;
	s10 =	smov.u32 s2;
	s2 =	smov.u32 s15  }
0x179: {  	v6 =	vbroadcast v16, $0x5;
	v2 =	vbroadcast v16, $0x6;
	v7 =	vmax.f32 v7, v28;
	[tilespmem:s15+$0xFFFFFFF0] =	vst v14;
	v28 =	vld [tilespmem:s15+$0x0]  }
0x17a: {  	v7 =	vmul.f32 $1.442695020e+00, v7;
	(erf) = vpow2.f32 v29;
	[tilespmem:s15+$0x80] =	vst v16;
	v29 =	vld [tilespmem:s15+$0x10]  }
0x17b: {  	v3 =	vmul.f32 v11, v3;
	v11 =	vmul.f32 v13, v17;
	v31 =	vld [tilespmem:s15+$0x20]  }
.Ltmp2:
0x17c: {  	v13 =	vmul.f32 v15, v18;
	(erf) = vpow2.f32 v7;
	v9 =	vld [tilespmem:s15+$0x30];
	(pc) =	sbr.rel @p0 .LBB2_8-.Ltmp2, $4  }
0x17d: {  	v10 =	vmul.f32 v22, v10;
	v17 =	vmul.f32 v12, v23;
	[tilespmem:s15+$0xFFFFFF70] =	vst v3;
	v7 =	vld [tilespmem:s15+$0x40]  }
0x17e: {  	v16 =	vmul.f32 v25, v24;
	v15 =	vmul.f32 v8, v26;
	[tilespmem:s15+$0xFFFFFF80] =	vst v11;
	v8 =	vld [tilespmem:s15+$0x50]  }
0x17f: {  	v14 =	vmul.f32 v30, v27;
	v11 =	vmul.f32 v19, v28;
	s15 =	sadd.s32 $0x120, s15;
	[tilespmem:s2+$0xFFFFFF90] =	vst v13;
	v3 =	vld [tilespmem:s2+$0x60]  }
0x180: {  	s26 =	sadd.s32 $0x20, s26;
	v13 =	vmul.f32 v20, v29;
	v12 =	vld [tilespmem:s15+$0x70];
	[tilespmem:s2+$0xFFFFFFA0] =	vst v10;
	v10 =	vmul.f32 v21, v31  }
0x181: {  	[tilespmem:s2+$0xFFFFFFB0] =	vst v17  }
0x182: {  	[tilespmem:s2+$0xFFFFFFC0] =	vst v16  }
0x183: {  	[tilespmem:s2+$0xFFFFFFD0] =	vst v15  }
0x184: {  	[tilespmem:s2+$0xFFFFFFE0] =	vst v14  }
0x185: {  	[tilespmem:s2+$0x0] =	vst v11  }
0x186: {  	v5 =	vmul.f32 v9, v5;
	[tilespmem:s2+$0x10] =	vst v13  }
0x187: {  	v0 =	vmul.f32 v1, v0;
	[tilespmem:s2+$0x20] =	vst v10  }
0x188: {  	v4 =	vmul.f32 v7, v4;
	[tilespmem:s2+$0x30] =	vst v5  }
0x189: {  	v14 =	vld [tilespmem:s15+$0xFFFFFF70];
	[tilespmem:s10+$0x60] =	vst v0  }
0x18a: {  	v11 =	vld [tilespmem:s15+$0xFFFFFF80];
	v16 =	vpop (erf);
	v6 =	vmul.f32 v8, v6;
	[tilespmem:s2+$0x40] =	vst v4  }
0x18b: {  	v9 =	vld [tilespmem:s15+$0xFFFFFF90];
	v15 =	vbroadcast v16, $0x7;
	[tilespmem:s15+$0x80] =	vst v16;
	v1 =	vpop (erf)  }
0x18c: {  	v7 =	vld [tilespmem:s15+$0xFFFFFFA0];
	v2 =	vmul.f32 v3, v2;
	[tilespmem:s2+$0x50] =	vst v6;
	v4 =	vbroadcast v1, $0x0  }
0x18d: {  	v8 =	vld [tilespmem:s15+$0xFFFFFFB0];
	v12 =	vmul.f32 v12, v15;
	v6 =	vbroadcast v1, $0x1;
	[tilespmem:s15+$0xFFFFFFF0] =	vst v1  }
0x18e: {  	v5 =	vld [tilespmem:s15+$0xFFFFFFC0];
	v0 =	vbroadcast v1, $0x2;
	[tilespmem:s2+$0x60] =	vst v2;
	v4 =	vmul.f32 v4, v14  }
0x18f: {  	v10 =	vld [tilespmem:s15+$0xFFFFFFD0];
	[tilespmem:s15+$0x70] =	vst v12;
	v14 =	vbroadcast v1, $0x3;
	v6 =	vmul.f32 v6, v11  }
0x190: {  	v12 =	vld [tilespmem:s15+$0xFFFFFFE0];
	v11 =	vbroadcast v1, $0x4;
	v0 =	vmul.f32 v0, v9;
	[tilespmem:s15+$0xFFFFFF70] =	vst v4  }
0x191: {  	v13 =	vld [tilespmem:s15+$0x0];
	v4 =	vbroadcast v1, $0x5;
	v7 =	vmul.f32 v7, v14;
	[tilespmem:s15+$0xFFFFFF80] =	vst v6  }
0x192: {  	v9 =	vld [tilespmem:s15+$0x10];
	v6 =	vbroadcast v1, $0x6;
	v8 =	vmul.f32 v8, v11;
	[tilespmem:s15+$0xFFFFFF90] =	vst v0  }
0x193: {  	v0 =	vbroadcast v1, $0x7;
	v1 =	vld [tilespmem:s15+$0x20];
	v4 =	vmul.f32 v5, v4;
	[tilespmem:s15+$0xFFFFFFA0] =	vst v7  }
0x194: {  	v5 =	vbroadcast v16, $0x0;
	v7 =	vld [tilespmem:s15+$0x30];
	v6 =	vmul.f32 v10, v6;
	[tilespmem:s15+$0xFFFFFFB0] =	vst v8  }
0x195: {  	v8 =	vbroadcast v16, $0x1;
	v10 =	vld [tilespmem:s15+$0x40];
	v0 =	vmul.f32 v12, v0;
	[tilespmem:s15+$0xFFFFFFC0] =	vst v4  }
0x196: {  	v11 =	vld [tilespmem:s15+$0x50];
	v4 =	vbroadcast v16, $0x2;
	v5 =	vmul.f32 v5, v13;
	[tilespmem:s15+$0xFFFFFFD0] =	vst v6  }
0x197: {  	v12 =	vld [tilespmem:s15+$0x60];
	v6 =	vbroadcast v16, $0x3;
	v8 =	vmul.f32 v8, v9;
	[tilespmem:s15+$0xFFFFFFE0] =	vst v0  }
0x198: {  	v0 =	vbroadcast v16, $0x4;
	v1 =	vmul.f32 v4, v1;
	[tilespmem:s15+$0x0] =	vst v5  }
0x199: {  	v4 =	vbroadcast v16, $0x5;
	[tilespmem:s15+$0x10] =	vst v8;
	v5 =	vmul.f32 v7, v6  }
0x19a: {  	v0 =	vmul.f32 v10, v0;
	[tilespmem:s15+$0x20] =	vst v1;
	v1 =	vbroadcast v16, $0x6  }
0x19b: {  	v4 =	vmul.f32 v11, v4;
	[tilespmem:s15+$0x30] =	vst v5  }
0x19c: {  	[tilespmem:s15+$0x40] =	vst v0;
	v0 =	vmul.f32 v12, v1  }
0x19d: {  	[tilespmem:s15+$0x50] =	vst v4  }
0x19e: {  	[tilespmem:s15+$0x60] =	vst v0  }
0x19f: {  	[spmem:s3] =	stream.indirect.scatter.add.f32 [tilespmem:s28], [sflag:$0x7], $0x90, s4, s17, $0xb8;
	[tilespmem:$0x1E120] =	vst v63  }
0x1a0: {  	_ =	swait.ge [sflag:s12], $0x1680  }
0x1a1: {  	[sflag:s12] =	ssyncset.done $0x0  }
0x1a2: {  	s8 =	sadd.s32 $0xA0, s16;
	[sflag:s12] =	ssyncadd.s32 $0xFFFFE980  }
0x1a3: {  	[tilespmem:s18], [sflag:$0x1] =	stream.indirect.gather [hbm4b:s6+s17], $0x10, s8, s17, $0xb8;
	[tilespmem:$0x1E120] =	vst v63  }
0x1a4: {  	s10 =	sadd.s32 $0x870, s16  }
0x1a5: {  	[tilespmem:s19], [sflag:$0x1] =	stream.indirect.gather [hbm4b:s7+s17], $0x10, s10, s17, $0xb8;
	[tilespmem:$0x1E120] =	vst v63  }
0x1a6: {  	_ = 	snop  }
0x1a7: {  	[tilespmem:s20], [sflag:$0x1] =	stream.indirect.gather [hbm4b:s5+s17], $0x90, s8, s17, $0xb8;
	[tilespmem:$0x1E120] =	vst v63  }
0x1a8: {  	_ =	swait.ge [sflag:s13], $0x280  }
0x1a9: {  	[sflag:s13] =	ssyncset.done $0x0  }
0x1aa: {  	[sflag:s13] =	ssyncadd.s32 $0xFFFFFD80  }
0x1ab: {  	_ =	swait.ge [sflag:s13], $0x280  }
0x1ac: {  	[sflag:s13] =	ssyncset.done $0x0  }
0x1ad: {  	[sflag:s13] =	ssyncadd.s32 $0xFFFFFD80  }
0x1ae: {  	_ =	swait.ge [sflag:s13], $0x1680  }
0x1af: {  	[sflag:s13] =	ssyncset.done $0x0  }
0x1b0: {  	s15 =	simm.s32 $0x1730;
	[sflag:s13] =	ssyncadd.s32 $0xFFFFE980  }
0x1b1: {  	s16 =	simm.s32 $0x2130;
	v0 =	vld [tilespmem:s15+$0x0]  }
0x1b2: {  	v1 =	vld [tilespmem:s16+$0x0]  }
0x1b3: {  	v2 =	vld [tilespmem:s16+$0xFFFFFFF0]  }
0x1b4: {  	v3 =	vld [tilespmem:s15+$0xFFFFFFF0];
	_ =	sdelay $0x2  }
0x1b5: {  	v0 =	vadd.f32 v1, v0;
	_ =	sdelay $0x1  }
0x1b6: {  	v1 =	vadd.f32 v2, v3;
	v2 =	vmul.f32 $2.000000030e-01, v0;
	_ =	sdelay $0x1  }
0x1b7: {  	v3 =	vmul.f32 $2.000000030e-01, v1;
	v0 =	vmax.f32 v0, v2  }
0x1b8: {  	v0 =	vmul.f32 $1.442695020e+00, v0  }
0x1b9: {  	v1 =	vmax.f32 v1, v3  }
0x1ba: {  	s8 =	simm.s32 $0x2150;
	v1 =	vmul.f32 $1.442695020e+00, v1;
	(erf) = vpow2.f32 v0  }
0x1bb: {  	s25 =	simm.s32 $0x1750;
	v2 =	vld [tilespmem:s8+$0x0]  }
0x1bc: {  	(erf) = vpow2.f32 v1;
	v1 =	vld [tilespmem:s25+$0x0]  }
0x1bd: {  	v5 =	vld [tilespmem:s25+$0xFFFFFFF0]  }
0x1be: {  	v3 =	vld [tilespmem:s8+$0xFFFFFFF0];
	_ =	sdelay $0x2  }
0x1bf: {  	s4 =	simm.s32 $0x67B0;
	v1 =	vadd.f32 v2, v1  }
0x1c0: {  	v7 =	vld [tilespmem:s4+$0xFFFFFF70]  }
0x1c1: {  	v11 =	vld [tilespmem:s4+$0xFFFFFF80];
	v3 =	vadd.f32 v3, v5;
	v5 =	vmul.f32 $2.000000030e-01, v1;
	v4 =	vpop (erf)  }
0x1c2: {  	v14 =	vld [tilespmem:s4+$0xFFFFFFA0];
	v6 =	vbroadcast v4, $0x0;
	v8 =	vbroadcast v4, $0x7  }
0x1c3: {  	v0 =	vld [tilespmem:s4+$0x70];
	v9 =	vbroadcast v4, $0x1;
	v12 =	vbroadcast v4, $0x2  }
0x1c4: {  	v16 =	vld [tilespmem:s4+$0xFFFFFFB0];
	v10 =	vpop (erf);
	v24 =	vbroadcast v4, $0x3;
	v27 =	vbroadcast v4, $0x4  }
0x1c5: {  	v2 =	vld [tilespmem:s4+$0xFFFFFF90];
	v13 =	vbroadcast v10, $0x0;
	v15 =	vbroadcast v10, $0x2  }
0x1c6: {  	v19 =	vld [tilespmem:s4+$0xFFFFFFC0];
	v17 =	vbroadcast v10, $0x3;
	v18 =	vbroadcast v10, $0x4  }
0x1c7: {  	v29 =	vld [tilespmem:s4+$0x20];
	v1 =	vmax.f32 v1, v5;
	v20 =	vbroadcast v10, $0x5;
	v21 =	vbroadcast v10, $0x6  }
0x1c8: {  	v22 =	vld [tilespmem:s4+$0x0];
	v1 =	vmul.f32 $1.442695020e+00, v1;
	v0 =	vmul.f32 v0, v8  }
0x1c9: {  	v25 =	vld [tilespmem:s4+$0xFFFFFFE0];
	v23 =	vbroadcast v10, $0x7;
	v8 =	vbroadcast v10, $0x1  }
0x1ca: {  	v26 =	vld [tilespmem:s4+$0x10];
	v2 =	vmul.f32 v15, v2;
	[tilespmem:s4+$0x70] =	vst v0;
	v0 =	vmul.f32 $2.000000030e-01, v3  }
0x1cb: {  	s8 =	simm.s32 $0x2170;
	v5 =	vld [tilespmem:s4+$0xFFFFFFD0];
	[tilespmem:s4+$0xFFFFFFF0] =	vst v10;
	(erf) = vpow2.f32 v1;
	v10 =	vmul.f32 v16, v18  }
0x1cc: {  	s26 =	simm.s32 $0x1770;
	v28 =	vbroadcast v4, $0x5;
	[tilespmem:s4+$0xFFFFFF90] =	vst v2;
	v2 =	vmul.f32 v12, v29;
	v12 =	vld [tilespmem:s8+$0x0];
	v0 =	vmax.f32 v3, v0  }
0x1cd: {  	[tilespmem:s4+$0xFFFFFFB0] =	vst v10;
	v10 =	vld [tilespmem:s26+$0xFFFFFFF0];
	v3 =	vmul.f32 $1.442695020e+00, v0;
	v0 =	vbroadcast v4, $0x6  }
0x1ce: {  	[tilespmem:s4+$0x80] =	vst v4;
	v4 =	vmul.f32 v13, v7;
	v7 =	vmul.f32 v8, v11;
	v8 =	vld [tilespmem:s4+$0x40]  }
0x1cf: {  	v11 =	vmul.f32 v14, v17;
	v13 =	vld [tilespmem:s4+$0x50]  }
0x1d0: {  	[tilespmem:s4+$0xFFFFFF80] =	vst v7;
	v7 =	vmul.f32 v9, v26;
	v9 =	vld [tilespmem:s26+$0x0]  }
0x1d1: {  	s2 =	simm.s32 $0x68D0;
	(erf) = vpow2.f32 v3;
	[tilespmem:s4+$0xFFFFFFA0] =	vst v11;
	v11 =	vld [tilespmem:s8+$0xFFFFFFF0]  }
0x1d2: {  	v6 =	vmul.f32 v6, v22;
	v15 =	vld [tilespmem:s2+$0x70]  }
0x1d3: {  	[tilespmem:s4+$0xFFFFFF70] =	vst v4;
	v4 =	vmul.f32 v5, v21;
	v5 =	vmul.f32 v25, v23  }
0x1d4: {  	[tilespmem:s4+$0x0] =	vst v6;
	v14 =	vmul.f32 v19, v20;
	v3 =	vld [tilespmem:s4+$0x30];
	v8 =	vmul.f32 v8, v27;
	v16 =	vpop (erf)  }
0x1d5: {  	[tilespmem:s4+$0xFFFFFFE0] =	vst v5;
	v13 =	vmul.f32 v13, v28;
	v17 =	vbroadcast v16, $0x7;
	v5 =	vadd.f32 v12, v9  }
0x1d6: {  	v56 =	vld [tilespmem:s2+$0xFFFFFF80];
	[tilespmem:s4+$0xFFFFFFD0] =	vst v4;
	v18 =	vbroadcast v16, $0x0;
	v19 =	vbroadcast v16, $0x1;
	v6 =	vadd.f32 v11, v10  }
0x1d7: {  	v57 =	vld [tilespmem:s2+$0xFFFFFFA0];
	[tilespmem:s4+$0x10] =	vst v7;
	v4 =	vmul.f32 v15, v17;
	v7 =	vmul.f32 $2.000000030e-01, v5  }
0x1d8: {  	v59 =	vld [tilespmem:s2+$0xFFFFFFC0];
	[tilespmem:s4+$0x20] =	vst v2;
	v53 =	vbroadcast v16, $0x2;
	v2 =	vmul.f32 $2.000000030e-01, v6  }
0x1d9: {  	v62 =	vld [tilespmem:s2+$0xFFFFFFD0];
	v3 =	vmul.f32 v3, v24;
	[tilespmem:s2+$0x70] =	vst v4;
	v4 =	vmax.f32 v5, v7;
	v5 =	vbroadcast v16, $0x3  }
0x1da: {  	v30 =	vld [tilespmem:s2+$0x0];
	v54 =	vpop (erf);
	v7 =	vmax.f32 v6, v2;
	v6 =	vbroadcast v16, $0x5;
	v2 =	vbroadcast v16, $0x6  }
0x1db: {  	v31 =	vld [tilespmem:s2+$0xFFFFFFE0];
	v55 =	vbroadcast v54, $0x0;
	v9 =	vbroadcast v54, $0x1  }
0x1dc: {  	[tilespmem:s4+$0xFFFFFFC0] =	vst v14;
	v14 =	vld [tilespmem:s2+$0xFFFFFF70];
	v12 =	vbroadcast v54, $0x2;
	v17 =	vbroadcast v54, $0x3  }
0x1dd: {  	v15 =	vld [tilespmem:s2+$0xFFFFFF90];
	v58 =	vbroadcast v54, $0x4;
	v11 =	vbroadcast v54, $0x5  }
0x1de: {  	v10 =	vld [tilespmem:s2+$0xFFFFFFB0];
	[tilespmem:s4+$0x30] =	vst v3;
	v60 =	vbroadcast v54, $0x6;
	v3 =	vmul.f32 $1.442695020e+00, v4  }
0x1df: {  	v32 =	vld [tilespmem:s2+$0x10];
	[tilespmem:s2+$0x80] =	vst v16;
	v61 =	vbroadcast v54, $0x7;
	v4 =	vbroadcast v16, $0x4  }
0x1e0: {  	v63 =	vld [tilespmem:s2+$0x20];
	[tilespmem:s4+$0x40] =	vst v8;
	v7 =	vmul.f32 $1.442695020e+00, v7;
	(erf) = vpow2.f32 v3  }
0x1e1: {  	v1 =	vld [tilespmem:s4+$0x60];
	[tilespmem:s4+$0x50] =	vst v13;
	v3 =	vmul.f32 v55, v14;
	v8 =	vmul.f32 v9, v56  }
0x1e2: {  	[tilespmem:s2+$0xFFFFFFF0] =	vst v54;
	v12 =	vmul.f32 v12, v15;
	v9 =	vld [tilespmem:s2+$0x30];
	(erf) = vpow2.f32 v7  }
0x1e3: {  	v13 =	vmul.f32 v57, v17;
	v17 =	vmul.f32 v10, v58;
	v7 =	vld [tilespmem:s2+$0x40];
	[tilespmem:s2+$0xFFFFFF70] =	vst v3  }
0x1e4: {  	v16 =	vmul.f32 v59, v11;
	v15 =	vmul.f32 v62, v60;
	[tilespmem:s2+$0xFFFFFF80] =	vst v8;
	v8 =	vld [tilespmem:s2+$0x50]  }
0x1e5: {  	s10 =	simm.s32 $0x69F0;
	v14 =	vmul.f32 v31, v61;
	v11 =	vmul.f32 v18, v30;
	[tilespmem:s2+$0xFFFFFF90] =	vst v12;
	v3 =	vld [tilespmem:s2+$0x60]  }
0x1e6: {  	s15 =	simm.s32 $0x4;
	s16 =	simm.s32 $0x1790;
	v10 =	vmul.f32 v53, v63;
	v12 =	vld [tilespmem:s10+$0x70];
	[tilespmem:s2+$0xFFFFFFA0] =	vst v13;
	v13 =	vmul.f32 v19, v32  }
.LBB2_10:
0x1e7: {  	v18 =	vld [tilespmem:s16+$0x0];
	s8 =	sadd.s32 $0x20, s8;
	[tilespmem:s2+$0xFFFFFFB0] =	vst v17;
	v5 =	vmul.f32 v9, v5;
	v9 =	vmul.f32 v1, v0;
	v0 =	vmov v2  }
0x1e8: {  	s15 =	sadd.s32 $0x2, s15;
	v2 =	vld [tilespmem:s8+$0x0];
	[tilespmem:s2+$0xFFFFFFC0] =	vst v16;
	v4 =	vmul.f32 v7, v4  }
0x1e9: {  	p0 =	slt.u32 s15, $0x26;
	v7 =	vld [tilespmem:s8+$0xFFFFFFF0];
	v16 =	vpop (erf);
	[tilespmem:s2+$0xFFFFFFD0] =	vst v15;
	v6 =	vmul.f32 v8, v6  }
0x1ea: {  	v8 =	vld [tilespmem:s16+$0xFFFFFFF0];
	v19 =	vbroadcast v16, $0x0;
	v15 =	vbroadcast v16, $0x7;
	[tilespmem:s2+$0xFFFFFFE0] =	vst v14;
	v1 =	vmov v3  }
0x1eb: {  	v20 =	vbroadcast v16, $0x1;
	v21 =	vbroadcast v16, $0x2;
	v3 =	vld [tilespmem:s10+$0xFFFFFF70];
	v14 =	vpop (erf);
	[tilespmem:s2+$0x0] =	vst v11  }
0x1ec: {  	v11 =	vbroadcast v14, $0x0;
	v17 =	vld [tilespmem:s10+$0xFFFFFF80];
	v12 =	vmul.f32 v12, v15;
	[tilespmem:s2+$0x10] =	vst v13  }
0x1ed: {  	v13 =	vbroadcast v14, $0x1;
	v15 =	vbroadcast v14, $0x2;
	v2 =	vadd.f32 v2, v18;
	v18 =	vld [tilespmem:s10+$0xFFFFFF90];
	[tilespmem:s2+$0x20] =	vst v10  }
0x1ee: {  	v23 =	vbroadcast v14, $0x4;
	v10 =	vbroadcast v14, $0x3;
	v22 =	vld [tilespmem:s10+$0xFFFFFFA0];
	[tilespmem:s10+$0x70] =	vst v12  }
0x1ef: {  	v24 =	vbroadcast v14, $0x5;
	v7 =	vadd.f32 v7, v8;
	v8 =	vmul.f32 $2.000000030e-01, v2;
	v12 =	vld [tilespmem:s10+$0xFFFFFFB0];
	[tilespmem:s2+$0x30] =	vst v5  }
0x1f0: {  	v26 =	vbroadcast v14, $0x6;
	v27 =	vbroadcast v14, $0x7;
	v25 =	vld [tilespmem:s10+$0xFFFFFFC0];
	[tilespmem:s2+$0x40] =	vst v4  }
0x1f1: {  	v5 =	vbroadcast v16, $0x3;
	v28 =	vmul.f32 $2.000000030e-01, v7;
	v2 =	vmax.f32 v2, v8;
	v8 =	vld [tilespmem:s10+$0xFFFFFFD0];
	[tilespmem:s2+$0x50] =	vst v6  }
0x1f2: {  	v4 =	vbroadcast v16, $0x4;
	v29 =	vmul.f32 $1.442695020e+00, v2;
	v30 =	vld [tilespmem:s10+$0xFFFFFFE0];
	[tilespmem:s4+$0x60] =	vst v9;
	s4 =	smov.u32 s2;
	s2 =	smov.u32 s10  }
0x1f3: {  	v6 =	vbroadcast v16, $0x5;
	v2 =	vbroadcast v16, $0x6;
	v7 =	vmax.f32 v7, v28;
	[tilespmem:s10+$0xFFFFFFF0] =	vst v14;
	v28 =	vld [tilespmem:s10+$0x0]  }
0x1f4: {  	v7 =	vmul.f32 $1.442695020e+00, v7;
	(erf) = vpow2.f32 v29;
	[tilespmem:s10+$0x80] =	vst v16;
	v29 =	vld [tilespmem:s10+$0x10]  }
0x1f5: {  	v3 =	vmul.f32 v11, v3;
	v11 =	vmul.f32 v13, v17;
	v31 =	vld [tilespmem:s10+$0x20]  }
.Ltmp3:
0x1f6: {  	v13 =	vmul.f32 v15, v18;
	(erf) = vpow2.f32 v7;
	v9 =	vld [tilespmem:s10+$0x30];
	(pc) =	sbr.rel @p0 .LBB2_10-.Ltmp3, $4  }
0x1f7: {  	v10 =	vmul.f32 v22, v10;
	v17 =	vmul.f32 v12, v23;
	[tilespmem:s10+$0xFFFFFF70] =	vst v3;
	v7 =	vld [tilespmem:s10+$0x40]  }
0x1f8: {  	v16 =	vmul.f32 v25, v24;
	v15 =	vmul.f32 v8, v26;
	[tilespmem:s10+$0xFFFFFF80] =	vst v11;
	v8 =	vld [tilespmem:s10+$0x50]  }
0x1f9: {  	v14 =	vmul.f32 v30, v27;
	v11 =	vmul.f32 v19, v28;
	s10 =	sadd.s32 $0x120, s10;
	[tilespmem:s2+$0xFFFFFF90] =	vst v13;
	v3 =	vld [tilespmem:s2+$0x60]  }
0x1fa: {  	s16 =	sadd.s32 $0x20, s16;
	v13 =	vmul.f32 v20, v29;
	v12 =	vld [tilespmem:s10+$0x70];
	[tilespmem:s2+$0xFFFFFFA0] =	vst v10;
	v10 =	vmul.f32 v21, v31  }
0x1fb: {  	[tilespmem:s2+$0xFFFFFFB0] =	vst v17  }
0x1fc: {  	[tilespmem:s2+$0xFFFFFFC0] =	vst v16  }
0x1fd: {  	[tilespmem:s2+$0xFFFFFFD0] =	vst v15  }
0x1fe: {  	[tilespmem:s2+$0xFFFFFFE0] =	vst v14  }
0x1ff: {  	[tilespmem:s2+$0x0] =	vst v11  }
0x200: {  	v5 =	vmul.f32 v9, v5;
	[tilespmem:s2+$0x10] =	vst v13  }
0x201: {  	v0 =	vmul.f32 v1, v0;
	[tilespmem:s2+$0x20] =	vst v10  }
0x202: {  	v4 =	vmul.f32 v7, v4;
	[tilespmem:s2+$0x30] =	vst v5  }
0x203: {  	v43 =	vld [tilespmem:s10+$0x0];
	[tilespmem:s4+$0x60] =	vst v0  }
0x204: {  	v50 =	vld [tilespmem:s10+$0x20];
	v29 =	vpop (erf);
	v6 =	vmul.f32 v8, v6;
	[tilespmem:s2+$0x40] =	vst v4  }
0x205: {  	v52 =	vld [tilespmem:s10+$0x30];
	v30 =	vbroadcast v29, $0x7;
	[tilespmem:s10+$0x80] =	vst v29  }
0x206: {  	v58 =	vld [tilespmem:s10+$0x60];
	v51 =	vbroadcast v29, $0x0;
	v2 =	vmul.f32 v3, v2;
	v36 =	vpop (erf);
	[tilespmem:s2+$0x50] =	vst v6  }
0x207: {  	v31 =	vld [tilespmem:s10+$0xFFFFFF70];
	v55 =	vbroadcast v29, $0x2;
	v12 =	vmul.f32 v12, v30;
	[tilespmem:s10+$0xFFFFFFF0] =	vst v36  }
0x208: {  	v32 =	vld [tilespmem:s10+$0xFFFFFF80];
	v57 =	vbroadcast v29, $0x3;
	v5 =	vmul.f32 v51, v43;
	[tilespmem:s2+$0x60] =	vst v2  }
0x209: {  	v33 =	vld [tilespmem:s10+$0xFFFFFF90];
	v62 =	vbroadcast v29, $0x6;
	v1 =	vmul.f32 v55, v50;
	[tilespmem:s10+$0x70] =	vst v12  }
0x20a: {  	v34 =	vld [tilespmem:s10+$0xFFFFFFA0];
	v38 =	vbroadcast v36, $0x0;
	v61 =	vmul.f32 v52, v57;
	[tilespmem:s10+$0x0] =	vst v5  }
0x20b: {  	v35 =	vld [tilespmem:s10+$0xFFFFFFB0];
	v40 =	vbroadcast v36, $0x1;
	v63 =	vmul.f32 v58, v62;
	[tilespmem:s10+$0x20] =	vst v1  }
0x20c: {  	v37 =	vld [tilespmem:s10+$0xFFFFFFC0];
	v42 =	vbroadcast v36, $0x2;
	v4 =	vmul.f32 v38, v31;
	[tilespmem:s10+$0x30] =	vst v61  }
0x20d: {  	v39 =	vld [tilespmem:s10+$0xFFFFFFD0];
	v44 =	vbroadcast v36, $0x3;
	v6 =	vmul.f32 v40, v32;
	[tilespmem:s10+$0x60] =	vst v63  }
0x20e: {  	v41 =	vld [tilespmem:s10+$0xFFFFFFE0];
	v45 =	vbroadcast v36, $0x4;
	v0 =	vmul.f32 v42, v33;
	[tilespmem:s10+$0xFFFFFF70] =	vst v4  }
0x20f: {  	v48 =	vld [tilespmem:s10+$0x10];
	v46 =	vbroadcast v36, $0x5;
	v7 =	vmul.f32 v34, v44;
	[tilespmem:s10+$0xFFFFFF80] =	vst v6  }
0x210: {  	v54 =	vld [tilespmem:s10+$0x40];
	v47 =	vbroadcast v36, $0x6;
	v8 =	vmul.f32 v35, v45;
	[tilespmem:s10+$0xFFFFFF90] =	vst v0  }
0x211: {  	v56 =	vld [tilespmem:s10+$0x50];
	v49 =	vbroadcast v36, $0x7;
	v4 =	vmul.f32 v37, v46;
	[tilespmem:s10+$0xFFFFFFA0] =	vst v7  }
0x212: {  	v53 =	vbroadcast v29, $0x1;
	v6 =	vmul.f32 v39, v47;
	[tilespmem:s10+$0xFFFFFFB0] =	vst v8  }
0x213: {  	s11 =	sadd.s32 $0x1, s11;
	v59 =	vbroadcast v29, $0x4;
	v0 =	vmul.f32 v41, v49;
	[tilespmem:s10+$0xFFFFFFC0] =	vst v4  }
0x214: {  	p0 =	sne.s32 s11, $0xC;
	v60 =	vbroadcast v29, $0x5;
	v8 =	vmul.f32 v53, v48;
	[tilespmem:s10+$0xFFFFFFD0] =	vst v6  }
.Ltmp4:
0x215: {  	[tilespmem:s10+$0xFFFFFFE0] =	vst v0;
	v0 =	vmul.f32 v54, v59;
	(pc) =	sbr.rel @p0 .LBB2_3-.Ltmp4, $4  }
0x216: {  	[tilespmem:s10+$0x10] =	vst v8;
	v4 =	vmul.f32 v56, v60  }
0x217: {  	[tilespmem:s10+$0x40] =	vst v0  }
0x218: {  	[tilespmem:s10+$0x50] =	vst v4  }
0x219: {  	[spmem:s3] =	stream.indirect.scatter.add.f32 [tilespmem:s1], [sflag:$0x8], $0x90, s14, s17, $0xb8;
	[tilespmem:$0x1E120] =	vst v63  }
0x21a: {  	s2 =	simm.s32 $0x7  }
0x21b: {  	_ =	swait.ge [sflag:s2], $0x1680  }
0x21c: {  	[sflag:s2] =	ssyncset.done $0x0  }
0x21d: {  	s16 =	simm.s32 $0x7A8;
	[sflag:s2] =	ssyncadd.s32 $0xFFFFE980  }
0x21e: {  	[tilespmem:s21], [sflag:$0x2] =	stream.indirect.gather [hbm4b:s6+s17], $0x10, s16, s17, $0xb8;
	[tilespmem:$0x1E120] =	vst v63  }
0x21f: {  	s15 =	simm.s32 $0xF78  }
0x220: {  	[tilespmem:s22], [sflag:$0x2] =	stream.indirect.gather [hbm4b:s7+s17], $0x10, s15, s17, $0xb8;
	[tilespmem:$0x1E120] =	vst v63  }
0x221: {  	_ = 	snop  }
0x222: {  	[tilespmem:s23], [sflag:$0x2] =	stream.indirect.gather [hbm4b:s5+s17], $0x90, s16, s17, $0xb8;
	[tilespmem:$0x1E120] =	vst v63  }
0x223: {  	_ =	swait.ge [sflag:s24], $0x280  }
0x224: {  	[sflag:s24] =	ssyncset.done $0x0  }
0x225: {  	[sflag:s24] =	ssyncadd.s32 $0xFFFFFD80  }
0x226: {  	_ =	swait.ge [sflag:s24], $0x280  }
0x227: {  	[sflag:s24] =	ssyncset.done $0x0  }
0x228: {  	[sflag:s24] =	ssyncadd.s32 $0xFFFFFD80  }
0x229: {  	_ =	swait.ge [sflag:s24], $0x1680  }
0x22a: {  	[sflag:s24] =	ssyncset.done $0x0  }
0x22b: {  	s25 =	simm.s32 $0xFB0;
	[sflag:s24] =	ssyncadd.s32 $0xFFFFE980  }
0x22c: {  	s4 =	simm.s32 $0x19B0;
	v0 =	vld [tilespmem:s25+$0x0]  }
0x22d: {  	v1 =	vld [tilespmem:s4+$0x0]  }
0x22e: {  	v2 =	vld [tilespmem:s4+$0xFFFFFFF0]  }
0x22f: {  	v3 =	vld [tilespmem:s25+$0xFFFFFFF0];
	_ =	sdelay $0x2  }
0x230: {  	v0 =	vadd.f32 v1, v0;
	_ =	sdelay $0x1  }
0x231: {  	v1 =	vadd.f32 v2, v3;
	v2 =	vmul.f32 $2.000000030e-01, v0;
	_ =	sdelay $0x1  }
0x232: {  	v3 =	vmul.f32 $2.000000030e-01, v1;
	v0 =	vmax.f32 v0, v2  }
0x233: {  	v0 =	vmul.f32 $1.442695020e+00, v0  }
0x234: {  	v1 =	vmax.f32 v1, v3  }
0x235: {  	s8 =	simm.s32 $0x19D0;
	v1 =	vmul.f32 $1.442695020e+00, v1;
	(erf) = vpow2.f32 v0  }
0x236: {  	s26 =	simm.s32 $0xFD0;
	v2 =	vld [tilespmem:s8+$0x0]  }
0x237: {  	(erf) = vpow2.f32 v1;
	v1 =	vld [tilespmem:s26+$0x0]  }
0x238: {  	v5 =	vld [tilespmem:s26+$0xFFFFFFF0]  }
0x239: {  	v3 =	vld [tilespmem:s8+$0xFFFFFFF0];
	_ =	sdelay $0x2  }
0x23a: {  	s4 =	simm.s32 $0x2430;
	v1 =	vadd.f32 v2, v1  }
0x23b: {  	v7 =	vld [tilespmem:s4+$0xFFFFFF70]  }
0x23c: {  	v11 =	vld [tilespmem:s4+$0xFFFFFF80];
	v3 =	vadd.f32 v3, v5;
	v5 =	vmul.f32 $2.000000030e-01, v1;
	v4 =	vpop (erf)  }
0x23d: {  	v14 =	vld [tilespmem:s4+$0xFFFFFFA0];
	v6 =	vbroadcast v4, $0x0;
	v8 =	vbroadcast v4, $0x7  }
0x23e: {  	v0 =	vld [tilespmem:s4+$0x70];
	v9 =	vbroadcast v4, $0x1;
	v12 =	vbroadcast v4, $0x2  }
0x23f: {  	v16 =	vld [tilespmem:s4+$0xFFFFFFB0];
	v10 =	vpop (erf);
	v24 =	vbroadcast v4, $0x3;
	v27 =	vbroadcast v4, $0x4  }
0x240: {  	v2 =	vld [tilespmem:s4+$0xFFFFFF90];
	v13 =	vbroadcast v10, $0x0;
	v15 =	vbroadcast v10, $0x2  }
0x241: {  	v19 =	vld [tilespmem:s4+$0xFFFFFFC0];
	v17 =	vbroadcast v10, $0x3;
	v18 =	vbroadcast v10, $0x4  }
0x242: {  	v29 =	vld [tilespmem:s4+$0x20];
	v1 =	vmax.f32 v1, v5;
	v20 =	vbroadcast v10, $0x5;
	v21 =	vbroadcast v10, $0x6  }
0x243: {  	v22 =	vld [tilespmem:s4+$0x0];
	v1 =	vmul.f32 $1.442695020e+00, v1;
	v0 =	vmul.f32 v0, v8  }
0x244: {  	v25 =	vld [tilespmem:s4+$0xFFFFFFE0];
	v23 =	vbroadcast v10, $0x7;
	v8 =	vbroadcast v10, $0x1  }
0x245: {  	v26 =	vld [tilespmem:s4+$0x10];
	v2 =	vmul.f32 v15, v2;
	[tilespmem:s4+$0x70] =	vst v0;
	v0 =	vmul.f32 $2.000000030e-01, v3  }
0x246: {  	s8 =	simm.s32 $0x19F0;
	v5 =	vld [tilespmem:s4+$0xFFFFFFD0];
	[tilespmem:s4+$0xFFFFFFF0] =	vst v10;
	(erf) = vpow2.f32 v1;
	v10 =	vmul.f32 v16, v18  }
0x247: {  	s10 =	simm.s32 $0xFF0;
	v28 =	vbroadcast v4, $0x5;
	[tilespmem:s4+$0xFFFFFF90] =	vst v2;
	v2 =	vmul.f32 v12, v29;
	v12 =	vld [tilespmem:s8+$0x0];
	v0 =	vmax.f32 v3, v0  }
0x248: {  	[tilespmem:s4+$0xFFFFFFB0] =	vst v10;
	v10 =	vld [tilespmem:s10+$0xFFFFFFF0];
	v3 =	vmul.f32 $1.442695020e+00, v0;
	v0 =	vbroadcast v4, $0x6  }
0x249: {  	[tilespmem:s4+$0x80] =	vst v4;
	v4 =	vmul.f32 v13, v7;
	v7 =	vmul.f32 v8, v11;
	v8 =	vld [tilespmem:s4+$0x40]  }
0x24a: {  	v11 =	vmul.f32 v14, v17;
	v13 =	vld [tilespmem:s4+$0x50]  }
0x24b: {  	[tilespmem:s4+$0xFFFFFF80] =	vst v7;
	v7 =	vmul.f32 v9, v26;
	v9 =	vld [tilespmem:s10+$0x0]  }
0x24c: {  	s2 =	simm.s32 $0x2550;
	(erf) = vpow2.f32 v3;
	[tilespmem:s4+$0xFFFFFFA0] =	vst v11;
	v11 =	vld [tilespmem:s8+$0xFFFFFFF0]  }
0x24d: {  	v6 =	vmul.f32 v6, v22;
	v15 =	vld [tilespmem:s2+$0x70]  }
0x24e: {  	[tilespmem:s4+$0xFFFFFF70] =	vst v4;
	v4 =	vmul.f32 v5, v21;
	v5 =	vmul.f32 v25, v23  }
0x24f: {  	[tilespmem:s4+$0x0] =	vst v6;
	v14 =	vmul.f32 v19, v20;
	v3 =	vld [tilespmem:s4+$0x30];
	v8 =	vmul.f32 v8, v27;
	v16 =	vpop (erf)  }
0x250: {  	[tilespmem:s4+$0xFFFFFFE0] =	vst v5;
	v13 =	vmul.f32 v13, v28;
	v17 =	vbroadcast v16, $0x7;
	v5 =	vadd.f32 v12, v9  }
0x251: {  	v56 =	vld [tilespmem:s2+$0xFFFFFF80];
	[tilespmem:s4+$0xFFFFFFD0] =	vst v4;
	v18 =	vbroadcast v16, $0x0;
	v19 =	vbroadcast v16, $0x1;
	v6 =	vadd.f32 v11, v10  }
0x252: {  	v57 =	vld [tilespmem:s2+$0xFFFFFFA0];
	[tilespmem:s4+$0x10] =	vst v7;
	v4 =	vmul.f32 v15, v17;
	v7 =	vmul.f32 $2.000000030e-01, v5  }
0x253: {  	v59 =	vld [tilespmem:s2+$0xFFFFFFC0];
	[tilespmem:s4+$0x20] =	vst v2;
	v53 =	vbroadcast v16, $0x2;
	v2 =	vmul.f32 $2.000000030e-01, v6  }
0x254: {  	v62 =	vld [tilespmem:s2+$0xFFFFFFD0];
	v3 =	vmul.f32 v3, v24;
	[tilespmem:s2+$0x70] =	vst v4;
	v4 =	vmax.f32 v5, v7;
	v5 =	vbroadcast v16, $0x3  }
0x255: {  	v30 =	vld [tilespmem:s2+$0x0];
	v54 =	vpop (erf);
	v7 =	vmax.f32 v6, v2;
	v6 =	vbroadcast v16, $0x5;
	v2 =	vbroadcast v16, $0x6  }
0x256: {  	v31 =	vld [tilespmem:s2+$0xFFFFFFE0];
	v55 =	vbroadcast v54, $0x0;
	v9 =	vbroadcast v54, $0x1  }
0x257: {  	[tilespmem:s4+$0xFFFFFFC0] =	vst v14;
	v14 =	vld [tilespmem:s2+$0xFFFFFF70];
	v12 =	vbroadcast v54, $0x2;
	v17 =	vbroadcast v54, $0x3  }
0x258: {  	v15 =	vld [tilespmem:s2+$0xFFFFFF90];
	v58 =	vbroadcast v54, $0x4;
	v11 =	vbroadcast v54, $0x5  }
0x259: {  	v10 =	vld [tilespmem:s2+$0xFFFFFFB0];
	[tilespmem:s4+$0x30] =	vst v3;
	v60 =	vbroadcast v54, $0x6;
	v3 =	vmul.f32 $1.442695020e+00, v4  }
0x25a: {  	v32 =	vld [tilespmem:s2+$0x10];
	[tilespmem:s2+$0x80] =	vst v16;
	v61 =	vbroadcast v54, $0x7;
	v4 =	vbroadcast v16, $0x4  }
0x25b: {  	v63 =	vld [tilespmem:s2+$0x20];
	[tilespmem:s4+$0x40] =	vst v8;
	v7 =	vmul.f32 $1.442695020e+00, v7;
	(erf) = vpow2.f32 v3  }
0x25c: {  	v1 =	vld [tilespmem:s4+$0x60];
	[tilespmem:s4+$0x50] =	vst v13;
	v3 =	vmul.f32 v55, v14;
	v8 =	vmul.f32 v9, v56  }
0x25d: {  	[tilespmem:s2+$0xFFFFFFF0] =	vst v54;
	v12 =	vmul.f32 v12, v15;
	v9 =	vld [tilespmem:s2+$0x30];
	(erf) = vpow2.f32 v7  }
0x25e: {  	v13 =	vmul.f32 v57, v17;
	v17 =	vmul.f32 v10, v58;
	v7 =	vld [tilespmem:s2+$0x40];
	[tilespmem:s2+$0xFFFFFF70] =	vst v3  }
0x25f: {  	v16 =	vmul.f32 v59, v11;
	v15 =	vmul.f32 v62, v60;
	[tilespmem:s2+$0xFFFFFF80] =	vst v8;
	v8 =	vld [tilespmem:s2+$0x50]  }
0x260: {  	s10 =	simm.s32 $0x2670;
	v14 =	vmul.f32 v31, v61;
	v11 =	vmul.f32 v18, v30;
	[tilespmem:s2+$0xFFFFFF90] =	vst v12;
	v3 =	vld [tilespmem:s2+$0x60]  }
0x261: {  	s11 =	simm.s32 $0x4;
	s14 =	simm.s32 $0x1010;
	v10 =	vmul.f32 v53, v63;
	v12 =	vld [tilespmem:s10+$0x70];
	[tilespmem:s2+$0xFFFFFFA0] =	vst v13;
	v13 =	vmul.f32 v19, v32  }
.LBB2_13:
0x262: {  	v18 =	vld [tilespmem:s14+$0x0];
	s8 =	sadd.s32 $0x20, s8;
	[tilespmem:s2+$0xFFFFFFB0] =	vst v17;
	v5 =	vmul.f32 v9, v5;
	v9 =	vmul.f32 v1, v0;
	v0 =	vmov v2  }
0x263: {  	s11 =	sadd.s32 $0x2, s11;
	v2 =	vld [tilespmem:s8+$0x0];
	[tilespmem:s2+$0xFFFFFFC0] =	vst v16;
	v4 =	vmul.f32 v7, v4  }
0x264: {  	p0 =	slt.u32 s11, $0x26;
	v7 =	vld [tilespmem:s8+$0xFFFFFFF0];
	v16 =	vpop (erf);
	[tilespmem:s2+$0xFFFFFFD0] =	vst v15;
	v6 =	vmul.f32 v8, v6  }
0x265: {  	v8 =	vld [tilespmem:s14+$0xFFFFFFF0];
	v19 =	vbroadcast v16, $0x0;
	v15 =	vbroadcast v16, $0x7;
	[tilespmem:s2+$0xFFFFFFE0] =	vst v14;
	v1 =	vmov v3  }
0x266: {  	v20 =	vbroadcast v16, $0x1;
	v21 =	vbroadcast v16, $0x2;
	v3 =	vld [tilespmem:s10+$0xFFFFFF70];
	v14 =	vpop (erf);
	[tilespmem:s2+$0x0] =	vst v11  }
0x267: {  	v11 =	vbroadcast v14, $0x0;
	v17 =	vld [tilespmem:s10+$0xFFFFFF80];
	v12 =	vmul.f32 v12, v15;
	[tilespmem:s2+$0x10] =	vst v13  }
0x268: {  	v13 =	vbroadcast v14, $0x1;
	v15 =	vbroadcast v14, $0x2;
	v2 =	vadd.f32 v2, v18;
	v18 =	vld [tilespmem:s10+$0xFFFFFF90];
	[tilespmem:s2+$0x20] =	vst v10  }
0x269: {  	v23 =	vbroadcast v14, $0x4;
	v10 =	vbroadcast v14, $0x3;
	v22 =	vld [tilespmem:s10+$0xFFFFFFA0];
	[tilespmem:s10+$0x70] =	vst v12  }
0x26a: {  	v24 =	vbroadcast v14, $0x5;
	v7 =	vadd.f32 v7, v8;
	v8 =	vmul.f32 $2.000000030e-01, v2;
	v12 =	vld [tilespmem:s10+$0xFFFFFFB0];
	[tilespmem:s2+$0x30] =	vst v5  }
0x26b: {  	v26 =	vbroadcast v14, $0x6;
	v27 =	vbroadcast v14, $0x7;
	v25 =	vld [tilespmem:s10+$0xFFFFFFC0];
	[tilespmem:s2+$0x40] =	vst v4  }
0x26c: {  	v5 =	vbroadcast v16, $0x3;
	v28 =	vmul.f32 $2.000000030e-01, v7;
	v2 =	vmax.f32 v2, v8;
	v8 =	vld [tilespmem:s10+$0xFFFFFFD0];
	[tilespmem:s2+$0x50] =	vst v6  }
0x26d: {  	v4 =	vbroadcast v16, $0x4;
	v29 =	vmul.f32 $1.442695020e+00, v2;
	v30 =	vld [tilespmem:s10+$0xFFFFFFE0];
	[tilespmem:s4+$0x60] =	vst v9;
	s4 =	smov.u32 s2;
	s2 =	smov.u32 s10  }
0x26e: {  	v6 =	vbroadcast v16, $0x5;
	v2 =	vbroadcast v16, $0x6;
	v7 =	vmax.f32 v7, v28;
	[tilespmem:s10+$0xFFFFFFF0] =	vst v14;
	v28 =	vld [tilespmem:s10+$0x0]  }
0x26f: {  	v7 =	vmul.f32 $1.442695020e+00, v7;
	(erf) = vpow2.f32 v29;
	[tilespmem:s10+$0x80] =	vst v16;
	v29 =	vld [tilespmem:s10+$0x10]  }
0x270: {  	v3 =	vmul.f32 v11, v3;
	v11 =	vmul.f32 v13, v17;
	v31 =	vld [tilespmem:s10+$0x20]  }
.Ltmp5:
0x271: {  	v13 =	vmul.f32 v15, v18;
	(erf) = vpow2.f32 v7;
	v9 =	vld [tilespmem:s10+$0x30];
	(pc) =	sbr.rel @p0 .LBB2_13-.Ltmp5, $4  }
0x272: {  	v10 =	vmul.f32 v22, v10;
	v17 =	vmul.f32 v12, v23;
	[tilespmem:s10+$0xFFFFFF70] =	vst v3;
	v7 =	vld [tilespmem:s10+$0x40]  }
0x273: {  	v16 =	vmul.f32 v25, v24;
	v15 =	vmul.f32 v8, v26;
	[tilespmem:s10+$0xFFFFFF80] =	vst v11;
	v8 =	vld [tilespmem:s10+$0x50]  }
0x274: {  	v14 =	vmul.f32 v30, v27;
	v11 =	vmul.f32 v19, v28;
	s10 =	sadd.s32 $0x120, s10;
	[tilespmem:s2+$0xFFFFFF90] =	vst v13;
	v3 =	vld [tilespmem:s2+$0x60]  }
0x275: {  	s14 =	sadd.s32 $0x20, s14;
	v13 =	vmul.f32 v20, v29;
	v12 =	vld [tilespmem:s10+$0x70];
	[tilespmem:s2+$0xFFFFFFA0] =	vst v10;
	v10 =	vmul.f32 v21, v31  }
0x276: {  	[tilespmem:s2+$0xFFFFFFB0] =	vst v17  }
0x277: {  	[tilespmem:s2+$0xFFFFFFC0] =	vst v16  }
0x278: {  	[tilespmem:s2+$0xFFFFFFD0] =	vst v15  }
0x279: {  	[tilespmem:s2+$0xFFFFFFE0] =	vst v14  }
0x27a: {  	[tilespmem:s2+$0x0] =	vst v11  }
0x27b: {  	v5 =	vmul.f32 v9, v5;
	[tilespmem:s2+$0x10] =	vst v13  }
0x27c: {  	v0 =	vmul.f32 v1, v0;
	[tilespmem:s2+$0x20] =	vst v10  }
0x27d: {  	v4 =	vmul.f32 v7, v4;
	[tilespmem:s2+$0x30] =	vst v5  }
0x27e: {  	v14 =	vld [tilespmem:s10+$0xFFFFFF70];
	[tilespmem:s4+$0x60] =	vst v0  }
0x27f: {  	v11 =	vld [tilespmem:s10+$0xFFFFFF80];
	v16 =	vpop (erf);
	v6 =	vmul.f32 v8, v6;
	[tilespmem:s2+$0x40] =	vst v4  }
0x280: {  	v9 =	vld [tilespmem:s10+$0xFFFFFF90];
	v15 =	vbroadcast v16, $0x7;
	[tilespmem:s10+$0x80] =	vst v16;
	v1 =	vpop (erf)  }
0x281: {  	v7 =	vld [tilespmem:s10+$0xFFFFFFA0];
	v2 =	vmul.f32 v3, v2;
	[tilespmem:s2+$0x50] =	vst v6;
	v4 =	vbroadcast v1, $0x0  }
0x282: {  	v8 =	vld [tilespmem:s10+$0xFFFFFFB0];
	v12 =	vmul.f32 v12, v15;
	v6 =	vbroadcast v1, $0x1;
	[tilespmem:s10+$0xFFFFFFF0] =	vst v1  }
0x283: {  	v5 =	vld [tilespmem:s10+$0xFFFFFFC0];
	v0 =	vbroadcast v1, $0x2;
	[tilespmem:s2+$0x60] =	vst v2;
	v4 =	vmul.f32 v4, v14  }
0x284: {  	v10 =	vld [tilespmem:s10+$0xFFFFFFD0];
	[tilespmem:s10+$0x70] =	vst v12;
	v14 =	vbroadcast v1, $0x3;
	v6 =	vmul.f32 v6, v11  }
0x285: {  	v12 =	vld [tilespmem:s10+$0xFFFFFFE0];
	v11 =	vbroadcast v1, $0x4;
	v0 =	vmul.f32 v0, v9;
	[tilespmem:s10+$0xFFFFFF70] =	vst v4  }
0x286: {  	v13 =	vld [tilespmem:s10+$0x0];
	v4 =	vbroadcast v1, $0x5;
	v7 =	vmul.f32 v7, v14;
	[tilespmem:s10+$0xFFFFFF80] =	vst v6  }
0x287: {  	v9 =	vld [tilespmem:s10+$0x10];
	v6 =	vbroadcast v1, $0x6;
	v8 =	vmul.f32 v8, v11;
	[tilespmem:s10+$0xFFFFFF90] =	vst v0  }
0x288: {  	v0 =	vbroadcast v1, $0x7;
	v1 =	vld [tilespmem:s10+$0x20];
	v4 =	vmul.f32 v5, v4;
	[tilespmem:s10+$0xFFFFFFA0] =	vst v7  }
0x289: {  	v5 =	vbroadcast v16, $0x0;
	v7 =	vld [tilespmem:s10+$0x30];
	v6 =	vmul.f32 v10, v6;
	[tilespmem:s10+$0xFFFFFFB0] =	vst v8  }
0x28a: {  	v8 =	vbroadcast v16, $0x1;
	v10 =	vld [tilespmem:s10+$0x40];
	v0 =	vmul.f32 v12, v0;
	[tilespmem:s10+$0xFFFFFFC0] =	vst v4  }
0x28b: {  	v11 =	vld [tilespmem:s10+$0x50];
	v4 =	vbroadcast v16, $0x2;
	v5 =	vmul.f32 v5, v13;
	[tilespmem:s10+$0xFFFFFFD0] =	vst v6  }
0x28c: {  	v12 =	vld [tilespmem:s10+$0x60];
	v6 =	vbroadcast v16, $0x3;
	v8 =	vmul.f32 v8, v9;
	[tilespmem:s10+$0xFFFFFFE0] =	vst v0  }
0x28d: {  	v0 =	vbroadcast v16, $0x4;
	v1 =	vmul.f32 v4, v1;
	[tilespmem:s10+$0x0] =	vst v5  }
0x28e: {  	v4 =	vbroadcast v16, $0x5;
	[tilespmem:s10+$0x10] =	vst v8;
	v5 =	vmul.f32 v7, v6  }
0x28f: {  	v0 =	vmul.f32 v10, v0;
	[tilespmem:s10+$0x20] =	vst v1;
	v1 =	vbroadcast v16, $0x6  }
0x290: {  	v4 =	vmul.f32 v11, v4;
	[tilespmem:s10+$0x30] =	vst v5  }
0x291: {  	[tilespmem:s10+$0x40] =	vst v0;
	v0 =	vmul.f32 v12, v1  }
0x292: {  	[tilespmem:s10+$0x50] =	vst v4  }
0x293: {  	s11 =	simm.s32 $0x8;
	[tilespmem:s10+$0x60] =	vst v0;
	s10 =	simm.s32 $0xF50  }
0x294: {  	[spmem:s3] =	stream.indirect.scatter.add.f32 [tilespmem:s20], [sflag:$0x5], $0x90, s10, s17, $0xb8;
	[tilespmem:$0x1E120] =	vst v63  }
0x295: {  	_ =	swait.ge [sflag:s11], $0x1680  }
0x296: {  	[sflag:s11] =	ssyncset.done $0x0  }
0x297: {  	[sflag:s11] =	ssyncadd.s32 $0xFFFFE980  }
0x298: {  	_ =	swait.ge [sflag:s29], $0x280  }
0x299: {  	[sflag:s29] =	ssyncset.done $0x0  }
0x29a: {  	[sflag:s29] =	ssyncadd.s32 $0xFFFFFD80  }
0x29b: {  	_ =	swait.ge [sflag:s29], $0x280  }
0x29c: {  	[sflag:s29] =	ssyncset.done $0x0  }
0x29d: {  	[sflag:s29] =	ssyncadd.s32 $0xFFFFFD80  }
0x29e: {  	_ =	swait.ge [sflag:s29], $0x1680  }
0x29f: {  	[sflag:s29] =	ssyncset.done $0x0  }
0x2a0: {  	s14 =	simm.s32 $0x1230;
	[sflag:s29] =	ssyncadd.s32 $0xFFFFE980  }
0x2a1: {  	s16 =	simm.s32 $0x1C30;
	v0 =	vld [tilespmem:s14+$0x0]  }
0x2a2: {  	v1 =	vld [tilespmem:s16+$0x0]  }
0x2a3: {  	v2 =	vld [tilespmem:s16+$0xFFFFFFF0]  }
0x2a4: {  	v3 =	vld [tilespmem:s14+$0xFFFFFFF0];
	_ =	sdelay $0x2  }
0x2a5: {  	v0 =	vadd.f32 v1, v0;
	_ =	sdelay $0x1  }
0x2a6: {  	v1 =	vadd.f32 v2, v3;
	v2 =	vmul.f32 $2.000000030e-01, v0;
	_ =	sdelay $0x1  }
0x2a7: {  	v3 =	vmul.f32 $2.000000030e-01, v1;
	v0 =	vmax.f32 v0, v2  }
0x2a8: {  	v0 =	vmul.f32 $1.442695020e+00, v0  }
0x2a9: {  	v1 =	vmax.f32 v1, v3  }
0x2aa: {  	s8 =	simm.s32 $0x1C50;
	v1 =	vmul.f32 $1.442695020e+00, v1;
	(erf) = vpow2.f32 v0  }
0x2ab: {  	s25 =	simm.s32 $0x1250;
	v2 =	vld [tilespmem:s8+$0x0]  }
0x2ac: {  	(erf) = vpow2.f32 v1;
	v1 =	vld [tilespmem:s25+$0x0]  }
0x2ad: {  	v5 =	vld [tilespmem:s25+$0xFFFFFFF0]  }
0x2ae: {  	v3 =	vld [tilespmem:s8+$0xFFFFFFF0];
	_ =	sdelay $0x2  }
0x2af: {  	s4 =	simm.s32 $0x3AB0;
	v1 =	vadd.f32 v2, v1  }
0x2b0: {  	v7 =	vld [tilespmem:s4+$0xFFFFFF70]  }
0x2b1: {  	v11 =	vld [tilespmem:s4+$0xFFFFFF80];
	v3 =	vadd.f32 v3, v5;
	v5 =	vmul.f32 $2.000000030e-01, v1;
	v4 =	vpop (erf)  }
0x2b2: {  	v14 =	vld [tilespmem:s4+$0xFFFFFFA0];
	v6 =	vbroadcast v4, $0x0;
	v8 =	vbroadcast v4, $0x7  }
0x2b3: {  	v0 =	vld [tilespmem:s4+$0x70];
	v9 =	vbroadcast v4, $0x1;
	v12 =	vbroadcast v4, $0x2  }
0x2b4: {  	v16 =	vld [tilespmem:s4+$0xFFFFFFB0];
	v10 =	vpop (erf);
	v24 =	vbroadcast v4, $0x3;
	v27 =	vbroadcast v4, $0x4  }
0x2b5: {  	v2 =	vld [tilespmem:s4+$0xFFFFFF90];
	v13 =	vbroadcast v10, $0x0;
	v15 =	vbroadcast v10, $0x2  }
0x2b6: {  	v19 =	vld [tilespmem:s4+$0xFFFFFFC0];
	v17 =	vbroadcast v10, $0x3;
	v18 =	vbroadcast v10, $0x4  }
0x2b7: {  	v29 =	vld [tilespmem:s4+$0x20];
	v1 =	vmax.f32 v1, v5;
	v20 =	vbroadcast v10, $0x5;
	v21 =	vbroadcast v10, $0x6  }
0x2b8: {  	v22 =	vld [tilespmem:s4+$0x0];
	v1 =	vmul.f32 $1.442695020e+00, v1;
	v0 =	vmul.f32 v0, v8  }
0x2b9: {  	v25 =	vld [tilespmem:s4+$0xFFFFFFE0];
	v23 =	vbroadcast v10, $0x7;
	v8 =	vbroadcast v10, $0x1  }
0x2ba: {  	v26 =	vld [tilespmem:s4+$0x10];
	v2 =	vmul.f32 v15, v2;
	[tilespmem:s4+$0x70] =	vst v0;
	v0 =	vmul.f32 $2.000000030e-01, v3  }
0x2bb: {  	s8 =	simm.s32 $0x1C70;
	v5 =	vld [tilespmem:s4+$0xFFFFFFD0];
	[tilespmem:s4+$0xFFFFFFF0] =	vst v10;
	(erf) = vpow2.f32 v1;
	v10 =	vmul.f32 v16, v18  }
0x2bc: {  	s26 =	simm.s32 $0x1270;
	v28 =	vbroadcast v4, $0x5;
	[tilespmem:s4+$0xFFFFFF90] =	vst v2;
	v2 =	vmul.f32 v12, v29;
	v12 =	vld [tilespmem:s8+$0x0];
	v0 =	vmax.f32 v3, v0  }
0x2bd: {  	[tilespmem:s4+$0xFFFFFFB0] =	vst v10;
	v10 =	vld [tilespmem:s26+$0xFFFFFFF0];
	v3 =	vmul.f32 $1.442695020e+00, v0;
	v0 =	vbroadcast v4, $0x6  }
0x2be: {  	[tilespmem:s4+$0x80] =	vst v4;
	v4 =	vmul.f32 v13, v7;
	v7 =	vmul.f32 v8, v11;
	v8 =	vld [tilespmem:s4+$0x40]  }
0x2bf: {  	v11 =	vmul.f32 v14, v17;
	v13 =	vld [tilespmem:s4+$0x50]  }
0x2c0: {  	[tilespmem:s4+$0xFFFFFF80] =	vst v7;
	v7 =	vmul.f32 v9, v26;
	v9 =	vld [tilespmem:s26+$0x0]  }
0x2c1: {  	s2 =	simm.s32 $0x3BD0;
	(erf) = vpow2.f32 v3;
	[tilespmem:s4+$0xFFFFFFA0] =	vst v11;
	v11 =	vld [tilespmem:s8+$0xFFFFFFF0]  }
0x2c2: {  	v6 =	vmul.f32 v6, v22;
	v15 =	vld [tilespmem:s2+$0x70]  }
0x2c3: {  	[tilespmem:s4+$0xFFFFFF70] =	vst v4;
	v4 =	vmul.f32 v5, v21;
	v5 =	vmul.f32 v25, v23  }
0x2c4: {  	[tilespmem:s4+$0x0] =	vst v6;
	v14 =	vmul.f32 v19, v20;
	v3 =	vld [tilespmem:s4+$0x30];
	v8 =	vmul.f32 v8, v27;
	v16 =	vpop (erf)  }
0x2c5: {  	[tilespmem:s4+$0xFFFFFFE0] =	vst v5;
	v13 =	vmul.f32 v13, v28;
	v17 =	vbroadcast v16, $0x7;
	v5 =	vadd.f32 v12, v9  }
0x2c6: {  	v56 =	vld [tilespmem:s2+$0xFFFFFF80];
	[tilespmem:s4+$0xFFFFFFD0] =	vst v4;
	v18 =	vbroadcast v16, $0x0;
	v19 =	vbroadcast v16, $0x1;
	v6 =	vadd.f32 v11, v10  }
0x2c7: {  	v57 =	vld [tilespmem:s2+$0xFFFFFFA0];
	[tilespmem:s4+$0x10] =	vst v7;
	v4 =	vmul.f32 v15, v17;
	v7 =	vmul.f32 $2.000000030e-01, v5  }
0x2c8: {  	v59 =	vld [tilespmem:s2+$0xFFFFFFC0];
	[tilespmem:s4+$0x20] =	vst v2;
	v53 =	vbroadcast v16, $0x2;
	v2 =	vmul.f32 $2.000000030e-01, v6  }
0x2c9: {  	v62 =	vld [tilespmem:s2+$0xFFFFFFD0];
	v3 =	vmul.f32 v3, v24;
	[tilespmem:s2+$0x70] =	vst v4;
	v4 =	vmax.f32 v5, v7;
	v5 =	vbroadcast v16, $0x3  }
0x2ca: {  	v30 =	vld [tilespmem:s2+$0x0];
	v54 =	vpop (erf);
	v7 =	vmax.f32 v6, v2;
	v6 =	vbroadcast v16, $0x5;
	v2 =	vbroadcast v16, $0x6  }
0x2cb: {  	v31 =	vld [tilespmem:s2+$0xFFFFFFE0];
	v55 =	vbroadcast v54, $0x0;
	v9 =	vbroadcast v54, $0x1  }
0x2cc: {  	[tilespmem:s4+$0xFFFFFFC0] =	vst v14;
	v14 =	vld [tilespmem:s2+$0xFFFFFF70];
	v12 =	vbroadcast v54, $0x2;
	v17 =	vbroadcast v54, $0x3  }
0x2cd: {  	v15 =	vld [tilespmem:s2+$0xFFFFFF90];
	v58 =	vbroadcast v54, $0x4;
	v11 =	vbroadcast v54, $0x5  }
0x2ce: {  	v10 =	vld [tilespmem:s2+$0xFFFFFFB0];
	[tilespmem:s4+$0x30] =	vst v3;
	v60 =	vbroadcast v54, $0x6;
	v3 =	vmul.f32 $1.442695020e+00, v4  }
0x2cf: {  	v32 =	vld [tilespmem:s2+$0x10];
	[tilespmem:s2+$0x80] =	vst v16;
	v61 =	vbroadcast v54, $0x7;
	v4 =	vbroadcast v16, $0x4  }
0x2d0: {  	v63 =	vld [tilespmem:s2+$0x20];
	[tilespmem:s4+$0x40] =	vst v8;
	v7 =	vmul.f32 $1.442695020e+00, v7;
	(erf) = vpow2.f32 v3  }
0x2d1: {  	v1 =	vld [tilespmem:s4+$0x60];
	[tilespmem:s4+$0x50] =	vst v13;
	v3 =	vmul.f32 v55, v14;
	v8 =	vmul.f32 v9, v56  }
0x2d2: {  	[tilespmem:s2+$0xFFFFFFF0] =	vst v54;
	v12 =	vmul.f32 v12, v15;
	v9 =	vld [tilespmem:s2+$0x30];
	(erf) = vpow2.f32 v7  }
0x2d3: {  	v13 =	vmul.f32 v57, v17;
	v17 =	vmul.f32 v10, v58;
	v7 =	vld [tilespmem:s2+$0x40];
	[tilespmem:s2+$0xFFFFFF70] =	vst v3  }
0x2d4: {  	v16 =	vmul.f32 v59, v11;
	v15 =	vmul.f32 v62, v60;
	[tilespmem:s2+$0xFFFFFF80] =	vst v8;
	v8 =	vld [tilespmem:s2+$0x50]  }
0x2d5: {  	s10 =	simm.s32 $0x3CF0;
	v14 =	vmul.f32 v31, v61;
	v11 =	vmul.f32 v18, v30;
	[tilespmem:s2+$0xFFFFFF90] =	vst v12;
	v3 =	vld [tilespmem:s2+$0x60]  }
0x2d6: {  	s11 =	simm.s32 $0x4;
	s14 =	simm.s32 $0x1290;
	v10 =	vmul.f32 v53, v63;
	v12 =	vld [tilespmem:s10+$0x70];
	[tilespmem:s2+$0xFFFFFFA0] =	vst v13;
	v13 =	vmul.f32 v19, v32  }
.LBB2_15:
0x2d7: {  	v18 =	vld [tilespmem:s14+$0x0];
	s8 =	sadd.s32 $0x20, s8;
	[tilespmem:s2+$0xFFFFFFB0] =	vst v17;
	v5 =	vmul.f32 v9, v5;
	v9 =	vmul.f32 v1, v0;
	v0 =	vmov v2  }
0x2d8: {  	s11 =	sadd.s32 $0x2, s11;
	v2 =	vld [tilespmem:s8+$0x0];
	[tilespmem:s2+$0xFFFFFFC0] =	vst v16;
	v4 =	vmul.f32 v7, v4  }
0x2d9: {  	p0 =	slt.u32 s11, $0x26;
	v7 =	vld [tilespmem:s8+$0xFFFFFFF0];
	v16 =	vpop (erf);
	[tilespmem:s2+$0xFFFFFFD0] =	vst v15;
	v6 =	vmul.f32 v8, v6  }
0x2da: {  	v8 =	vld [tilespmem:s14+$0xFFFFFFF0];
	v19 =	vbroadcast v16, $0x0;
	v15 =	vbroadcast v16, $0x7;
	[tilespmem:s2+$0xFFFFFFE0] =	vst v14;
	v1 =	vmov v3  }
0x2db: {  	v20 =	vbroadcast v16, $0x1;
	v21 =	vbroadcast v16, $0x2;
	v3 =	vld [tilespmem:s10+$0xFFFFFF70];
	v14 =	vpop (erf);
	[tilespmem:s2+$0x0] =	vst v11  }
0x2dc: {  	v11 =	vbroadcast v14, $0x0;
	v17 =	vld [tilespmem:s10+$0xFFFFFF80];
	v12 =	vmul.f32 v12, v15;
	[tilespmem:s2+$0x10] =	vst v13  }
0x2dd: {  	v13 =	vbroadcast v14, $0x1;
	v15 =	vbroadcast v14, $0x2;
	v2 =	vadd.f32 v2, v18;
	v18 =	vld [tilespmem:s10+$0xFFFFFF90];
	[tilespmem:s2+$0x20] =	vst v10  }
0x2de: {  	v23 =	vbroadcast v14, $0x4;
	v10 =	vbroadcast v14, $0x3;
	v22 =	vld [tilespmem:s10+$0xFFFFFFA0];
	[tilespmem:s10+$0x70] =	vst v12  }
0x2df: {  	v24 =	vbroadcast v14, $0x5;
	v7 =	vadd.f32 v7, v8;
	v8 =	vmul.f32 $2.000000030e-01, v2;
	v12 =	vld [tilespmem:s10+$0xFFFFFFB0];
	[tilespmem:s2+$0x30] =	vst v5  }
0x2e0: {  	v26 =	vbroadcast v14, $0x6;
	v27 =	vbroadcast v14, $0x7;
	v25 =	vld [tilespmem:s10+$0xFFFFFFC0];
	[tilespmem:s2+$0x40] =	vst v4  }
0x2e1: {  	v5 =	vbroadcast v16, $0x3;
	v28 =	vmul.f32 $2.000000030e-01, v7;
	v2 =	vmax.f32 v2, v8;
	v8 =	vld [tilespmem:s10+$0xFFFFFFD0];
	[tilespmem:s2+$0x50] =	vst v6  }
0x2e2: {  	v4 =	vbroadcast v16, $0x4;
	v29 =	vmul.f32 $1.442695020e+00, v2;
	v30 =	vld [tilespmem:s10+$0xFFFFFFE0];
	[tilespmem:s4+$0x60] =	vst v9;
	s4 =	smov.u32 s2;
	s2 =	smov.u32 s10  }
0x2e3: {  	v6 =	vbroadcast v16, $0x5;
	v2 =	vbroadcast v16, $0x6;
	v7 =	vmax.f32 v7, v28;
	[tilespmem:s10+$0xFFFFFFF0] =	vst v14;
	v28 =	vld [tilespmem:s10+$0x0]  }
0x2e4: {  	v7 =	vmul.f32 $1.442695020e+00, v7;
	(erf) = vpow2.f32 v29;
	[tilespmem:s10+$0x80] =	vst v16;
	v29 =	vld [tilespmem:s10+$0x10]  }
0x2e5: {  	v3 =	vmul.f32 v11, v3;
	v11 =	vmul.f32 v13, v17;
	v31 =	vld [tilespmem:s10+$0x20]  }
.Ltmp6:
0x2e6: {  	v13 =	vmul.f32 v15, v18;
	(erf) = vpow2.f32 v7;
	v9 =	vld [tilespmem:s10+$0x30];
	(pc) =	sbr.rel @p0 .LBB2_15-.Ltmp6, $4  }
0x2e7: {  	v10 =	vmul.f32 v22, v10;
	v17 =	vmul.f32 v12, v23;
	[tilespmem:s10+$0xFFFFFF70] =	vst v3;
	v7 =	vld [tilespmem:s10+$0x40]  }
0x2e8: {  	v16 =	vmul.f32 v25, v24;
	v15 =	vmul.f32 v8, v26;
	[tilespmem:s10+$0xFFFFFF80] =	vst v11;
	v8 =	vld [tilespmem:s10+$0x50]  }
0x2e9: {  	v14 =	vmul.f32 v30, v27;
	v11 =	vmul.f32 v19, v28;
	s10 =	sadd.s32 $0x120, s10;
	[tilespmem:s2+$0xFFFFFF90] =	vst v13;
	v3 =	vld [tilespmem:s2+$0x60]  }
0x2ea: {  	s14 =	sadd.s32 $0x20, s14;
	v13 =	vmul.f32 v20, v29;
	v12 =	vld [tilespmem:s10+$0x70];
	[tilespmem:s2+$0xFFFFFFA0] =	vst v10;
	v10 =	vmul.f32 v21, v31  }
0x2eb: {  	[tilespmem:s2+$0xFFFFFFB0] =	vst v17  }
0x2ec: {  	[tilespmem:s2+$0xFFFFFFC0] =	vst v16  }
0x2ed: {  	[tilespmem:s2+$0xFFFFFFD0] =	vst v15  }
0x2ee: {  	[tilespmem:s2+$0xFFFFFFE0] =	vst v14  }
0x2ef: {  	[tilespmem:s2+$0x0] =	vst v11  }
0x2f0: {  	v5 =	vmul.f32 v9, v5;
	[tilespmem:s2+$0x10] =	vst v13  }
0x2f1: {  	v0 =	vmul.f32 v1, v0;
	[tilespmem:s2+$0x20] =	vst v10  }
0x2f2: {  	v4 =	vmul.f32 v7, v4;
	[tilespmem:s2+$0x30] =	vst v5  }
0x2f3: {  	v43 =	vld [tilespmem:s10+$0x0];
	[tilespmem:s4+$0x60] =	vst v0  }
0x2f4: {  	v50 =	vld [tilespmem:s10+$0x20];
	v29 =	vpop (erf);
	v6 =	vmul.f32 v8, v6;
	[tilespmem:s2+$0x40] =	vst v4  }
0x2f5: {  	v52 =	vld [tilespmem:s10+$0x30];
	v30 =	vbroadcast v29, $0x7;
	[tilespmem:s10+$0x80] =	vst v29  }
0x2f6: {  	v58 =	vld [tilespmem:s10+$0x60];
	v51 =	vbroadcast v29, $0x0;
	v2 =	vmul.f32 v3, v2;
	v36 =	vpop (erf);
	[tilespmem:s2+$0x50] =	vst v6  }
0x2f7: {  	v31 =	vld [tilespmem:s10+$0xFFFFFF70];
	v55 =	vbroadcast v29, $0x2;
	v12 =	vmul.f32 v12, v30;
	[tilespmem:s10+$0xFFFFFFF0] =	vst v36  }
0x2f8: {  	v32 =	vld [tilespmem:s10+$0xFFFFFF80];
	v57 =	vbroadcast v29, $0x3;
	v5 =	vmul.f32 v51, v43;
	[tilespmem:s2+$0x60] =	vst v2  }
0x2f9: {  	v33 =	vld [tilespmem:s10+$0xFFFFFF90];
	v62 =	vbroadcast v29, $0x6;
	v1 =	vmul.f32 v55, v50;
	[tilespmem:s10+$0x70] =	vst v12  }
0x2fa: {  	v34 =	vld [tilespmem:s10+$0xFFFFFFA0];
	v38 =	vbroadcast v36, $0x0;
	v61 =	vmul.f32 v52, v57;
	[tilespmem:s10+$0x0] =	vst v5  }
0x2fb: {  	v35 =	vld [tilespmem:s10+$0xFFFFFFB0];
	v40 =	vbroadcast v36, $0x1;
	v63 =	vmul.f32 v58, v62;
	[tilespmem:s10+$0x20] =	vst v1  }
0x2fc: {  	v37 =	vld [tilespmem:s10+$0xFFFFFFC0];
	v42 =	vbroadcast v36, $0x2;
	v4 =	vmul.f32 v38, v31;
	[tilespmem:s10+$0x30] =	vst v61  }
0x2fd: {  	v39 =	vld [tilespmem:s10+$0xFFFFFFD0];
	v44 =	vbroadcast v36, $0x3;
	v6 =	vmul.f32 v40, v32;
	[tilespmem:s10+$0x60] =	vst v63  }
0x2fe: {  	v41 =	vld [tilespmem:s10+$0xFFFFFFE0];
	v45 =	vbroadcast v36, $0x4;
	v0 =	vmul.f32 v42, v33;
	[tilespmem:s10+$0xFFFFFF70] =	vst v4  }
0x2ff: {  	v48 =	vld [tilespmem:s10+$0x10];
	v46 =	vbroadcast v36, $0x5;
	v7 =	vmul.f32 v34, v44;
	[tilespmem:s10+$0xFFFFFF80] =	vst v6  }
0x300: {  	v54 =	vld [tilespmem:s10+$0x40];
	v47 =	vbroadcast v36, $0x6;
	v8 =	vmul.f32 v35, v45;
	[tilespmem:s10+$0xFFFFFF90] =	vst v0  }
0x301: {  	v56 =	vld [tilespmem:s10+$0x50];
	v49 =	vbroadcast v36, $0x7;
	v4 =	vmul.f32 v37, v46;
	[tilespmem:s10+$0xFFFFFFA0] =	vst v7  }
0x302: {  	v53 =	vbroadcast v29, $0x1;
	v6 =	vmul.f32 v39, v47;
	[tilespmem:s10+$0xFFFFFFB0] =	vst v8  }
0x303: {  	v59 =	vbroadcast v29, $0x4;
	v0 =	vmul.f32 v41, v49;
	[tilespmem:s10+$0xFFFFFFC0] =	vst v4  }
0x304: {  	v60 =	vbroadcast v29, $0x5;
	v8 =	vmul.f32 v53, v48;
	[tilespmem:s10+$0xFFFFFFD0] =	vst v6  }
0x305: {  	[tilespmem:s10+$0xFFFFFFE0] =	vst v0;
	v0 =	vmul.f32 v54, v59  }
0x306: {  	[tilespmem:s10+$0x10] =	vst v8;
	v4 =	vmul.f32 v56, v60  }
0x307: {  	[tilespmem:s10+$0x40] =	vst v0  }
0x308: {  	[tilespmem:s10+$0x50] =	vst v4  }
0x309: {  	[spmem:s3] =	stream.indirect.scatter.add.f32 [tilespmem:s23], [sflag:$0x6], $0x90, s15, s17, $0xb8;
	[tilespmem:$0x1E120] =	vst v63  }
0x30a: {  	_ =	swait.ge [sflag:s30], $0x1680  }
0x30b: {  	[sflag:s30] =	ssyncset.done $0x0  }
0x30c: {  	[sflag:s30] =	ssyncadd.s32 $0xFFFFE980  }
0x30d: {  	_ =	swait.ge [sflag:s12], $0x1680  }
0x30e: {  	s26 =	rddreg [dreg:$0xc]  }
0x30f: {  	s2 =	sadd.s32 $0x1, s26  }
0x310: {  	p0 =	sne.s32 s2, $0x5  }
.Ltmp7:
0x311: {  	_ = 	snop;
	(pc) =	sbr.rel @p0 .LBB2_2-.Ltmp7, $3  }
0x312: {  	_ =	sdelay $0x1  }
0x313: {  	[sflag:s12] =	ssyncset.done $0x0  }
0x314: {  	s10 =	simm.s32 $0x9;
	[sflag:s12] =	ssyncadd.s32 $0xFFFFE980  }
0x315: {  	[bflag:$0x0] =	sbarrier.arrive $0xFFFF  }
0x316: {  	s8 =	rddreg [dreg:$0x7]  }
0x317: {  	s2 =	rddreg [dreg:$0x9]  }
0x318: {  	s4 =	rddreg [dreg:$0xb]  }
0x319: {  	[hbm:s2], [sflag:s8] =	dma.local [spmem:s4], $0x2C70  }
0x31a: {  	_ =	swait.ge [sflag:s10], $0x2C70  }
0x31b: {  	s14 =	rddreg [dreg:$0x4]  }
0x31c: {  	s26 =	rddreg [dreg:$0xa];
	s14 =	sadd.s32 $0x1, s14  }
0x31d: {  	p0 =	sne.s32 s14, s26  }
.Ltmp8:
0x31e: {  	_ = 	snop;
	(pc) =	sbr.rel @p0 .LBB2_1-.Ltmp8, $3  }
0x31f: {  	_ =	sdelay $0x1  }
0x320: {  	[sflag:s10] =	ssyncset.done $0x0  }
0x321: {  	[sflag:s10] =	ssyncadd.s32 $0xFFFFD390  }
0x322: {  	_ =	sfence.sel $0x180000  }
0x323: {  	[bflag:$0x0] =	sbarrier.arrive $0xFFFF  }
0x324: {  	_ =	strace $0x90000047  }
0x325: {  	s0 =	stileid.u32;
	[bflag:$0x2] =	sbarrier.arrive $0xFFFF  }
0x326: {  	p0 =	sne.s32 s0, $0x0;
	s0 =	rddreg [dreg:$0x3]  }
0x327: {  	s0 =	sadd.s32 @!p0 $0x100000, s0  }
0x328: {  	[sflag:s0] =	ssyncadd.tile.s32 @!p0 $0x1;
	_ =	shalt  }
.Lfunc_end2:
_tile_overlayer_lowered:
.L_overlay_start_2:
0x329: {  	(tag) =	ssettag $0x2  }
0x32a: {  	s0 =	rddreg [dreg:$0x0];
	s2 =	stileid.u32  }
0x32b: {  	s1 =	rddreg [dreg:$0x1];
	p0 =	sne.s32 s2, $0x0  }
0x32c: {  	s3 =	rddreg [dreg:$0x2];
	[bflag:$0x3] =	sbarrier.arrive $0xFFFF;
	s2 =	simm.s32 @!p0 $0x1C09  }
0x32d: {  	[timem:s3], [sflag:s2] =	dma.local @!p0 [hbm:s0], s1  }
0x32e: {  	s0 =	simm.s32 @!p0 $0x9  }
0x32f: {  	_ =	swait.ge @!p0 [sflag:s0], s1  }
0x330: {  	s1 =	ssub.s32 @!p0 $0x0, s1;
	[sflag:s0] =	ssyncset.done @!p0 $0x0  }
0x331: {  	[sflag:s0] =	ssyncadd.s32 @!p0 s1  }
0x332: {  	[bflag:$0x3] =	sbarrier.arrive $0xFFFF  }
0x333: {  	_ =	shalt  }

</sc_bundles>
